<compile_context>
chip_gen: v7x
topology: tpu7x:2x2x1
jax: 0.10.2.dev20260603
libtpu: 0.0.44.dev20260713+nightly
codegen_flags: <defaults>
</compile_context>

<pallas_src>
import functools
import jax
import jax.numpy as jnp
import numpy as np
from jax import lax
from jax.experimental import pallas as pl
from jax.experimental.pallas import tpu as pltpu
from jax.experimental.pallas import tpu_sc as plsc

NN = 50000
TT = 518
S1 = 114
S2 = 83
KW = 32
E0 = 800000
EPAD = 819200
EROWS = EPAD // 128
NPAD = 51200
NC, NS = 2, 16
BN = 2000
GRID_N = NN // BN
BN5 = 2048

@functools.lru_cache(maxsize=1)
def _mesh():
    return plsc.VectorSubcoreMesh(
        core_axis_name="c", subcore_axis_name="s",
        num_cores=NC, num_subcores=NS)


def _k1_body(x_ref, a1_ref, a2_ref, w1t_ref, sb_ref, h4_ref):
    x = x_ref[...]
    t1 = jnp.maximum(
        jnp.dot(x, a1_ref[...], preferred_element_type=jnp.float32)
        + sb_ref[0, 0], 0.0)
    t2 = jnp.maximum(
        jnp.dot(t1, a2_ref[...], preferred_element_type=jnp.float32)
        + sb_ref[0, 1], 0.0)
    h = jnp.dot(t2, w1t_ref[...], preferred_element_type=jnp.float32)
    h4_ref[...] = jnp.stack(
        [h[:, 0:16], h[:, 16:32], h[:, 32:48], h[:, 48:64]], axis=0)


def _dense_stage(nf, a1f, a2, w1t, sb):
    return pl.pallas_call(
        _k1_body,
        grid=(GRID_N,),
        in_specs=[
            pl.BlockSpec((BN, TT), lambda i: (i, 0)),
            pl.BlockSpec((TT, S1), lambda i: (0, 0)),
            pl.BlockSpec((S1, S2), lambda i: (0, 0)),
            pl.BlockSpec((S2, 64), lambda i: (0, 0)),
            pl.BlockSpec((1, 2), lambda i: (0, 0)),
        ],
        out_specs=pl.BlockSpec((4, BN, 16), lambda i: (0, i, 0)),
        out_shape=jax.ShapeDtypeStruct((4, NPAD, 16), jnp.float32),
    )(nf, a1f, a2, w1t, sb)


def _zero_1d(ref, n):
    def body(i, _):
        ref[pl.ds(i * 16, 16)] = jnp.zeros((16,), jnp.float32)
        return 0
    lax.fori_loop(0, n // 16, body, 0)


def _k2_body(dstl, ewl, degp, idx_v, val_v, stripe_v, acc_sh, sem):
    cid = lax.axis_index("c")
    sid = lax.axis_index("s")
    wid = sid * NC + cid
    nbase = pl.multiple_of(sid * (NPAD // NS), 8)

    _zero_1d(stripe_v, NPAD // NS)
    pltpu.sync_copy(stripe_v, acc_sh.at[pl.ds(nbase, NPAD // NS)])
    plsc.subcore_barrier()

    ept = EPAD // (NC * NS)
    ebase = wid * ept

    def chunk(ch, _):
        e0 = ebase + ch * 1024
        pltpu.sync_copy(dstl.at[pl.ds(e0, 1024)], idx_v)
        pltpu.sync_copy(ewl.at[pl.ds(e0, 1024)], val_v)
        pltpu.sync_copy(val_v, acc_sh.at[idx_v], add=True)
        return 0
    lax.fori_loop(0, ept // 1024, chunk, 0)

    plsc.subcore_barrier()
    pltpu.sync_copy(acc_sh.at[pl.ds(nbase, NPAD // NS)], stripe_v)
    pltpu.sync_copy(stripe_v, degp.at[cid, pl.ds(nbase, NPAD // NS)])


def _deg_stage(dstl, ewl):
    f = pl.kernel(
        _k2_body,
        out_type=jax.ShapeDtypeStruct((NC, NPAD), jnp.float32),
        mesh=_mesh(),
        compiler_params=pltpu.CompilerParams(use_tc_tiling_on_sc=False),
        scratch_types=[
            pltpu.VMEM((1024,), jnp.int32),
            pltpu.VMEM((1024,), jnp.float32),
            pltpu.VMEM((NPAD // NS,), jnp.float32),
            pltpu.VMEM_SHARED((NPAD,), jnp.float32),
            pltpu.SemaphoreType.DMA,
        ],
    )
    return f(dstl, ewl)


def _rsqrt16(x):
    i = plsc.bitcast(x, jnp.int32)
    i = jnp.int32(0x5F3759DF) - lax.shift_right_logical(i, 1)
    y = plsc.bitcast(i, jnp.float32)
    for _ in range(3):
        y = y * (1.5 - 0.5 * x * y * y)
    return y


def _k3_body(srcl, dstl, ewl, degp, norml, cp, dis2,
             sidx0, sidx1, sidx2, osid0, osid1, osid2,
             didx0, didx1, didx2, ewv0, ewv1, ewv2,
             dsv0, dsv1, dsv2, ddv0, ddv1, ddv2, nv0, nv1, nv2,
             stripe_v, p1buf, acc_sh,
             sl0, sl1, sl2, sg0, sg1, sg2, ss0, ss1, ss2, sw0, sw1, sw2):
    cid = lax.axis_index("c")
    sid = lax.axis_index("s")
    wid = sid * NC + cid
    nbase = pl.multiple_of(sid * (NPAD // NS), 8)

    SIDX = (sidx0, sidx1, sidx2)
    OSID = (osid0, osid1, osid2)
    DIDX = (didx0, didx1, didx2)
    EWV = (ewv0, ewv1, ewv2)
    DSV = (dsv0, dsv1, dsv2)
    DDV = (ddv0, ddv1, ddv2)
    NV = (nv0, nv1, nv2)
    SL = (sl0, sl1, sl2)
    SG = (sg0, sg1, sg2)
    SS = (ss0, ss1, ss2)
    SW = (sw0, sw1, sw2)

    pltpu.sync_copy(degp.at[0, pl.ds(nbase, NPAD // NS)], stripe_v)
    pltpu.sync_copy(degp.at[1, pl.ds(nbase, NPAD // NS)], p1buf)

    def disf(i, _):
        sl = pl.ds(i * 16, 16)
        stripe_v[sl] = _rsqrt16(1.0 + stripe_v[sl] + p1buf[sl])
        return 0
    lax.fori_loop(0, (NPAD // NS) // 16, disf, 0)
    doff = pl.multiple_of(cid * NPAD + nbase, 8)
    pltpu.sync_copy(stripe_v, dis2.at[pl.ds(doff, NPAD // NS)])

    _zero_1d(stripe_v, NPAD // NS)
    pltpu.sync_copy(stripe_v, acc_sh.at[pl.ds(nbase, NPAD // NS)])
    plsc.subcore_barrier()

    ept = EPAD // (NC * NS)
    ebase = wid * ept
    nch = ept // 1024
    qoff = cid * NPAD

    def issue_lin(ch, b):
        e0 = ebase + ch * 1024
        pltpu.async_copy(srcl.at[pl.ds(e0, 1024)], SIDX[b], SL[b])
        pltpu.async_copy(dstl.at[pl.ds(e0, 1024)], DIDX[b], SL[b])
        pltpu.async_copy(ewl.at[pl.ds(e0, 1024)], EWV[b], SL[b])

    def wait_lin(b):
        pltpu.make_async_copy(srcl.at[pl.ds(0, 1024)], SIDX[b], SL[b]).wait()
        pltpu.make_async_copy(dstl.at[pl.ds(0, 1024)], DIDX[b], SL[b]).wait()
        pltpu.make_async_copy(ewl.at[pl.ds(0, 1024)], EWV[b], SL[b]).wait()

    def issue_gat(b):
        def f(i, _):
            sl = pl.ds(i * 16, 16)
            OSID[b][sl] = SIDX[b][sl] + qoff
            DIDX[b][sl] = DIDX[b][sl] + qoff
            return 0
        lax.fori_loop(0, 64, f, 0)
        pltpu.async_copy(dis2.at[OSID[b]], DSV[b], SG[b])
        pltpu.async_copy(dis2.at[DIDX[b]], DDV[b], SG[b])

    def wait_gat(b):
        pltpu.make_async_copy(dis2.at[OSID[b]], DSV[b], SG[b]).wait()
        pltpu.make_async_copy(dis2.at[DIDX[b]], DDV[b], SG[b]).wait()

    def issue_out(ch, b):
        e0 = ebase + ch * 1024
        pltpu.async_copy(NV[b], norml.at[pl.ds(e0, 1024)], SW[b])
        pltpu.async_copy(NV[b], acc_sh.at[SIDX[b]], SS[b], add=True)

    def wait_out(b):
        pltpu.make_async_copy(NV[b], norml.at[pl.ds(0, 1024)], SW[b]).wait()
        pltpu.make_async_copy(NV[b], acc_sh.at[SIDX[b]], SS[b]).wait()

    def compute(b):
        def f(i, _):
            sl = pl.ds(i * 16, 16)
            NV[b][sl] = DSV[b][sl] * EWV[b][sl] * DDV[b][sl]
            return 0
        lax.fori_loop(0, 64, f, 0)

    def body(ch, b, first=False, has1=True, has2=True):
        nb = (b + 1) % 3
        pb = (b + 2) % 3
        if not first:
            wait_out(pb)
        if has2:
            issue_lin(ch + 2, pb)
        wait_gat(b)
        if has1:
            wait_lin(nb)
            issue_gat(nb)
        compute(b)
        issue_out(ch, b)

    issue_lin(0, 0)
    issue_lin(1, 1)
    wait_lin(0)
    issue_gat(0)
    body(0, 0, first=True)

    def steady(pp, _):
        ch = 3 * pp + 1
        body(ch, 1)
        body(ch + 1, 2)
        body(ch + 2, 0)
        return 0
    lax.fori_loop(0, (nch - 4) // 3, steady, 0)

    body(nch - 3, (nch - 3) % 3)
    body(nch - 2, (nch - 2) % 3, has2=False)
    body(nch - 1, (nch - 1) % 3, has1=False, has2=False)
    wait_out((nch - 1) % 3)

    plsc.subcore_barrier()
    pltpu.sync_copy(acc_sh.at[pl.ds(nbase, NPAD // NS)], stripe_v)
    pltpu.sync_copy(stripe_v, cp.at[cid, pl.ds(nbase, NPAD // NS)])


def _norm_stage(srcl, dstl, ewl, degp):
    f = pl.kernel(
        _k3_body,
        out_type=(
            jax.ShapeDtypeStruct((EPAD,), jnp.float32),
            jax.ShapeDtypeStruct((NC, NPAD), jnp.float32),
            jax.ShapeDtypeStruct((NC * NPAD,), jnp.float32),
        ),
        mesh=_mesh(),
        compiler_params=pltpu.CompilerParams(
            use_tc_tiling_on_sc=False, needs_layout_passes=False),
        scratch_types=(
            [pltpu.VMEM((1024,), jnp.int32) for _ in range(9)]
            + [pltpu.VMEM((1024,), jnp.float32) for _ in range(12)]
            + [pltpu.VMEM((NPAD // NS,), jnp.float32) for _ in range(2)]
            + [pltpu.VMEM_SHARED((NPAD,), jnp.float32)]
            + [pltpu.SemaphoreType.DMA for _ in range(12)]
        ),
    )
    return f(srcl, dstl, ewl, degp)


def _k4_body(srcl, dstl, norml, hflat, agg,
             sidx0, sidx1, sidx2, didx0, didx1, didx2, nv0, nv1, nv2,
             rows0, rows1, rows2, zb, acc_sh,
             sl0, sl1, sl2, sg0, sg1, sg2, ss0, ss1, ss2):
    cid = lax.axis_index("c")
    sid = lax.axis_index("s")
    nbase = pl.multiple_of(sid * (NPAD // NS), 8)

    SIDX = (sidx0, sidx1, sidx2)
    DIDX = (didx0, didx1, didx2)
    NV = (nv0, nv1, nv2)
    ROWS = (rows0, rows1, rows2)
    SL = (sl0, sl1, sl2)
    SG = (sg0, sg1, sg2)
    SS = (ss0, ss1, ss2)

    def zb_zero(i, _):
        zb[i, pl.ds(0, 16)] = jnp.zeros((16,), jnp.float32)
        return 0

    def zero_acc():
        lax.fori_loop(0, 1024, zb_zero, 0)
        for t in range(3):
            pltpu.sync_copy(zb, acc_sh.at[pl.ds(nbase + t * 1024, 1024)])
        pltpu.sync_copy(zb.at[pl.ds(0, 128)],
                        acc_sh.at[pl.ds(nbase + 3072, 128)])

    def dump_acc(q):
        for t in range(3):
            pltpu.sync_copy(acc_sh.at[pl.ds(nbase + t * 1024, 1024)], zb)
            pltpu.sync_copy(zb, agg.at[q, pl.ds(nbase + t * 1024, 1024)])
        pltpu.sync_copy(acc_sh.at[pl.ds(nbase + 3072, 128)],
                        zb.at[pl.ds(0, 128)])
        pltpu.sync_copy(zb.at[pl.ds(0, 128)],
                        agg.at[q, pl.ds(nbase + 3072, 128)])

    edges_per_tile = EPAD // NS
    ebase = sid * edges_per_tile
    nch = edges_per_tile // 1024

    def issue_lin(ch, b):
        e0 = ebase + ch * 1024
        pltpu.async_copy(srcl.at[pl.ds(e0, 1024)], SIDX[b], SL[b])
        pltpu.async_copy(dstl.at[pl.ds(e0, 1024)], DIDX[b], SL[b])
        pltpu.async_copy(norml.at[pl.ds(e0, 1024)], NV[b], SL[b])

    def wait_lin(b):
        pltpu.make_async_copy(srcl.at[pl.ds(0, 1024)], SIDX[b], SL[b]).wait()
        pltpu.make_async_copy(dstl.at[pl.ds(0, 1024)], DIDX[b], SL[b]).wait()
        pltpu.make_async_copy(norml.at[pl.ds(0, 1024)], NV[b], SL[b]).wait()

    def addq(b, qoff):
        def f(i, _):
            sl = pl.ds(i * 16, 16)
            SIDX[b][sl] = SIDX[b][sl] + qoff
            return 0
        lax.fori_loop(0, 64, f, 0)

    def issue_gat(b):
        pltpu.async_copy(hflat.at[SIDX[b]], ROWS[b], SG[b])

    def wait_gat(b):
        pltpu.make_async_copy(hflat.at[SIDX[b]], ROWS[b], SG[b]).wait()

    def issue_sca(b):
        pltpu.async_copy(ROWS[b], acc_sh.at[DIDX[b]], SS[b], add=True)

    def wait_sca(b):
        pltpu.make_async_copy(ROWS[b], acc_sh.at[DIDX[b]], SS[b]).wait()

    def scale(b):
        def f(i, _):
            nvec = NV[b][pl.ds(i * 16, 16)]
            base = i * 16
            for l in range(16):
                ROWS[b][base + l, pl.ds(0, 16)] = (
                    ROWS[b][base + l, pl.ds(0, 16)] * nvec[l])
            return 0
        lax.fori_loop(0, 64, f, 0)

    def body(ch, b, qoff, first=False, has1=True, has2=True):
        nb = (b + 1) % 3
        pb = (b + 2) % 3
        if not first:
            wait_sca(pb)
        if has2:
            issue_lin(ch + 2, pb)
        wait_gat(b)
        if has1:
            wait_lin(nb)
            addq(nb, qoff)
            issue_gat(nb)
        scale(b)
        issue_sca(b)

    def do_pass(p, _):
        q = cid * 2 + p
        qoff = q * NPAD
        zero_acc()
        plsc.subcore_barrier()

        issue_lin(0, 0)
        issue_lin(1, 1)
        wait_lin(0)
        addq(0, qoff)
        issue_gat(0)
        body(0, 0, qoff, first=True)

        def steady(pp, _):
            ch = 3 * pp + 1
            body(ch, 1, qoff)
            body(ch + 1, 2, qoff)
            body(ch + 2, 0, qoff)
            return 0
        lax.fori_loop(0, (nch - 2) // 3, steady, 0)

        body(nch - 1, (nch - 1) % 3, qoff, has1=False, has2=False)
        wait_sca((nch - 1) % 3)

        plsc.subcore_barrier()
        dump_acc(q)
        return 0
    lax.fori_loop(0, 2, do_pass, 0)


def _agg_stage(srcl, dstl, norml, hflat):
    f = pl.kernel(
        _k4_body,
        out_type=jax.ShapeDtypeStruct((4, NPAD, 16), jnp.float32),
        mesh=_mesh(),
        compiler_params=pltpu.CompilerParams(use_tc_tiling_on_sc=False),
        scratch_types=(
            [pltpu.VMEM((1024,), jnp.int32) for _ in range(6)]
            + [pltpu.VMEM((1024,), jnp.float32) for _ in range(3)]
            + [pltpu.VMEM((1024, 16), jnp.float32) for _ in range(4)]
            + [pltpu.VMEM_SHARED((NPAD, 16), jnp.float32)]
            + [pltpu.SemaphoreType.DMA for _ in range(9)]
        ),
    )
    return f(srcl, dstl, norml, hflat)


def _k5_body(agg_ref, h4_ref, dis_ref, cp_ref,
             b1_ref, w2t_ref, b2_ref, out_ref, acc_ref):
    i = pl.program_id(0)
    d = dis_ref[...]
    inv = d * d
    cvec = cp_ref[0] + cp_ref[1] + inv
    b1 = b1_ref[...]
    a = agg_ref[...]
    rowid = jax.lax.broadcasted_iota(jnp.int32, (BN5, 1), 0) + i * BN5
    valid = rowid < NN
    h4 = h4_ref[...]
    hq = [h4[0], h4[1], h4[2], h4[3]]
    parts = []
    for q in range(4):
        gq = jnp.maximum(
            a[q] + hq[q] * inv[:, None] + b1[0, 16 * q:16 * q + 16], 0.0)
        gq = jnp.where(valid, gq, 0.0)
        parts.append(
            jnp.dot(cvec[None, :], gq, preferred_element_type=jnp.float32))
    part = jnp.concatenate(parts, axis=1)

    @pl.when(i == 0)
    def _():
        acc_ref[...] = jnp.zeros_like(acc_ref)

    acc_ref[...] += part

    @pl.when(i == pl.num_programs(0) - 1)
    def _():
        out_ref[...] = (
            jnp.dot(acc_ref[...] * (1.0 / NN), w2t_ref[...],
                    preferred_element_type=jnp.float32)
            + b2_ref[...])


def _finish_stage(agg, h4, dis, cp, b1, w2t, b2):
    return pl.pallas_call(
        _k5_body,
        grid=(NPAD // BN5,),
        in_specs=[
            pl.BlockSpec((4, BN5, 16), lambda i: (0, i, 0)),
            pl.BlockSpec((4, BN5, 16), lambda i: (0, i, 0)),
            pl.BlockSpec((BN5,), lambda i: (i,)),
            pl.BlockSpec((2, BN5), lambda i: (0, i)),
            pl.BlockSpec((1, 64), lambda i: (0, 0)),
            pl.BlockSpec((64, 64), lambda i: (0, 0)),
            pl.BlockSpec((1, 64), lambda i: (0, 0)),
        ],
        out_specs=pl.BlockSpec((1, 64), lambda i: (0, 0)),
        out_shape=jax.ShapeDtypeStruct((1, 64), jnp.float32),
        scratch_shapes=[pltpu.VMEM((1, 64), jnp.float32)],
    )(agg, h4, dis, cp, b1, w2t, b2)


def _band_matrices(conv1_w, conv2_w):
    w1 = conv1_w[0, 0]
    w2 = conv2_w[0, 0]
    i1 = jnp.arange(TT)[:, None]
    s1 = jnp.arange(S1)[None, :]
    d1 = i1 - 4 * s1
    a1f = jnp.zeros((TT, S1), jnp.float32)
    for k in range(KW):
        a1f = a1f + jnp.where(d1 == 2 * k, w1[k], 0.0)
    i2 = jnp.arange(S1)[:, None]
    t2 = jnp.arange(S2)[None, :]
    d2 = i2 - t2
    a2 = jnp.zeros((S1, S2), jnp.float32)
    for k in range(KW):
        a2 = a2 + jnp.where(d2 == k, w2[k], 0.0)
    return a1f, a2


def kernel(node_features, edge_index, edge_attributes, conv1_w, conv1_b,
           conv2_w, conv2_b, W1, b1, W2, b2):
    src = edge_index[0].astype(jnp.int32)
    dst = edge_index[1].astype(jnp.int32)
    ew = edge_attributes.astype(jnp.float32)
    npadlen = EPAD - E0
    pad_idx = jnp.full((npadlen,), NN - 1, jnp.int32)
    srcl = jnp.concatenate([src, pad_idx])
    dstl = jnp.concatenate([dst, pad_idx])
    ewl = jnp.concatenate([ew, jnp.zeros((npadlen,), jnp.float32)])

    a1f, a2 = _band_matrices(conv1_w, conv2_w)
    sb = jnp.stack([conv1_b[0], conv2_b[0]]).reshape(1, 2)

    h4 = _dense_stage(node_features, a1f, a2, W1.T, sb)
    degp = _deg_stage(dstl, ewl)
    norml, cp, dis = _norm_stage(srcl, dstl, ewl, degp)
    agg = _agg_stage(srcl, dstl, norml, h4.reshape(4 * NPAD, 16))
    out = _finish_stage(agg, h4, dis, cp, b1.reshape(1, 64),
                        W2.T, b2.reshape(1, 64))
    return out

# --- scband reference (transcript-rebuilt; emitter-appended) ---
"""Pipeline reference for scband-cnngcn-7885559955672 (READ-ONLY COPY).

The authoritative reference and input builder live on the scoring server;
editing this copy changes nothing except your own understanding.
"""

import jax, jax.numpy as jnp
import numpy as np
from jax import lax

N = 50000
E = 800000
T = 518
KW = 32
STRIDE = 2
DIL = 2
CONV_DIM = 83  # ((518-62-1)//2+1 -> 228; (228-62-1)//2+1 -> 83)
HID = 64
OUT = 64


def conv1d(x, w, b):
    # x: [N, T], w: [1,1,KW], b: [1]; NCH / OIH / NCH layout
    y = lax.conv_general_dilated(x[:, None, :], w, window_strides=(STRIDE,),
                                 padding='VALID', rhs_dilation=(DIL,))
    return y[:, 0, :] + b[0]


def gcn_conv(x, edge_index, edge_weight, W, b):
    # PyG GCNConv with edge_weight: add self loops (weight 1), symmetric norm
    n = x.shape[0]
    loop = jnp.arange(n)
    src = jnp.concatenate([edge_index[0], loop])
    dst = jnp.concatenate([edge_index[1], loop])
    ew = jnp.concatenate([edge_weight, jnp.ones((n,), x.dtype)])
    deg = jnp.zeros((n,), x.dtype).at[dst].add(ew)
    dis = jnp.where(deg > 0, deg ** -0.5, 0.0)
    norm = dis[src] * ew * dis[dst]
    h = x @ W.T
    out = jnp.zeros_like(h).at[dst].add(norm[:, None] * h[src])
    return out + b


def setup_inputs(seed: int = 0) -> dict:
    key = jax.random.key(seed)
    ks = jax.random.split(key, 12)
    node_features = jax.random.normal(ks[0], (N, T), jnp.float32)
    edge_index = jax.random.randint(ks[1], (2, E), 0, N)
    edge_attributes = jax.random.uniform(ks[2], (E,), jnp.float32)
    conv1_w = jax.random.normal(ks[3], (1, 1, KW), jnp.float32) * (1.0 / np.sqrt(KW))
    conv1_b = jax.random.normal(ks[4], (1,), jnp.float32) * 0.05
    conv2_w = jax.random.normal(ks[5], (1, 1, KW), jnp.float32) * (1.0 / np.sqrt(KW))
    conv2_b = jax.random.normal(ks[6], (1,), jnp.float32) * 0.05
    W1 = jax.random.normal(ks[7], (HID, CONV_DIM), jnp.float32) * (1.0 / np.sqrt(CONV_DIM))
    b1 = jnp.zeros((HID,), jnp.float32)
    W2 = jax.random.normal(ks[8], (OUT, HID), jnp.float32) * (1.0 / np.sqrt(HID))
    b2 = jnp.zeros((OUT,), jnp.float32)
    return {"node_features": node_features, "edge_index": edge_index,
            "edge_attributes": edge_attributes,
            "conv1_w": conv1_w, "conv1_b": conv1_b,
            "conv2_w": conv2_w, "conv2_b": conv2_b,
            "W1": W1, "b1": b1, "W2": W2, "b2": b2}


def reference(node_features, edge_index, edge_attributes, conv1_w, conv1_b,
              conv2_w, conv2_b, W1, b1, W2, b2):
    x = conv1d(node_features, conv1_w, conv1_b)
    x = jax.nn.relu(x)
    x = conv1d(x, conv2_w, conv2_b)
    x = jax.nn.relu(x)
    x = gcn_conv(x, edge_index, edge_attributes, W1, b1)
    x = jax.nn.relu(x)
    x = gcn_conv(x, edge_index, edge_attributes, W2, b2)
    # global_mean_pool with batch=None -> mean over all nodes -> [1, OUT]
    return jnp.mean(x, axis=0, keepdims=True)

if __name__ == "__main__":
    import jax
    _d = setup_inputs()
    print(jax.jit(kernel)(*tuple(_d.values())))

</pallas_src>

<mosaic_0001>
#map = affine_map<(d0, d1) -> (0)>
#map1 = affine_map<(d0, d1) -> (0, 0)>
module attributes {stable_mosaic.version = 14 : i64} {
  func.func @_k2_body(%arg0: i32, %arg1: i32, %arg2: memref<819200xi32, #tpu.memory_space<hbm>>, %arg3: memref<819200xf32, #tpu.memory_space<hbm>>, %arg4: memref<2x51200xf32, #tpu.memory_space<hbm>>, %arg5: memref<1024xi32, #tpu.memory_space<vmem>>, %arg6: memref<1024xf32, #tpu.memory_space<vmem>>, %arg7: memref<3200xf32, #tpu.memory_space<vmem>>, %arg8: memref<51200xf32, #tpu.memory_space<vmem_shared>>, %arg9: memref<!tpu.dma_semaphore, #tpu.memory_space<semaphore_mem>>) attributes {dimension_semantics = [#tpu.dimension_semantics<core_parallel>, #tpu.dimension_semantics<subcore_parallel>], iteration_bounds = array<i64: 2, 16>, scalar_prefetch = 0 : i64, scratch_operands = 5 : i64, tpu.core_type = #tpu.core_type<sc_vector_subcore>, window_params = [{transform_indices = #map}, {transform_indices = #map}, {transform_indices = #map1}]} {
    %mul3A = arith.constant 2 : i32
    %mul3A_0 = arith.muli %arg1, %mul3A : i32
    %add3A = arith.addi %mul3A_0, %arg0 : i32
    %mul3A_1 = arith.constant 3200 : i32
    %mul3A_2 = arith.muli %arg1, %mul3A_1 : i32
    %multiple_of3A = tpu.assume_multiple %mul3A_2, 8 : i32
    %scan3A = arith.constant 0 : i32
    %scan3A_3 = arith.constant 0 : i32
    %scan3A_4 = arith.constant 200 : i32
    %scan3A_5 = arith.addi %scan3A_3, %scan3A_4 : i32
    %scan3A_6 = arith.constant 1 : i32
    %scan3A_7 = scf.for %scan3A_19 = %scan3A_3 to %scan3A_5 step %scan3A_6 iter_args(%scan3A_20 = %scan3A) -> (i32)  : i32 {
      %broadcast_in_dim3A = arith.constant 0.000000e+00 : f32
      %broadcast_in_dim3A_21 = vector.broadcast %broadcast_in_dim3A : f32 to vector<16xf32>
      %mul3A_22 = arith.constant 16 : i32
      %mul3A_23 = arith.muli %scan3A_19, %mul3A_22 : i32
      %swap3A = arith.index_cast %mul3A_23 : i32 to index
      %swap3A_24 = tpu.vector_load %arg7[%swap3A] {strides = array<i32>} : memref<3200xf32, #tpu.memory_space<vmem>>, vector<16xf32>,
      %swap3A_25 = vector.shape_cast %swap3A_24 : vector<16xf32> to vector<16xf32>
      %swap3A_26 = vector.shape_cast %broadcast_in_dim3A_21 : vector<16xf32> to vector<16xf32>
      tpu.vector_store %arg7[%swap3A], %swap3A_26 {strides = array<i32>} : memref<3200xf32, #tpu.memory_space<vmem>>, vector<16xf32>,
      %scan3A_27 = arith.constant 0 : i32
      scf.yield %scan3A_27 : i32
    }
    %scan3A_8 = arith.constant 200 : i32
    "tpu.region"() ({
      %run_scoped3A = tpu.sem_alloc : memref<!tpu.dma_semaphore, #tpu.memory_space<semaphore_mem>>
      %dma_start3A = tpu.memref_slice %arg8[%multiple_of3A] : memref<51200xf32, #tpu.memory_space<vmem_shared>> -> memref<3200xf32, #tpu.memory_space<vmem_shared>>
      %dma_start3A_19 = tpu.memref_slice %arg8[%multiple_of3A] : memref<51200xf32, #tpu.memory_space<vmem_shared>> -> memref<3200xf32, #tpu.memory_space<vmem_shared>>
      tpu.enqueue_dma source(%arg7 : memref<3200xf32, #tpu.memory_space<vmem>>) target(%dma_start3A_19 : memref<3200xf32, #tpu.memory_space<vmem_shared>>) target_semaphore(%run_scoped3A : memref<!tpu.dma_semaphore, #tpu.memory_space<semaphore_mem>>)
      %dma_wait3A = tpu.memref_slice %arg8[%multiple_of3A] : memref<51200xf32, #tpu.memory_space<vmem_shared>> -> memref<3200xf32, #tpu.memory_space<vmem_shared>>
      %dma_wait3A_20 = tpu.memref_slice %arg8[%multiple_of3A] : memref<51200xf32, #tpu.memory_space<vmem_shared>> -> memref<3200xf32, #tpu.memory_space<vmem_shared>>
      tpu.wait_dma2 semaphore(%run_scoped3A : memref<!tpu.dma_semaphore, #tpu.memory_space<semaphore_mem>>) src(%arg7 : memref<3200xf32, #tpu.memory_space<vmem>>) dst(%dma_wait3A_20 : memref<3200xf32, #tpu.memory_space<vmem_shared>>)
      tpu.yield
    }) : () -> ()
    %barrier3A = arith.constant 0 : index
    tpu.barrier barrier_id(%barrier3A)
    %mul3A_9 = arith.constant 25600 : i32
    %mul3A_10 = arith.muli %add3A, %mul3A_9 : i32
    %scan3A_11 = arith.constant 0 : i32
    %scan3A_12 = arith.constant 0 : i32
    %scan3A_13 = arith.constant 25 : i32
    %scan3A_14 = arith.addi %scan3A_12, %scan3A_13 : i32
    %scan3A_15 = arith.constant 1 : i32
    %scan3A_16 = scf.for %scan3A_19 = %scan3A_12 to %scan3A_14 step %scan3A_15 iter_args(%scan3A_20 = %scan3A_11) -> (i32)  : i32 {
      %mul3A_21 = arith.constant 1024 : i32
      %mul3A_22 = arith.muli %scan3A_19, %mul3A_21 : i32
      %add3A_23 = arith.addi %mul3A_10, %mul3A_22 : i32
      "tpu.region"() ({
        %run_scoped3A = tpu.sem_alloc : memref<!tpu.dma_semaphore, #tpu.memory_space<semaphore_mem>>
        %dma_start3A = tpu.memref_slice %arg2[%add3A_23] : memref<819200xi32, #tpu.memory_space<hbm>> -> memref<1024xi32, #tpu.memory_space<hbm>>
        %dma_start3A_25 = tpu.memref_slice %arg2[%add3A_23] : memref<819200xi32, #tpu.memory_space<hbm>> -> memref<1024xi32, #tpu.memory_space<hbm>>
        tpu.enqueue_dma source(%dma_start3A_25 : memref<1024xi32, #tpu.memory_space<hbm>>) target(%arg5 : memref<1024xi32, #tpu.memory_space<vmem>>) target_semaphore(%run_scoped3A : memref<!tpu.dma_semaphore, #tpu.memory_space<semaphore_mem>>)
        %dma_wait3A = tpu.memref_slice %arg2[%add3A_23] : memref<819200xi32, #tpu.memory_space<hbm>> -> memref<1024xi32, #tpu.memory_space<hbm>>
        %dma_wait3A_26 = tpu.memref_slice %arg2[%add3A_23] : memref<819200xi32, #tpu.memory_space<hbm>> -> memref<1024xi32, #tpu.memory_space<hbm>>
        tpu.wait_dma2 semaphore(%run_scoped3A : memref<!tpu.dma_semaphore, #tpu.memory_space<semaphore_mem>>) src(%dma_wait3A_26 : memref<1024xi32, #tpu.memory_space<hbm>>) dst(%arg5 : memref<1024xi32, #tpu.memory_space<vmem>>)
        tpu.yield
      }) : () -> ()
      "tpu.region"() ({
        %run_scoped3A = tpu.sem_alloc : memref<!tpu.dma_semaphore, #tpu.memory_space<semaphore_mem>>
        %dma_start3A = tpu.memref_slice %arg3[%add3A_23] : memref<819200xf32, #tpu.memory_space<hbm>> -> memref<1024xf32, #tpu.memory_space<hbm>>
        %dma_start3A_25 = tpu.memref_slice %arg3[%add3A_23] : memref<819200xf32, #tpu.memory_space<hbm>> -> memref<1024xf32, #tpu.memory_space<hbm>>
        tpu.enqueue_dma source(%dma_start3A_25 : memref<1024xf32, #tpu.memory_space<hbm>>) target(%arg6 : memref<1024xf32, #tpu.memory_space<vmem>>) target_semaphore(%run_scoped3A : memref<!tpu.dma_semaphore, #tpu.memory_space<semaphore_mem>>)
        %dma_wait3A = tpu.memref_slice %arg3[%add3A_23] : memref<819200xf32, #tpu.memory_space<hbm>> -> memref<1024xf32, #tpu.memory_space<hbm>>
        %dma_wait3A_26 = tpu.memref_slice %arg3[%add3A_23] : memref<819200xf32, #tpu.memory_space<hbm>> -> memref<1024xf32, #tpu.memory_space<hbm>>
        tpu.wait_dma2 semaphore(%run_scoped3A : memref<!tpu.dma_semaphore, #tpu.memory_space<semaphore_mem>>) src(%dma_wait3A_26 : memref<1024xf32, #tpu.memory_space<hbm>>) dst(%arg6 : memref<1024xf32, #tpu.memory_space<vmem>>)
        tpu.yield
      }) : () -> ()
      "tpu.region"() ({
        %run_scoped3A = tpu.sem_alloc : memref<!tpu.dma_semaphore, #tpu.memory_space<semaphore_mem>>
        %dma_start3A = arith.constant 0 : i32
        %dma_start3A_25 = tpu.memref_slice %arg8[%dma_start3A] : memref<51200xf32, #tpu.memory_space<vmem_shared>> -> memref<51200xf32, #tpu.memory_space<vmem_shared>>
        tpu.enqueue_indirect_dma source(%arg6 : memref<1024xf32, #tpu.memory_space<vmem>>) target(%dma_start3A_25 : memref<51200xf32, #tpu.memory_space<vmem_shared>>) offsets(%arg5 : memref<1024xi32, #tpu.memory_space<vmem>>) semaphore(%run_scoped3A : memref<!tpu.dma_semaphore, #tpu.memory_space<semaphore_mem>>) {add = true}
        %dma_wait3A = arith.constant 0 : i32
        %dma_wait3A_26 = tpu.memref_slice %arg8[%dma_wait3A] : memref<51200xf32, #tpu.memory_space<vmem_shared>> -> memref<51200xf32, #tpu.memory_space<vmem_shared>>
        tpu.wait_indirect_dma semaphore(%run_scoped3A : memref<!tpu.dma_semaphore, #tpu.memory_space<semaphore_mem>>) src(%arg6 : memref<1024xf32, #tpu.memory_space<vmem>>) dst(%dma_wait3A_26 : memref<51200xf32, #tpu.memory_space<vmem_shared>>)
        tpu.yield
      }) : () -> ()
      %scan3A_24 = arith.constant 0 : i32
      scf.yield %scan3A_24 : i32
    }
    %scan3A_17 = arith.constant 25 : i32
    %barrier3A_18 = arith.constant 0 : index
    tpu.barrier barrier_id(%barrier3A_18)
    "tpu.region"() ({
      %run_scoped3A = tpu.sem_alloc : memref<!tpu.dma_semaphore, #tpu.memory_space<semaphore_mem>>
      %dma_start3A = tpu.memref_slice %arg8[%multiple_of3A] : memref<51200xf32, #tpu.memory_space<vmem_shared>> -> memref<3200xf32, #tpu.memory_space<vmem_shared>>
      %dma_start3A_19 = tpu.memref_slice %arg8[%multiple_of3A] : memref<51200xf32, #tpu.memory_space<vmem_shared>> -> memref<3200xf32, #tpu.memory_space<vmem_shared>>
      tpu.enqueue_dma source(%dma_start3A_19 : memref<3200xf32, #tpu.memory_space<vmem_shared>>) target(%arg7 : memref<3200xf32, #tpu.memory_space<vmem>>) target_semaphore(%run_scoped3A : memref<!tpu.dma_semaphore, #tpu.memory_space<semaphore_mem>>)
      %dma_wait3A = tpu.memref_slice %arg8[%multiple_of3A] : memref<51200xf32, #tpu.memory_space<vmem_shared>> -> memref<3200xf32, #tpu.memory_space<vmem_shared>>
      %dma_wait3A_20 = tpu.memref_slice %arg8[%multiple_of3A] : memref<51200xf32, #tpu.memory_space<vmem_shared>> -> memref<3200xf32, #tpu.memory_space<vmem_shared>>
      tpu.wait_dma2 semaphore(%run_scoped3A : memref<!tpu.dma_semaphore, #tpu.memory_space<semaphore_mem>>) src(%dma_wait3A_20 : memref<3200xf32, #tpu.memory_space<vmem_shared>>) dst(%arg7 : memref<3200xf32, #tpu.memory_space<vmem>>)
      tpu.yield
    }) : () -> ()
    "tpu.region"() ({
      %run_scoped3A = tpu.sem_alloc : memref<!tpu.dma_semaphore, #tpu.memory_space<semaphore_mem>>
      %dma_start3A = tpu.memref_slice %arg4[%arg0, %multiple_of3A] : memref<2x51200xf32, #tpu.memory_space<hbm>> -> memref<1x3200xf32, #tpu.memory_space<hbm>>
      %dma_start3A_19 = tpu.memref_squeeze %dma_start3A : memref<1x3200xf32, #tpu.memory_space<hbm>> -> memref<3200xf32, #tpu.memory_space<hbm>>
      %dma_start3A_20 = tpu.memref_slice %arg4[%arg0, %multiple_of3A] : memref<2x51200xf32, #tpu.memory_space<hbm>> -> memref<1x3200xf32, #tpu.memory_space<hbm>>
      %dma_start3A_21 = tpu.memref_squeeze %dma_start3A_20 : memref<1x3200xf32, #tpu.memory_space<hbm>> -> memref<3200xf32, #tpu.memory_space<hbm>>
      tpu.enqueue_dma source(%arg7 : memref<3200xf32, #tpu.memory_space<vmem>>) target(%dma_start3A_21 : memref<3200xf32, #tpu.memory_space<hbm>>) target_semaphore(%run_scoped3A : memref<!tpu.dma_semaphore, #tpu.memory_space<semaphore_mem>>)
      %dma_wait3A = tpu.memref_slice %arg4[%arg0, %multiple_of3A] : memref<2x51200xf32, #tpu.memory_space<hbm>> -> memref<1x3200xf32, #tpu.memory_space<hbm>>
      %dma_wait3A_22 = tpu.memref_squeeze %dma_wait3A : memref<1x3200xf32, #tpu.memory_space<hbm>> -> memref<3200xf32, #tpu.memory_space<hbm>>
      %dma_wait3A_23 = tpu.memref_slice %arg4[%arg0, %multiple_of3A] : memref<2x51200xf32, #tpu.memory_space<hbm>> -> memref<1x3200xf32, #tpu.memory_space<hbm>>
      %dma_wait3A_24 = tpu.memref_squeeze %dma_wait3A_23 : memref<1x3200xf32, #tpu.memory_space<hbm>> -> memref<3200xf32, #tpu.memory_space<hbm>>
      tpu.wait_dma2 semaphore(%run_scoped3A : memref<!tpu.dma_semaphore, #tpu.memory_space<semaphore_mem>>) src(%arg7 : memref<3200xf32, #tpu.memory_space<vmem>>) dst(%dma_wait3A_24 : memref<3200xf32, #tpu.memory_space<hbm>>)
      tpu.yield
    }) : () -> ()
    return
  }
}

#map = affine_map<(d0, d1) -> (0)>
#map1 = affine_map<(d0, d1) -> (0, 0)>
module attributes {stable_mosaic.version = 14 : i64} {
  func.func @_k3_body(%arg0: i32, %arg1: i32, %arg2: memref<819200xi32, #tpu.memory_space<hbm>>, %arg3: memref<819200xi32, #tpu.memory_space<hbm>>, %arg4: memref<819200xf32, #tpu.memory_space<hbm>>, %arg5: memref<2x51200xf32, #tpu.memory_space<hbm>>, %arg6: memref<819200xf32, #tpu.memory_space<hbm>>, %arg7: memref<2x51200xf32, #tpu.memory_space<hbm>>, %arg8: memref<102400xf32, #tpu.memory_space<hbm>>, %arg9: memref<1024xi32, #tpu.memory_space<vmem>>, %arg10: memref<1024xi32, #tpu.memory_space<vmem>>, %arg11: memref<1024xi32, #tpu.memory_space<vmem>>, %arg12: memref<1024xi32, #tpu.memory_space<vmem>>, %arg13: memref<1024xi32, #tpu.memory_space<vmem>>, %arg14: memref<1024xi32, #tpu.memory_space<vmem>>, %arg15: memref<1024xi32, #tpu.memory_space<vmem>>, %arg16: memref<1024xi32, #tpu.memory_space<vmem>>, %arg17: memref<1024xi32, #tpu.memory_space<vmem>>, %arg18: memref<1024xf32, #tpu.memory_space<vmem>>, %arg19: memref<1024xf32, #tpu.memory_space<vmem>>, %arg20: memref<1024xf32, #tpu.memory_space<vmem>>, %arg21: memref<1024xf32, #tpu.memory_space<vmem>>, %arg22: memref<1024xf32, #tpu.memory_space<vmem>>, %arg23: memref<1024xf32, #tpu.memory_space<vmem>>, %arg24: memref<1024xf32, #tpu.memory_space<vmem>>, %arg25: memref<1024xf32, #tpu.memory_space<vmem>>, %arg26: memref<1024xf32, #tpu.memory_space<vmem>>, %arg27: memref<1024xf32, #tpu.memory_space<vmem>>, %arg28: memref<1024xf32, #tpu.memory_space<vmem>>, %arg29: memref<1024xf32, #tpu.memory_space<vmem>>, %arg30: memref<3200xf32, #tpu.memory_space<vmem>>, %arg31: memref<3200xf32, #tpu.memory_space<vmem>>, %arg32: memref<51200xf32, #tpu.memory_space<vmem_shared>>, %arg33: memref<!tpu.dma_semaphore, #tpu.memory_space<semaphore_mem>>, %arg34: memref<!tpu.dma_semaphore, #tpu.memory_space<semaphore_mem>>, %arg35: memref<!tpu.dma_semaphore, #tpu.memory_space<semaphore_mem>>, %arg36: memref<!tpu.dma_semaphore, #tpu.memory_space<semaphore_mem>>, %arg37: memref<!tpu.dma_semaphore, #tpu.memory_space<semaphore_mem>>, %arg38: memref<!tpu.dma_semaphore, #tpu.memory_space<semaphore_mem>>, %arg39: memref<!tpu.dma_semaphore, #tpu.memory_space<semaphore_mem>>, %arg40: memref<!tpu.dma_semaphore, #tpu.memory_space<semaphore_mem>>, %arg41: memref<!tpu.dma_semaphore, #tpu.memory_space<semaphore_mem>>, %arg42: memref<!tpu.dma_semaphore, #tpu.memory_space<semaphore_mem>>, %arg43: memref<!tpu.dma_semaphore, #tpu.memory_space<semaphore_mem>>, %arg44: memref<!tpu.dma_semaphore, #tpu.memory_space<semaphore_mem>>) attributes {dimension_semantics = [#tpu.dimension_semantics<core_parallel>, #tpu.dimension_semantics<subcore_parallel>], iteration_bounds = array<i64: 2, 16>, scalar_prefetch = 0 : i64, scratch_operands = 36 : i64, tpu.core_type = #tpu.core_type<sc_vector_subcore>, window_params = [{transform_indices = #map}, {transform_indices = #map}, {transform_indices = #map}, {transform_indices = #map1}, {transform_indices = #map}, {transform_indices = #map1}, {transform_indices = #map}]} {
    %mul3A = arith.constant 2 : i32
    %mul3A_0 = arith.muli %arg1, %mul3A : i32
    %add3A = arith.addi %mul3A_0, %arg0 : i32
    %mul3A_1 = arith.constant 3200 : i32
    %mul3A_2 = arith.muli %arg1, %mul3A_1 : i32
    %multiple_of3A = tpu.assume_multiple %mul3A_2, 8 : i32
    %run_scoped3A = arith.constant 0 : i32
    "tpu.region"() ({
      %run_scoped3A_247 = tpu.sem_alloc : memref<!tpu.dma_semaphore, #tpu.memory_space<semaphore_mem>>
      %dma_start3A_248 = tpu.memref_slice %arg5[%run_scoped3A, %multiple_of3A] : memref<2x51200xf32, #tpu.memory_space<hbm>> -> memref<1x3200xf32, #tpu.memory_space<hbm>>
      %dma_start3A_249 = tpu.memref_squeeze %dma_start3A_248 : memref<1x3200xf32, #tpu.memory_space<hbm>> -> memref<3200xf32, #tpu.memory_space<hbm>>
      %dma_start3A_250 = tpu.memref_slice %arg5[%run_scoped3A, %multiple_of3A] : memref<2x51200xf32, #tpu.memory_space<hbm>> -> memref<1x3200xf32, #tpu.memory_space<hbm>>
      %dma_start3A_251 = tpu.memref_squeeze %dma_start3A_250 : memref<1x3200xf32, #tpu.memory_space<hbm>> -> memref<3200xf32, #tpu.memory_space<hbm>>
      tpu.enqueue_dma source(%dma_start3A_251 : memref<3200xf32, #tpu.memory_space<hbm>>) target(%arg30 : memref<3200xf32, #tpu.memory_space<vmem>>) target_semaphore(%run_scoped3A_247 : memref<!tpu.dma_semaphore, #tpu.memory_space<semaphore_mem>>)
      %dma_wait3A_252 = tpu.memref_slice %arg5[%run_scoped3A, %multiple_of3A] : memref<2x51200xf32, #tpu.memory_space<hbm>> -> memref<1x3200xf32, #tpu.memory_space<hbm>>
      %dma_wait3A_253 = tpu.memref_squeeze %dma_wait3A_252 : memref<1x3200xf32, #tpu.memory_space<hbm>> -> memref<3200xf32, #tpu.memory_space<hbm>>
      %dma_wait3A_254 = tpu.memref_slice %arg5[%run_scoped3A, %multiple_of3A] : memref<2x51200xf32, #tpu.memory_space<hbm>> -> memref<1x3200xf32, #tpu.memory_space<hbm>>
      %dma_wait3A_255 = tpu.memref_squeeze %dma_wait3A_254 : memref<1x3200xf32, #tpu.memory_space<hbm>> -> memref<3200xf32, #tpu.memory_space<hbm>>
      tpu.wait_dma2 semaphore(%run_scoped3A_247 : memref<!tpu.dma_semaphore, #tpu.memory_space<semaphore_mem>>) src(%dma_wait3A_255 : memref<3200xf32, #tpu.memory_space<hbm>>) dst(%arg30 : memref<3200xf32, #tpu.memory_space<vmem>>)
      tpu.yield
    }) : () -> ()
    %run_scoped3A_3 = arith.constant 1 : i32
    "tpu.region"() ({
      %run_scoped3A_247 = tpu.sem_alloc : memref<!tpu.dma_semaphore, #tpu.memory_space<semaphore_mem>>
      %dma_start3A_248 = tpu.memref_slice %arg5[%run_scoped3A_3, %multiple_of3A] : memref<2x51200xf32, #tpu.memory_space<hbm>> -> memref<1x3200xf32, #tpu.memory_space<hbm>>
      %dma_start3A_249 = tpu.memref_squeeze %dma_start3A_248 : memref<1x3200xf32, #tpu.memory_space<hbm>> -> memref<3200xf32, #tpu.memory_space<hbm>>
      %dma_start3A_250 = tpu.memref_slice %arg5[%run_scoped3A_3, %multiple_of3A] : memref<2x51200xf32, #tpu.memory_space<hbm>> -> memref<1x3200xf32, #tpu.memory_space<hbm>>
      %dma_start3A_251 = tpu.memref_squeeze %dma_start3A_250 : memref<1x3200xf32, #tpu.memory_space<hbm>> -> memref<3200xf32, #tpu.memory_space<hbm>>
      tpu.enqueue_dma source(%dma_start3A_251 : memref<3200xf32, #tpu.memory_space<hbm>>) target(%arg31 : memref<3200xf32, #tpu.memory_space<vmem>>) target_semaphore(%run_scoped3A_247 : memref<!tpu.dma_semaphore, #tpu.memory_space<semaphore_mem>>)
      %dma_wait3A_252 = tpu.memref_slice %arg5[%run_scoped3A_3, %multiple_of3A] : memref<2x51200xf32, #tpu.memory_space<hbm>> -> memref<1x3200xf32, #tpu.memory_space<hbm>>
      %dma_wait3A_253 = tpu.memref_squeeze %dma_wait3A_252 : memref<1x3200xf32, #tpu.memory_space<hbm>> -> memref<3200xf32, #tpu.memory_space<hbm>>
      %dma_wait3A_254 = tpu.memref_slice %arg5[%run_scoped3A_3, %multiple_of3A] : memref<2x51200xf32, #tpu.memory_space<hbm>> -> memref<1x3200xf32, #tpu.memory_space<hbm>>
      %dma_wait3A_255 = tpu.memref_squeeze %dma_wait3A_254 : memref<1x3200xf32, #tpu.memory_space<hbm>> -> memref<3200xf32, #tpu.memory_space<hbm>>
      tpu.wait_dma2 semaphore(%run_scoped3A_247 : memref<!tpu.dma_semaphore, #tpu.memory_space<semaphore_mem>>) src(%dma_wait3A_255 : memref<3200xf32, #tpu.memory_space<hbm>>) dst(%arg31 : memref<3200xf32, #tpu.memory_space<vmem>>)
      tpu.yield
    }) : () -> ()
    %scan3A = arith.constant 0 : i32
    %scan3A_4 = arith.constant 0 : i32
    %scan3A_5 = arith.constant 200 : i32
    %scan3A_6 = arith.addi %scan3A_4, %scan3A_5 : i32
    %scan3A_7 = arith.constant 1 : i32
    %scan3A_8 = scf.for %scan3A_247 = %scan3A_4 to %scan3A_6 step %scan3A_7 iter_args(%scan3A_248 = %scan3A) -> (i32)  : i32 {
      %mul3A_249 = arith.constant 16 : i32
      %mul3A_250 = arith.muli %scan3A_247, %mul3A_249 : i32
      %get3A = arith.index_cast %mul3A_250 : i32 to index
      %get3A_251 = tpu.vector_load %arg30[%get3A] {strides = array<i32>} : memref<3200xf32, #tpu.memory_space<vmem>>, vector<16xf32>,
      %add3A_252 = arith.constant 1.000000e+00 : f32
      %add3A_253 = vector.broadcast %add3A_252 : f32 to vector<16xf32>
      %add3A_254 = arith.addf %add3A_253, %get3A_251 : vector<16xf32>
      %get3A_255 = arith.index_cast %mul3A_250 : i32 to index
      %get3A_256 = tpu.vector_load %arg31[%get3A_255] {strides = array<i32>} : memref<3200xf32, #tpu.memory_space<vmem>>, vector<16xf32>,
      %add3A_257 = arith.addf %add3A_254, %get3A_256 : vector<16xf32>
      %bitcast3A = vector.bitcast %add3A_257 : vector<16xf32> to vector<16xi32>
      %shift_right_logical3A = arith.constant 1 : i32
      %shift_right_logical3A_258 = vector.broadcast %shift_right_logical3A : i32 to vector<16xi32>
      %shift_right_logical3A_259 = arith.shrui %bitcast3A, %shift_right_logical3A_258 : vector<16xi32>
      %sub3A = arith.constant 1597463007 : i32
      %sub3A_260 = vector.broadcast %sub3A : i32 to vector<16xi32>
      %sub3A_261 = arith.subi %sub3A_260, %shift_right_logical3A_259 : vector<16xi32>
      %bitcast3A_262 = vector.bitcast %sub3A_261 : vector<16xi32> to vector<16xf32>
      %mul3A_263 = arith.constant 5.000000e-01 : f32
      %mul3A_264 = vector.broadcast %mul3A_263 : f32 to vector<16xf32>
      %mul3A_265 = arith.mulf %mul3A_264, %add3A_257 : vector<16xf32>
      %mul3A_266 = arith.mulf %mul3A_265, %bitcast3A_262 : vector<16xf32>
      %mul3A_267 = arith.mulf %mul3A_266, %bitcast3A_262 : vector<16xf32>
      %sub3A_268 = arith.constant 1.500000e+00 : f32
      %sub3A_269 = vector.broadcast %sub3A_268 : f32 to vector<16xf32>
      %sub3A_270 = arith.subf %sub3A_269, %mul3A_267 : vector<16xf32>
      %mul3A_271 = arith.mulf %bitcast3A_262, %sub3A_270 : vector<16xf32>
      %mul3A_272 = arith.constant 5.000000e-01 : f32
      %mul3A_273 = vector.broadcast %mul3A_272 : f32 to vector<16xf32>
      %mul3A_274 = arith.mulf %mul3A_273, %add3A_257 : vector<16xf32>
      %mul3A_275 = arith.mulf %mul3A_274, %mul3A_271 : vector<16xf32>
      %mul3A_276 = arith.mulf %mul3A_275, %mul3A_271 : vector<16xf32>
      %sub3A_277 = arith.constant 1.500000e+00 : f32
      %sub3A_278 = vector.broadcast %sub3A_277 : f32 to vector<16xf32>
      %sub3A_279 = arith.subf %sub3A_278, %mul3A_276 : vector<16xf32>
      %mul3A_280 = arith.mulf %mul3A_271, %sub3A_279 : vector<16xf32>
      %mul3A_281 = arith.constant 5.000000e-01 : f32
      %mul3A_282 = vector.broadcast %mul3A_281 : f32 to vector<16xf32>
      %mul3A_283 = arith.mulf %mul3A_282, %add3A_257 : vector<16xf32>
      %mul3A_284 = arith.mulf %mul3A_283, %mul3A_280 : vector<16xf32>
      %mul3A_285 = arith.mulf %mul3A_284, %mul3A_280 : vector<16xf32>
      %sub3A_286 = arith.constant 1.500000e+00 : f32
      %sub3A_287 = vector.broadcast %sub3A_286 : f32 to vector<16xf32>
      %sub3A_288 = arith.subf %sub3A_287, %mul3A_285 : vector<16xf32>
      %mul3A_289 = arith.mulf %mul3A_280, %sub3A_288 : vector<16xf32>
      %swap3A = arith.index_cast %mul3A_250 : i32 to index
      %swap3A_290 = tpu.vector_load %arg30[%swap3A] {strides = array<i32>} : memref<3200xf32, #tpu.memory_space<vmem>>, vector<16xf32>,
      %swap3A_291 = vector.shape_cast %swap3A_290 : vector<16xf32> to vector<16xf32>
      %swap3A_292 = vector.shape_cast %mul3A_289 : vector<16xf32> to vector<16xf32>
      tpu.vector_store %arg30[%swap3A], %swap3A_292 {strides = array<i32>} : memref<3200xf32, #tpu.memory_space<vmem>>, vector<16xf32>,
      %scan3A_293 = arith.constant 0 : i32
      scf.yield %scan3A_293 : i32
    }
    %scan3A_9 = arith.constant 200 : i32
    %mul3A_10 = arith.constant 51200 : i32
    %mul3A_11 = arith.muli %arg0, %mul3A_10 : i32
    %add3A_12 = arith.addi %mul3A_11, %multiple_of3A : i32
    %multiple_of3A_13 = tpu.assume_multiple %add3A_12, 8 : i32
    "tpu.region"() ({
      %run_scoped3A_247 = tpu.sem_alloc : memref<!tpu.dma_semaphore, #tpu.memory_space<semaphore_mem>>
      %dma_start3A_248 = tpu.memref_slice %arg8[%multiple_of3A_13] : memref<102400xf32, #tpu.memory_space<hbm>> -> memref<3200xf32, #tpu.memory_space<hbm>>
      %dma_start3A_249 = tpu.memref_slice %arg8[%multiple_of3A_13] : memref<102400xf32, #tpu.memory_space<hbm>> -> memref<3200xf32, #tpu.memory_space<hbm>>
      tpu.enqueue_dma source(%arg30 : memref<3200xf32, #tpu.memory_space<vmem>>) target(%dma_start3A_249 : memref<3200xf32, #tpu.memory_space<hbm>>) target_semaphore(%run_scoped3A_247 : memref<!tpu.dma_semaphore, #tpu.memory_space<semaphore_mem>>)
      %dma_wait3A_250 = tpu.memref_slice %arg8[%multiple_of3A_13] : memref<102400xf32, #tpu.memory_space<hbm>> -> memref<3200xf32, #tpu.memory_space<hbm>>
      %dma_wait3A_251 = tpu.memref_slice %arg8[%multiple_of3A_13] : memref<102400xf32, #tpu.memory_space<hbm>> -> memref<3200xf32, #tpu.memory_space<hbm>>
      tpu.wait_dma2 semaphore(%run_scoped3A_247 : memref<!tpu.dma_semaphore, #tpu.memory_space<semaphore_mem>>) src(%arg30 : memref<3200xf32, #tpu.memory_space<vmem>>) dst(%dma_wait3A_251 : memref<3200xf32, #tpu.memory_space<hbm>>)
      tpu.yield
    }) : () -> ()
    %scan3A_14 = arith.constant 0 : i32
    %scan3A_15 = arith.constant 0 : i32
    %scan3A_16 = arith.constant 200 : i32
    %scan3A_17 = arith.addi %scan3A_15, %scan3A_16 : i32
    %scan3A_18 = arith.constant 1 : i32
    %scan3A_19 = scf.for %scan3A_247 = %scan3A_15 to %scan3A_17 step %scan3A_18 iter_args(%scan3A_248 = %scan3A_14) -> (i32)  : i32 {
      %broadcast_in_dim3A = arith.constant 0.000000e+00 : f32
      %broadcast_in_dim3A_249 = vector.broadcast %broadcast_in_dim3A : f32 to vector<16xf32>
      %mul3A_250 = arith.constant 16 : i32
      %mul3A_251 = arith.muli %scan3A_247, %mul3A_250 : i32
      %swap3A = arith.index_cast %mul3A_251 : i32 to index
      %swap3A_252 = tpu.vector_load %arg30[%swap3A] {strides = array<i32>} : memref<3200xf32, #tpu.memory_space<vmem>>, vector<16xf32>,
      %swap3A_253 = vector.shape_cast %swap3A_252 : vector<16xf32> to vector<16xf32>
      %swap3A_254 = vector.shape_cast %broadcast_in_dim3A_249 : vector<16xf32> to vector<16xf32>
      tpu.vector_store %arg30[%swap3A], %swap3A_254 {strides = array<i32>} : memref<3200xf32, #tpu.memory_space<vmem>>, vector<16xf32>,
      %scan3A_255 = arith.constant 0 : i32
      scf.yield %scan3A_255 : i32
    }
    %scan3A_20 = arith.constant 200 : i32
    "tpu.region"() ({
      %run_scoped3A_247 = tpu.sem_alloc : memref<!tpu.dma_semaphore, #tpu.memory_space<semaphore_mem>>
      %dma_start3A_248 = tpu.memref_slice %arg32[%multiple_of3A] : memref<51200xf32, #tpu.memory_space<vmem_shared>> -> memref<3200xf32, #tpu.memory_space<vmem_shared>>
      %dma_start3A_249 = tpu.memref_slice %arg32[%multiple_of3A] : memref<51200xf32, #tpu.memory_space<vmem_shared>> -> memref<3200xf32, #tpu.memory_space<vmem_shared>>
      tpu.enqueue_dma source(%arg30 : memref<3200xf32, #tpu.memory_space<vmem>>) target(%dma_start3A_249 : memref<3200xf32, #tpu.memory_space<vmem_shared>>) target_semaphore(%run_scoped3A_247 : memref<!tpu.dma_semaphore, #tpu.memory_space<semaphore_mem>>)
      %dma_wait3A_250 = tpu.memref_slice %arg32[%multiple_of3A] : memref<51200xf32, #tpu.memory_space<vmem_shared>> -> memref<3200xf32, #tpu.memory_space<vmem_shared>>
      %dma_wait3A_251 = tpu.memref_slice %arg32[%multiple_of3A] : memref<51200xf32, #tpu.memory_space<vmem_shared>> -> memref<3200xf32, #tpu.memory_space<vmem_shared>>
      tpu.wait_dma2 semaphore(%run_scoped3A_247 : memref<!tpu.dma_semaphore, #tpu.memory_space<semaphore_mem>>) src(%arg30 : memref<3200xf32, #tpu.memory_space<vmem>>) dst(%dma_wait3A_251 : memref<3200xf32, #tpu.memory_space<vmem_shared>>)
      tpu.yield
    }) : () -> ()
    %barrier3A = arith.constant 0 : index
    tpu.barrier barrier_id(%barrier3A)
    %mul3A_21 = arith.constant 25600 : i32
    %mul3A_22 = arith.muli %add3A, %mul3A_21 : i32
    %mul3A_23 = arith.constant 51200 : i32
    %mul3A_24 = arith.muli %arg0, %mul3A_23 : i32
    %add3A_25 = arith.constant 0 : i32
    %add3A_26 = arith.addi %mul3A_22, %add3A_25 : i32
    %dma_start3A = tpu.memref_slice %arg2[%add3A_26] : memref<819200xi32, #tpu.memory_space<hbm>> -> memref<1024xi32, #tpu.memory_space<hbm>>
    %dma_start3A_27 = tpu.memref_slice %arg2[%add3A_26] : memref<819200xi32, #tpu.memory_space<hbm>> -> memref<1024xi32, #tpu.memory_space<hbm>>
    tpu.enqueue_dma source(%dma_start3A_27 : memref<1024xi32, #tpu.memory_space<hbm>>) target(%arg9 : memref<1024xi32, #tpu.memory_space<vmem>>) target_semaphore(%arg33 : memref<!tpu.dma_semaphore, #tpu.memory_space<semaphore_mem>>)
    %dma_start3A_28 = tpu.memref_slice %arg3[%add3A_26] : memref<819200xi32, #tpu.memory_space<hbm>> -> memref<1024xi32, #tpu.memory_space<hbm>>
    %dma_start3A_29 = tpu.memref_slice %arg3[%add3A_26] : memref<819200xi32, #tpu.memory_space<hbm>> -> memref<1024xi32, #tpu.memory_space<hbm>>
    tpu.enqueue_dma source(%dma_start3A_29 : memref<1024xi32, #tpu.memory_space<hbm>>) target(%arg15 : memref<1024xi32, #tpu.memory_space<vmem>>) target_semaphore(%arg33 : memref<!tpu.dma_semaphore, #tpu.memory_space<semaphore_mem>>)
    %dma_start3A_30 = tpu.memref_slice %arg4[%add3A_26] : memref<819200xf32, #tpu.memory_space<hbm>> -> memref<1024xf32, #tpu.memory_space<hbm>>
    %dma_start3A_31 = tpu.memref_slice %arg4[%add3A_26] : memref<819200xf32, #tpu.memory_space<hbm>> -> memref<1024xf32, #tpu.memory_space<hbm>>
    tpu.enqueue_dma source(%dma_start3A_31 : memref<1024xf32, #tpu.memory_space<hbm>>) target(%arg18 : memref<1024xf32, #tpu.memory_space<vmem>>) target_semaphore(%arg33 : memref<!tpu.dma_semaphore, #tpu.memory_space<semaphore_mem>>)
    %add3A_32 = arith.constant 1024 : i32
    %add3A_33 = arith.addi %mul3A_22, %add3A_32 : i32
    %dma_start3A_34 = tpu.memref_slice %arg2[%add3A_33] : memref<819200xi32, #tpu.memory_space<hbm>> -> memref<1024xi32, #tpu.memory_space<hbm>>
    %dma_start3A_35 = tpu.memref_slice %arg2[%add3A_33] : memref<819200xi32, #tpu.memory_space<hbm>> -> memref<1024xi32, #tpu.memory_space<hbm>>
    tpu.enqueue_dma source(%dma_start3A_35 : memref<1024xi32, #tpu.memory_space<hbm>>) target(%arg10 : memref<1024xi32, #tpu.memory_space<vmem>>) target_semaphore(%arg34 : memref<!tpu.dma_semaphore, #tpu.memory_space<semaphore_mem>>)
    %dma_start3A_36 = tpu.memref_slice %arg3[%add3A_33] : memref<819200xi32, #tpu.memory_space<hbm>> -> memref<1024xi32, #tpu.memory_space<hbm>>
    %dma_start3A_37 = tpu.memref_slice %arg3[%add3A_33] : memref<819200xi32, #tpu.memory_space<hbm>> -> memref<1024xi32, #tpu.memory_space<hbm>>
    tpu.enqueue_dma source(%dma_start3A_37 : memref<1024xi32, #tpu.memory_space<hbm>>) target(%arg16 : memref<1024xi32, #tpu.memory_space<vmem>>) target_semaphore(%arg34 : memref<!tpu.dma_semaphore, #tpu.memory_space<semaphore_mem>>)
    %dma_start3A_38 = tpu.memref_slice %arg4[%add3A_33] : memref<819200xf32, #tpu.memory_space<hbm>> -> memref<1024xf32, #tpu.memory_space<hbm>>
    %dma_start3A_39 = tpu.memref_slice %arg4[%add3A_33] : memref<819200xf32, #tpu.memory_space<hbm>> -> memref<1024xf32, #tpu.memory_space<hbm>>
    tpu.enqueue_dma source(%dma_start3A_39 : memref<1024xf32, #tpu.memory_space<hbm>>) target(%arg19 : memref<1024xf32, #tpu.memory_space<vmem>>) target_semaphore(%arg34 : memref<!tpu.dma_semaphore, #tpu.memory_space<semaphore_mem>>)
    %dma_wait3A = arith.constant 0 : i32
    %dma_wait3A_40 = tpu.memref_slice %arg2[%dma_wait3A] : memref<819200xi32, #tpu.memory_space<hbm>> -> memref<1024xi32, #tpu.memory_space<hbm>>
    %dma_wait3A_41 = arith.constant 0 : i32
    %dma_wait3A_42 = tpu.memref_slice %arg2[%dma_wait3A_41] : memref<819200xi32, #tpu.memory_space<hbm>> -> memref<1024xi32, #tpu.memory_space<hbm>>
    tpu.wait_dma2 semaphore(%arg33 : memref<!tpu.dma_semaphore, #tpu.memory_space<semaphore_mem>>) src(%dma_wait3A_42 : memref<1024xi32, #tpu.memory_space<hbm>>) dst(%arg9 : memref<1024xi32, #tpu.memory_space<vmem>>)
    %dma_wait3A_43 = arith.constant 0 : i32
    %dma_wait3A_44 = tpu.memref_slice %arg3[%dma_wait3A_43] : memref<819200xi32, #tpu.memory_space<hbm>> -> memref<1024xi32, #tpu.memory_space<hbm>>
    %dma_wait3A_45 = arith.constant 0 : i32
    %dma_wait3A_46 = tpu.memref_slice %arg3[%dma_wait3A_45] : memref<819200xi32, #tpu.memory_space<hbm>> -> memref<1024xi32, #tpu.memory_space<hbm>>
    tpu.wait_dma2 semaphore(%arg33 : memref<!tpu.dma_semaphore, #tpu.memory_space<semaphore_mem>>) src(%dma_wait3A_46 : memref<1024xi32, #tpu.memory_space<hbm>>) dst(%arg15 : memref<1024xi32, #tpu.memory_space<vmem>>)
    %dma_wait3A_47 = arith.constant 0 : i32
    %dma_wait3A_48 = tpu.memref_slice %arg4[%dma_wait3A_47] : memref<819200xf32, #tpu.memory_space<hbm>> -> memref<1024xf32, #tpu.memory_space<hbm>>
    %dma_wait3A_49 = arith.constant 0 : i32
    %dma_wait3A_50 = tpu.memref_slice %arg4[%dma_wait3A_49] : memref<819200xf32, #tpu.memory_space<hbm>> -> memref<1024xf32, #tpu.memory_space<hbm>>
    tpu.wait_dma2 semaphore(%arg33 : memref<!tpu.dma_semaphore, #tpu.memory_space<semaphore_mem>>) src(%dma_wait3A_50 : memref<1024xf32, #tpu.memory_space<hbm>>) dst(%arg18 : memref<1024xf32, #tpu.memory_space<vmem>>)
    %scan3A_51 = arith.constant 0 : i32
    %scan3A_52 = arith.constant 0 : i32
    %scan3A_53 = arith.constant 64 : i32
    %scan3A_54 = arith.addi %scan3A_52, %scan3A_53 : i32
    %scan3A_55 = arith.constant 1 : i32
    %scan3A_56 = scf.for %scan3A_247 = %scan3A_52 to %scan3A_54 step %scan3A_55 iter_args(%scan3A_248 = %scan3A_51) -> (i32)  : i32 {
      %mul3A_249 = arith.constant 16 : i32
      %mul3A_250 = arith.muli %scan3A_247, %mul3A_249 : i32
      %get3A = arith.index_cast %mul3A_250 : i32 to index
      %get3A_251 = tpu.vector_load %arg9[%get3A] {strides = array<i32>} : memref<1024xi32, #tpu.memory_space<vmem>>, vector<16xi32>,
      %add3A_252 = vector.broadcast %mul3A_24 : i32 to vector<16xi32>
      %add3A_253 = arith.addi %get3A_251, %add3A_252 : vector<16xi32>
      %swap3A = arith.index_cast %mul3A_250 : i32 to index
      %swap3A_254 = tpu.vector_load %arg12[%swap3A] {strides = array<i32>} : memref<1024xi32, #tpu.memory_space<vmem>>, vector<16xi32>,
      tpu.vector_store %arg12[%swap3A], %add3A_253 {strides = array<i32>} : memref<1024xi32, #tpu.memory_space<vmem>>, vector<16xi32>,
      %get3A_255 = arith.index_cast %mul3A_250 : i32 to index
      %get3A_256 = tpu.vector_load %arg15[%get3A_255] {strides = array<i32>} : memref<1024xi32, #tpu.memory_space<vmem>>, vector<16xi32>,
      %add3A_257 = vector.broadcast %mul3A_24 : i32 to vector<16xi32>
      %add3A_258 = arith.addi %get3A_256, %add3A_257 : vector<16xi32>
      %swap3A_259 = arith.index_cast %mul3A_250 : i32 to index
      %swap3A_260 = tpu.vector_load %arg15[%swap3A_259] {strides = array<i32>} : memref<1024xi32, #tpu.memory_space<vmem>>, vector<16xi32>,
      tpu.vector_store %arg15[%swap3A_259], %add3A_258 {strides = array<i32>} : memref<1024xi32, #tpu.memory_space<vmem>>, vector<16xi32>,
      %scan3A_261 = arith.constant 0 : i32
      scf.yield %scan3A_261 : i32
    }
    %scan3A_57 = arith.constant 64 : i32
    %dma_start3A_58 = arith.constant 0 : i32
    %dma_start3A_59 = tpu.memref_slice %arg8[%dma_start3A_58] : memref<102400xf32, #tpu.memory_space<hbm>> -> memref<102400xf32, #tpu.memory_space<hbm>>
    tpu.enqueue_indirect_dma source(%dma_start3A_59 : memref<102400xf32, #tpu.memory_space<hbm>>) target(%arg21 : memref<1024xf32, #tpu.memory_space<vmem>>) offsets(%arg12 : memref<1024xi32, #tpu.memory_space<vmem>>) semaphore(%arg36 : memref<!tpu.dma_semaphore, #tpu.memory_space<semaphore_mem>>)
    %dma_start3A_60 = arith.constant 0 : i32
    %dma_start3A_61 = tpu.memref_slice %arg8[%dma_start3A_60] : memref<102400xf32, #tpu.memory_space<hbm>> -> memref<102400xf32, #tpu.memory_space<hbm>>
    tpu.enqueue_indirect_dma source(%dma_start3A_61 : memref<102400xf32, #tpu.memory_space<hbm>>) target(%arg24 : memref<1024xf32, #tpu.memory_space<vmem>>) offsets(%arg15 : memref<1024xi32, #tpu.memory_space<vmem>>) semaphore(%arg36 : memref<!tpu.dma_semaphore, #tpu.memory_space<semaphore_mem>>)
    %add3A_62 = arith.constant 2048 : i32
    %add3A_63 = arith.addi %mul3A_22, %add3A_62 : i32
    %dma_start3A_64 = tpu.memref_slice %arg2[%add3A_63] : memref<819200xi32, #tpu.memory_space<hbm>> -> memref<1024xi32, #tpu.memory_space<hbm>>
    %dma_start3A_65 = tpu.memref_slice %arg2[%add3A_63] : memref<819200xi32, #tpu.memory_space<hbm>> -> memref<1024xi32, #tpu.memory_space<hbm>>
    tpu.enqueue_dma source(%dma_start3A_65 : memref<1024xi32, #tpu.memory_space<hbm>>) target(%arg11 : memref<1024xi32, #tpu.memory_space<vmem>>) target_semaphore(%arg35 : memref<!tpu.dma_semaphore, #tpu.memory_space<semaphore_mem>>)
    %dma_start3A_66 = tpu.memref_slice %arg3[%add3A_63] : memref<819200xi32, #tpu.memory_space<hbm>> -> memref<1024xi32, #tpu.memory_space<hbm>>
    %dma_start3A_67 = tpu.memref_slice %arg3[%add3A_63] : memref<819200xi32, #tpu.memory_space<hbm>> -> memref<1024xi32, #tpu.memory_space<hbm>>
    tpu.enqueue_dma source(%dma_start3A_67 : memref<1024xi32, #tpu.memory_space<hbm>>) target(%arg17 : memref<1024xi32, #tpu.memory_space<vmem>>) target_semaphore(%arg35 : memref<!tpu.dma_semaphore, #tpu.memory_space<semaphore_mem>>)
    %dma_start3A_68 = tpu.memref_slice %arg4[%add3A_63] : memref<819200xf32, #tpu.memory_space<hbm>> -> memref<1024xf32, #tpu.memory_space<hbm>>
    %dma_start3A_69 = tpu.memref_slice %arg4[%add3A_63] : memref<819200xf32, #tpu.memory_space<hbm>> -> memref<1024xf32, #tpu.memory_space<hbm>>
    tpu.enqueue_dma source(%dma_start3A_69 : memref<1024xf32, #tpu.memory_space<hbm>>) target(%arg20 : memref<1024xf32, #tpu.memory_space<vmem>>) target_semaphore(%arg35 : memref<!tpu.dma_semaphore, #tpu.memory_space<semaphore_mem>>)
    %dma_wait3A_70 = arith.constant 0 : i32
    %dma_wait3A_71 = tpu.memref_slice %arg8[%dma_wait3A_70] : memref<102400xf32, #tpu.memory_space<hbm>> -> memref<102400xf32, #tpu.memory_space<hbm>>
    tpu.wait_indirect_dma semaphore(%arg36 : memref<!tpu.dma_semaphore, #tpu.memory_space<semaphore_mem>>) src(%dma_wait3A_71 : memref<102400xf32, #tpu.memory_space<hbm>>) dst(%arg21 : memref<1024xf32, #tpu.memory_space<vmem>>)
    %dma_wait3A_72 = arith.constant 0 : i32
    %dma_wait3A_73 = tpu.memref_slice %arg8[%dma_wait3A_72] : memref<102400xf32, #tpu.memory_space<hbm>> -> memref<102400xf32, #tpu.memory_space<hbm>>
    tpu.wait_indirect_dma semaphore(%arg36 : memref<!tpu.dma_semaphore, #tpu.memory_space<semaphore_mem>>) src(%dma_wait3A_73 : memref<102400xf32, #tpu.memory_space<hbm>>) dst(%arg24 : memref<1024xf32, #tpu.memory_space<vmem>>)
    %dma_wait3A_74 = arith.constant 0 : i32
    %dma_wait3A_75 = tpu.memref_slice %arg2[%dma_wait3A_74] : memref<819200xi32, #tpu.memory_space<hbm>> -> memref<1024xi32, #tpu.memory_space<hbm>>
    %dma_wait3A_76 = arith.constant 0 : i32
    %dma_wait3A_77 = tpu.memref_slice %arg2[%dma_wait3A_76] : memref<819200xi32, #tpu.memory_space<hbm>> -> memref<1024xi32, #tpu.memory_space<hbm>>
    tpu.wait_dma2 semaphore(%arg34 : memref<!tpu.dma_semaphore, #tpu.memory_space<semaphore_mem>>) src(%dma_wait3A_77 : memref<1024xi32, #tpu.memory_space<hbm>>) dst(%arg10 : memref<1024xi32, #tpu.memory_space<vmem>>)
    %dma_wait3A_78 = arith.constant 0 : i32
    %dma_wait3A_79 = tpu.memref_slice %arg3[%dma_wait3A_78] : memref<819200xi32, #tpu.memory_space<hbm>> -> memref<1024xi32, #tpu.memory_space<hbm>>
    %dma_wait3A_80 = arith.constant 0 : i32
    %dma_wait3A_81 = tpu.memref_slice %arg3[%dma_wait3A_80] : memref<819200xi32, #tpu.memory_space<hbm>> -> memref<1024xi32, #tpu.memory_space<hbm>>
    tpu.wait_dma2 semaphore(%arg34 : memref<!tpu.dma_semaphore, #tpu.memory_space<semaphore_mem>>) src(%dma_wait3A_81 : memref<1024xi32, #tpu.memory_space<hbm>>) dst(%arg16 : memref<1024xi32, #tpu.memory_space<vmem>>)
    %dma_wait3A_82 = arith.constant 0 : i32
    %dma_wait3A_83 = tpu.memref_slice %arg4[%dma_wait3A_82] : memref<819200xf32, #tpu.memory_space<hbm>> -> memref<1024xf32, #tpu.memory_space<hbm>>
    %dma_wait3A_84 = arith.constant 0 : i32
    %dma_wait3A_85 = tpu.memref_slice %arg4[%dma_wait3A_84] : memref<819200xf32, #tpu.memory_space<hbm>> -> memref<1024xf32, #tpu.memory_space<hbm>>
    tpu.wait_dma2 semaphore(%arg34 : memref<!tpu.dma_semaphore, #tpu.memory_space<semaphore_mem>>) src(%dma_wait3A_85 : memref<1024xf32, #tpu.memory_space<hbm>>) dst(%arg19 : memref<1024xf32, #tpu.memory_space<vmem>>)
    %scan3A_86 = arith.constant 0 : i32
    %scan3A_87 = arith.constant 0 : i32
    %scan3A_88 = arith.constant 64 : i32
    %scan3A_89 = arith.addi %scan3A_87, %scan3A_88 : i32
    %scan3A_90 = arith.constant 1 : i32
    %scan3A_91 = scf.for %scan3A_247 = %scan3A_87 to %scan3A_89 step %scan3A_90 iter_args(%scan3A_248 = %scan3A_86) -> (i32)  : i32 {
      %mul3A_249 = arith.constant 16 : i32
      %mul3A_250 = arith.muli %scan3A_247, %mul3A_249 : i32
      %get3A = arith.index_cast %mul3A_250 : i32 to index
      %get3A_251 = tpu.vector_load %arg10[%get3A] {strides = array<i32>} : memref<1024xi32, #tpu.memory_space<vmem>>, vector<16xi32>,
      %add3A_252 = vector.broadcast %mul3A_24 : i32 to vector<16xi32>
      %add3A_253 = arith.addi %get3A_251, %add3A_252 : vector<16xi32>
      %swap3A = arith.index_cast %mul3A_250 : i32 to index
      %swap3A_254 = tpu.vector_load %arg13[%swap3A] {strides = array<i32>} : memref<1024xi32, #tpu.memory_space<vmem>>, vector<16xi32>,
      tpu.vector_store %arg13[%swap3A], %add3A_253 {strides = array<i32>} : memref<1024xi32, #tpu.memory_space<vmem>>, vector<16xi32>,
      %get3A_255 = arith.index_cast %mul3A_250 : i32 to index
      %get3A_256 = tpu.vector_load %arg16[%get3A_255] {strides = array<i32>} : memref<1024xi32, #tpu.memory_space<vmem>>, vector<16xi32>,
      %add3A_257 = vector.broadcast %mul3A_24 : i32 to vector<16xi32>
      %add3A_258 = arith.addi %get3A_256, %add3A_257 : vector<16xi32>
      %swap3A_259 = arith.index_cast %mul3A_250 : i32 to index
      %swap3A_260 = tpu.vector_load %arg16[%swap3A_259] {strides = array<i32>} : memref<1024xi32, #tpu.memory_space<vmem>>, vector<16xi32>,
      tpu.vector_store %arg16[%swap3A_259], %add3A_258 {strides = array<i32>} : memref<1024xi32, #tpu.memory_space<vmem>>, vector<16xi32>,
      %scan3A_261 = arith.constant 0 : i32
      scf.yield %scan3A_261 : i32
    }
    %scan3A_92 = arith.constant 64 : i32
    %dma_start3A_93 = arith.constant 0 : i32
    %dma_start3A_94 = tpu.memref_slice %arg8[%dma_start3A_93] : memref<102400xf32, #tpu.memory_space<hbm>> -> memref<102400xf32, #tpu.memory_space<hbm>>
    tpu.enqueue_indirect_dma source(%dma_start3A_94 : memref<102400xf32, #tpu.memory_space<hbm>>) target(%arg22 : memref<1024xf32, #tpu.memory_space<vmem>>) offsets(%arg13 : memref<1024xi32, #tpu.memory_space<vmem>>) semaphore(%arg37 : memref<!tpu.dma_semaphore, #tpu.memory_space<semaphore_mem>>)
    %dma_start3A_95 = arith.constant 0 : i32
    %dma_start3A_96 = tpu.memref_slice %arg8[%dma_start3A_95] : memref<102400xf32, #tpu.memory_space<hbm>> -> memref<102400xf32, #tpu.memory_space<hbm>>
    tpu.enqueue_indirect_dma source(%dma_start3A_96 : memref<102400xf32, #tpu.memory_space<hbm>>) target(%arg25 : memref<1024xf32, #tpu.memory_space<vmem>>) offsets(%arg16 : memref<1024xi32, #tpu.memory_space<vmem>>) semaphore(%arg37 : memref<!tpu.dma_semaphore, #tpu.memory_space<semaphore_mem>>)
    %scan3A_97 = arith.constant 0 : i32
    %scan3A_98 = arith.constant 0 : i32
    %scan3A_99 = arith.constant 64 : i32
    %scan3A_100 = arith.addi %scan3A_98, %scan3A_99 : i32
    %scan3A_101 = arith.constant 1 : i32
    %scan3A_102 = scf.for %scan3A_247 = %scan3A_98 to %scan3A_100 step %scan3A_101 iter_args(%scan3A_248 = %scan3A_97) -> (i32)  : i32 {
      %mul3A_249 = arith.constant 16 : i32
      %mul3A_250 = arith.muli %scan3A_247, %mul3A_249 : i32
      %get3A = arith.index_cast %mul3A_250 : i32 to index
      %get3A_251 = tpu.vector_load %arg21[%get3A] {strides = array<i32>} : memref<1024xf32, #tpu.memory_space<vmem>>, vector<16xf32>,
      %get3A_252 = arith.index_cast %mul3A_250 : i32 to index
      %get3A_253 = tpu.vector_load %arg18[%get3A_252] {strides = array<i32>} : memref<1024xf32, #tpu.memory_space<vmem>>, vector<16xf32>,
      %mul3A_254 = arith.mulf %get3A_251, %get3A_253 : vector<16xf32>
      %get3A_255 = arith.index_cast %mul3A_250 : i32 to index
      %get3A_256 = tpu.vector_load %arg24[%get3A_255] {strides = array<i32>} : memref<1024xf32, #tpu.memory_space<vmem>>, vector<16xf32>,
      %mul3A_257 = arith.mulf %mul3A_254, %get3A_256 : vector<16xf32>
      %swap3A = arith.index_cast %mul3A_250 : i32 to index
      %swap3A_258 = tpu.vector_load %arg27[%swap3A] {strides = array<i32>} : memref<1024xf32, #tpu.memory_space<vmem>>, vector<16xf32>,
      tpu.vector_store %arg27[%swap3A], %mul3A_257 {strides = array<i32>} : memref<1024xf32, #tpu.memory_space<vmem>>, vector<16xf32>,
      %scan3A_259 = arith.constant 0 : i32
      scf.yield %scan3A_259 : i32
    }
    %scan3A_103 = arith.constant 64 : i32
    %add3A_104 = arith.constant 0 : i32
    %add3A_105 = arith.addi %mul3A_22, %add3A_104 : i32
    %dma_start3A_106 = tpu.memref_slice %arg6[%add3A_105] : memref<819200xf32, #tpu.memory_space<hbm>> -> memref<1024xf32, #tpu.memory_space<hbm>>
    %dma_start3A_107 = tpu.memref_slice %arg6[%add3A_105] : memref<819200xf32, #tpu.memory_space<hbm>> -> memref<1024xf32, #tpu.memory_space<hbm>>
    tpu.enqueue_dma source(%arg27 : memref<1024xf32, #tpu.memory_space<vmem>>) target(%dma_start3A_107 : memref<1024xf32, #tpu.memory_space<hbm>>) target_semaphore(%arg42 : memref<!tpu.dma_semaphore, #tpu.memory_space<semaphore_mem>>)
    %dma_start3A_108 = arith.constant 0 : i32
    %dma_start3A_109 = tpu.memref_slice %arg32[%dma_start3A_108] : memref<51200xf32, #tpu.memory_space<vmem_shared>> -> memref<51200xf32, #tpu.memory_space<vmem_shared>>
    tpu.enqueue_indirect_dma source(%arg27 : memref<1024xf32, #tpu.memory_space<vmem>>) target(%dma_start3A_109 : memref<51200xf32, #tpu.memory_space<vmem_shared>>) offsets(%arg9 : memref<1024xi32, #tpu.memory_space<vmem>>) semaphore(%arg39 : memref<!tpu.dma_semaphore, #tpu.memory_space<semaphore_mem>>) {add = true}
    %scan3A_110 = arith.constant 0 : i32
    %scan3A_111 = arith.constant 0 : i32
    %scan3A_112 = arith.constant 7 : i32
    %scan3A_113 = arith.addi %scan3A_111, %scan3A_112 : i32
    %scan3A_114 = arith.constant 1 : i32
    %scan3A_115 = scf.for %scan3A_247 = %scan3A_111 to %scan3A_113 step %scan3A_114 iter_args(%scan3A_248 = %scan3A_110) -> (i32)  : i32 {
      %mul3A_249 = arith.constant 3 : i32
      %mul3A_250 = arith.muli %mul3A_249, %scan3A_247 : i32
      %add3A_251 = arith.constant 1 : i32
      %add3A_252 = arith.addi %mul3A_250, %add3A_251 : i32
      %dma_wait3A_253 = arith.constant 0 : i32
      %dma_wait3A_254 = tpu.memref_slice %arg6[%dma_wait3A_253] : memref<819200xf32, #tpu.memory_space<hbm>> -> memref<1024xf32, #tpu.memory_space<hbm>>
      %dma_wait3A_255 = arith.constant 0 : i32
      %dma_wait3A_256 = tpu.memref_slice %arg6[%dma_wait3A_255] : memref<819200xf32, #tpu.memory_space<hbm>> -> memref<1024xf32, #tpu.memory_space<hbm>>
      tpu.wait_dma2 semaphore(%arg42 : memref<!tpu.dma_semaphore, #tpu.memory_space<semaphore_mem>>) src(%arg27 : memref<1024xf32, #tpu.memory_space<vmem>>) dst(%dma_wait3A_256 : memref<1024xf32, #tpu.memory_space<hbm>>)
      %dma_wait3A_257 = arith.constant 0 : i32
      %dma_wait3A_258 = tpu.memref_slice %arg32[%dma_wait3A_257] : memref<51200xf32, #tpu.memory_space<vmem_shared>> -> memref<51200xf32, #tpu.memory_space<vmem_shared>>
      tpu.wait_indirect_dma semaphore(%arg39 : memref<!tpu.dma_semaphore, #tpu.memory_space<semaphore_mem>>) src(%arg27 : memref<1024xf32, #tpu.memory_space<vmem>>) dst(%dma_wait3A_258 : memref<51200xf32, #tpu.memory_space<vmem_shared>>)
      %add3A_259 = arith.constant 2 : i32
      %add3A_260 = arith.addi %add3A_252, %add3A_259 : i32
      %mul3A_261 = arith.constant 1024 : i32
      %mul3A_262 = arith.muli %add3A_260, %mul3A_261 : i32
      %add3A_263 = arith.addi %mul3A_22, %mul3A_262 : i32
      %dma_start3A_264 = tpu.memref_slice %arg2[%add3A_263] : memref<819200xi32, #tpu.memory_space<hbm>> -> memref<1024xi32, #tpu.memory_space<hbm>>
      %dma_start3A_265 = tpu.memref_slice %arg2[%add3A_263] : memref<819200xi32, #tpu.memory_space<hbm>> -> memref<1024xi32, #tpu.memory_space<hbm>>
      tpu.enqueue_dma source(%dma_start3A_265 : memref<1024xi32, #tpu.memory_space<hbm>>) target(%arg9 : memref<1024xi32, #tpu.memory_space<vmem>>) target_semaphore(%arg33 : memref<!tpu.dma_semaphore, #tpu.memory_space<semaphore_mem>>)
      %dma_start3A_266 = tpu.memref_slice %arg3[%add3A_263] : memref<819200xi32, #tpu.memory_space<hbm>> -> memref<1024xi32, #tpu.memory_space<hbm>>
      %dma_start3A_267 = tpu.memref_slice %arg3[%add3A_263] : memref<819200xi32, #tpu.memory_space<hbm>> -> memref<1024xi32, #tpu.memory_space<hbm>>
      tpu.enqueue_dma source(%dma_start3A_267 : memref<1024xi32, #tpu.memory_space<hbm>>) target(%arg15 : memref<1024xi32, #tpu.memory_space<vmem>>) target_semaphore(%arg33 : memref<!tpu.dma_semaphore, #tpu.memory_space<semaphore_mem>>)
      %dma_start3A_268 = tpu.memref_slice %arg4[%add3A_263] : memref<819200xf32, #tpu.memory_space<hbm>> -> memref<1024xf32, #tpu.memory_space<hbm>>
      %dma_start3A_269 = tpu.memref_slice %arg4[%add3A_263] : memref<819200xf32, #tpu.memory_space<hbm>> -> memref<1024xf32, #tpu.memory_space<hbm>>
      tpu.enqueue_dma source(%dma_start3A_269 : memref<1024xf32, #tpu.memory_space<hbm>>) target(%arg18 : memref<1024xf32, #tpu.memory_space<vmem>>) target_semaphore(%arg33 : memref<!tpu.dma_semaphore, #tpu.memory_space<semaphore_mem>>)
      %dma_wait3A_270 = arith.constant 0 : i32
      %dma_wait3A_271 = tpu.memref_slice %arg8[%dma_wait3A_270] : memref<102400xf32, #tpu.memory_space<hbm>> -> memref<102400xf32, #tpu.memory_space<hbm>>
      tpu.wait_indirect_dma semaphore(%arg37 : memref<!tpu.dma_semaphore, #tpu.memory_space<semaphore_mem>>) src(%dma_wait3A_271 : memref<102400xf32, #tpu.memory_space<hbm>>) dst(%arg22 : memref<1024xf32, #tpu.memory_space<vmem>>)
      %dma_wait3A_272 = arith.constant 0 : i32
      %dma_wait3A_273 = tpu.memref_slice %arg8[%dma_wait3A_272] : memref<102400xf32, #tpu.memory_space<hbm>> -> memref<102400xf32, #tpu.memory_space<hbm>>
      tpu.wait_indirect_dma semaphore(%arg37 : memref<!tpu.dma_semaphore, #tpu.memory_space<semaphore_mem>>) src(%dma_wait3A_273 : memref<102400xf32, #tpu.memory_space<hbm>>) dst(%arg25 : memref<1024xf32, #tpu.memory_space<vmem>>)
      %dma_wait3A_274 = arith.constant 0 : i32
      %dma_wait3A_275 = tpu.memref_slice %arg2[%dma_wait3A_274] : memref<819200xi32, #tpu.memory_space<hbm>> -> memref<1024xi32, #tpu.memory_space<hbm>>
      %dma_wait3A_276 = arith.constant 0 : i32
      %dma_wait3A_277 = tpu.memref_slice %arg2[%dma_wait3A_276] : memref<819200xi32, #tpu.memory_space<hbm>> -> memref<1024xi32, #tpu.memory_space<hbm>>
      tpu.wait_dma2 semaphore(%arg35 : memref<!tpu.dma_semaphore, #tpu.memory_space<semaphore_mem>>) src(%dma_wait3A_277 : memref<1024xi32, #tpu.memory_space<hbm>>) dst(%arg11 : memref<1024xi32, #tpu.memory_space<vmem>>)
      %dma_wait3A_278 = arith.constant 0 : i32
      %dma_wait3A_279 = tpu.memref_slice %arg3[%dma_wait3A_278] : memref<819200xi32, #tpu.memory_space<hbm>> -> memref<1024xi32, #tpu.memory_space<hbm>>
      %dma_wait3A_280 = arith.constant 0 : i32
      %dma_wait3A_281 = tpu.memref_slice %arg3[%dma_wait3A_280] : memref<819200xi32, #tpu.memory_space<hbm>> -> memref<1024xi32, #tpu.memory_space<hbm>>
      tpu.wait_dma2 semaphore(%arg35 : memref<!tpu.dma_semaphore, #tpu.memory_space<semaphore_mem>>) src(%dma_wait3A_281 : memref<1024xi32, #tpu.memory_space<hbm>>) dst(%arg17 : memref<1024xi32, #tpu.memory_space<vmem>>)
      %dma_wait3A_282 = arith.constant 0 : i32
      %dma_wait3A_283 = tpu.memref_slice %arg4[%dma_wait3A_282] : memref<819200xf32, #tpu.memory_space<hbm>> -> memref<1024xf32, #tpu.memory_space<hbm>>
      %dma_wait3A_284 = arith.constant 0 : i32
      %dma_wait3A_285 = tpu.memref_slice %arg4[%dma_wait3A_284] : memref<819200xf32, #tpu.memory_space<hbm>> -> memref<1024xf32, #tpu.memory_space<hbm>>
      tpu.wait_dma2 semaphore(%arg35 : memref<!tpu.dma_semaphore, #tpu.memory_space<semaphore_mem>>) src(%dma_wait3A_285 : memref<1024xf32, #tpu.memory_space<hbm>>) dst(%arg20 : memref<1024xf32, #tpu.memory_space<vmem>>)
      %scan3A_286 = arith.constant 0 : i32
      %scan3A_287 = arith.constant 0 : i32
      %scan3A_288 = arith.constant 64 : i32
      %scan3A_289 = arith.addi %scan3A_287, %scan3A_288 : i32
      %scan3A_290 = arith.constant 1 : i32
      %scan3A_291 = scf.for %scan3A_432 = %scan3A_287 to %scan3A_289 step %scan3A_290 iter_args(%scan3A_433 = %scan3A_286) -> (i32)  : i32 {
        %mul3A_434 = arith.constant 16 : i32
        %mul3A_435 = arith.muli %scan3A_432, %mul3A_434 : i32
        %get3A = arith.index_cast %mul3A_435 : i32 to index
        %get3A_436 = tpu.vector_load %arg11[%get3A] {strides = array<i32>} : memref<1024xi32, #tpu.memory_space<vmem>>, vector<16xi32>,
        %add3A_437 = vector.broadcast %mul3A_24 : i32 to vector<16xi32>
        %add3A_438 = arith.addi %get3A_436, %add3A_437 : vector<16xi32>
        %swap3A = arith.index_cast %mul3A_435 : i32 to index
        %swap3A_439 = tpu.vector_load %arg14[%swap3A] {strides = array<i32>} : memref<1024xi32, #tpu.memory_space<vmem>>, vector<16xi32>,
        tpu.vector_store %arg14[%swap3A], %add3A_438 {strides = array<i32>} : memref<1024xi32, #tpu.memory_space<vmem>>, vector<16xi32>,
        %get3A_440 = arith.index_cast %mul3A_435 : i32 to index
        %get3A_441 = tpu.vector_load %arg17[%get3A_440] {strides = array<i32>} : memref<1024xi32, #tpu.memory_space<vmem>>, vector<16xi32>,
        %add3A_442 = vector.broadcast %mul3A_24 : i32 to vector<16xi32>
        %add3A_443 = arith.addi %get3A_441, %add3A_442 : vector<16xi32>
        %swap3A_444 = arith.index_cast %mul3A_435 : i32 to index
        %swap3A_445 = tpu.vector_load %arg17[%swap3A_444] {strides = array<i32>} : memref<1024xi32, #tpu.memory_space<vmem>>, vector<16xi32>,
        tpu.vector_store %arg17[%swap3A_444], %add3A_443 {strides = array<i32>} : memref<1024xi32, #tpu.memory_space<vmem>>, vector<16xi32>,
        %scan3A_446 = arith.constant 0 : i32
        scf.yield %scan3A_446 : i32
      }
      %scan3A_292 = arith.constant 64 : i32
      %dma_start3A_293 = arith.constant 0 : i32
      %dma_start3A_294 = tpu.memref_slice %arg8[%dma_start3A_293] : memref<102400xf32, #tpu.memory_space<hbm>> -> memref<102400xf32, #tpu.memory_space<hbm>>
      tpu.enqueue_indirect_dma source(%dma_start3A_294 : memref<102400xf32, #tpu.memory_space<hbm>>) target(%arg23 : memref<1024xf32, #tpu.memory_space<vmem>>) offsets(%arg14 : memref<1024xi32, #tpu.memory_space<vmem>>) semaphore(%arg38 : memref<!tpu.dma_semaphore, #tpu.memory_space<semaphore_mem>>)
      %dma_start3A_295 = arith.constant 0 : i32
      %dma_start3A_296 = tpu.memref_slice %arg8[%dma_start3A_295] : memref<102400xf32, #tpu.memory_space<hbm>> -> memref<102400xf32, #tpu.memory_space<hbm>>
      tpu.enqueue_indirect_dma source(%dma_start3A_296 : memref<102400xf32, #tpu.memory_space<hbm>>) target(%arg26 : memref<1024xf32, #tpu.memory_space<vmem>>) offsets(%arg17 : memref<1024xi32, #tpu.memory_space<vmem>>) semaphore(%arg38 : memref<!tpu.dma_semaphore, #tpu.memory_space<semaphore_mem>>)
      %scan3A_297 = arith.constant 0 : i32
      %scan3A_298 = arith.constant 0 : i32
      %scan3A_299 = arith.constant 64 : i32
      %scan3A_300 = arith.addi %scan3A_298, %scan3A_299 : i32
      %scan3A_301 = arith.constant 1 : i32
      %scan3A_302 = scf.for %scan3A_432 = %scan3A_298 to %scan3A_300 step %scan3A_301 iter_args(%scan3A_433 = %scan3A_297) -> (i32)  : i32 {
        %mul3A_434 = arith.constant 16 : i32
        %mul3A_435 = arith.muli %scan3A_432, %mul3A_434 : i32
        %get3A = arith.index_cast %mul3A_435 : i32 to index
        %get3A_436 = tpu.vector_load %arg22[%get3A] {strides = array<i32>} : memref<1024xf32, #tpu.memory_space<vmem>>, vector<16xf32>,
        %get3A_437 = arith.index_cast %mul3A_435 : i32 to index
        %get3A_438 = tpu.vector_load %arg19[%get3A_437] {strides = array<i32>} : memref<1024xf32, #tpu.memory_space<vmem>>, vector<16xf32>,
        %mul3A_439 = arith.mulf %get3A_436, %get3A_438 : vector<16xf32>
        %get3A_440 = arith.index_cast %mul3A_435 : i32 to index
        %get3A_441 = tpu.vector_load %arg25[%get3A_440] {strides = array<i32>} : memref<1024xf32, #tpu.memory_space<vmem>>, vector<16xf32>,
        %mul3A_442 = arith.mulf %mul3A_439, %get3A_441 : vector<16xf32>
        %swap3A = arith.index_cast %mul3A_435 : i32 to index
        %swap3A_443 = tpu.vector_load %arg28[%swap3A] {strides = array<i32>} : memref<1024xf32, #tpu.memory_space<vmem>>, vector<16xf32>,
        tpu.vector_store %arg28[%swap3A], %mul3A_442 {strides = array<i32>} : memref<1024xf32, #tpu.memory_space<vmem>>, vector<16xf32>,
        %scan3A_444 = arith.constant 0 : i32
        scf.yield %scan3A_444 : i32
      }
      %scan3A_303 = arith.constant 64 : i32
      %mul3A_304 = arith.constant 1024 : i32
      %mul3A_305 = arith.muli %add3A_252, %mul3A_304 : i32
      %add3A_306 = arith.addi %mul3A_22, %mul3A_305 : i32
      %dma_start3A_307 = tpu.memref_slice %arg6[%add3A_306] : memref<819200xf32, #tpu.memory_space<hbm>> -> memref<1024xf32, #tpu.memory_space<hbm>>
      %dma_start3A_308 = tpu.memref_slice %arg6[%add3A_306] : memref<819200xf32, #tpu.memory_space<hbm>> -> memref<1024xf32, #tpu.memory_space<hbm>>
      tpu.enqueue_dma source(%arg28 : memref<1024xf32, #tpu.memory_space<vmem>>) target(%dma_start3A_308 : memref<1024xf32, #tpu.memory_space<hbm>>) target_semaphore(%arg43 : memref<!tpu.dma_semaphore, #tpu.memory_space<semaphore_mem>>)
      %dma_start3A_309 = arith.constant 0 : i32
      %dma_start3A_310 = tpu.memref_slice %arg32[%dma_start3A_309] : memref<51200xf32, #tpu.memory_space<vmem_shared>> -> memref<51200xf32, #tpu.memory_space<vmem_shared>>
      tpu.enqueue_indirect_dma source(%arg28 : memref<1024xf32, #tpu.memory_space<vmem>>) target(%dma_start3A_310 : memref<51200xf32, #tpu.memory_space<vmem_shared>>) offsets(%arg10 : memref<1024xi32, #tpu.memory_space<vmem>>) semaphore(%arg40 : memref<!tpu.dma_semaphore, #tpu.memory_space<semaphore_mem>>) {add = true}
      %add3A_311 = arith.constant 1 : i32
      %add3A_312 = arith.addi %add3A_252, %add3A_311 : i32
      %dma_wait3A_313 = arith.constant 0 : i32
      %dma_wait3A_314 = tpu.memref_slice %arg6[%dma_wait3A_313] : memref<819200xf32, #tpu.memory_space<hbm>> -> memref<1024xf32, #tpu.memory_space<hbm>>
      %dma_wait3A_315 = arith.constant 0 : i32
      %dma_wait3A_316 = tpu.memref_slice %arg6[%dma_wait3A_315] : memref<819200xf32, #tpu.memory_space<hbm>> -> memref<1024xf32, #tpu.memory_space<hbm>>
      tpu.wait_dma2 semaphore(%arg43 : memref<!tpu.dma_semaphore, #tpu.memory_space<semaphore_mem>>) src(%arg28 : memref<1024xf32, #tpu.memory_space<vmem>>) dst(%dma_wait3A_316 : memref<1024xf32, #tpu.memory_space<hbm>>)
      %dma_wait3A_317 = arith.constant 0 : i32
      %dma_wait3A_318 = tpu.memref_slice %arg32[%dma_wait3A_317] : memref<51200xf32, #tpu.memory_space<vmem_shared>> -> memref<51200xf32, #tpu.memory_space<vmem_shared>>
      tpu.wait_indirect_dma semaphore(%arg40 : memref<!tpu.dma_semaphore, #tpu.memory_space<semaphore_mem>>) src(%arg28 : memref<1024xf32, #tpu.memory_space<vmem>>) dst(%dma_wait3A_318 : memref<51200xf32, #tpu.memory_space<vmem_shared>>)
      %add3A_319 = arith.constant 2 : i32
      %add3A_320 = arith.addi %add3A_312, %add3A_319 : i32
      %mul3A_321 = arith.constant 1024 : i32
      %mul3A_322 = arith.muli %add3A_320, %mul3A_321 : i32
      %add3A_323 = arith.addi %mul3A_22, %mul3A_322 : i32
      %dma_start3A_324 = tpu.memref_slice %arg2[%add3A_323] : memref<819200xi32, #tpu.memory_space<hbm>> -> memref<1024xi32, #tpu.memory_space<hbm>>
      %dma_start3A_325 = tpu.memref_slice %arg2[%add3A_323] : memref<819200xi32, #tpu.memory_space<hbm>> -> memref<1024xi32, #tpu.memory_space<hbm>>
      tpu.enqueue_dma source(%dma_start3A_325 : memref<1024xi32, #tpu.memory_space<hbm>>) target(%arg10 : memref<1024xi32, #tpu.memory_space<vmem>>) target_semaphore(%arg34 : memref<!tpu.dma_semaphore, #tpu.memory_space<semaphore_mem>>)
      %dma_start3A_326 = tpu.memref_slice %arg3[%add3A_323] : memref<819200xi32, #tpu.memory_space<hbm>> -> memref<1024xi32, #tpu.memory_space<hbm>>
      %dma_start3A_327 = tpu.memref_slice %arg3[%add3A_323] : memref<819200xi32, #tpu.memory_space<hbm>> -> memref<1024xi32, #tpu.memory_space<hbm>>
      tpu.enqueue_dma source(%dma_start3A_327 : memref<1024xi32, #tpu.memory_space<hbm>>) target(%arg16 : memref<1024xi32, #tpu.memory_space<vmem>>) target_semaphore(%arg34 : memref<!tpu.dma_semaphore, #tpu.memory_space<semaphore_mem>>)
      %dma_start3A_328 = tpu.memref_slice %arg4[%add3A_323] : memref<819200xf32, #tpu.memory_space<hbm>> -> memref<1024xf32, #tpu.memory_space<hbm>>
      %dma_start3A_329 = tpu.memref_slice %arg4[%add3A_323] : memref<819200xf32, #tpu.memory_space<hbm>> -> memref<1024xf32, #tpu.memory_space<hbm>>
      tpu.enqueue_dma source(%dma_start3A_329 : memref<1024xf32, #tpu.memory_space<hbm>>) target(%arg19 : memref<1024xf32, #tpu.memory_space<vmem>>) target_semaphore(%arg34 : memref<!tpu.dma_semaphore, #tpu.memory_space<semaphore_mem>>)
      %dma_wait3A_330 = arith.constant 0 : i32
      %dma_wait3A_331 = tpu.memref_slice %arg8[%dma_wait3A_330] : memref<102400xf32, #tpu.memory_space<hbm>> -> memref<102400xf32, #tpu.memory_space<hbm>>
      tpu.wait_indirect_dma semaphore(%arg38 : memref<!tpu.dma_semaphore, #tpu.memory_space<semaphore_mem>>) src(%dma_wait3A_331 : memref<102400xf32, #tpu.memory_space<hbm>>) dst(%arg23 : memref<1024xf32, #tpu.memory_space<vmem>>)
      %dma_wait3A_332 = arith.constant 0 : i32
      %dma_wait3A_333 = tpu.memref_slice %arg8[%dma_wait3A_332] : memref<102400xf32, #tpu.memory_space<hbm>> -> memref<102400xf32, #tpu.memory_space<hbm>>
      tpu.wait_indirect_dma semaphore(%arg38 : memref<!tpu.dma_semaphore, #tpu.memory_space<semaphore_mem>>) src(%dma_wait3A_333 : memref<102400xf32, #tpu.memory_space<hbm>>) dst(%arg26 : memref<1024xf32, #tpu.memory_space<vmem>>)
      %dma_wait3A_334 = arith.constant 0 : i32
      %dma_wait3A_335 = tpu.memref_slice %arg2[%dma_wait3A_334] : memref<819200xi32, #tpu.memory_space<hbm>> -> memref<1024xi32, #tpu.memory_space<hbm>>
      %dma_wait3A_336 = arith.constant 0 : i32
      %dma_wait3A_337 = tpu.memref_slice %arg2[%dma_wait3A_336] : memref<819200xi32, #tpu.memory_space<hbm>> -> memref<1024xi32, #tpu.memory_space<hbm>>
      tpu.wait_dma2 semaphore(%arg33 : memref<!tpu.dma_semaphore, #tpu.memory_space<semaphore_mem>>) src(%dma_wait3A_337 : memref<1024xi32, #tpu.memory_space<hbm>>) dst(%arg9 : memref<1024xi32, #tpu.memory_space<vmem>>)
      %dma_wait3A_338 = arith.constant 0 : i32
      %dma_wait3A_339 = tpu.memref_slice %arg3[%dma_wait3A_338] : memref<819200xi32, #tpu.memory_space<hbm>> -> memref<1024xi32, #tpu.memory_space<hbm>>
      %dma_wait3A_340 = arith.constant 0 : i32
      %dma_wait3A_341 = tpu.memref_slice %arg3[%dma_wait3A_340] : memref<819200xi32, #tpu.memory_space<hbm>> -> memref<1024xi32, #tpu.memory_space<hbm>>
      tpu.wait_dma2 semaphore(%arg33 : memref<!tpu.dma_semaphore, #tpu.memory_space<semaphore_mem>>) src(%dma_wait3A_341 : memref<1024xi32, #tpu.memory_space<hbm>>) dst(%arg15 : memref<1024xi32, #tpu.memory_space<vmem>>)
      %dma_wait3A_342 = arith.constant 0 : i32
      %dma_wait3A_343 = tpu.memref_slice %arg4[%dma_wait3A_342] : memref<819200xf32, #tpu.memory_space<hbm>> -> memref<1024xf32, #tpu.memory_space<hbm>>
      %dma_wait3A_344 = arith.constant 0 : i32
      %dma_wait3A_345 = tpu.memref_slice %arg4[%dma_wait3A_344] : memref<819200xf32, #tpu.memory_space<hbm>> -> memref<1024xf32, #tpu.memory_space<hbm>>
      tpu.wait_dma2 semaphore(%arg33 : memref<!tpu.dma_semaphore, #tpu.memory_space<semaphore_mem>>) src(%dma_wait3A_345 : memref<1024xf32, #tpu.memory_space<hbm>>) dst(%arg18 : memref<1024xf32, #tpu.memory_space<vmem>>)
      %scan3A_346 = arith.constant 0 : i32
      %scan3A_347 = arith.constant 0 : i32
      %scan3A_348 = arith.constant 64 : i32
      %scan3A_349 = arith.addi %scan3A_347, %scan3A_348 : i32
      %scan3A_350 = arith.constant 1 : i32
      %scan3A_351 = scf.for %scan3A_432 = %scan3A_347 to %scan3A_349 step %scan3A_350 iter_args(%scan3A_433 = %scan3A_346) -> (i32)  : i32 {
        %mul3A_434 = arith.constant 16 : i32
        %mul3A_435 = arith.muli %scan3A_432, %mul3A_434 : i32
        %get3A = arith.index_cast %mul3A_435 : i32 to index
        %get3A_436 = tpu.vector_load %arg9[%get3A] {strides = array<i32>} : memref<1024xi32, #tpu.memory_space<vmem>>, vector<16xi32>,
        %add3A_437 = vector.broadcast %mul3A_24 : i32 to vector<16xi32>
        %add3A_438 = arith.addi %get3A_436, %add3A_437 : vector<16xi32>
        %swap3A = arith.index_cast %mul3A_435 : i32 to index
        %swap3A_439 = tpu.vector_load %arg12[%swap3A] {strides = array<i32>} : memref<1024xi32, #tpu.memory_space<vmem>>, vector<16xi32>,
        tpu.vector_store %arg12[%swap3A], %add3A_438 {strides = array<i32>} : memref<1024xi32, #tpu.memory_space<vmem>>, vector<16xi32>,
        %get3A_440 = arith.index_cast %mul3A_435 : i32 to index
        %get3A_441 = tpu.vector_load %arg15[%get3A_440] {strides = array<i32>} : memref<1024xi32, #tpu.memory_space<vmem>>, vector<16xi32>,
        %add3A_442 = vector.broadcast %mul3A_24 : i32 to vector<16xi32>
        %add3A_443 = arith.addi %get3A_441, %add3A_442 : vector<16xi32>
        %swap3A_444 = arith.index_cast %mul3A_435 : i32 to index
        %swap3A_445 = tpu.vector_load %arg15[%swap3A_444] {strides = array<i32>} : memref<1024xi32, #tpu.memory_space<vmem>>, vector<16xi32>,
        tpu.vector_store %arg15[%swap3A_444], %add3A_443 {strides = array<i32>} : memref<1024xi32, #tpu.memory_space<vmem>>, vector<16xi32>,
        %scan3A_446 = arith.constant 0 : i32
        scf.yield %scan3A_446 : i32
      }
      %scan3A_352 = arith.constant 64 : i32
      %dma_start3A_353 = arith.constant 0 : i32
      %dma_start3A_354 = tpu.memref_slice %arg8[%dma_start3A_353] : memref<102400xf32, #tpu.memory_space<hbm>> -> memref<102400xf32, #tpu.memory_space<hbm>>
      tpu.enqueue_indirect_dma source(%dma_start3A_354 : memref<102400xf32, #tpu.memory_space<hbm>>) target(%arg21 : memref<1024xf32, #tpu.memory_space<vmem>>) offsets(%arg12 : memref<1024xi32, #tpu.memory_space<vmem>>) semaphore(%arg36 : memref<!tpu.dma_semaphore, #tpu.memory_space<semaphore_mem>>)
      %dma_start3A_355 = arith.constant 0 : i32
      %dma_start3A_356 = tpu.memref_slice %arg8[%dma_start3A_355] : memref<102400xf32, #tpu.memory_space<hbm>> -> memref<102400xf32, #tpu.memory_space<hbm>>
      tpu.enqueue_indirect_dma source(%dma_start3A_356 : memref<102400xf32, #tpu.memory_space<hbm>>) target(%arg24 : memref<1024xf32, #tpu.memory_space<vmem>>) offsets(%arg15 : memref<1024xi32, #tpu.memory_space<vmem>>) semaphore(%arg36 : memref<!tpu.dma_semaphore, #tpu.memory_space<semaphore_mem>>)
      %scan3A_357 = arith.constant 0 : i32
      %scan3A_358 = arith.constant 0 : i32
      %scan3A_359 = arith.constant 64 : i32
      %scan3A_360 = arith.addi %scan3A_358, %scan3A_359 : i32
      %scan3A_361 = arith.constant 1 : i32
      %scan3A_362 = scf.for %scan3A_432 = %scan3A_358 to %scan3A_360 step %scan3A_361 iter_args(%scan3A_433 = %scan3A_357) -> (i32)  : i32 {
        %mul3A_434 = arith.constant 16 : i32
        %mul3A_435 = arith.muli %scan3A_432, %mul3A_434 : i32
        %get3A = arith.index_cast %mul3A_435 : i32 to index
        %get3A_436 = tpu.vector_load %arg23[%get3A] {strides = array<i32>} : memref<1024xf32, #tpu.memory_space<vmem>>, vector<16xf32>,
        %get3A_437 = arith.index_cast %mul3A_435 : i32 to index
        %get3A_438 = tpu.vector_load %arg20[%get3A_437] {strides = array<i32>} : memref<1024xf32, #tpu.memory_space<vmem>>, vector<16xf32>,
        %mul3A_439 = arith.mulf %get3A_436, %get3A_438 : vector<16xf32>
        %get3A_440 = arith.index_cast %mul3A_435 : i32 to index
        %get3A_441 = tpu.vector_load %arg26[%get3A_440] {strides = array<i32>} : memref<1024xf32, #tpu.memory_space<vmem>>, vector<16xf32>,
        %mul3A_442 = arith.mulf %mul3A_439, %get3A_441 : vector<16xf32>
        %swap3A = arith.index_cast %mul3A_435 : i32 to index
        %swap3A_443 = tpu.vector_load %arg29[%swap3A] {strides = array<i32>} : memref<1024xf32, #tpu.memory_space<vmem>>, vector<16xf32>,
        tpu.vector_store %arg29[%swap3A], %mul3A_442 {strides = array<i32>} : memref<1024xf32, #tpu.memory_space<vmem>>, vector<16xf32>,
        %scan3A_444 = arith.constant 0 : i32
        scf.yield %scan3A_444 : i32
      }
      %scan3A_363 = arith.constant 64 : i32
      %mul3A_364 = arith.constant 1024 : i32
      %mul3A_365 = arith.muli %add3A_312, %mul3A_364 : i32
      %add3A_366 = arith.addi %mul3A_22, %mul3A_365 : i32
      %dma_start3A_367 = tpu.memref_slice %arg6[%add3A_366] : memref<819200xf32, #tpu.memory_space<hbm>> -> memref<1024xf32, #tpu.memory_space<hbm>>
      %dma_start3A_368 = tpu.memref_slice %arg6[%add3A_366] : memref<819200xf32, #tpu.memory_space<hbm>> -> memref<1024xf32, #tpu.memory_space<hbm>>
      tpu.enqueue_dma source(%arg29 : memref<1024xf32, #tpu.memory_space<vmem>>) target(%dma_start3A_368 : memref<1024xf32, #tpu.memory_space<hbm>>) target_semaphore(%arg44 : memref<!tpu.dma_semaphore, #tpu.memory_space<semaphore_mem>>)
      %dma_start3A_369 = arith.constant 0 : i32
      %dma_start3A_370 = tpu.memref_slice %arg32[%dma_start3A_369] : memref<51200xf32, #tpu.memory_space<vmem_shared>> -> memref<51200xf32, #tpu.memory_space<vmem_shared>>
      tpu.enqueue_indirect_dma source(%arg29 : memref<1024xf32, #tpu.memory_space<vmem>>) target(%dma_start3A_370 : memref<51200xf32, #tpu.memory_space<vmem_shared>>) offsets(%arg11 : memref<1024xi32, #tpu.memory_space<vmem>>) semaphore(%arg41 : memref<!tpu.dma_semaphore, #tpu.memory_space<semaphore_mem>>) {add = true}
      %add3A_371 = arith.constant 2 : i32
      %add3A_372 = arith.addi %add3A_252, %add3A_371 : i32
      %dma_wait3A_373 = arith.constant 0 : i32
      %dma_wait3A_374 = tpu.memref_slice %arg6[%dma_wait3A_373] : memref<819200xf32, #tpu.memory_space<hbm>> -> memref<1024xf32, #tpu.memory_space<hbm>>
      %dma_wait3A_375 = arith.constant 0 : i32
      %dma_wait3A_376 = tpu.memref_slice %arg6[%dma_wait3A_375] : memref<819200xf32, #tpu.memory_space<hbm>> -> memref<1024xf32, #tpu.memory_space<hbm>>
      tpu.wait_dma2 semaphore(%arg44 : memref<!tpu.dma_semaphore, #tpu.memory_space<semaphore_mem>>) src(%arg29 : memref<1024xf32, #tpu.memory_space<vmem>>) dst(%dma_wait3A_376 : memref<1024xf32, #tpu.memory_space<hbm>>)
      %dma_wait3A_377 = arith.constant 0 : i32
      %dma_wait3A_378 = tpu.memref_slice %arg32[%dma_wait3A_377] : memref<51200xf32, #tpu.memory_space<vmem_shared>> -> memref<51200xf32, #tpu.memory_space<vmem_shared>>
      tpu.wait_indirect_dma semaphore(%arg41 : memref<!tpu.dma_semaphore, #tpu.memory_space<semaphore_mem>>) src(%arg29 : memref<1024xf32, #tpu.memory_space<vmem>>) dst(%dma_wait3A_378 : memref<51200xf32, #tpu.memory_space<vmem_shared>>)
      %add3A_379 = arith.constant 2 : i32
      %add3A_380 = arith.addi %add3A_372, %add3A_379 : i32
      %mul3A_381 = arith.constant 1024 : i32
      %mul3A_382 = arith.muli %add3A_380, %mul3A_381 : i32
      %add3A_383 = arith.addi %mul3A_22, %mul3A_382 : i32
      %dma_start3A_384 = tpu.memref_slice %arg2[%add3A_383] : memref<819200xi32, #tpu.memory_space<hbm>> -> memref<1024xi32, #tpu.memory_space<hbm>>
      %dma_start3A_385 = tpu.memref_slice %arg2[%add3A_383] : memref<819200xi32, #tpu.memory_space<hbm>> -> memref<1024xi32, #tpu.memory_space<hbm>>
      tpu.enqueue_dma source(%dma_start3A_385 : memref<1024xi32, #tpu.memory_space<hbm>>) target(%arg11 : memref<1024xi32, #tpu.memory_space<vmem>>) target_semaphore(%arg35 : memref<!tpu.dma_semaphore, #tpu.memory_space<semaphore_mem>>)
      %dma_start3A_386 = tpu.memref_slice %arg3[%add3A_383] : memref<819200xi32, #tpu.memory_space<hbm>> -> memref<1024xi32, #tpu.memory_space<hbm>>
      %dma_start3A_387 = tpu.memref_slice %arg3[%add3A_383] : memref<819200xi32, #tpu.memory_space<hbm>> -> memref<1024xi32, #tpu.memory_space<hbm>>
      tpu.enqueue_dma source(%dma_start3A_387 : memref<1024xi32, #tpu.memory_space<hbm>>) target(%arg17 : memref<1024xi32, #tpu.memory_space<vmem>>) target_semaphore(%arg35 : memref<!tpu.dma_semaphore, #tpu.memory_space<semaphore_mem>>)
      %dma_start3A_388 = tpu.memref_slice %arg4[%add3A_383] : memref<819200xf32, #tpu.memory_space<hbm>> -> memref<1024xf32, #tpu.memory_space<hbm>>
      %dma_start3A_389 = tpu.memref_slice %arg4[%add3A_383] : memref<819200xf32, #tpu.memory_space<hbm>> -> memref<1024xf32, #tpu.memory_space<hbm>>
      tpu.enqueue_dma source(%dma_start3A_389 : memref<1024xf32, #tpu.memory_space<hbm>>) target(%arg20 : memref<1024xf32, #tpu.memory_space<vmem>>) target_semaphore(%arg35 : memref<!tpu.dma_semaphore, #tpu.memory_space<semaphore_mem>>)
      %dma_wait3A_390 = arith.constant 0 : i32
      %dma_wait3A_391 = tpu.memref_slice %arg8[%dma_wait3A_390] : memref<102400xf32, #tpu.memory_space<hbm>> -> memref<102400xf32, #tpu.memory_space<hbm>>
      tpu.wait_indirect_dma semaphore(%arg36 : memref<!tpu.dma_semaphore, #tpu.memory_space<semaphore_mem>>) src(%dma_wait3A_391 : memref<102400xf32, #tpu.memory_space<hbm>>) dst(%arg21 : memref<1024xf32, #tpu.memory_space<vmem>>)
      %dma_wait3A_392 = arith.constant 0 : i32
      %dma_wait3A_393 = tpu.memref_slice %arg8[%dma_wait3A_392] : memref<102400xf32, #tpu.memory_space<hbm>> -> memref<102400xf32, #tpu.memory_space<hbm>>
      tpu.wait_indirect_dma semaphore(%arg36 : memref<!tpu.dma_semaphore, #tpu.memory_space<semaphore_mem>>) src(%dma_wait3A_393 : memref<102400xf32, #tpu.memory_space<hbm>>) dst(%arg24 : memref<1024xf32, #tpu.memory_space<vmem>>)
      %dma_wait3A_394 = arith.constant 0 : i32
      %dma_wait3A_395 = tpu.memref_slice %arg2[%dma_wait3A_394] : memref<819200xi32, #tpu.memory_space<hbm>> -> memref<1024xi32, #tpu.memory_space<hbm>>
      %dma_wait3A_396 = arith.constant 0 : i32
      %dma_wait3A_397 = tpu.memref_slice %arg2[%dma_wait3A_396] : memref<819200xi32, #tpu.memory_space<hbm>> -> memref<1024xi32, #tpu.memory_space<hbm>>
      tpu.wait_dma2 semaphore(%arg34 : memref<!tpu.dma_semaphore, #tpu.memory_space<semaphore_mem>>) src(%dma_wait3A_397 : memref<1024xi32, #tpu.memory_space<hbm>>) dst(%arg10 : memref<1024xi32, #tpu.memory_space<vmem>>)
      %dma_wait3A_398 = arith.constant 0 : i32
      %dma_wait3A_399 = tpu.memref_slice %arg3[%dma_wait3A_398] : memref<819200xi32, #tpu.memory_space<hbm>> -> memref<1024xi32, #tpu.memory_space<hbm>>
      %dma_wait3A_400 = arith.constant 0 : i32
      %dma_wait3A_401 = tpu.memref_slice %arg3[%dma_wait3A_400] : memref<819200xi32, #tpu.memory_space<hbm>> -> memref<1024xi32, #tpu.memory_space<hbm>>
      tpu.wait_dma2 semaphore(%arg34 : memref<!tpu.dma_semaphore, #tpu.memory_space<semaphore_mem>>) src(%dma_wait3A_401 : memref<1024xi32, #tpu.memory_space<hbm>>) dst(%arg16 : memref<1024xi32, #tpu.memory_space<vmem>>)
      %dma_wait3A_402 = arith.constant 0 : i32
      %dma_wait3A_403 = tpu.memref_slice %arg4[%dma_wait3A_402] : memref<819200xf32, #tpu.memory_space<hbm>> -> memref<1024xf32, #tpu.memory_space<hbm>>
      %dma_wait3A_404 = arith.constant 0 : i32
      %dma_wait3A_405 = tpu.memref_slice %arg4[%dma_wait3A_404] : memref<819200xf32, #tpu.memory_space<hbm>> -> memref<1024xf32, #tpu.memory_space<hbm>>
      tpu.wait_dma2 semaphore(%arg34 : memref<!tpu.dma_semaphore, #tpu.memory_space<semaphore_mem>>) src(%dma_wait3A_405 : memref<1024xf32, #tpu.memory_space<hbm>>) dst(%arg19 : memref<1024xf32, #tpu.memory_space<vmem>>)
      %scan3A_406 = arith.constant 0 : i32
      %scan3A_407 = arith.constant 0 : i32
      %scan3A_408 = arith.constant 64 : i32
      %scan3A_409 = arith.addi %scan3A_407, %scan3A_408 : i32
      %scan3A_410 = arith.constant 1 : i32
      %scan3A_411 = scf.for %scan3A_432 = %scan3A_407 to %scan3A_409 step %scan3A_410 iter_args(%scan3A_433 = %scan3A_406) -> (i32)  : i32 {
        %mul3A_434 = arith.constant 16 : i32
        %mul3A_435 = arith.muli %scan3A_432, %mul3A_434 : i32
        %get3A = arith.index_cast %mul3A_435 : i32 to index
        %get3A_436 = tpu.vector_load %arg10[%get3A] {strides = array<i32>} : memref<1024xi32, #tpu.memory_space<vmem>>, vector<16xi32>,
        %add3A_437 = vector.broadcast %mul3A_24 : i32 to vector<16xi32>
        %add3A_438 = arith.addi %get3A_436, %add3A_437 : vector<16xi32>
        %swap3A = arith.index_cast %mul3A_435 : i32 to index
        %swap3A_439 = tpu.vector_load %arg13[%swap3A] {strides = array<i32>} : memref<1024xi32, #tpu.memory_space<vmem>>, vector<16xi32>,
        tpu.vector_store %arg13[%swap3A], %add3A_438 {strides = array<i32>} : memref<1024xi32, #tpu.memory_space<vmem>>, vector<16xi32>,
        %get3A_440 = arith.index_cast %mul3A_435 : i32 to index
        %get3A_441 = tpu.vector_load %arg16[%get3A_440] {strides = array<i32>} : memref<1024xi32, #tpu.memory_space<vmem>>, vector<16xi32>,
        %add3A_442 = vector.broadcast %mul3A_24 : i32 to vector<16xi32>
        %add3A_443 = arith.addi %get3A_441, %add3A_442 : vector<16xi32>
        %swap3A_444 = arith.index_cast %mul3A_435 : i32 to index
        %swap3A_445 = tpu.vector_load %arg16[%swap3A_444] {strides = array<i32>} : memref<1024xi32, #tpu.memory_space<vmem>>, vector<16xi32>,
        tpu.vector_store %arg16[%swap3A_444], %add3A_443 {strides = array<i32>} : memref<1024xi32, #tpu.memory_space<vmem>>, vector<16xi32>,
        %scan3A_446 = arith.constant 0 : i32
        scf.yield %scan3A_446 : i32
      }
      %scan3A_412 = arith.constant 64 : i32
      %dma_start3A_413 = arith.constant 0 : i32
      %dma_start3A_414 = tpu.memref_slice %arg8[%dma_start3A_413] : memref<102400xf32, #tpu.memory_space<hbm>> -> memref<102400xf32, #tpu.memory_space<hbm>>
      tpu.enqueue_indirect_dma source(%dma_start3A_414 : memref<102400xf32, #tpu.memory_space<hbm>>) target(%arg22 : memref<1024xf32, #tpu.memory_space<vmem>>) offsets(%arg13 : memref<1024xi32, #tpu.memory_space<vmem>>) semaphore(%arg37 : memref<!tpu.dma_semaphore, #tpu.memory_space<semaphore_mem>>)
      %dma_start3A_415 = arith.constant 0 : i32
      %dma_start3A_416 = tpu.memref_slice %arg8[%dma_start3A_415] : memref<102400xf32, #tpu.memory_space<hbm>> -> memref<102400xf32, #tpu.memory_space<hbm>>
      tpu.enqueue_indirect_dma source(%dma_start3A_416 : memref<102400xf32, #tpu.memory_space<hbm>>) target(%arg25 : memref<1024xf32, #tpu.memory_space<vmem>>) offsets(%arg16 : memref<1024xi32, #tpu.memory_space<vmem>>) semaphore(%arg37 : memref<!tpu.dma_semaphore, #tpu.memory_space<semaphore_mem>>)
      %scan3A_417 = arith.constant 0 : i32
      %scan3A_418 = arith.constant 0 : i32
      %scan3A_419 = arith.constant 64 : i32
      %scan3A_420 = arith.addi %scan3A_418, %scan3A_419 : i32
      %scan3A_421 = arith.constant 1 : i32
      %scan3A_422 = scf.for %scan3A_432 = %scan3A_418 to %scan3A_420 step %scan3A_421 iter_args(%scan3A_433 = %scan3A_417) -> (i32)  : i32 {
        %mul3A_434 = arith.constant 16 : i32
        %mul3A_435 = arith.muli %scan3A_432, %mul3A_434 : i32
        %get3A = arith.index_cast %mul3A_435 : i32 to index
        %get3A_436 = tpu.vector_load %arg21[%get3A] {strides = array<i32>} : memref<1024xf32, #tpu.memory_space<vmem>>, vector<16xf32>,
        %get3A_437 = arith.index_cast %mul3A_435 : i32 to index
        %get3A_438 = tpu.vector_load %arg18[%get3A_437] {strides = array<i32>} : memref<1024xf32, #tpu.memory_space<vmem>>, vector<16xf32>,
        %mul3A_439 = arith.mulf %get3A_436, %get3A_438 : vector<16xf32>
        %get3A_440 = arith.index_cast %mul3A_435 : i32 to index
        %get3A_441 = tpu.vector_load %arg24[%get3A_440] {strides = array<i32>} : memref<1024xf32, #tpu.memory_space<vmem>>, vector<16xf32>,
        %mul3A_442 = arith.mulf %mul3A_439, %get3A_441 : vector<16xf32>
        %swap3A = arith.index_cast %mul3A_435 : i32 to index
        %swap3A_443 = tpu.vector_load %arg27[%swap3A] {strides = array<i32>} : memref<1024xf32, #tpu.memory_space<vmem>>, vector<16xf32>,
        tpu.vector_store %arg27[%swap3A], %mul3A_442 {strides = array<i32>} : memref<1024xf32, #tpu.memory_space<vmem>>, vector<16xf32>,
        %scan3A_444 = arith.constant 0 : i32
        scf.yield %scan3A_444 : i32
      }
      %scan3A_423 = arith.constant 64 : i32
      %mul3A_424 = arith.constant 1024 : i32
      %mul3A_425 = arith.muli %add3A_372, %mul3A_424 : i32
      %add3A_426 = arith.addi %mul3A_22, %mul3A_425 : i32
      %dma_start3A_427 = tpu.memref_slice %arg6[%add3A_426] : memref<819200xf32, #tpu.memory_space<hbm>> -> memref<1024xf32, #tpu.memory_space<hbm>>
      %dma_start3A_428 = tpu.memref_slice %arg6[%add3A_426] : memref<819200xf32, #tpu.memory_space<hbm>> -> memref<1024xf32, #tpu.memory_space<hbm>>
      tpu.enqueue_dma source(%arg27 : memref<1024xf32, #tpu.memory_space<vmem>>) target(%dma_start3A_428 : memref<1024xf32, #tpu.memory_space<hbm>>) target_semaphore(%arg42 : memref<!tpu.dma_semaphore, #tpu.memory_space<semaphore_mem>>)
      %dma_start3A_429 = arith.constant 0 : i32
      %dma_start3A_430 = tpu.memref_slice %arg32[%dma_start3A_429] : memref<51200xf32, #tpu.memory_space<vmem_shared>> -> memref<51200xf32, #tpu.memory_space<vmem_shared>>
      tpu.enqueue_indirect_dma source(%arg27 : memref<1024xf32, #tpu.memory_space<vmem>>) target(%dma_start3A_430 : memref<51200xf32, #tpu.memory_space<vmem_shared>>) offsets(%arg9 : memref<1024xi32, #tpu.memory_space<vmem>>) semaphore(%arg39 : memref<!tpu.dma_semaphore, #tpu.memory_space<semaphore_mem>>) {add = true}
      %scan3A_431 = arith.constant 0 : i32
      scf.yield %scan3A_431 : i32
    }
    %scan3A_116 = arith.constant 7 : i32
    %dma_wait3A_117 = arith.constant 0 : i32
    %dma_wait3A_118 = tpu.memref_slice %arg6[%dma_wait3A_117] : memref<819200xf32, #tpu.memory_space<hbm>> -> memref<1024xf32, #tpu.memory_space<hbm>>
    %dma_wait3A_119 = arith.constant 0 : i32
    %dma_wait3A_120 = tpu.memref_slice %arg6[%dma_wait3A_119] : memref<819200xf32, #tpu.memory_space<hbm>> -> memref<1024xf32, #tpu.memory_space<hbm>>
    tpu.wait_dma2 semaphore(%arg42 : memref<!tpu.dma_semaphore, #tpu.memory_space<semaphore_mem>>) src(%arg27 : memref<1024xf32, #tpu.memory_space<vmem>>) dst(%dma_wait3A_120 : memref<1024xf32, #tpu.memory_space<hbm>>)
    %dma_wait3A_121 = arith.constant 0 : i32
    %dma_wait3A_122 = tpu.memref_slice %arg32[%dma_wait3A_121] : memref<51200xf32, #tpu.memory_space<vmem_shared>> -> memref<51200xf32, #tpu.memory_space<vmem_shared>>
    tpu.wait_indirect_dma semaphore(%arg39 : memref<!tpu.dma_semaphore, #tpu.memory_space<semaphore_mem>>) src(%arg27 : memref<1024xf32, #tpu.memory_space<vmem>>) dst(%dma_wait3A_122 : memref<51200xf32, #tpu.memory_space<vmem_shared>>)
    %add3A_123 = arith.constant 24576 : i32
    %add3A_124 = arith.addi %mul3A_22, %add3A_123 : i32
    %dma_start3A_125 = tpu.memref_slice %arg2[%add3A_124] : memref<819200xi32, #tpu.memory_space<hbm>> -> memref<1024xi32, #tpu.memory_space<hbm>>
    %dma_start3A_126 = tpu.memref_slice %arg2[%add3A_124] : memref<819200xi32, #tpu.memory_space<hbm>> -> memref<1024xi32, #tpu.memory_space<hbm>>
    tpu.enqueue_dma source(%dma_start3A_126 : memref<1024xi32, #tpu.memory_space<hbm>>) target(%arg9 : memref<1024xi32, #tpu.memory_space<vmem>>) target_semaphore(%arg33 : memref<!tpu.dma_semaphore, #tpu.memory_space<semaphore_mem>>)
    %dma_start3A_127 = tpu.memref_slice %arg3[%add3A_124] : memref<819200xi32, #tpu.memory_space<hbm>> -> memref<1024xi32, #tpu.memory_space<hbm>>
    %dma_start3A_128 = tpu.memref_slice %arg3[%add3A_124] : memref<819200xi32, #tpu.memory_space<hbm>> -> memref<1024xi32, #tpu.memory_space<hbm>>
    tpu.enqueue_dma source(%dma_start3A_128 : memref<1024xi32, #tpu.memory_space<hbm>>) target(%arg15 : memref<1024xi32, #tpu.memory_space<vmem>>) target_semaphore(%arg33 : memref<!tpu.dma_semaphore, #tpu.memory_space<semaphore_mem>>)
    %dma_start3A_129 = tpu.memref_slice %arg4[%add3A_124] : memref<819200xf32, #tpu.memory_space<hbm>> -> memref<1024xf32, #tpu.memory_space<hbm>>
    %dma_start3A_130 = tpu.memref_slice %arg4[%add3A_124] : memref<819200xf32, #tpu.memory_space<hbm>> -> memref<1024xf32, #tpu.memory_space<hbm>>
    tpu.enqueue_dma source(%dma_start3A_130 : memref<1024xf32, #tpu.memory_space<hbm>>) target(%arg18 : memref<1024xf32, #tpu.memory_space<vmem>>) target_semaphore(%arg33 : memref<!tpu.dma_semaphore, #tpu.memory_space<semaphore_mem>>)
    %dma_wait3A_131 = arith.constant 0 : i32
    %dma_wait3A_132 = tpu.memref_slice %arg8[%dma_wait3A_131] : memref<102400xf32, #tpu.memory_space<hbm>> -> memref<102400xf32, #tpu.memory_space<hbm>>
    tpu.wait_indirect_dma semaphore(%arg37 : memref<!tpu.dma_semaphore, #tpu.memory_space<semaphore_mem>>) src(%dma_wait3A_132 : memref<102400xf32, #tpu.memory_space<hbm>>) dst(%arg22 : memref<1024xf32, #tpu.memory_space<vmem>>)
    %dma_wait3A_133 = arith.constant 0 : i32
    %dma_wait3A_134 = tpu.memref_slice %arg8[%dma_wait3A_133] : memref<102400xf32, #tpu.memory_space<hbm>> -> memref<102400xf32, #tpu.memory_space<hbm>>
    tpu.wait_indirect_dma semaphore(%arg37 : memref<!tpu.dma_semaphore, #tpu.memory_space<semaphore_mem>>) src(%dma_wait3A_134 : memref<102400xf32, #tpu.memory_space<hbm>>) dst(%arg25 : memref<1024xf32, #tpu.memory_space<vmem>>)
    %dma_wait3A_135 = arith.constant 0 : i32
    %dma_wait3A_136 = tpu.memref_slice %arg2[%dma_wait3A_135] : memref<819200xi32, #tpu.memory_space<hbm>> -> memref<1024xi32, #tpu.memory_space<hbm>>
    %dma_wait3A_137 = arith.constant 0 : i32
    %dma_wait3A_138 = tpu.memref_slice %arg2[%dma_wait3A_137] : memref<819200xi32, #tpu.memory_space<hbm>> -> memref<1024xi32, #tpu.memory_space<hbm>>
    tpu.wait_dma2 semaphore(%arg35 : memref<!tpu.dma_semaphore, #tpu.memory_space<semaphore_mem>>) src(%dma_wait3A_138 : memref<1024xi32, #tpu.memory_space<hbm>>) dst(%arg11 : memref<1024xi32, #tpu.memory_space<vmem>>)
    %dma_wait3A_139 = arith.constant 0 : i32
    %dma_wait3A_140 = tpu.memref_slice %arg3[%dma_wait3A_139] : memref<819200xi32, #tpu.memory_space<hbm>> -> memref<1024xi32, #tpu.memory_space<hbm>>
    %dma_wait3A_141 = arith.constant 0 : i32
    %dma_wait3A_142 = tpu.memref_slice %arg3[%dma_wait3A_141] : memref<819200xi32, #tpu.memory_space<hbm>> -> memref<1024xi32, #tpu.memory_space<hbm>>
    tpu.wait_dma2 semaphore(%arg35 : memref<!tpu.dma_semaphore, #tpu.memory_space<semaphore_mem>>) src(%dma_wait3A_142 : memref<1024xi32, #tpu.memory_space<hbm>>) dst(%arg17 : memref<1024xi32, #tpu.memory_space<vmem>>)
    %dma_wait3A_143 = arith.constant 0 : i32
    %dma_wait3A_144 = tpu.memref_slice %arg4[%dma_wait3A_143] : memref<819200xf32, #tpu.memory_space<hbm>> -> memref<1024xf32, #tpu.memory_space<hbm>>
    %dma_wait3A_145 = arith.constant 0 : i32
    %dma_wait3A_146 = tpu.memref_slice %arg4[%dma_wait3A_145] : memref<819200xf32, #tpu.memory_space<hbm>> -> memref<1024xf32, #tpu.memory_space<hbm>>
    tpu.wait_dma2 semaphore(%arg35 : memref<!tpu.dma_semaphore, #tpu.memory_space<semaphore_mem>>) src(%dma_wait3A_146 : memref<1024xf32, #tpu.memory_space<hbm>>) dst(%arg20 : memref<1024xf32, #tpu.memory_space<vmem>>)
    %scan3A_147 = arith.constant 0 : i32
    %scan3A_148 = arith.constant 0 : i32
    %scan3A_149 = arith.constant 64 : i32
    %scan3A_150 = arith.addi %scan3A_148, %scan3A_149 : i32
    %scan3A_151 = arith.constant 1 : i32
    %scan3A_152 = scf.for %scan3A_247 = %scan3A_148 to %scan3A_150 step %scan3A_151 iter_args(%scan3A_248 = %scan3A_147) -> (i32)  : i32 {
      %mul3A_249 = arith.constant 16 : i32
      %mul3A_250 = arith.muli %scan3A_247, %mul3A_249 : i32
      %get3A = arith.index_cast %mul3A_250 : i32 to index
      %get3A_251 = tpu.vector_load %arg11[%get3A] {strides = array<i32>} : memref<1024xi32, #tpu.memory_space<vmem>>, vector<16xi32>,
      %add3A_252 = vector.broadcast %mul3A_24 : i32 to vector<16xi32>
      %add3A_253 = arith.addi %get3A_251, %add3A_252 : vector<16xi32>
      %swap3A = arith.index_cast %mul3A_250 : i32 to index
      %swap3A_254 = tpu.vector_load %arg14[%swap3A] {strides = array<i32>} : memref<1024xi32, #tpu.memory_space<vmem>>, vector<16xi32>,
      tpu.vector_store %arg14[%swap3A], %add3A_253 {strides = array<i32>} : memref<1024xi32, #tpu.memory_space<vmem>>, vector<16xi32>,
      %get3A_255 = arith.index_cast %mul3A_250 : i32 to index
      %get3A_256 = tpu.vector_load %arg17[%get3A_255] {strides = array<i32>} : memref<1024xi32, #tpu.memory_space<vmem>>, vector<16xi32>,
      %add3A_257 = vector.broadcast %mul3A_24 : i32 to vector<16xi32>
      %add3A_258 = arith.addi %get3A_256, %add3A_257 : vector<16xi32>
      %swap3A_259 = arith.index_cast %mul3A_250 : i32 to index
      %swap3A_260 = tpu.vector_load %arg17[%swap3A_259] {strides = array<i32>} : memref<1024xi32, #tpu.memory_space<vmem>>, vector<16xi32>,
      tpu.vector_store %arg17[%swap3A_259], %add3A_258 {strides = array<i32>} : memref<1024xi32, #tpu.memory_space<vmem>>, vector<16xi32>,
      %scan3A_261 = arith.constant 0 : i32
      scf.yield %scan3A_261 : i32
    }
    %scan3A_153 = arith.constant 64 : i32
    %dma_start3A_154 = arith.constant 0 : i32
    %dma_start3A_155 = tpu.memref_slice %arg8[%dma_start3A_154] : memref<102400xf32, #tpu.memory_space<hbm>> -> memref<102400xf32, #tpu.memory_space<hbm>>
    tpu.enqueue_indirect_dma source(%dma_start3A_155 : memref<102400xf32, #tpu.memory_space<hbm>>) target(%arg23 : memref<1024xf32, #tpu.memory_space<vmem>>) offsets(%arg14 : memref<1024xi32, #tpu.memory_space<vmem>>) semaphore(%arg38 : memref<!tpu.dma_semaphore, #tpu.memory_space<semaphore_mem>>)
    %dma_start3A_156 = arith.constant 0 : i32
    %dma_start3A_157 = tpu.memref_slice %arg8[%dma_start3A_156] : memref<102400xf32, #tpu.memory_space<hbm>> -> memref<102400xf32, #tpu.memory_space<hbm>>
    tpu.enqueue_indirect_dma source(%dma_start3A_157 : memref<102400xf32, #tpu.memory_space<hbm>>) target(%arg26 : memref<1024xf32, #tpu.memory_space<vmem>>) offsets(%arg17 : memref<1024xi32, #tpu.memory_space<vmem>>) semaphore(%arg38 : memref<!tpu.dma_semaphore, #tpu.memory_space<semaphore_mem>>)
    %scan3A_158 = arith.constant 0 : i32
    %scan3A_159 = arith.constant 0 : i32
    %scan3A_160 = arith.constant 64 : i32
    %scan3A_161 = arith.addi %scan3A_159, %scan3A_160 : i32
    %scan3A_162 = arith.constant 1 : i32
    %scan3A_163 = scf.for %scan3A_247 = %scan3A_159 to %scan3A_161 step %scan3A_162 iter_args(%scan3A_248 = %scan3A_158) -> (i32)  : i32 {
      %mul3A_249 = arith.constant 16 : i32
      %mul3A_250 = arith.muli %scan3A_247, %mul3A_249 : i32
      %get3A = arith.index_cast %mul3A_250 : i32 to index
      %get3A_251 = tpu.vector_load %arg22[%get3A] {strides = array<i32>} : memref<1024xf32, #tpu.memory_space<vmem>>, vector<16xf32>,
      %get3A_252 = arith.index_cast %mul3A_250 : i32 to index
      %get3A_253 = tpu.vector_load %arg19[%get3A_252] {strides = array<i32>} : memref<1024xf32, #tpu.memory_space<vmem>>, vector<16xf32>,
      %mul3A_254 = arith.mulf %get3A_251, %get3A_253 : vector<16xf32>
      %get3A_255 = arith.index_cast %mul3A_250 : i32 to index
      %get3A_256 = tpu.vector_load %arg25[%get3A_255] {strides = array<i32>} : memref<1024xf32, #tpu.memory_space<vmem>>, vector<16xf32>,
      %mul3A_257 = arith.mulf %mul3A_254, %get3A_256 : vector<16xf32>
      %swap3A = arith.index_cast %mul3A_250 : i32 to index
      %swap3A_258 = tpu.vector_load %arg28[%swap3A] {strides = array<i32>} : memref<1024xf32, #tpu.memory_space<vmem>>, vector<16xf32>,
      tpu.vector_store %arg28[%swap3A], %mul3A_257 {strides = array<i32>} : memref<1024xf32, #tpu.memory_space<vmem>>, vector<16xf32>,
      %scan3A_259 = arith.constant 0 : i32
      scf.yield %scan3A_259 : i32
    }
    %scan3A_164 = arith.constant 64 : i32
    %add3A_165 = arith.constant 22528 : i32
    %add3A_166 = arith.addi %mul3A_22, %add3A_165 : i32
    %dma_start3A_167 = tpu.memref_slice %arg6[%add3A_166] : memref<819200xf32, #tpu.memory_space<hbm>> -> memref<1024xf32, #tpu.memory_space<hbm>>
    %dma_start3A_168 = tpu.memref_slice %arg6[%add3A_166] : memref<819200xf32, #tpu.memory_space<hbm>> -> memref<1024xf32, #tpu.memory_space<hbm>>
    tpu.enqueue_dma source(%arg28 : memref<1024xf32, #tpu.memory_space<vmem>>) target(%dma_start3A_168 : memref<1024xf32, #tpu.memory_space<hbm>>) target_semaphore(%arg43 : memref<!tpu.dma_semaphore, #tpu.memory_space<semaphore_mem>>)
    %dma_start3A_169 = arith.constant 0 : i32
    %dma_start3A_170 = tpu.memref_slice %arg32[%dma_start3A_169] : memref<51200xf32, #tpu.memory_space<vmem_shared>> -> memref<51200xf32, #tpu.memory_space<vmem_shared>>
    tpu.enqueue_indirect_dma source(%arg28 : memref<1024xf32, #tpu.memory_space<vmem>>) target(%dma_start3A_170 : memref<51200xf32, #tpu.memory_space<vmem_shared>>) offsets(%arg10 : memref<1024xi32, #tpu.memory_space<vmem>>) semaphore(%arg40 : memref<!tpu.dma_semaphore, #tpu.memory_space<semaphore_mem>>) {add = true}
    %dma_wait3A_171 = arith.constant 0 : i32
    %dma_wait3A_172 = tpu.memref_slice %arg6[%dma_wait3A_171] : memref<819200xf32, #tpu.memory_space<hbm>> -> memref<1024xf32, #tpu.memory_space<hbm>>
    %dma_wait3A_173 = arith.constant 0 : i32
    %dma_wait3A_174 = tpu.memref_slice %arg6[%dma_wait3A_173] : memref<819200xf32, #tpu.memory_space<hbm>> -> memref<1024xf32, #tpu.memory_space<hbm>>
    tpu.wait_dma2 semaphore(%arg43 : memref<!tpu.dma_semaphore, #tpu.memory_space<semaphore_mem>>) src(%arg28 : memref<1024xf32, #tpu.memory_space<vmem>>) dst(%dma_wait3A_174 : memref<1024xf32, #tpu.memory_space<hbm>>)
    %dma_wait3A_175 = arith.constant 0 : i32
    %dma_wait3A_176 = tpu.memref_slice %arg32[%dma_wait3A_175] : memref<51200xf32, #tpu.memory_space<vmem_shared>> -> memref<51200xf32, #tpu.memory_space<vmem_shared>>
    tpu.wait_indirect_dma semaphore(%arg40 : memref<!tpu.dma_semaphore, #tpu.memory_space<semaphore_mem>>) src(%arg28 : memref<1024xf32, #tpu.memory_space<vmem>>) dst(%dma_wait3A_176 : memref<51200xf32, #tpu.memory_space<vmem_shared>>)
    %dma_wait3A_177 = arith.constant 0 : i32
    %dma_wait3A_178 = tpu.memref_slice %arg8[%dma_wait3A_177] : memref<102400xf32, #tpu.memory_space<hbm>> -> memref<102400xf32, #tpu.memory_space<hbm>>
    tpu.wait_indirect_dma semaphore(%arg38 : memref<!tpu.dma_semaphore, #tpu.memory_space<semaphore_mem>>) src(%dma_wait3A_178 : memref<102400xf32, #tpu.memory_space<hbm>>) dst(%arg23 : memref<1024xf32, #tpu.memory_space<vmem>>)
    %dma_wait3A_179 = arith.constant 0 : i32
    %dma_wait3A_180 = tpu.memref_slice %arg8[%dma_wait3A_179] : memref<102400xf32, #tpu.memory_space<hbm>> -> memref<102400xf32, #tpu.memory_space<hbm>>
    tpu.wait_indirect_dma semaphore(%arg38 : memref<!tpu.dma_semaphore, #tpu.memory_space<semaphore_mem>>) src(%dma_wait3A_180 : memref<102400xf32, #tpu.memory_space<hbm>>) dst(%arg26 : memref<1024xf32, #tpu.memory_space<vmem>>)
    %dma_wait3A_181 = arith.constant 0 : i32
    %dma_wait3A_182 = tpu.memref_slice %arg2[%dma_wait3A_181] : memref<819200xi32, #tpu.memory_space<hbm>> -> memref<1024xi32, #tpu.memory_space<hbm>>
    %dma_wait3A_183 = arith.constant 0 : i32
    %dma_wait3A_184 = tpu.memref_slice %arg2[%dma_wait3A_183] : memref<819200xi32, #tpu.memory_space<hbm>> -> memref<1024xi32, #tpu.memory_space<hbm>>
    tpu.wait_dma2 semaphore(%arg33 : memref<!tpu.dma_semaphore, #tpu.memory_space<semaphore_mem>>) src(%dma_wait3A_184 : memref<1024xi32, #tpu.memory_space<hbm>>) dst(%arg9 : memref<1024xi32, #tpu.memory_space<vmem>>)
    %dma_wait3A_185 = arith.constant 0 : i32
    %dma_wait3A_186 = tpu.memref_slice %arg3[%dma_wait3A_185] : memref<819200xi32, #tpu.memory_space<hbm>> -> memref<1024xi32, #tpu.memory_space<hbm>>
    %dma_wait3A_187 = arith.constant 0 : i32
    %dma_wait3A_188 = tpu.memref_slice %arg3[%dma_wait3A_187] : memref<819200xi32, #tpu.memory_space<hbm>> -> memref<1024xi32, #tpu.memory_space<hbm>>
    tpu.wait_dma2 semaphore(%arg33 : memref<!tpu.dma_semaphore, #tpu.memory_space<semaphore_mem>>) src(%dma_wait3A_188 : memref<1024xi32, #tpu.memory_space<hbm>>) dst(%arg15 : memref<1024xi32, #tpu.memory_space<vmem>>)
    %dma_wait3A_189 = arith.constant 0 : i32
    %dma_wait3A_190 = tpu.memref_slice %arg4[%dma_wait3A_189] : memref<819200xf32, #tpu.memory_space<hbm>> -> memref<1024xf32, #tpu.memory_space<hbm>>
    %dma_wait3A_191 = arith.constant 0 : i32
    %dma_wait3A_192 = tpu.memref_slice %arg4[%dma_wait3A_191] : memref<819200xf32, #tpu.memory_space<hbm>> -> memref<1024xf32, #tpu.memory_space<hbm>>
    tpu.wait_dma2 semaphore(%arg33 : memref<!tpu.dma_semaphore, #tpu.memory_space<semaphore_mem>>) src(%dma_wait3A_192 : memref<1024xf32, #tpu.memory_space<hbm>>) dst(%arg18 : memref<1024xf32, #tpu.memory_space<vmem>>)
    %scan3A_193 = arith.constant 0 : i32
    %scan3A_194 = arith.constant 0 : i32
    %scan3A_195 = arith.constant 64 : i32
    %scan3A_196 = arith.addi %scan3A_194, %scan3A_195 : i32
    %scan3A_197 = arith.constant 1 : i32
    %scan3A_198 = scf.for %scan3A_247 = %scan3A_194 to %scan3A_196 step %scan3A_197 iter_args(%scan3A_248 = %scan3A_193) -> (i32)  : i32 {
      %mul3A_249 = arith.constant 16 : i32
      %mul3A_250 = arith.muli %scan3A_247, %mul3A_249 : i32
      %get3A = arith.index_cast %mul3A_250 : i32 to index
      %get3A_251 = tpu.vector_load %arg9[%get3A] {strides = array<i32>} : memref<1024xi32, #tpu.memory_space<vmem>>, vector<16xi32>,
      %add3A_252 = vector.broadcast %mul3A_24 : i32 to vector<16xi32>
      %add3A_253 = arith.addi %get3A_251, %add3A_252 : vector<16xi32>
      %swap3A = arith.index_cast %mul3A_250 : i32 to index
      %swap3A_254 = tpu.vector_load %arg12[%swap3A] {strides = array<i32>} : memref<1024xi32, #tpu.memory_space<vmem>>, vector<16xi32>,
      tpu.vector_store %arg12[%swap3A], %add3A_253 {strides = array<i32>} : memref<1024xi32, #tpu.memory_space<vmem>>, vector<16xi32>,
      %get3A_255 = arith.index_cast %mul3A_250 : i32 to index
      %get3A_256 = tpu.vector_load %arg15[%get3A_255] {strides = array<i32>} : memref<1024xi32, #tpu.memory_space<vmem>>, vector<16xi32>,
      %add3A_257 = vector.broadcast %mul3A_24 : i32 to vector<16xi32>
      %add3A_258 = arith.addi %get3A_256, %add3A_257 : vector<16xi32>
      %swap3A_259 = arith.index_cast %mul3A_250 : i32 to index
      %swap3A_260 = tpu.vector_load %arg15[%swap3A_259] {strides = array<i32>} : memref<1024xi32, #tpu.memory_space<vmem>>, vector<16xi32>,
      tpu.vector_store %arg15[%swap3A_259], %add3A_258 {strides = array<i32>} : memref<1024xi32, #tpu.memory_space<vmem>>, vector<16xi32>,
      %scan3A_261 = arith.constant 0 : i32
      scf.yield %scan3A_261 : i32
    }
    %scan3A_199 = arith.constant 64 : i32
    %dma_start3A_200 = arith.constant 0 : i32
    %dma_start3A_201 = tpu.memref_slice %arg8[%dma_start3A_200] : memref<102400xf32, #tpu.memory_space<hbm>> -> memref<102400xf32, #tpu.memory_space<hbm>>
    tpu.enqueue_indirect_dma source(%dma_start3A_201 : memref<102400xf32, #tpu.memory_space<hbm>>) target(%arg21 : memref<1024xf32, #tpu.memory_space<vmem>>) offsets(%arg12 : memref<1024xi32, #tpu.memory_space<vmem>>) semaphore(%arg36 : memref<!tpu.dma_semaphore, #tpu.memory_space<semaphore_mem>>)
    %dma_start3A_202 = arith.constant 0 : i32
    %dma_start3A_203 = tpu.memref_slice %arg8[%dma_start3A_202] : memref<102400xf32, #tpu.memory_space<hbm>> -> memref<102400xf32, #tpu.memory_space<hbm>>
    tpu.enqueue_indirect_dma source(%dma_start3A_203 : memref<102400xf32, #tpu.memory_space<hbm>>) target(%arg24 : memref<1024xf32, #tpu.memory_space<vmem>>) offsets(%arg15 : memref<1024xi32, #tpu.memory_space<vmem>>) semaphore(%arg36 : memref<!tpu.dma_semaphore, #tpu.memory_space<semaphore_mem>>)
    %scan3A_204 = arith.constant 0 : i32
    %scan3A_205 = arith.constant 0 : i32
    %scan3A_206 = arith.constant 64 : i32
    %scan3A_207 = arith.addi %scan3A_205, %scan3A_206 : i32
    %scan3A_208 = arith.constant 1 : i32
    %scan3A_209 = scf.for %scan3A_247 = %scan3A_205 to %scan3A_207 step %scan3A_208 iter_args(%scan3A_248 = %scan3A_204) -> (i32)  : i32 {
      %mul3A_249 = arith.constant 16 : i32
      %mul3A_250 = arith.muli %scan3A_247, %mul3A_249 : i32
      %get3A = arith.index_cast %mul3A_250 : i32 to index
      %get3A_251 = tpu.vector_load %arg23[%get3A] {strides = array<i32>} : memref<1024xf32, #tpu.memory_space<vmem>>, vector<16xf32>,
      %get3A_252 = arith.index_cast %mul3A_250 : i32 to index
      %get3A_253 = tpu.vector_load %arg20[%get3A_252] {strides = array<i32>} : memref<1024xf32, #tpu.memory_space<vmem>>, vector<16xf32>,
      %mul3A_254 = arith.mulf %get3A_251, %get3A_253 : vector<16xf32>
      %get3A_255 = arith.index_cast %mul3A_250 : i32 to index
      %get3A_256 = tpu.vector_load %arg26[%get3A_255] {strides = array<i32>} : memref<1024xf32, #tpu.memory_space<vmem>>, vector<16xf32>,
      %mul3A_257 = arith.mulf %mul3A_254, %get3A_256 : vector<16xf32>
      %swap3A = arith.index_cast %mul3A_250 : i32 to index
      %swap3A_258 = tpu.vector_load %arg29[%swap3A] {strides = array<i32>} : memref<1024xf32, #tpu.memory_space<vmem>>, vector<16xf32>,
      tpu.vector_store %arg29[%swap3A], %mul3A_257 {strides = array<i32>} : memref<1024xf32, #tpu.memory_space<vmem>>, vector<16xf32>,
      %scan3A_259 = arith.constant 0 : i32
      scf.yield %scan3A_259 : i32
    }
    %scan3A_210 = arith.constant 64 : i32
    %add3A_211 = arith.constant 23552 : i32
    %add3A_212 = arith.addi %mul3A_22, %add3A_211 : i32
    %dma_start3A_213 = tpu.memref_slice %arg6[%add3A_212] : memref<819200xf32, #tpu.memory_space<hbm>> -> memref<1024xf32, #tpu.memory_space<hbm>>
    %dma_start3A_214 = tpu.memref_slice %arg6[%add3A_212] : memref<819200xf32, #tpu.memory_space<hbm>> -> memref<1024xf32, #tpu.memory_space<hbm>>
    tpu.enqueue_dma source(%arg29 : memref<1024xf32, #tpu.memory_space<vmem>>) target(%dma_start3A_214 : memref<1024xf32, #tpu.memory_space<hbm>>) target_semaphore(%arg44 : memref<!tpu.dma_semaphore, #tpu.memory_space<semaphore_mem>>)
    %dma_start3A_215 = arith.constant 0 : i32
    %dma_start3A_216 = tpu.memref_slice %arg32[%dma_start3A_215] : memref<51200xf32, #tpu.memory_space<vmem_shared>> -> memref<51200xf32, #tpu.memory_space<vmem_shared>>
    tpu.enqueue_indirect_dma source(%arg29 : memref<1024xf32, #tpu.memory_space<vmem>>) target(%dma_start3A_216 : memref<51200xf32, #tpu.memory_space<vmem_shared>>) offsets(%arg11 : memref<1024xi32, #tpu.memory_space<vmem>>) semaphore(%arg41 : memref<!tpu.dma_semaphore, #tpu.memory_space<semaphore_mem>>) {add = true}
    %dma_wait3A_217 = arith.constant 0 : i32
    %dma_wait3A_218 = tpu.memref_slice %arg6[%dma_wait3A_217] : memref<819200xf32, #tpu.memory_space<hbm>> -> memref<1024xf32, #tpu.memory_space<hbm>>
    %dma_wait3A_219 = arith.constant 0 : i32
    %dma_wait3A_220 = tpu.memref_slice %arg6[%dma_wait3A_219] : memref<819200xf32, #tpu.memory_space<hbm>> -> memref<1024xf32, #tpu.memory_space<hbm>>
    tpu.wait_dma2 semaphore(%arg44 : memref<!tpu.dma_semaphore, #tpu.memory_space<semaphore_mem>>) src(%arg29 : memref<1024xf32, #tpu.memory_space<vmem>>) dst(%dma_wait3A_220 : memref<1024xf32, #tpu.memory_space<hbm>>)
    %dma_wait3A_221 = arith.constant 0 : i32
    %dma_wait3A_222 = tpu.memref_slice %arg32[%dma_wait3A_221] : memref<51200xf32, #tpu.memory_space<vmem_shared>> -> memref<51200xf32, #tpu.memory_space<vmem_shared>>
    tpu.wait_indirect_dma semaphore(%arg41 : memref<!tpu.dma_semaphore, #tpu.memory_space<semaphore_mem>>) src(%arg29 : memref<1024xf32, #tpu.memory_space<vmem>>) dst(%dma_wait3A_222 : memref<51200xf32, #tpu.memory_space<vmem_shared>>)
    %dma_wait3A_223 = arith.constant 0 : i32
    %dma_wait3A_224 = tpu.memref_slice %arg8[%dma_wait3A_223] : memref<102400xf32, #tpu.memory_space<hbm>> -> memref<102400xf32, #tpu.memory_space<hbm>>
    tpu.wait_indirect_dma semaphore(%arg36 : memref<!tpu.dma_semaphore, #tpu.memory_space<semaphore_mem>>) src(%dma_wait3A_224 : memref<102400xf32, #tpu.memory_space<hbm>>) dst(%arg21 : memref<1024xf32, #tpu.memory_space<vmem>>)
    %dma_wait3A_225 = arith.constant 0 : i32
    %dma_wait3A_226 = tpu.memref_slice %arg8[%dma_wait3A_225] : memref<102400xf32, #tpu.memory_space<hbm>> -> memref<102400xf32, #tpu.memory_space<hbm>>
    tpu.wait_indirect_dma semaphore(%arg36 : memref<!tpu.dma_semaphore, #tpu.memory_space<semaphore_mem>>) src(%dma_wait3A_226 : memref<102400xf32, #tpu.memory_space<hbm>>) dst(%arg24 : memref<1024xf32, #tpu.memory_space<vmem>>)
    %scan3A_227 = arith.constant 0 : i32
    %scan3A_228 = arith.constant 0 : i32
    %scan3A_229 = arith.constant 64 : i32
    %scan3A_230 = arith.addi %scan3A_228, %scan3A_229 : i32
    %scan3A_231 = arith.constant 1 : i32
    %scan3A_232 = scf.for %scan3A_247 = %scan3A_228 to %scan3A_230 step %scan3A_231 iter_args(%scan3A_248 = %scan3A_227) -> (i32)  : i32 {
      %mul3A_249 = arith.constant 16 : i32
      %mul3A_250 = arith.muli %scan3A_247, %mul3A_249 : i32
      %get3A = arith.index_cast %mul3A_250 : i32 to index
      %get3A_251 = tpu.vector_load %arg21[%get3A] {strides = array<i32>} : memref<1024xf32, #tpu.memory_space<vmem>>, vector<16xf32>,
      %get3A_252 = arith.index_cast %mul3A_250 : i32 to index
      %get3A_253 = tpu.vector_load %arg18[%get3A_252] {strides = array<i32>} : memref<1024xf32, #tpu.memory_space<vmem>>, vector<16xf32>,
      %mul3A_254 = arith.mulf %get3A_251, %get3A_253 : vector<16xf32>
      %get3A_255 = arith.index_cast %mul3A_250 : i32 to index
      %get3A_256 = tpu.vector_load %arg24[%get3A_255] {strides = array<i32>} : memref<1024xf32, #tpu.memory_space<vmem>>, vector<16xf32>,
      %mul3A_257 = arith.mulf %mul3A_254, %get3A_256 : vector<16xf32>
      %swap3A = arith.index_cast %mul3A_250 : i32 to index
      %swap3A_258 = tpu.vector_load %arg27[%swap3A] {strides = array<i32>} : memref<1024xf32, #tpu.memory_space<vmem>>, vector<16xf32>,
      tpu.vector_store %arg27[%swap3A], %mul3A_257 {strides = array<i32>} : memref<1024xf32, #tpu.memory_space<vmem>>, vector<16xf32>,
      %scan3A_259 = arith.constant 0 : i32
      scf.yield %scan3A_259 : i32
    }
    %scan3A_233 = arith.constant 64 : i32
    %add3A_234 = arith.constant 24576 : i32
    %add3A_235 = arith.addi %mul3A_22, %add3A_234 : i32
    %dma_start3A_236 = tpu.memref_slice %arg6[%add3A_235] : memref<819200xf32, #tpu.memory_space<hbm>> -> memref<1024xf32, #tpu.memory_space<hbm>>
    %dma_start3A_237 = tpu.memref_slice %arg6[%add3A_235] : memref<819200xf32, #tpu.memory_space<hbm>> -> memref<1024xf32, #tpu.memory_space<hbm>>
    tpu.enqueue_dma source(%arg27 : memref<1024xf32, #tpu.memory_space<vmem>>) target(%dma_start3A_237 : memref<1024xf32, #tpu.memory_space<hbm>>) target_semaphore(%arg42 : memref<!tpu.dma_semaphore, #tpu.memory_space<semaphore_mem>>)
    %dma_start3A_238 = arith.constant 0 : i32
    %dma_start3A_239 = tpu.memref_slice %arg32[%dma_start3A_238] : memref<51200xf32, #tpu.memory_space<vmem_shared>> -> memref<51200xf32, #tpu.memory_space<vmem_shared>>
    tpu.enqueue_indirect_dma source(%arg27 : memref<1024xf32, #tpu.memory_space<vmem>>) target(%dma_start3A_239 : memref<51200xf32, #tpu.memory_space<vmem_shared>>) offsets(%arg9 : memref<1024xi32, #tpu.memory_space<vmem>>) semaphore(%arg39 : memref<!tpu.dma_semaphore, #tpu.memory_space<semaphore_mem>>) {add = true}
    %dma_wait3A_240 = arith.constant 0 : i32
    %dma_wait3A_241 = tpu.memref_slice %arg6[%dma_wait3A_240] : memref<819200xf32, #tpu.memory_space<hbm>> -> memref<1024xf32, #tpu.memory_space<hbm>>
    %dma_wait3A_242 = arith.constant 0 : i32
    %dma_wait3A_243 = tpu.memref_slice %arg6[%dma_wait3A_242] : memref<819200xf32, #tpu.memory_space<hbm>> -> memref<1024xf32, #tpu.memory_space<hbm>>
    tpu.wait_dma2 semaphore(%arg42 : memref<!tpu.dma_semaphore, #tpu.memory_space<semaphore_mem>>) src(%arg27 : memref<1024xf32, #tpu.memory_space<vmem>>) dst(%dma_wait3A_243 : memref<1024xf32, #tpu.memory_space<hbm>>)
    %dma_wait3A_244 = arith.constant 0 : i32
    %dma_wait3A_245 = tpu.memref_slice %arg32[%dma_wait3A_244] : memref<51200xf32, #tpu.memory_space<vmem_shared>> -> memref<51200xf32, #tpu.memory_space<vmem_shared>>
    tpu.wait_indirect_dma semaphore(%arg39 : memref<!tpu.dma_semaphore, #tpu.memory_space<semaphore_mem>>) src(%arg27 : memref<1024xf32, #tpu.memory_space<vmem>>) dst(%dma_wait3A_245 : memref<51200xf32, #tpu.memory_space<vmem_shared>>)
    %barrier3A_246 = arith.constant 0 : index
    tpu.barrier barrier_id(%barrier3A_246)
    "tpu.region"() ({
      %run_scoped3A_247 = tpu.sem_alloc : memref<!tpu.dma_semaphore, #tpu.memory_space<semaphore_mem>>
      %dma_start3A_248 = tpu.memref_slice %arg32[%multiple_of3A] : memref<51200xf32, #tpu.memory_space<vmem_shared>> -> memref<3200xf32, #tpu.memory_space<vmem_shared>>
      %dma_start3A_249 = tpu.memref_slice %arg32[%multiple_of3A] : memref<51200xf32, #tpu.memory_space<vmem_shared>> -> memref<3200xf32, #tpu.memory_space<vmem_shared>>
      tpu.enqueue_dma source(%dma_start3A_249 : memref<3200xf32, #tpu.memory_space<vmem_shared>>) target(%arg30 : memref<3200xf32, #tpu.memory_space<vmem>>) target_semaphore(%run_scoped3A_247 : memref<!tpu.dma_semaphore, #tpu.memory_space<semaphore_mem>>)
      %dma_wait3A_250 = tpu.memref_slice %arg32[%multiple_of3A] : memref<51200xf32, #tpu.memory_space<vmem_shared>> -> memref<3200xf32, #tpu.memory_space<vmem_shared>>
      %dma_wait3A_251 = tpu.memref_slice %arg32[%multiple_of3A] : memref<51200xf32, #tpu.memory_space<vmem_shared>> -> memref<3200xf32, #tpu.memory_space<vmem_shared>>
      tpu.wait_dma2 semaphore(%run_scoped3A_247 : memref<!tpu.dma_semaphore, #tpu.memory_space<semaphore_mem>>) src(%dma_wait3A_251 : memref<3200xf32, #tpu.memory_space<vmem_shared>>) dst(%arg30 : memref<3200xf32, #tpu.memory_space<vmem>>)
      tpu.yield
    }) : () -> ()
    "tpu.region"() ({
      %run_scoped3A_247 = tpu.sem_alloc : memref<!tpu.dma_semaphore, #tpu.memory_space<semaphore_mem>>
      %dma_start3A_248 = tpu.memref_slice %arg7[%arg0, %multiple_of3A] : memref<2x51200xf32, #tpu.memory_space<hbm>> -> memref<1x3200xf32, #tpu.memory_space<hbm>>
      %dma_start3A_249 = tpu.memref_squeeze %dma_start3A_248 : memref<1x3200xf32, #tpu.memory_space<hbm>> -> memref<3200xf32, #tpu.memory_space<hbm>>
      %dma_start3A_250 = tpu.memref_slice %arg7[%arg0, %multiple_of3A] : memref<2x51200xf32, #tpu.memory_space<hbm>> -> memref<1x3200xf32, #tpu.memory_space<hbm>>
      %dma_start3A_251 = tpu.memref_squeeze %dma_start3A_250 : memref<1x3200xf32, #tpu.memory_space<hbm>> -> memref<3200xf32, #tpu.memory_space<hbm>>
      tpu.enqueue_dma source(%arg30 : memref<3200xf32, #tpu.memory_space<vmem>>) target(%dma_start3A_251 : memref<3200xf32, #tpu.memory_space<hbm>>) target_semaphore(%run_scoped3A_247 : memref<!tpu.dma_semaphore, #tpu.memory_space<semaphore_mem>>)
      %dma_wait3A_252 = tpu.memref_slice %arg7[%arg0, %multiple_of3A] : memref<2x51200xf32, #tpu.memory_space<hbm>> -> memref<1x3200xf32, #tpu.memory_space<hbm>>
      %dma_wait3A_253 = tpu.memref_squeeze %dma_wait3A_252 : memref<1x3200xf32, #tpu.memory_space<hbm>> -> memref<3200xf32, #tpu.memory_space<hbm>>
      %dma_wait3A_254 = tpu.memref_slice %arg7[%arg0, %multiple_of3A] : memref<2x51200xf32, #tpu.memory_space<hbm>> -> memref<1x3200xf32, #tpu.memory_space<hbm>>
      %dma_wait3A_255 = tpu.memref_squeeze %dma_wait3A_254 : memref<1x3200xf32, #tpu.memory_space<hbm>> -> memref<3200xf32, #tpu.memory_space<hbm>>
      tpu.wait_dma2 semaphore(%run_scoped3A_247 : memref<!tpu.dma_semaphore, #tpu.memory_space<semaphore_mem>>) src(%arg30 : memref<3200xf32, #tpu.memory_space<vmem>>) dst(%dma_wait3A_255 : memref<3200xf32, #tpu.memory_space<hbm>>)
      tpu.yield
    }) : () -> ()
    return
  }
}

#map = affine_map<(d0, d1) -> (0)>
#map1 = affine_map<(d0, d1) -> (0, 0)>
#map2 = affine_map<(d0, d1) -> (0, 0, 0)>
module attributes {stable_mosaic.version = 14 : i64} {
  func.func @_k4_body(%arg0: i32, %arg1: i32, %arg2: memref<819200xi32, #tpu.memory_space<hbm>>, %arg3: memref<819200xi32, #tpu.memory_space<hbm>>, %arg4: memref<819200xf32, #tpu.memory_space<hbm>>, %arg5: memref<204800x16xf32, #tpu.memory_space<hbm>>, %arg6: memref<4x51200x16xf32, #tpu.memory_space<hbm>>, %arg7: memref<1024xi32, #tpu.memory_space<vmem>>, %arg8: memref<1024xi32, #tpu.memory_space<vmem>>, %arg9: memref<1024xi32, #tpu.memory_space<vmem>>, %arg10: memref<1024xi32, #tpu.memory_space<vmem>>, %arg11: memref<1024xi32, #tpu.memory_space<vmem>>, %arg12: memref<1024xi32, #tpu.memory_space<vmem>>, %arg13: memref<1024xf32, #tpu.memory_space<vmem>>, %arg14: memref<1024xf32, #tpu.memory_space<vmem>>, %arg15: memref<1024xf32, #tpu.memory_space<vmem>>, %arg16: memref<1024x16xf32, #tpu.memory_space<vmem>>, %arg17: memref<1024x16xf32, #tpu.memory_space<vmem>>, %arg18: memref<1024x16xf32, #tpu.memory_space<vmem>>, %arg19: memref<1024x16xf32, #tpu.memory_space<vmem>>, %arg20: memref<51200x16xf32, #tpu.memory_space<vmem_shared>>, %arg21: memref<!tpu.dma_semaphore, #tpu.memory_space<semaphore_mem>>, %arg22: memref<!tpu.dma_semaphore, #tpu.memory_space<semaphore_mem>>, %arg23: memref<!tpu.dma_semaphore, #tpu.memory_space<semaphore_mem>>, %arg24: memref<!tpu.dma_semaphore, #tpu.memory_space<semaphore_mem>>, %arg25: memref<!tpu.dma_semaphore, #tpu.memory_space<semaphore_mem>>, %arg26: memref<!tpu.dma_semaphore, #tpu.memory_space<semaphore_mem>>, %arg27: memref<!tpu.dma_semaphore, #tpu.memory_space<semaphore_mem>>, %arg28: memref<!tpu.dma_semaphore, #tpu.memory_space<semaphore_mem>>, %arg29: memref<!tpu.dma_semaphore, #tpu.memory_space<semaphore_mem>>) attributes {dimension_semantics = [#tpu.dimension_semantics<core_parallel>, #tpu.dimension_semantics<subcore_parallel>], iteration_bounds = array<i64: 2, 16>, scalar_prefetch = 0 : i64, scratch_operands = 23 : i64, tpu.core_type = #tpu.core_type<sc_vector_subcore>, window_params = [{transform_indices = #map}, {transform_indices = #map}, {transform_indices = #map}, {transform_indices = #map1}, {transform_indices = #map2}]} {
    %mul3A = arith.constant 3200 : i32
    %mul3A_0 = arith.muli %arg1, %mul3A : i32
    %multiple_of3A = tpu.assume_multiple %mul3A_0, 8 : i32
    %mul3A_1 = arith.constant 51200 : i32
    %mul3A_2 = arith.muli %arg1, %mul3A_1 : i32
    %scan3A = arith.constant 0 : i32
    %scan3A_3 = arith.constant 0 : i32
    %scan3A_4 = arith.constant 2 : i32
    %scan3A_5 = arith.addi %scan3A_3, %scan3A_4 : i32
    %scan3A_6 = arith.constant 1 : i32
    %scan3A_7 = scf.for %scan3A_9 = %scan3A_3 to %scan3A_5 step %scan3A_6 iter_args(%scan3A_10 = %scan3A) -> (i32)  : i32 {
      %mul3A_11 = arith.constant 2 : i32
      %mul3A_12 = arith.muli %arg0, %mul3A_11 : i32
      %add3A = arith.addi %mul3A_12, %scan3A_9 : i32
      %mul3A_13 = arith.constant 51200 : i32
      %mul3A_14 = arith.muli %add3A, %mul3A_13 : i32
      %scan3A_15 = arith.constant 0 : i32
      %scan3A_16 = arith.constant 0 : i32
      %scan3A_17 = arith.constant 1024 : i32
      %scan3A_18 = arith.addi %scan3A_16, %scan3A_17 : i32
      %scan3A_19 = arith.constant 1 : i32
      %scan3A_20 = scf.for %scan3A_153 = %scan3A_16 to %scan3A_18 step %scan3A_19 iter_args(%scan3A_154 = %scan3A_15) -> (i32)  : i32 {
        %broadcast_in_dim3A = arith.constant 0.000000e+00 : f32
        %broadcast_in_dim3A_155 = vector.broadcast %broadcast_in_dim3A : f32 to vector<16xf32>
        %swap3A = arith.index_cast %scan3A_153 : i32 to index
        %swap3A_156 = arith.constant 0 : index
        %swap3A_157 = tpu.vector_load %arg19[%swap3A, %swap3A_156] {strides = array<i32>} : memref<1024x16xf32, #tpu.memory_space<vmem>>, vector<1x16xf32>,
        %swap3A_158 = vector.shape_cast %swap3A_157 : vector<1x16xf32> to vector<16xf32>
        %swap3A_159 = vector.shape_cast %broadcast_in_dim3A_155 : vector<16xf32> to vector<1x16xf32>
        tpu.vector_store %arg19[%swap3A, %swap3A_156], %swap3A_159 {strides = array<i32>} : memref<1024x16xf32, #tpu.memory_space<vmem>>, vector<1x16xf32>,
        %scan3A_160 = arith.constant 0 : i32
        scf.yield %scan3A_160 : i32
      }
      %scan3A_21 = arith.constant 1024 : i32
      %add3A_22 = arith.constant 0 : i32
      %add3A_23 = arith.addi %multiple_of3A, %add3A_22 : i32
      "tpu.region"() ({
        %run_scoped3A = tpu.sem_alloc : memref<!tpu.dma_semaphore, #tpu.memory_space<semaphore_mem>>
        %dma_start3A_153 = arith.constant 0 : i32
        %dma_start3A_154 = tpu.memref_slice %arg20[%add3A_23, %dma_start3A_153] : memref<51200x16xf32, #tpu.memory_space<vmem_shared>> -> memref<1024x16xf32, #tpu.memory_space<vmem_shared>>
        %dma_start3A_155 = arith.constant 0 : i32
        %dma_start3A_156 = tpu.memref_slice %arg20[%add3A_23, %dma_start3A_155] : memref<51200x16xf32, #tpu.memory_space<vmem_shared>> -> memref<1024x16xf32, #tpu.memory_space<vmem_shared>>
        tpu.enqueue_dma source(%arg19 : memref<1024x16xf32, #tpu.memory_space<vmem>>) target(%dma_start3A_156 : memref<1024x16xf32, #tpu.memory_space<vmem_shared>>) target_semaphore(%run_scoped3A : memref<!tpu.dma_semaphore, #tpu.memory_space<semaphore_mem>>)
        %dma_wait3A_157 = arith.constant 0 : i32
        %dma_wait3A_158 = tpu.memref_slice %arg20[%add3A_23, %dma_wait3A_157] : memref<51200x16xf32, #tpu.memory_space<vmem_shared>> -> memref<1024x16xf32, #tpu.memory_space<vmem_shared>>
        %dma_wait3A_159 = arith.constant 0 : i32
        %dma_wait3A_160 = tpu.memref_slice %arg20[%add3A_23, %dma_wait3A_159] : memref<51200x16xf32, #tpu.memory_space<vmem_shared>> -> memref<1024x16xf32, #tpu.memory_space<vmem_shared>>
        tpu.wait_dma2 semaphore(%run_scoped3A : memref<!tpu.dma_semaphore, #tpu.memory_space<semaphore_mem>>) src(%arg19 : memref<1024x16xf32, #tpu.memory_space<vmem>>) dst(%dma_wait3A_160 : memref<1024x16xf32, #tpu.memory_space<vmem_shared>>)
        tpu.yield
      }) : () -> ()
      %add3A_24 = arith.constant 1024 : i32
      %add3A_25 = arith.addi %multiple_of3A, %add3A_24 : i32
      "tpu.region"() ({
        %run_scoped3A = tpu.sem_alloc : memref<!tpu.dma_semaphore, #tpu.memory_space<semaphore_mem>>
        %dma_start3A_153 = arith.constant 0 : i32
        %dma_start3A_154 = tpu.memref_slice %arg20[%add3A_25, %dma_start3A_153] : memref<51200x16xf32, #tpu.memory_space<vmem_shared>> -> memref<1024x16xf32, #tpu.memory_space<vmem_shared>>
        %dma_start3A_155 = arith.constant 0 : i32
        %dma_start3A_156 = tpu.memref_slice %arg20[%add3A_25, %dma_start3A_155] : memref<51200x16xf32, #tpu.memory_space<vmem_shared>> -> memref<1024x16xf32, #tpu.memory_space<vmem_shared>>
        tpu.enqueue_dma source(%arg19 : memref<1024x16xf32, #tpu.memory_space<vmem>>) target(%dma_start3A_156 : memref<1024x16xf32, #tpu.memory_space<vmem_shared>>) target_semaphore(%run_scoped3A : memref<!tpu.dma_semaphore, #tpu.memory_space<semaphore_mem>>)
        %dma_wait3A_157 = arith.constant 0 : i32
        %dma_wait3A_158 = tpu.memref_slice %arg20[%add3A_25, %dma_wait3A_157] : memref<51200x16xf32, #tpu.memory_space<vmem_shared>> -> memref<1024x16xf32, #tpu.memory_space<vmem_shared>>
        %dma_wait3A_159 = arith.constant 0 : i32
        %dma_wait3A_160 = tpu.memref_slice %arg20[%add3A_25, %dma_wait3A_159] : memref<51200x16xf32, #tpu.memory_space<vmem_shared>> -> memref<1024x16xf32, #tpu.memory_space<vmem_shared>>
        tpu.wait_dma2 semaphore(%run_scoped3A : memref<!tpu.dma_semaphore, #tpu.memory_space<semaphore_mem>>) src(%arg19 : memref<1024x16xf32, #tpu.memory_space<vmem>>) dst(%dma_wait3A_160 : memref<1024x16xf32, #tpu.memory_space<vmem_shared>>)
        tpu.yield
      }) : () -> ()
      %add3A_26 = arith.constant 2048 : i32
      %add3A_27 = arith.addi %multiple_of3A, %add3A_26 : i32
      "tpu.region"() ({
        %run_scoped3A = tpu.sem_alloc : memref<!tpu.dma_semaphore, #tpu.memory_space<semaphore_mem>>
        %dma_start3A_153 = arith.constant 0 : i32
        %dma_start3A_154 = tpu.memref_slice %arg20[%add3A_27, %dma_start3A_153] : memref<51200x16xf32, #tpu.memory_space<vmem_shared>> -> memref<1024x16xf32, #tpu.memory_space<vmem_shared>>
        %dma_start3A_155 = arith.constant 0 : i32
        %dma_start3A_156 = tpu.memref_slice %arg20[%add3A_27, %dma_start3A_155] : memref<51200x16xf32, #tpu.memory_space<vmem_shared>> -> memref<1024x16xf32, #tpu.memory_space<vmem_shared>>
        tpu.enqueue_dma source(%arg19 : memref<1024x16xf32, #tpu.memory_space<vmem>>) target(%dma_start3A_156 : memref<1024x16xf32, #tpu.memory_space<vmem_shared>>) target_semaphore(%run_scoped3A : memref<!tpu.dma_semaphore, #tpu.memory_space<semaphore_mem>>)
        %dma_wait3A_157 = arith.constant 0 : i32
        %dma_wait3A_158 = tpu.memref_slice %arg20[%add3A_27, %dma_wait3A_157] : memref<51200x16xf32, #tpu.memory_space<vmem_shared>> -> memref<1024x16xf32, #tpu.memory_space<vmem_shared>>
        %dma_wait3A_159 = arith.constant 0 : i32
        %dma_wait3A_160 = tpu.memref_slice %arg20[%add3A_27, %dma_wait3A_159] : memref<51200x16xf32, #tpu.memory_space<vmem_shared>> -> memref<1024x16xf32, #tpu.memory_space<vmem_shared>>
        tpu.wait_dma2 semaphore(%run_scoped3A : memref<!tpu.dma_semaphore, #tpu.memory_space<semaphore_mem>>) src(%arg19 : memref<1024x16xf32, #tpu.memory_space<vmem>>) dst(%dma_wait3A_160 : memref<1024x16xf32, #tpu.memory_space<vmem_shared>>)
        tpu.yield
      }) : () -> ()
      %add3A_28 = arith.constant 3072 : i32
      %add3A_29 = arith.addi %multiple_of3A, %add3A_28 : i32
      "tpu.region"() ({
        %run_scoped3A = tpu.sem_alloc : memref<!tpu.dma_semaphore, #tpu.memory_space<semaphore_mem>>
        %dma_start3A_153 = arith.constant 0 : i32
        %dma_start3A_154 = arith.constant 0 : i32
        %dma_start3A_155 = tpu.memref_slice %arg19[%dma_start3A_153, %dma_start3A_154] : memref<1024x16xf32, #tpu.memory_space<vmem>> -> memref<128x16xf32, #tpu.memory_space<vmem>>
        %dma_start3A_156 = arith.constant 0 : i32
        %dma_start3A_157 = tpu.memref_slice %arg20[%add3A_29, %dma_start3A_156] : memref<51200x16xf32, #tpu.memory_space<vmem_shared>> -> memref<128x16xf32, #tpu.memory_space<vmem_shared>>
        %dma_start3A_158 = arith.constant 0 : i32
        %dma_start3A_159 = tpu.memref_slice %arg20[%add3A_29, %dma_start3A_158] : memref<51200x16xf32, #tpu.memory_space<vmem_shared>> -> memref<128x16xf32, #tpu.memory_space<vmem_shared>>
        %dma_start3A_160 = arith.constant 0 : i32
        %dma_start3A_161 = arith.constant 0 : i32
        %dma_start3A_162 = tpu.memref_slice %arg19[%dma_start3A_160, %dma_start3A_161] : memref<1024x16xf32, #tpu.memory_space<vmem>> -> memref<128x16xf32, #tpu.memory_space<vmem>>
        tpu.enqueue_dma source(%dma_start3A_162 : memref<128x16xf32, #tpu.memory_space<vmem>>) target(%dma_start3A_159 : memref<128x16xf32, #tpu.memory_space<vmem_shared>>) target_semaphore(%run_scoped3A : memref<!tpu.dma_semaphore, #tpu.memory_space<semaphore_mem>>)
        %dma_wait3A_163 = arith.constant 0 : i32
        %dma_wait3A_164 = arith.constant 0 : i32
        %dma_wait3A_165 = tpu.memref_slice %arg19[%dma_wait3A_163, %dma_wait3A_164] : memref<1024x16xf32, #tpu.memory_space<vmem>> -> memref<128x16xf32, #tpu.memory_space<vmem>>
        %dma_wait3A_166 = arith.constant 0 : i32
        %dma_wait3A_167 = tpu.memref_slice %arg20[%add3A_29, %dma_wait3A_166] : memref<51200x16xf32, #tpu.memory_space<vmem_shared>> -> memref<128x16xf32, #tpu.memory_space<vmem_shared>>
        %dma_wait3A_168 = arith.constant 0 : i32
        %dma_wait3A_169 = tpu.memref_slice %arg20[%add3A_29, %dma_wait3A_168] : memref<51200x16xf32, #tpu.memory_space<vmem_shared>> -> memref<128x16xf32, #tpu.memory_space<vmem_shared>>
        %dma_wait3A_170 = arith.constant 0 : i32
        %dma_wait3A_171 = arith.constant 0 : i32
        %dma_wait3A_172 = tpu.memref_slice %arg19[%dma_wait3A_170, %dma_wait3A_171] : memref<1024x16xf32, #tpu.memory_space<vmem>> -> memref<128x16xf32, #tpu.memory_space<vmem>>
        tpu.wait_dma2 semaphore(%run_scoped3A : memref<!tpu.dma_semaphore, #tpu.memory_space<semaphore_mem>>) src(%dma_wait3A_172 : memref<128x16xf32, #tpu.memory_space<vmem>>) dst(%dma_wait3A_169 : memref<128x16xf32, #tpu.memory_space<vmem_shared>>)
        tpu.yield
      }) : () -> ()
      %barrier3A = arith.constant 0 : index
      tpu.barrier barrier_id(%barrier3A)
      %add3A_30 = arith.constant 0 : i32
      %add3A_31 = arith.addi %mul3A_2, %add3A_30 : i32
      %dma_start3A = tpu.memref_slice %arg2[%add3A_31] : memref<819200xi32, #tpu.memory_space<hbm>> -> memref<1024xi32, #tpu.memory_space<hbm>>
      %dma_start3A_32 = tpu.memref_slice %arg2[%add3A_31] : memref<819200xi32, #tpu.memory_space<hbm>> -> memref<1024xi32, #tpu.memory_space<hbm>>
      tpu.enqueue_dma source(%dma_start3A_32 : memref<1024xi32, #tpu.memory_space<hbm>>) target(%arg7 : memref<1024xi32, #tpu.memory_space<vmem>>) target_semaphore(%arg21 : memref<!tpu.dma_semaphore, #tpu.memory_space<semaphore_mem>>)
      %dma_start3A_33 = tpu.memref_slice %arg3[%add3A_31] : memref<819200xi32, #tpu.memory_space<hbm>> -> memref<1024xi32, #tpu.memory_space<hbm>>
      %dma_start3A_34 = tpu.memref_slice %arg3[%add3A_31] : memref<819200xi32, #tpu.memory_space<hbm>> -> memref<1024xi32, #tpu.memory_space<hbm>>
      tpu.enqueue_dma source(%dma_start3A_34 : memref<1024xi32, #tpu.memory_space<hbm>>) target(%arg10 : memref<1024xi32, #tpu.memory_space<vmem>>) target_semaphore(%arg21 : memref<!tpu.dma_semaphore, #tpu.memory_space<semaphore_mem>>)
      %dma_start3A_35 = tpu.memref_slice %arg4[%add3A_31] : memref<819200xf32, #tpu.memory_space<hbm>> -> memref<1024xf32, #tpu.memory_space<hbm>>
      %dma_start3A_36 = tpu.memref_slice %arg4[%add3A_31] : memref<819200xf32, #tpu.memory_space<hbm>> -> memref<1024xf32, #tpu.memory_space<hbm>>
      tpu.enqueue_dma source(%dma_start3A_36 : memref<1024xf32, #tpu.memory_space<hbm>>) target(%arg13 : memref<1024xf32, #tpu.memory_space<vmem>>) target_semaphore(%arg21 : memref<!tpu.dma_semaphore, #tpu.memory_space<semaphore_mem>>)
      %add3A_37 = arith.constant 1024 : i32
      %add3A_38 = arith.addi %mul3A_2, %add3A_37 : i32
      %dma_start3A_39 = tpu.memref_slice %arg2[%add3A_38] : memref<819200xi32, #tpu.memory_space<hbm>> -> memref<1024xi32, #tpu.memory_space<hbm>>
      %dma_start3A_40 = tpu.memref_slice %arg2[%add3A_38] : memref<819200xi32, #tpu.memory_space<hbm>> -> memref<1024xi32, #tpu.memory_space<hbm>>
      tpu.enqueue_dma source(%dma_start3A_40 : memref<1024xi32, #tpu.memory_space<hbm>>) target(%arg8 : memref<1024xi32, #tpu.memory_space<vmem>>) target_semaphore(%arg22 : memref<!tpu.dma_semaphore, #tpu.memory_space<semaphore_mem>>)
      %dma_start3A_41 = tpu.memref_slice %arg3[%add3A_38] : memref<819200xi32, #tpu.memory_space<hbm>> -> memref<1024xi32, #tpu.memory_space<hbm>>
      %dma_start3A_42 = tpu.memref_slice %arg3[%add3A_38] : memref<819200xi32, #tpu.memory_space<hbm>> -> memref<1024xi32, #tpu.memory_space<hbm>>
      tpu.enqueue_dma source(%dma_start3A_42 : memref<1024xi32, #tpu.memory_space<hbm>>) target(%arg11 : memref<1024xi32, #tpu.memory_space<vmem>>) target_semaphore(%arg22 : memref<!tpu.dma_semaphore, #tpu.memory_space<semaphore_mem>>)
      %dma_start3A_43 = tpu.memref_slice %arg4[%add3A_38] : memref<819200xf32, #tpu.memory_space<hbm>> -> memref<1024xf32, #tpu.memory_space<hbm>>
      %dma_start3A_44 = tpu.memref_slice %arg4[%add3A_38] : memref<819200xf32, #tpu.memory_space<hbm>> -> memref<1024xf32, #tpu.memory_space<hbm>>
      tpu.enqueue_dma source(%dma_start3A_44 : memref<1024xf32, #tpu.memory_space<hbm>>) target(%arg14 : memref<1024xf32, #tpu.memory_space<vmem>>) target_semaphore(%arg22 : memref<!tpu.dma_semaphore, #tpu.memory_space<semaphore_mem>>)
      %dma_wait3A = arith.constant 0 : i32
      %dma_wait3A_45 = tpu.memref_slice %arg2[%dma_wait3A] : memref<819200xi32, #tpu.memory_space<hbm>> -> memref<1024xi32, #tpu.memory_space<hbm>>
      %dma_wait3A_46 = arith.constant 0 : i32
      %dma_wait3A_47 = tpu.memref_slice %arg2[%dma_wait3A_46] : memref<819200xi32, #tpu.memory_space<hbm>> -> memref<1024xi32, #tpu.memory_space<hbm>>
      tpu.wait_dma2 semaphore(%arg21 : memref<!tpu.dma_semaphore, #tpu.memory_space<semaphore_mem>>) src(%dma_wait3A_47 : memref<1024xi32, #tpu.memory_space<hbm>>) dst(%arg7 : memref<1024xi32, #tpu.memory_space<vmem>>)
      %dma_wait3A_48 = arith.constant 0 : i32
      %dma_wait3A_49 = tpu.memref_slice %arg3[%dma_wait3A_48] : memref<819200xi32, #tpu.memory_space<hbm>> -> memref<1024xi32, #tpu.memory_space<hbm>>
      %dma_wait3A_50 = arith.constant 0 : i32
      %dma_wait3A_51 = tpu.memref_slice %arg3[%dma_wait3A_50] : memref<819200xi32, #tpu.memory_space<hbm>> -> memref<1024xi32, #tpu.memory_space<hbm>>
      tpu.wait_dma2 semaphore(%arg21 : memref<!tpu.dma_semaphore, #tpu.memory_space<semaphore_mem>>) src(%dma_wait3A_51 : memref<1024xi32, #tpu.memory_space<hbm>>) dst(%arg10 : memref<1024xi32, #tpu.memory_space<vmem>>)
      %dma_wait3A_52 = arith.constant 0 : i32
      %dma_wait3A_53 = tpu.memref_slice %arg4[%dma_wait3A_52] : memref<819200xf32, #tpu.memory_space<hbm>> -> memref<1024xf32, #tpu.memory_space<hbm>>
      %dma_wait3A_54 = arith.constant 0 : i32
      %dma_wait3A_55 = tpu.memref_slice %arg4[%dma_wait3A_54] : memref<819200xf32, #tpu.memory_space<hbm>> -> memref<1024xf32, #tpu.memory_space<hbm>>
      tpu.wait_dma2 semaphore(%arg21 : memref<!tpu.dma_semaphore, #tpu.memory_space<semaphore_mem>>) src(%dma_wait3A_55 : memref<1024xf32, #tpu.memory_space<hbm>>) dst(%arg13 : memref<1024xf32, #tpu.memory_space<vmem>>)
      %scan3A_56 = arith.constant 0 : i32
      %scan3A_57 = arith.constant 0 : i32
      %scan3A_58 = arith.constant 64 : i32
      %scan3A_59 = arith.addi %scan3A_57, %scan3A_58 : i32
      %scan3A_60 = arith.constant 1 : i32
      %scan3A_61 = scf.for %scan3A_153 = %scan3A_57 to %scan3A_59 step %scan3A_60 iter_args(%scan3A_154 = %scan3A_56) -> (i32)  : i32 {
        %mul3A_155 = arith.constant 16 : i32
        %mul3A_156 = arith.muli %scan3A_153, %mul3A_155 : i32
        %get3A = arith.index_cast %mul3A_156 : i32 to index
        %get3A_157 = tpu.vector_load %arg7[%get3A] {strides = array<i32>} : memref<1024xi32, #tpu.memory_space<vmem>>, vector<16xi32>,
        %add3A_158 = vector.broadcast %mul3A_14 : i32 to vector<16xi32>
        %add3A_159 = arith.addi %get3A_157, %add3A_158 : vector<16xi32>
        %swap3A = arith.index_cast %mul3A_156 : i32 to index
        %swap3A_160 = tpu.vector_load %arg7[%swap3A] {strides = array<i32>} : memref<1024xi32, #tpu.memory_space<vmem>>, vector<16xi32>,
        tpu.vector_store %arg7[%swap3A], %add3A_159 {strides = array<i32>} : memref<1024xi32, #tpu.memory_space<vmem>>, vector<16xi32>,
        %scan3A_161 = arith.constant 0 : i32
        scf.yield %scan3A_161 : i32
      }
      %scan3A_62 = arith.constant 64 : i32
      %dma_start3A_63 = arith.constant 0 : i32
      %dma_start3A_64 = arith.constant 0 : i32
      %dma_start3A_65 = tpu.memref_slice %arg5[%dma_start3A_63, %dma_start3A_64] : memref<204800x16xf32, #tpu.memory_space<hbm>> -> memref<204800x16xf32, #tpu.memory_space<hbm>>
      tpu.enqueue_indirect_dma source(%dma_start3A_65 : memref<204800x16xf32, #tpu.memory_space<hbm>>) target(%arg16 : memref<1024x16xf32, #tpu.memory_space<vmem>>) offsets(%arg7 : memref<1024xi32, #tpu.memory_space<vmem>>) semaphore(%arg24 : memref<!tpu.dma_semaphore, #tpu.memory_space<semaphore_mem>>)
      %add3A_66 = arith.constant 2048 : i32
      %add3A_67 = arith.addi %mul3A_2, %add3A_66 : i32
      %dma_start3A_68 = tpu.memref_slice %arg2[%add3A_67] : memref<819200xi32, #tpu.memory_space<hbm>> -> memref<1024xi32, #tpu.memory_space<hbm>>
      %dma_start3A_69 = tpu.memref_slice %arg2[%add3A_67] : memref<819200xi32, #tpu.memory_space<hbm>> -> memref<1024xi32, #tpu.memory_space<hbm>>
      tpu.enqueue_dma source(%dma_start3A_69 : memref<1024xi32, #tpu.memory_space<hbm>>) target(%arg9 : memref<1024xi32, #tpu.memory_space<vmem>>) target_semaphore(%arg23 : memref<!tpu.dma_semaphore, #tpu.memory_space<semaphore_mem>>)
      %dma_start3A_70 = tpu.memref_slice %arg3[%add3A_67] : memref<819200xi32, #tpu.memory_space<hbm>> -> memref<1024xi32, #tpu.memory_space<hbm>>
      %dma_start3A_71 = tpu.memref_slice %arg3[%add3A_67] : memref<819200xi32, #tpu.memory_space<hbm>> -> memref<1024xi32, #tpu.memory_space<hbm>>
      tpu.enqueue_dma source(%dma_start3A_71 : memref<1024xi32, #tpu.memory_space<hbm>>) target(%arg12 : memref<1024xi32, #tpu.memory_space<vmem>>) target_semaphore(%arg23 : memref<!tpu.dma_semaphore, #tpu.memory_space<semaphore_mem>>)
      %dma_start3A_72 = tpu.memref_slice %arg4[%add3A_67] : memref<819200xf32, #tpu.memory_space<hbm>> -> memref<1024xf32, #tpu.memory_space<hbm>>
      %dma_start3A_73 = tpu.memref_slice %arg4[%add3A_67] : memref<819200xf32, #tpu.memory_space<hbm>> -> memref<1024xf32, #tpu.memory_space<hbm>>
      tpu.enqueue_dma source(%dma_start3A_73 : memref<1024xf32, #tpu.memory_space<hbm>>) target(%arg15 : memref<1024xf32, #tpu.memory_space<vmem>>) target_semaphore(%arg23 : memref<!tpu.dma_semaphore, #tpu.memory_space<semaphore_mem>>)
      %dma_wait3A_74 = arith.constant 0 : i32
      %dma_wait3A_75 = arith.constant 0 : i32
      %dma_wait3A_76 = tpu.memref_slice %arg5[%dma_wait3A_74, %dma_wait3A_75] : memref<204800x16xf32, #tpu.memory_space<hbm>> -> memref<204800x16xf32, #tpu.memory_space<hbm>>
      tpu.wait_indirect_dma semaphore(%arg24 : memref<!tpu.dma_semaphore, #tpu.memory_space<semaphore_mem>>) src(%dma_wait3A_76 : memref<204800x16xf32, #tpu.memory_space<hbm>>) dst(%arg16 : memref<1024x16xf32, #tpu.memory_space<vmem>>)
      %dma_wait3A_77 = arith.constant 0 : i32
      %dma_wait3A_78 = tpu.memref_slice %arg2[%dma_wait3A_77] : memref<819200xi32, #tpu.memory_space<hbm>> -> memref<1024xi32, #tpu.memory_space<hbm>>
      %dma_wait3A_79 = arith.constant 0 : i32
      %dma_wait3A_80 = tpu.memref_slice %arg2[%dma_wait3A_79] : memref<819200xi32, #tpu.memory_space<hbm>> -> memref<1024xi32, #tpu.memory_space<hbm>>
      tpu.wait_dma2 semaphore(%arg22 : memref<!tpu.dma_semaphore, #tpu.memory_space<semaphore_mem>>) src(%dma_wait3A_80 : memref<1024xi32, #tpu.memory_space<hbm>>) dst(%arg8 : memref<1024xi32, #tpu.memory_space<vmem>>)
      %dma_wait3A_81 = arith.constant 0 : i32
      %dma_wait3A_82 = tpu.memref_slice %arg3[%dma_wait3A_81] : memref<819200xi32, #tpu.memory_space<hbm>> -> memref<1024xi32, #tpu.memory_space<hbm>>
      %dma_wait3A_83 = arith.constant 0 : i32
      %dma_wait3A_84 = tpu.memref_slice %arg3[%dma_wait3A_83] : memref<819200xi32, #tpu.memory_space<hbm>> -> memref<1024xi32, #tpu.memory_space<hbm>>
      tpu.wait_dma2 semaphore(%arg22 : memref<!tpu.dma_semaphore, #tpu.memory_space<semaphore_mem>>) src(%dma_wait3A_84 : memref<1024xi32, #tpu.memory_space<hbm>>) dst(%arg11 : memref<1024xi32, #tpu.memory_space<vmem>>)
      %dma_wait3A_85 = arith.constant 0 : i32
      %dma_wait3A_86 = tpu.memref_slice %arg4[%dma_wait3A_85] : memref<819200xf32, #tpu.memory_space<hbm>> -> memref<1024xf32, #tpu.memory_space<hbm>>
      %dma_wait3A_87 = arith.constant 0 : i32
      %dma_wait3A_88 = tpu.memref_slice %arg4[%dma_wait3A_87] : memref<819200xf32, #tpu.memory_space<hbm>> -> memref<1024xf32, #tpu.memory_space<hbm>>
      tpu.wait_dma2 semaphore(%arg22 : memref<!tpu.dma_semaphore, #tpu.memory_space<semaphore_mem>>) src(%dma_wait3A_88 : memref<1024xf32, #tpu.memory_space<hbm>>) dst(%arg14 : memref<1024xf32, #tpu.memory_space<vmem>>)
      %scan3A_89 = arith.constant 0 : i32
      %scan3A_90 = arith.constant 0 : i32
      %scan3A_91 = arith.constant 64 : i32
      %scan3A_92 = arith.addi %scan3A_90, %scan3A_91 : i32
      %scan3A_93 = arith.constant 1 : i32
      %scan3A_94 = scf.for %scan3A_153 = %scan3A_90 to %scan3A_92 step %scan3A_93 iter_args(%scan3A_154 = %scan3A_89) -> (i32)  : i32 {
        %mul3A_155 = arith.constant 16 : i32
        %mul3A_156 = arith.muli %scan3A_153, %mul3A_155 : i32
        %get3A = arith.index_cast %mul3A_156 : i32 to index
        %get3A_157 = tpu.vector_load %arg8[%get3A] {strides = array<i32>} : memref<1024xi32, #tpu.memory_space<vmem>>, vector<16xi32>,
        %add3A_158 = vector.broadcast %mul3A_14 : i32 to vector<16xi32>
        %add3A_159 = arith.addi %get3A_157, %add3A_158 : vector<16xi32>
        %swap3A = arith.index_cast %mul3A_156 : i32 to index
        %swap3A_160 = tpu.vector_load %arg8[%swap3A] {strides = array<i32>} : memref<1024xi32, #tpu.memory_space<vmem>>, vector<16xi32>,
        tpu.vector_store %arg8[%swap3A], %add3A_159 {strides = array<i32>} : memref<1024xi32, #tpu.memory_space<vmem>>, vector<16xi32>,
        %scan3A_161 = arith.constant 0 : i32
        scf.yield %scan3A_161 : i32
      }
      %scan3A_95 = arith.constant 64 : i32
      %dma_start3A_96 = arith.constant 0 : i32
      %dma_start3A_97 = arith.constant 0 : i32
      %dma_start3A_98 = tpu.memref_slice %arg5[%dma_start3A_96, %dma_start3A_97] : memref<204800x16xf32, #tpu.memory_space<hbm>> -> memref<204800x16xf32, #tpu.memory_space<hbm>>
      tpu.enqueue_indirect_dma source(%dma_start3A_98 : memref<204800x16xf32, #tpu.memory_space<hbm>>) target(%arg17 : memref<1024x16xf32, #tpu.memory_space<vmem>>) offsets(%arg8 : memref<1024xi32, #tpu.memory_space<vmem>>) semaphore(%arg25 : memref<!tpu.dma_semaphore, #tpu.memory_space<semaphore_mem>>)
      %scan3A_99 = arith.constant 0 : i32
      %scan3A_100 = arith.constant 0 : i32
      %scan3A_101 = arith.constant 64 : i32
      %scan3A_102 = arith.addi %scan3A_100, %scan3A_101 : i32
      %scan3A_103 = arith.constant 1 : i32
      %scan3A_104 = scf.for %scan3A_153 = %scan3A_100 to %scan3A_102 step %scan3A_103 iter_args(%scan3A_154 = %scan3A_99) -> (i32)  : i32 {
        %mul3A_155 = arith.constant 16 : i32
        %mul3A_156 = arith.muli %scan3A_153, %mul3A_155 : i32
        %get3A = arith.index_cast %mul3A_156 : i32 to index
        %get3A_157 = tpu.vector_load %arg13[%get3A] {strides = array<i32>} : memref<1024xf32, #tpu.memory_space<vmem>>, vector<16xf32>,
        %mul3A_158 = arith.constant 16 : i32
        %mul3A_159 = arith.muli %scan3A_153, %mul3A_158 : i32
        %add3A_160 = arith.constant 0 : i32
        %add3A_161 = arith.addi %mul3A_159, %add3A_160 : i32
        %get3A_162 = arith.index_cast %add3A_161 : i32 to index
        %get3A_163 = arith.constant 0 : index
        %get3A_164 = tpu.vector_load %arg16[%get3A_162, %get3A_163] {strides = array<i32>} : memref<1024x16xf32, #tpu.memory_space<vmem>>, vector<1x16xf32>,
        %get3A_165 = vector.shape_cast %get3A_164 : vector<1x16xf32> to vector<16xf32>
        %slice3A = vector.extract_strided_slice %get3A_157 {offsets = [0], sizes = [1], strides = [1]} : vector<16xf32> to vector<1xf32>
        %squeeze3A = vector.extract %slice3A[0] : f32 from vector<1xf32>
        %mul3A_166 = vector.broadcast %squeeze3A : f32 to vector<16xf32>
        %mul3A_167 = arith.mulf %get3A_165, %mul3A_166 : vector<16xf32>
        %add3A_168 = arith.constant 0 : i32
        %add3A_169 = arith.addi %mul3A_159, %add3A_168 : i32
        %swap3A = arith.index_cast %add3A_169 : i32 to index
        %swap3A_170 = arith.constant 0 : index
        %swap3A_171 = tpu.vector_load %arg16[%swap3A, %swap3A_170] {strides = array<i32>} : memref<1024x16xf32, #tpu.memory_space<vmem>>, vector<1x16xf32>,
        %swap3A_172 = vector.shape_cast %swap3A_171 : vector<1x16xf32> to vector<16xf32>
        %swap3A_173 = vector.shape_cast %mul3A_167 : vector<16xf32> to vector<1x16xf32>
        tpu.vector_store %arg16[%swap3A, %swap3A_170], %swap3A_173 {strides = array<i32>} : memref<1024x16xf32, #tpu.memory_space<vmem>>, vector<1x16xf32>,
        %add3A_174 = arith.constant 1 : i32
        %add3A_175 = arith.addi %mul3A_159, %add3A_174 : i32
        %get3A_176 = arith.index_cast %add3A_175 : i32 to index
        %get3A_177 = arith.constant 0 : index
        %get3A_178 = tpu.vector_load %arg16[%get3A_176, %get3A_177] {strides = array<i32>} : memref<1024x16xf32, #tpu.memory_space<vmem>>, vector<1x16xf32>,
        %get3A_179 = vector.shape_cast %get3A_178 : vector<1x16xf32> to vector<16xf32>
        %slice3A_180 = vector.extract_strided_slice %get3A_157 {offsets = [1], sizes = [1], strides = [1]} : vector<16xf32> to vector<1xf32>
        %squeeze3A_181 = vector.extract %slice3A_180[0] : f32 from vector<1xf32>
        %mul3A_182 = vector.broadcast %squeeze3A_181 : f32 to vector<16xf32>
        %mul3A_183 = arith.mulf %get3A_179, %mul3A_182 : vector<16xf32>
        %add3A_184 = arith.constant 1 : i32
        %add3A_185 = arith.addi %mul3A_159, %add3A_184 : i32
        %swap3A_186 = arith.index_cast %add3A_185 : i32 to index
        %swap3A_187 = arith.constant 0 : index
        %swap3A_188 = tpu.vector_load %arg16[%swap3A_186, %swap3A_187] {strides = array<i32>} : memref<1024x16xf32, #tpu.memory_space<vmem>>, vector<1x16xf32>,
        %swap3A_189 = vector.shape_cast %swap3A_188 : vector<1x16xf32> to vector<16xf32>
        %swap3A_190 = vector.shape_cast %mul3A_183 : vector<16xf32> to vector<1x16xf32>
        tpu.vector_store %arg16[%swap3A_186, %swap3A_187], %swap3A_190 {strides = array<i32>} : memref<1024x16xf32, #tpu.memory_space<vmem>>, vector<1x16xf32>,
        %add3A_191 = arith.constant 2 : i32
        %add3A_192 = arith.addi %mul3A_159, %add3A_191 : i32
        %get3A_193 = arith.index_cast %add3A_192 : i32 to index
        %get3A_194 = arith.constant 0 : index
        %get3A_195 = tpu.vector_load %arg16[%get3A_193, %get3A_194] {strides = array<i32>} : memref<1024x16xf32, #tpu.memory_space<vmem>>, vector<1x16xf32>,
        %get3A_196 = vector.shape_cast %get3A_195 : vector<1x16xf32> to vector<16xf32>
        %slice3A_197 = vector.extract_strided_slice %get3A_157 {offsets = [2], sizes = [1], strides = [1]} : vector<16xf32> to vector<1xf32>
        %squeeze3A_198 = vector.extract %slice3A_197[0] : f32 from vector<1xf32>
        %mul3A_199 = vector.broadcast %squeeze3A_198 : f32 to vector<16xf32>
        %mul3A_200 = arith.mulf %get3A_196, %mul3A_199 : vector<16xf32>
        %add3A_201 = arith.constant 2 : i32
        %add3A_202 = arith.addi %mul3A_159, %add3A_201 : i32
        %swap3A_203 = arith.index_cast %add3A_202 : i32 to index
        %swap3A_204 = arith.constant 0 : index
        %swap3A_205 = tpu.vector_load %arg16[%swap3A_203, %swap3A_204] {strides = array<i32>} : memref<1024x16xf32, #tpu.memory_space<vmem>>, vector<1x16xf32>,
        %swap3A_206 = vector.shape_cast %swap3A_205 : vector<1x16xf32> to vector<16xf32>
        %swap3A_207 = vector.shape_cast %mul3A_200 : vector<16xf32> to vector<1x16xf32>
        tpu.vector_store %arg16[%swap3A_203, %swap3A_204], %swap3A_207 {strides = array<i32>} : memref<1024x16xf32, #tpu.memory_space<vmem>>, vector<1x16xf32>,
        %add3A_208 = arith.constant 3 : i32
        %add3A_209 = arith.addi %mul3A_159, %add3A_208 : i32
        %get3A_210 = arith.index_cast %add3A_209 : i32 to index
        %get3A_211 = arith.constant 0 : index
        %get3A_212 = tpu.vector_load %arg16[%get3A_210, %get3A_211] {strides = array<i32>} : memref<1024x16xf32, #tpu.memory_space<vmem>>, vector<1x16xf32>,
        %get3A_213 = vector.shape_cast %get3A_212 : vector<1x16xf32> to vector<16xf32>
        %slice3A_214 = vector.extract_strided_slice %get3A_157 {offsets = [3], sizes = [1], strides = [1]} : vector<16xf32> to vector<1xf32>
        %squeeze3A_215 = vector.extract %slice3A_214[0] : f32 from vector<1xf32>
        %mul3A_216 = vector.broadcast %squeeze3A_215 : f32 to vector<16xf32>
        %mul3A_217 = arith.mulf %get3A_213, %mul3A_216 : vector<16xf32>
        %add3A_218 = arith.constant 3 : i32
        %add3A_219 = arith.addi %mul3A_159, %add3A_218 : i32
        %swap3A_220 = arith.index_cast %add3A_219 : i32 to index
        %swap3A_221 = arith.constant 0 : index
        %swap3A_222 = tpu.vector_load %arg16[%swap3A_220, %swap3A_221] {strides = array<i32>} : memref<1024x16xf32, #tpu.memory_space<vmem>>, vector<1x16xf32>,
        %swap3A_223 = vector.shape_cast %swap3A_222 : vector<1x16xf32> to vector<16xf32>
        %swap3A_224 = vector.shape_cast %mul3A_217 : vector<16xf32> to vector<1x16xf32>
        tpu.vector_store %arg16[%swap3A_220, %swap3A_221], %swap3A_224 {strides = array<i32>} : memref<1024x16xf32, #tpu.memory_space<vmem>>, vector<1x16xf32>,
        %add3A_225 = arith.constant 4 : i32
        %add3A_226 = arith.addi %mul3A_159, %add3A_225 : i32
        %get3A_227 = arith.index_cast %add3A_226 : i32 to index
        %get3A_228 = arith.constant 0 : index
        %get3A_229 = tpu.vector_load %arg16[%get3A_227, %get3A_228] {strides = array<i32>} : memref<1024x16xf32, #tpu.memory_space<vmem>>, vector<1x16xf32>,
        %get3A_230 = vector.shape_cast %get3A_229 : vector<1x16xf32> to vector<16xf32>
        %slice3A_231 = vector.extract_strided_slice %get3A_157 {offsets = [4], sizes = [1], strides = [1]} : vector<16xf32> to vector<1xf32>
        %squeeze3A_232 = vector.extract %slice3A_231[0] : f32 from vector<1xf32>
        %mul3A_233 = vector.broadcast %squeeze3A_232 : f32 to vector<16xf32>
        %mul3A_234 = arith.mulf %get3A_230, %mul3A_233 : vector<16xf32>
        %add3A_235 = arith.constant 4 : i32
        %add3A_236 = arith.addi %mul3A_159, %add3A_235 : i32
        %swap3A_237 = arith.index_cast %add3A_236 : i32 to index
        %swap3A_238 = arith.constant 0 : index
        %swap3A_239 = tpu.vector_load %arg16[%swap3A_237, %swap3A_238] {strides = array<i32>} : memref<1024x16xf32, #tpu.memory_space<vmem>>, vector<1x16xf32>,
        %swap3A_240 = vector.shape_cast %swap3A_239 : vector<1x16xf32> to vector<16xf32>
        %swap3A_241 = vector.shape_cast %mul3A_234 : vector<16xf32> to vector<1x16xf32>
        tpu.vector_store %arg16[%swap3A_237, %swap3A_238], %swap3A_241 {strides = array<i32>} : memref<1024x16xf32, #tpu.memory_space<vmem>>, vector<1x16xf32>,
        %add3A_242 = arith.constant 5 : i32
        %add3A_243 = arith.addi %mul3A_159, %add3A_242 : i32
        %get3A_244 = arith.index_cast %add3A_243 : i32 to index
        %get3A_245 = arith.constant 0 : index
        %get3A_246 = tpu.vector_load %arg16[%get3A_244, %get3A_245] {strides = array<i32>} : memref<1024x16xf32, #tpu.memory_space<vmem>>, vector<1x16xf32>,
        %get3A_247 = vector.shape_cast %get3A_246 : vector<1x16xf32> to vector<16xf32>
        %slice3A_248 = vector.extract_strided_slice %get3A_157 {offsets = [5], sizes = [1], strides = [1]} : vector<16xf32> to vector<1xf32>
        %squeeze3A_249 = vector.extract %slice3A_248[0] : f32 from vector<1xf32>
        %mul3A_250 = vector.broadcast %squeeze3A_249 : f32 to vector<16xf32>
        %mul3A_251 = arith.mulf %get3A_247, %mul3A_250 : vector<16xf32>
        %add3A_252 = arith.constant 5 : i32
        %add3A_253 = arith.addi %mul3A_159, %add3A_252 : i32
        %swap3A_254 = arith.index_cast %add3A_253 : i32 to index
        %swap3A_255 = arith.constant 0 : index
        %swap3A_256 = tpu.vector_load %arg16[%swap3A_254, %swap3A_255] {strides = array<i32>} : memref<1024x16xf32, #tpu.memory_space<vmem>>, vector<1x16xf32>,
        %swap3A_257 = vector.shape_cast %swap3A_256 : vector<1x16xf32> to vector<16xf32>
        %swap3A_258 = vector.shape_cast %mul3A_251 : vector<16xf32> to vector<1x16xf32>
        tpu.vector_store %arg16[%swap3A_254, %swap3A_255], %swap3A_258 {strides = array<i32>} : memref<1024x16xf32, #tpu.memory_space<vmem>>, vector<1x16xf32>,
        %add3A_259 = arith.constant 6 : i32
        %add3A_260 = arith.addi %mul3A_159, %add3A_259 : i32
        %get3A_261 = arith.index_cast %add3A_260 : i32 to index
        %get3A_262 = arith.constant 0 : index
        %get3A_263 = tpu.vector_load %arg16[%get3A_261, %get3A_262] {strides = array<i32>} : memref<1024x16xf32, #tpu.memory_space<vmem>>, vector<1x16xf32>,
        %get3A_264 = vector.shape_cast %get3A_263 : vector<1x16xf32> to vector<16xf32>
        %slice3A_265 = vector.extract_strided_slice %get3A_157 {offsets = [6], sizes = [1], strides = [1]} : vector<16xf32> to vector<1xf32>
        %squeeze3A_266 = vector.extract %slice3A_265[0] : f32 from vector<1xf32>
        %mul3A_267 = vector.broadcast %squeeze3A_266 : f32 to vector<16xf32>
        %mul3A_268 = arith.mulf %get3A_264, %mul3A_267 : vector<16xf32>
        %add3A_269 = arith.constant 6 : i32
        %add3A_270 = arith.addi %mul3A_159, %add3A_269 : i32
        %swap3A_271 = arith.index_cast %add3A_270 : i32 to index
        %swap3A_272 = arith.constant 0 : index
        %swap3A_273 = tpu.vector_load %arg16[%swap3A_271, %swap3A_272] {strides = array<i32>} : memref<1024x16xf32, #tpu.memory_space<vmem>>, vector<1x16xf32>,
        %swap3A_274 = vector.shape_cast %swap3A_273 : vector<1x16xf32> to vector<16xf32>
        %swap3A_275 = vector.shape_cast %mul3A_268 : vector<16xf32> to vector<1x16xf32>
        tpu.vector_store %arg16[%swap3A_271, %swap3A_272], %swap3A_275 {strides = array<i32>} : memref<1024x16xf32, #tpu.memory_space<vmem>>, vector<1x16xf32>,
        %add3A_276 = arith.constant 7 : i32
        %add3A_277 = arith.addi %mul3A_159, %add3A_276 : i32
        %get3A_278 = arith.index_cast %add3A_277 : i32 to index
        %get3A_279 = arith.constant 0 : index
        %get3A_280 = tpu.vector_load %arg16[%get3A_278, %get3A_279] {strides = array<i32>} : memref<1024x16xf32, #tpu.memory_space<vmem>>, vector<1x16xf32>,
        %get3A_281 = vector.shape_cast %get3A_280 : vector<1x16xf32> to vector<16xf32>
        %slice3A_282 = vector.extract_strided_slice %get3A_157 {offsets = [7], sizes = [1], strides = [1]} : vector<16xf32> to vector<1xf32>
        %squeeze3A_283 = vector.extract %slice3A_282[0] : f32 from vector<1xf32>
        %mul3A_284 = vector.broadcast %squeeze3A_283 : f32 to vector<16xf32>
        %mul3A_285 = arith.mulf %get3A_281, %mul3A_284 : vector<16xf32>
        %add3A_286 = arith.constant 7 : i32
        %add3A_287 = arith.addi %mul3A_159, %add3A_286 : i32
        %swap3A_288 = arith.index_cast %add3A_287 : i32 to index
        %swap3A_289 = arith.constant 0 : index
        %swap3A_290 = tpu.vector_load %arg16[%swap3A_288, %swap3A_289] {strides = array<i32>} : memref<1024x16xf32, #tpu.memory_space<vmem>>, vector<1x16xf32>,
        %swap3A_291 = vector.shape_cast %swap3A_290 : vector<1x16xf32> to vector<16xf32>
        %swap3A_292 = vector.shape_cast %mul3A_285 : vector<16xf32> to vector<1x16xf32>
        tpu.vector_store %arg16[%swap3A_288, %swap3A_289], %swap3A_292 {strides = array<i32>} : memref<1024x16xf32, #tpu.memory_space<vmem>>, vector<1x16xf32>,
        %add3A_293 = arith.constant 8 : i32
        %add3A_294 = arith.addi %mul3A_159, %add3A_293 : i32
        %get3A_295 = arith.index_cast %add3A_294 : i32 to index
        %get3A_296 = arith.constant 0 : index
        %get3A_297 = tpu.vector_load %arg16[%get3A_295, %get3A_296] {strides = array<i32>} : memref<1024x16xf32, #tpu.memory_space<vmem>>, vector<1x16xf32>,
        %get3A_298 = vector.shape_cast %get3A_297 : vector<1x16xf32> to vector<16xf32>
        %slice3A_299 = vector.extract_strided_slice %get3A_157 {offsets = [8], sizes = [1], strides = [1]} : vector<16xf32> to vector<1xf32>
        %squeeze3A_300 = vector.extract %slice3A_299[0] : f32 from vector<1xf32>
        %mul3A_301 = vector.broadcast %squeeze3A_300 : f32 to vector<16xf32>
        %mul3A_302 = arith.mulf %get3A_298, %mul3A_301 : vector<16xf32>
        %add3A_303 = arith.constant 8 : i32
        %add3A_304 = arith.addi %mul3A_159, %add3A_303 : i32
        %swap3A_305 = arith.index_cast %add3A_304 : i32 to index
        %swap3A_306 = arith.constant 0 : index
        %swap3A_307 = tpu.vector_load %arg16[%swap3A_305, %swap3A_306] {strides = array<i32>} : memref<1024x16xf32, #tpu.memory_space<vmem>>, vector<1x16xf32>,
        %swap3A_308 = vector.shape_cast %swap3A_307 : vector<1x16xf32> to vector<16xf32>
        %swap3A_309 = vector.shape_cast %mul3A_302 : vector<16xf32> to vector<1x16xf32>
        tpu.vector_store %arg16[%swap3A_305, %swap3A_306], %swap3A_309 {strides = array<i32>} : memref<1024x16xf32, #tpu.memory_space<vmem>>, vector<1x16xf32>,
        %add3A_310 = arith.constant 9 : i32
        %add3A_311 = arith.addi %mul3A_159, %add3A_310 : i32
        %get3A_312 = arith.index_cast %add3A_311 : i32 to index
        %get3A_313 = arith.constant 0 : index
        %get3A_314 = tpu.vector_load %arg16[%get3A_312, %get3A_313] {strides = array<i32>} : memref<1024x16xf32, #tpu.memory_space<vmem>>, vector<1x16xf32>,
        %get3A_315 = vector.shape_cast %get3A_314 : vector<1x16xf32> to vector<16xf32>
        %slice3A_316 = vector.extract_strided_slice %get3A_157 {offsets = [9], sizes = [1], strides = [1]} : vector<16xf32> to vector<1xf32>
        %squeeze3A_317 = vector.extract %slice3A_316[0] : f32 from vector<1xf32>
        %mul3A_318 = vector.broadcast %squeeze3A_317 : f32 to vector<16xf32>
        %mul3A_319 = arith.mulf %get3A_315, %mul3A_318 : vector<16xf32>
        %add3A_320 = arith.constant 9 : i32
        %add3A_321 = arith.addi %mul3A_159, %add3A_320 : i32
        %swap3A_322 = arith.index_cast %add3A_321 : i32 to index
        %swap3A_323 = arith.constant 0 : index
        %swap3A_324 = tpu.vector_load %arg16[%swap3A_322, %swap3A_323] {strides = array<i32>} : memref<1024x16xf32, #tpu.memory_space<vmem>>, vector<1x16xf32>,
        %swap3A_325 = vector.shape_cast %swap3A_324 : vector<1x16xf32> to vector<16xf32>
        %swap3A_326 = vector.shape_cast %mul3A_319 : vector<16xf32> to vector<1x16xf32>
        tpu.vector_store %arg16[%swap3A_322, %swap3A_323], %swap3A_326 {strides = array<i32>} : memref<1024x16xf32, #tpu.memory_space<vmem>>, vector<1x16xf32>,
        %add3A_327 = arith.constant 10 : i32
        %add3A_328 = arith.addi %mul3A_159, %add3A_327 : i32
        %get3A_329 = arith.index_cast %add3A_328 : i32 to index
        %get3A_330 = arith.constant 0 : index
        %get3A_331 = tpu.vector_load %arg16[%get3A_329, %get3A_330] {strides = array<i32>} : memref<1024x16xf32, #tpu.memory_space<vmem>>, vector<1x16xf32>,
        %get3A_332 = vector.shape_cast %get3A_331 : vector<1x16xf32> to vector<16xf32>
        %slice3A_333 = vector.extract_strided_slice %get3A_157 {offsets = [10], sizes = [1], strides = [1]} : vector<16xf32> to vector<1xf32>
        %squeeze3A_334 = vector.extract %slice3A_333[0] : f32 from vector<1xf32>
        %mul3A_335 = vector.broadcast %squeeze3A_334 : f32 to vector<16xf32>
        %mul3A_336 = arith.mulf %get3A_332, %mul3A_335 : vector<16xf32>
        %add3A_337 = arith.constant 10 : i32
        %add3A_338 = arith.addi %mul3A_159, %add3A_337 : i32
        %swap3A_339 = arith.index_cast %add3A_338 : i32 to index
        %swap3A_340 = arith.constant 0 : index
        %swap3A_341 = tpu.vector_load %arg16[%swap3A_339, %swap3A_340] {strides = array<i32>} : memref<1024x16xf32, #tpu.memory_space<vmem>>, vector<1x16xf32>,
        %swap3A_342 = vector.shape_cast %swap3A_341 : vector<1x16xf32> to vector<16xf32>
        %swap3A_343 = vector.shape_cast %mul3A_336 : vector<16xf32> to vector<1x16xf32>
        tpu.vector_store %arg16[%swap3A_339, %swap3A_340], %swap3A_343 {strides = array<i32>} : memref<1024x16xf32, #tpu.memory_space<vmem>>, vector<1x16xf32>,
        %add3A_344 = arith.constant 11 : i32
        %add3A_345 = arith.addi %mul3A_159, %add3A_344 : i32
        %get3A_346 = arith.index_cast %add3A_345 : i32 to index
        %get3A_347 = arith.constant 0 : index
        %get3A_348 = tpu.vector_load %arg16[%get3A_346, %get3A_347] {strides = array<i32>} : memref<1024x16xf32, #tpu.memory_space<vmem>>, vector<1x16xf32>,
        %get3A_349 = vector.shape_cast %get3A_348 : vector<1x16xf32> to vector<16xf32>
        %slice3A_350 = vector.extract_strided_slice %get3A_157 {offsets = [11], sizes = [1], strides = [1]} : vector<16xf32> to vector<1xf32>
        %squeeze3A_351 = vector.extract %slice3A_350[0] : f32 from vector<1xf32>
        %mul3A_352 = vector.broadcast %squeeze3A_351 : f32 to vector<16xf32>
        %mul3A_353 = arith.mulf %get3A_349, %mul3A_352 : vector<16xf32>
        %add3A_354 = arith.constant 11 : i32
        %add3A_355 = arith.addi %mul3A_159, %add3A_354 : i32
        %swap3A_356 = arith.index_cast %add3A_355 : i32 to index
        %swap3A_357 = arith.constant 0 : index
        %swap3A_358 = tpu.vector_load %arg16[%swap3A_356, %swap3A_357] {strides = array<i32>} : memref<1024x16xf32, #tpu.memory_space<vmem>>, vector<1x16xf32>,
        %swap3A_359 = vector.shape_cast %swap3A_358 : vector<1x16xf32> to vector<16xf32>
        %swap3A_360 = vector.shape_cast %mul3A_353 : vector<16xf32> to vector<1x16xf32>
        tpu.vector_store %arg16[%swap3A_356, %swap3A_357], %swap3A_360 {strides = array<i32>} : memref<1024x16xf32, #tpu.memory_space<vmem>>, vector<1x16xf32>,
        %add3A_361 = arith.constant 12 : i32
        %add3A_362 = arith.addi %mul3A_159, %add3A_361 : i32
        %get3A_363 = arith.index_cast %add3A_362 : i32 to index
        %get3A_364 = arith.constant 0 : index
        %get3A_365 = tpu.vector_load %arg16[%get3A_363, %get3A_364] {strides = array<i32>} : memref<1024x16xf32, #tpu.memory_space<vmem>>, vector<1x16xf32>,
        %get3A_366 = vector.shape_cast %get3A_365 : vector<1x16xf32> to vector<16xf32>
        %slice3A_367 = vector.extract_strided_slice %get3A_157 {offsets = [12], sizes = [1], strides = [1]} : vector<16xf32> to vector<1xf32>
        %squeeze3A_368 = vector.extract %slice3A_367[0] : f32 from vector<1xf32>
        %mul3A_369 = vector.broadcast %squeeze3A_368 : f32 to vector<16xf32>
        %mul3A_370 = arith.mulf %get3A_366, %mul3A_369 : vector<16xf32>
        %add3A_371 = arith.constant 12 : i32
        %add3A_372 = arith.addi %mul3A_159, %add3A_371 : i32
        %swap3A_373 = arith.index_cast %add3A_372 : i32 to index
        %swap3A_374 = arith.constant 0 : index
        %swap3A_375 = tpu.vector_load %arg16[%swap3A_373, %swap3A_374] {strides = array<i32>} : memref<1024x16xf32, #tpu.memory_space<vmem>>, vector<1x16xf32>,
        %swap3A_376 = vector.shape_cast %swap3A_375 : vector<1x16xf32> to vector<16xf32>
        %swap3A_377 = vector.shape_cast %mul3A_370 : vector<16xf32> to vector<1x16xf32>
        tpu.vector_store %arg16[%swap3A_373, %swap3A_374], %swap3A_377 {strides = array<i32>} : memref<1024x16xf32, #tpu.memory_space<vmem>>, vector<1x16xf32>,
        %add3A_378 = arith.constant 13 : i32
        %add3A_379 = arith.addi %mul3A_159, %add3A_378 : i32
        %get3A_380 = arith.index_cast %add3A_379 : i32 to index
        %get3A_381 = arith.constant 0 : index
        %get3A_382 = tpu.vector_load %arg16[%get3A_380, %get3A_381] {strides = array<i32>} : memref<1024x16xf32, #tpu.memory_space<vmem>>, vector<1x16xf32>,
        %get3A_383 = vector.shape_cast %get3A_382 : vector<1x16xf32> to vector<16xf32>
        %slice3A_384 = vector.extract_strided_slice %get3A_157 {offsets = [13], sizes = [1], strides = [1]} : vector<16xf32> to vector<1xf32>
        %squeeze3A_385 = vector.extract %slice3A_384[0] : f32 from vector<1xf32>
        %mul3A_386 = vector.broadcast %squeeze3A_385 : f32 to vector<16xf32>
        %mul3A_387 = arith.mulf %get3A_383, %mul3A_386 : vector<16xf32>
        %add3A_388 = arith.constant 13 : i32
        %add3A_389 = arith.addi %mul3A_159, %add3A_388 : i32
        %swap3A_390 = arith.index_cast %add3A_389 : i32 to index
        %swap3A_391 = arith.constant 0 : index
        %swap3A_392 = tpu.vector_load %arg16[%swap3A_390, %swap3A_391] {strides = array<i32>} : memref<1024x16xf32, #tpu.memory_space<vmem>>, vector<1x16xf32>,
        %swap3A_393 = vector.shape_cast %swap3A_392 : vector<1x16xf32> to vector<16xf32>
        %swap3A_394 = vector.shape_cast %mul3A_387 : vector<16xf32> to vector<1x16xf32>
        tpu.vector_store %arg16[%swap3A_390, %swap3A_391], %swap3A_394 {strides = array<i32>} : memref<1024x16xf32, #tpu.memory_space<vmem>>, vector<1x16xf32>,
        %add3A_395 = arith.constant 14 : i32
        %add3A_396 = arith.addi %mul3A_159, %add3A_395 : i32
        %get3A_397 = arith.index_cast %add3A_396 : i32 to index
        %get3A_398 = arith.constant 0 : index
        %get3A_399 = tpu.vector_load %arg16[%get3A_397, %get3A_398] {strides = array<i32>} : memref<1024x16xf32, #tpu.memory_space<vmem>>, vector<1x16xf32>,
        %get3A_400 = vector.shape_cast %get3A_399 : vector<1x16xf32> to vector<16xf32>
        %slice3A_401 = vector.extract_strided_slice %get3A_157 {offsets = [14], sizes = [1], strides = [1]} : vector<16xf32> to vector<1xf32>
        %squeeze3A_402 = vector.extract %slice3A_401[0] : f32 from vector<1xf32>
        %mul3A_403 = vector.broadcast %squeeze3A_402 : f32 to vector<16xf32>
        %mul3A_404 = arith.mulf %get3A_400, %mul3A_403 : vector<16xf32>
        %add3A_405 = arith.constant 14 : i32
        %add3A_406 = arith.addi %mul3A_159, %add3A_405 : i32
        %swap3A_407 = arith.index_cast %add3A_406 : i32 to index
        %swap3A_408 = arith.constant 0 : index
        %swap3A_409 = tpu.vector_load %arg16[%swap3A_407, %swap3A_408] {strides = array<i32>} : memref<1024x16xf32, #tpu.memory_space<vmem>>, vector<1x16xf32>,
        %swap3A_410 = vector.shape_cast %swap3A_409 : vector<1x16xf32> to vector<16xf32>
        %swap3A_411 = vector.shape_cast %mul3A_404 : vector<16xf32> to vector<1x16xf32>
        tpu.vector_store %arg16[%swap3A_407, %swap3A_408], %swap3A_411 {strides = array<i32>} : memref<1024x16xf32, #tpu.memory_space<vmem>>, vector<1x16xf32>,
        %add3A_412 = arith.constant 15 : i32
        %add3A_413 = arith.addi %mul3A_159, %add3A_412 : i32
        %get3A_414 = arith.index_cast %add3A_413 : i32 to index
        %get3A_415 = arith.constant 0 : index
        %get3A_416 = tpu.vector_load %arg16[%get3A_414, %get3A_415] {strides = array<i32>} : memref<1024x16xf32, #tpu.memory_space<vmem>>, vector<1x16xf32>,
        %get3A_417 = vector.shape_cast %get3A_416 : vector<1x16xf32> to vector<16xf32>
        %slice3A_418 = vector.extract_strided_slice %get3A_157 {offsets = [15], sizes = [1], strides = [1]} : vector<16xf32> to vector<1xf32>
        %squeeze3A_419 = vector.extract %slice3A_418[0] : f32 from vector<1xf32>
        %mul3A_420 = vector.broadcast %squeeze3A_419 : f32 to vector<16xf32>
        %mul3A_421 = arith.mulf %get3A_417, %mul3A_420 : vector<16xf32>
        %add3A_422 = arith.constant 15 : i32
        %add3A_423 = arith.addi %mul3A_159, %add3A_422 : i32
        %swap3A_424 = arith.index_cast %add3A_423 : i32 to index
        %swap3A_425 = arith.constant 0 : index
        %swap3A_426 = tpu.vector_load %arg16[%swap3A_424, %swap3A_425] {strides = array<i32>} : memref<1024x16xf32, #tpu.memory_space<vmem>>, vector<1x16xf32>,
        %swap3A_427 = vector.shape_cast %swap3A_426 : vector<1x16xf32> to vector<16xf32>
        %swap3A_428 = vector.shape_cast %mul3A_421 : vector<16xf32> to vector<1x16xf32>
        tpu.vector_store %arg16[%swap3A_424, %swap3A_425], %swap3A_428 {strides = array<i32>} : memref<1024x16xf32, #tpu.memory_space<vmem>>, vector<1x16xf32>,
        %scan3A_429 = arith.constant 0 : i32
        scf.yield %scan3A_429 : i32
      }
      %scan3A_105 = arith.constant 64 : i32
      %dma_start3A_106 = arith.constant 0 : i32
      %dma_start3A_107 = arith.constant 0 : i32
      %dma_start3A_108 = tpu.memref_slice %arg20[%dma_start3A_106, %dma_start3A_107] : memref<51200x16xf32, #tpu.memory_space<vmem_shared>> -> memref<51200x16xf32, #tpu.memory_space<vmem_shared>>
      tpu.enqueue_indirect_dma source(%arg16 : memref<1024x16xf32, #tpu.memory_space<vmem>>) target(%dma_start3A_108 : memref<51200x16xf32, #tpu.memory_space<vmem_shared>>) offsets(%arg10 : memref<1024xi32, #tpu.memory_space<vmem>>) semaphore(%arg27 : memref<!tpu.dma_semaphore, #tpu.memory_space<semaphore_mem>>) {add = true}
      %scan3A_109 = arith.constant 0 : i32
      %scan3A_110 = arith.constant 0 : i32
      %scan3A_111 = arith.constant 16 : i32
      %scan3A_112 = arith.addi %scan3A_110, %scan3A_111 : i32
      %scan3A_113 = arith.constant 1 : i32
      %scan3A_114 = scf.for %scan3A_153 = %scan3A_110 to %scan3A_112 step %scan3A_113 iter_args(%scan3A_154 = %scan3A_109) -> (i32)  : i32 {
        %mul3A_155 = arith.constant 3 : i32
        %mul3A_156 = arith.muli %mul3A_155, %scan3A_153 : i32
        %add3A_157 = arith.constant 1 : i32
        %add3A_158 = arith.addi %mul3A_156, %add3A_157 : i32
        %dma_wait3A_159 = arith.constant 0 : i32
        %dma_wait3A_160 = arith.constant 0 : i32
        %dma_wait3A_161 = tpu.memref_slice %arg20[%dma_wait3A_159, %dma_wait3A_160] : memref<51200x16xf32, #tpu.memory_space<vmem_shared>> -> memref<51200x16xf32, #tpu.memory_space<vmem_shared>>
        tpu.wait_indirect_dma semaphore(%arg27 : memref<!tpu.dma_semaphore, #tpu.memory_space<semaphore_mem>>) src(%arg16 : memref<1024x16xf32, #tpu.memory_space<vmem>>) dst(%dma_wait3A_161 : memref<51200x16xf32, #tpu.memory_space<vmem_shared>>)
        %add3A_162 = arith.constant 2 : i32
        %add3A_163 = arith.addi %add3A_158, %add3A_162 : i32
        %mul3A_164 = arith.constant 1024 : i32
        %mul3A_165 = arith.muli %add3A_163, %mul3A_164 : i32
        %add3A_166 = arith.addi %mul3A_2, %mul3A_165 : i32
        %dma_start3A_167 = tpu.memref_slice %arg2[%add3A_166] : memref<819200xi32, #tpu.memory_space<hbm>> -> memref<1024xi32, #tpu.memory_space<hbm>>
        %dma_start3A_168 = tpu.memref_slice %arg2[%add3A_166] : memref<819200xi32, #tpu.memory_space<hbm>> -> memref<1024xi32, #tpu.memory_space<hbm>>
        tpu.enqueue_dma source(%dma_start3A_168 : memref<1024xi32, #tpu.memory_space<hbm>>) target(%arg7 : memref<1024xi32, #tpu.memory_space<vmem>>) target_semaphore(%arg21 : memref<!tpu.dma_semaphore, #tpu.memory_space<semaphore_mem>>)
        %dma_start3A_169 = tpu.memref_slice %arg3[%add3A_166] : memref<819200xi32, #tpu.memory_space<hbm>> -> memref<1024xi32, #tpu.memory_space<hbm>>
        %dma_start3A_170 = tpu.memref_slice %arg3[%add3A_166] : memref<819200xi32, #tpu.memory_space<hbm>> -> memref<1024xi32, #tpu.memory_space<hbm>>
        tpu.enqueue_dma source(%dma_start3A_170 : memref<1024xi32, #tpu.memory_space<hbm>>) target(%arg10 : memref<1024xi32, #tpu.memory_space<vmem>>) target_semaphore(%arg21 : memref<!tpu.dma_semaphore, #tpu.memory_space<semaphore_mem>>)
        %dma_start3A_171 = tpu.memref_slice %arg4[%add3A_166] : memref<819200xf32, #tpu.memory_space<hbm>> -> memref<1024xf32, #tpu.memory_space<hbm>>
        %dma_start3A_172 = tpu.memref_slice %arg4[%add3A_166] : memref<819200xf32, #tpu.memory_space<hbm>> -> memref<1024xf32, #tpu.memory_space<hbm>>
        tpu.enqueue_dma source(%dma_start3A_172 : memref<1024xf32, #tpu.memory_space<hbm>>) target(%arg13 : memref<1024xf32, #tpu.memory_space<vmem>>) target_semaphore(%arg21 : memref<!tpu.dma_semaphore, #tpu.memory_space<semaphore_mem>>)
        %dma_wait3A_173 = arith.constant 0 : i32
        %dma_wait3A_174 = arith.constant 0 : i32
        %dma_wait3A_175 = tpu.memref_slice %arg5[%dma_wait3A_173, %dma_wait3A_174] : memref<204800x16xf32, #tpu.memory_space<hbm>> -> memref<204800x16xf32, #tpu.memory_space<hbm>>
        tpu.wait_indirect_dma semaphore(%arg25 : memref<!tpu.dma_semaphore, #tpu.memory_space<semaphore_mem>>) src(%dma_wait3A_175 : memref<204800x16xf32, #tpu.memory_space<hbm>>) dst(%arg17 : memref<1024x16xf32, #tpu.memory_space<vmem>>)
        %dma_wait3A_176 = arith.constant 0 : i32
        %dma_wait3A_177 = tpu.memref_slice %arg2[%dma_wait3A_176] : memref<819200xi32, #tpu.memory_space<hbm>> -> memref<1024xi32, #tpu.memory_space<hbm>>
        %dma_wait3A_178 = arith.constant 0 : i32
        %dma_wait3A_179 = tpu.memref_slice %arg2[%dma_wait3A_178] : memref<819200xi32, #tpu.memory_space<hbm>> -> memref<1024xi32, #tpu.memory_space<hbm>>
        tpu.wait_dma2 semaphore(%arg23 : memref<!tpu.dma_semaphore, #tpu.memory_space<semaphore_mem>>) src(%dma_wait3A_179 : memref<1024xi32, #tpu.memory_space<hbm>>) dst(%arg9 : memref<1024xi32, #tpu.memory_space<vmem>>)
        %dma_wait3A_180 = arith.constant 0 : i32
        %dma_wait3A_181 = tpu.memref_slice %arg3[%dma_wait3A_180] : memref<819200xi32, #tpu.memory_space<hbm>> -> memref<1024xi32, #tpu.memory_space<hbm>>
        %dma_wait3A_182 = arith.constant 0 : i32
        %dma_wait3A_183 = tpu.memref_slice %arg3[%dma_wait3A_182] : memref<819200xi32, #tpu.memory_space<hbm>> -> memref<1024xi32, #tpu.memory_space<hbm>>
        tpu.wait_dma2 semaphore(%arg23 : memref<!tpu.dma_semaphore, #tpu.memory_space<semaphore_mem>>) src(%dma_wait3A_183 : memref<1024xi32, #tpu.memory_space<hbm>>) dst(%arg12 : memref<1024xi32, #tpu.memory_space<vmem>>)
        %dma_wait3A_184 = arith.constant 0 : i32
        %dma_wait3A_185 = tpu.memref_slice %arg4[%dma_wait3A_184] : memref<819200xf32, #tpu.memory_space<hbm>> -> memref<1024xf32, #tpu.memory_space<hbm>>
        %dma_wait3A_186 = arith.constant 0 : i32
        %dma_wait3A_187 = tpu.memref_slice %arg4[%dma_wait3A_186] : memref<819200xf32, #tpu.memory_space<hbm>> -> memref<1024xf32, #tpu.memory_space<hbm>>
        tpu.wait_dma2 semaphore(%arg23 : memref<!tpu.dma_semaphore, #tpu.memory_space<semaphore_mem>>) src(%dma_wait3A_187 : memref<1024xf32, #tpu.memory_space<hbm>>) dst(%arg15 : memref<1024xf32, #tpu.memory_space<vmem>>)
        %scan3A_188 = arith.constant 0 : i32
        %scan3A_189 = arith.constant 0 : i32
        %scan3A_190 = arith.constant 64 : i32
        %scan3A_191 = arith.addi %scan3A_189, %scan3A_190 : i32
        %scan3A_192 = arith.constant 1 : i32
        %scan3A_193 = scf.for %scan3A_311 = %scan3A_189 to %scan3A_191 step %scan3A_192 iter_args(%scan3A_312 = %scan3A_188) -> (i32)  : i32 {
          %mul3A_313 = arith.constant 16 : i32
          %mul3A_314 = arith.muli %scan3A_311, %mul3A_313 : i32
          %get3A = arith.index_cast %mul3A_314 : i32 to index
          %get3A_315 = tpu.vector_load %arg9[%get3A] {strides = array<i32>} : memref<1024xi32, #tpu.memory_space<vmem>>, vector<16xi32>,
          %add3A_316 = vector.broadcast %mul3A_14 : i32 to vector<16xi32>
          %add3A_317 = arith.addi %get3A_315, %add3A_316 : vector<16xi32>
          %swap3A = arith.index_cast %mul3A_314 : i32 to index
          %swap3A_318 = tpu.vector_load %arg9[%swap3A] {strides = array<i32>} : memref<1024xi32, #tpu.memory_space<vmem>>, vector<16xi32>,
          tpu.vector_store %arg9[%swap3A], %add3A_317 {strides = array<i32>} : memref<1024xi32, #tpu.memory_space<vmem>>, vector<16xi32>,
          %scan3A_319 = arith.constant 0 : i32
          scf.yield %scan3A_319 : i32
        }
        %scan3A_194 = arith.constant 64 : i32
        %dma_start3A_195 = arith.constant 0 : i32
        %dma_start3A_196 = arith.constant 0 : i32
        %dma_start3A_197 = tpu.memref_slice %arg5[%dma_start3A_195, %dma_start3A_196] : memref<204800x16xf32, #tpu.memory_space<hbm>> -> memref<204800x16xf32, #tpu.memory_space<hbm>>
        tpu.enqueue_indirect_dma source(%dma_start3A_197 : memref<204800x16xf32, #tpu.memory_space<hbm>>) target(%arg18 : memref<1024x16xf32, #tpu.memory_space<vmem>>) offsets(%arg9 : memref<1024xi32, #tpu.memory_space<vmem>>) semaphore(%arg26 : memref<!tpu.dma_semaphore, #tpu.memory_space<semaphore_mem>>)
        %scan3A_198 = arith.constant 0 : i32
        %scan3A_199 = arith.constant 0 : i32
        %scan3A_200 = arith.constant 64 : i32
        %scan3A_201 = arith.addi %scan3A_199, %scan3A_200 : i32
        %scan3A_202 = arith.constant 1 : i32
        %scan3A_203 = scf.for %scan3A_311 = %scan3A_199 to %scan3A_201 step %scan3A_202 iter_args(%scan3A_312 = %scan3A_198) -> (i32)  : i32 {
          %mul3A_313 = arith.constant 16 : i32
          %mul3A_314 = arith.muli %scan3A_311, %mul3A_313 : i32
          %get3A = arith.index_cast %mul3A_314 : i32 to index
          %get3A_315 = tpu.vector_load %arg14[%get3A] {strides = array<i32>} : memref<1024xf32, #tpu.memory_space<vmem>>, vector<16xf32>,
          %mul3A_316 = arith.constant 16 : i32
          %mul3A_317 = arith.muli %scan3A_311, %mul3A_316 : i32
          %add3A_318 = arith.constant 0 : i32
          %add3A_319 = arith.addi %mul3A_317, %add3A_318 : i32
          %get3A_320 = arith.index_cast %add3A_319 : i32 to index
          %get3A_321 = arith.constant 0 : index
          %get3A_322 = tpu.vector_load %arg17[%get3A_320, %get3A_321] {strides = array<i32>} : memref<1024x16xf32, #tpu.memory_space<vmem>>, vector<1x16xf32>,
          %get3A_323 = vector.shape_cast %get3A_322 : vector<1x16xf32> to vector<16xf32>
          %slice3A = vector.extract_strided_slice %get3A_315 {offsets = [0], sizes = [1], strides = [1]} : vector<16xf32> to vector<1xf32>
          %squeeze3A = vector.extract %slice3A[0] : f32 from vector<1xf32>
          %mul3A_324 = vector.broadcast %squeeze3A : f32 to vector<16xf32>
          %mul3A_325 = arith.mulf %get3A_323, %mul3A_324 : vector<16xf32>
          %add3A_326 = arith.constant 0 : i32
          %add3A_327 = arith.addi %mul3A_317, %add3A_326 : i32
          %swap3A = arith.index_cast %add3A_327 : i32 to index
          %swap3A_328 = arith.constant 0 : index
          %swap3A_329 = tpu.vector_load %arg17[%swap3A, %swap3A_328] {strides = array<i32>} : memref<1024x16xf32, #tpu.memory_space<vmem>>, vector<1x16xf32>,
          %swap3A_330 = vector.shape_cast %swap3A_329 : vector<1x16xf32> to vector<16xf32>
          %swap3A_331 = vector.shape_cast %mul3A_325 : vector<16xf32> to vector<1x16xf32>
          tpu.vector_store %arg17[%swap3A, %swap3A_328], %swap3A_331 {strides = array<i32>} : memref<1024x16xf32, #tpu.memory_space<vmem>>, vector<1x16xf32>,
          %add3A_332 = arith.constant 1 : i32
          %add3A_333 = arith.addi %mul3A_317, %add3A_332 : i32
          %get3A_334 = arith.index_cast %add3A_333 : i32 to index
          %get3A_335 = arith.constant 0 : index
          %get3A_336 = tpu.vector_load %arg17[%get3A_334, %get3A_335] {strides = array<i32>} : memref<1024x16xf32, #tpu.memory_space<vmem>>, vector<1x16xf32>,
          %get3A_337 = vector.shape_cast %get3A_336 : vector<1x16xf32> to vector<16xf32>
          %slice3A_338 = vector.extract_strided_slice %get3A_315 {offsets = [1], sizes = [1], strides = [1]} : vector<16xf32> to vector<1xf32>
          %squeeze3A_339 = vector.extract %slice3A_338[0] : f32 from vector<1xf32>
          %mul3A_340 = vector.broadcast %squeeze3A_339 : f32 to vector<16xf32>
          %mul3A_341 = arith.mulf %get3A_337, %mul3A_340 : vector<16xf32>
          %add3A_342 = arith.constant 1 : i32
          %add3A_343 = arith.addi %mul3A_317, %add3A_342 : i32
          %swap3A_344 = arith.index_cast %add3A_343 : i32 to index
          %swap3A_345 = arith.constant 0 : index
          %swap3A_346 = tpu.vector_load %arg17[%swap3A_344, %swap3A_345] {strides = array<i32>} : memref<1024x16xf32, #tpu.memory_space<vmem>>, vector<1x16xf32>,
          %swap3A_347 = vector.shape_cast %swap3A_346 : vector<1x16xf32> to vector<16xf32>
          %swap3A_348 = vector.shape_cast %mul3A_341 : vector<16xf32> to vector<1x16xf32>
          tpu.vector_store %arg17[%swap3A_344, %swap3A_345], %swap3A_348 {strides = array<i32>} : memref<1024x16xf32, #tpu.memory_space<vmem>>, vector<1x16xf32>,
          %add3A_349 = arith.constant 2 : i32
          %add3A_350 = arith.addi %mul3A_317, %add3A_349 : i32
          %get3A_351 = arith.index_cast %add3A_350 : i32 to index
          %get3A_352 = arith.constant 0 : index
          %get3A_353 = tpu.vector_load %arg17[%get3A_351, %get3A_352] {strides = array<i32>} : memref<1024x16xf32, #tpu.memory_space<vmem>>, vector<1x16xf32>,
          %get3A_354 = vector.shape_cast %get3A_353 : vector<1x16xf32> to vector<16xf32>
          %slice3A_355 = vector.extract_strided_slice %get3A_315 {offsets = [2], sizes = [1], strides = [1]} : vector<16xf32> to vector<1xf32>
          %squeeze3A_356 = vector.extract %slice3A_355[0] : f32 from vector<1xf32>
          %mul3A_357 = vector.broadcast %squeeze3A_356 : f32 to vector<16xf32>
          %mul3A_358 = arith.mulf %get3A_354, %mul3A_357 : vector<16xf32>
          %add3A_359 = arith.constant 2 : i32
          %add3A_360 = arith.addi %mul3A_317, %add3A_359 : i32
          %swap3A_361 = arith.index_cast %add3A_360 : i32 to index
          %swap3A_362 = arith.constant 0 : index
          %swap3A_363 = tpu.vector_load %arg17[%swap3A_361, %swap3A_362] {strides = array<i32>} : memref<1024x16xf32, #tpu.memory_space<vmem>>, vector<1x16xf32>,
          %swap3A_364 = vector.shape_cast %swap3A_363 : vector<1x16xf32> to vector<16xf32>
          %swap3A_365 = vector.shape_cast %mul3A_358 : vector<16xf32> to vector<1x16xf32>
          tpu.vector_store %arg17[%swap3A_361, %swap3A_362], %swap3A_365 {strides = array<i32>} : memref<1024x16xf32, #tpu.memory_space<vmem>>, vector<1x16xf32>,
          %add3A_366 = arith.constant 3 : i32
          %add3A_367 = arith.addi %mul3A_317, %add3A_366 : i32
          %get3A_368 = arith.index_cast %add3A_367 : i32 to index
          %get3A_369 = arith.constant 0 : index
          %get3A_370 = tpu.vector_load %arg17[%get3A_368, %get3A_369] {strides = array<i32>} : memref<1024x16xf32, #tpu.memory_space<vmem>>, vector<1x16xf32>,
          %get3A_371 = vector.shape_cast %get3A_370 : vector<1x16xf32> to vector<16xf32>
          %slice3A_372 = vector.extract_strided_slice %get3A_315 {offsets = [3], sizes = [1], strides = [1]} : vector<16xf32> to vector<1xf32>
          %squeeze3A_373 = vector.extract %slice3A_372[0] : f32 from vector<1xf32>
          %mul3A_374 = vector.broadcast %squeeze3A_373 : f32 to vector<16xf32>
          %mul3A_375 = arith.mulf %get3A_371, %mul3A_374 : vector<16xf32>
          %add3A_376 = arith.constant 3 : i32
          %add3A_377 = arith.addi %mul3A_317, %add3A_376 : i32
          %swap3A_378 = arith.index_cast %add3A_377 : i32 to index
          %swap3A_379 = arith.constant 0 : index
          %swap3A_380 = tpu.vector_load %arg17[%swap3A_378, %swap3A_379] {strides = array<i32>} : memref<1024x16xf32, #tpu.memory_space<vmem>>, vector<1x16xf32>,
          %swap3A_381 = vector.shape_cast %swap3A_380 : vector<1x16xf32> to vector<16xf32>
          %swap3A_382 = vector.shape_cast %mul3A_375 : vector<16xf32> to vector<1x16xf32>
          tpu.vector_store %arg17[%swap3A_378, %swap3A_379], %swap3A_382 {strides = array<i32>} : memref<1024x16xf32, #tpu.memory_space<vmem>>, vector<1x16xf32>,
          %add3A_383 = arith.constant 4 : i32
          %add3A_384 = arith.addi %mul3A_317, %add3A_383 : i32
          %get3A_385 = arith.index_cast %add3A_384 : i32 to index
          %get3A_386 = arith.constant 0 : index
          %get3A_387 = tpu.vector_load %arg17[%get3A_385, %get3A_386] {strides = array<i32>} : memref<1024x16xf32, #tpu.memory_space<vmem>>, vector<1x16xf32>,
          %get3A_388 = vector.shape_cast %get3A_387 : vector<1x16xf32> to vector<16xf32>
          %slice3A_389 = vector.extract_strided_slice %get3A_315 {offsets = [4], sizes = [1], strides = [1]} : vector<16xf32> to vector<1xf32>
          %squeeze3A_390 = vector.extract %slice3A_389[0] : f32 from vector<1xf32>
          %mul3A_391 = vector.broadcast %squeeze3A_390 : f32 to vector<16xf32>
          %mul3A_392 = arith.mulf %get3A_388, %mul3A_391 : vector<16xf32>
          %add3A_393 = arith.constant 4 : i32
          %add3A_394 = arith.addi %mul3A_317, %add3A_393 : i32
          %swap3A_395 = arith.index_cast %add3A_394 : i32 to index
          %swap3A_396 = arith.constant 0 : index
          %swap3A_397 = tpu.vector_load %arg17[%swap3A_395, %swap3A_396] {strides = array<i32>} : memref<1024x16xf32, #tpu.memory_space<vmem>>, vector<1x16xf32>,
          %swap3A_398 = vector.shape_cast %swap3A_397 : vector<1x16xf32> to vector<16xf32>
          %swap3A_399 = vector.shape_cast %mul3A_392 : vector<16xf32> to vector<1x16xf32>
          tpu.vector_store %arg17[%swap3A_395, %swap3A_396], %swap3A_399 {strides = array<i32>} : memref<1024x16xf32, #tpu.memory_space<vmem>>, vector<1x16xf32>,
          %add3A_400 = arith.constant 5 : i32
          %add3A_401 = arith.addi %mul3A_317, %add3A_400 : i32
          %get3A_402 = arith.index_cast %add3A_401 : i32 to index
          %get3A_403 = arith.constant 0 : index
          %get3A_404 = tpu.vector_load %arg17[%get3A_402, %get3A_403] {strides = array<i32>} : memref<1024x16xf32, #tpu.memory_space<vmem>>, vector<1x16xf32>,
          %get3A_405 = vector.shape_cast %get3A_404 : vector<1x16xf32> to vector<16xf32>
          %slice3A_406 = vector.extract_strided_slice %get3A_315 {offsets = [5], sizes = [1], strides = [1]} : vector<16xf32> to vector<1xf32>
          %squeeze3A_407 = vector.extract %slice3A_406[0] : f32 from vector<1xf32>
          %mul3A_408 = vector.broadcast %squeeze3A_407 : f32 to vector<16xf32>
          %mul3A_409 = arith.mulf %get3A_405, %mul3A_408 : vector<16xf32>
          %add3A_410 = arith.constant 5 : i32
          %add3A_411 = arith.addi %mul3A_317, %add3A_410 : i32
          %swap3A_412 = arith.index_cast %add3A_411 : i32 to index
          %swap3A_413 = arith.constant 0 : index
          %swap3A_414 = tpu.vector_load %arg17[%swap3A_412, %swap3A_413] {strides = array<i32>} : memref<1024x16xf32, #tpu.memory_space<vmem>>, vector<1x16xf32>,
          %swap3A_415 = vector.shape_cast %swap3A_414 : vector<1x16xf32> to vector<16xf32>
          %swap3A_416 = vector.shape_cast %mul3A_409 : vector<16xf32> to vector<1x16xf32>
          tpu.vector_store %arg17[%swap3A_412, %swap3A_413], %swap3A_416 {strides = array<i32>} : memref<1024x16xf32, #tpu.memory_space<vmem>>, vector<1x16xf32>,
          %add3A_417 = arith.constant 6 : i32
          %add3A_418 = arith.addi %mul3A_317, %add3A_417 : i32
          %get3A_419 = arith.index_cast %add3A_418 : i32 to index
          %get3A_420 = arith.constant 0 : index
          %get3A_421 = tpu.vector_load %arg17[%get3A_419, %get3A_420] {strides = array<i32>} : memref<1024x16xf32, #tpu.memory_space<vmem>>, vector<1x16xf32>,
          %get3A_422 = vector.shape_cast %get3A_421 : vector<1x16xf32> to vector<16xf32>
          %slice3A_423 = vector.extract_strided_slice %get3A_315 {offsets = [6], sizes = [1], strides = [1]} : vector<16xf32> to vector<1xf32>
          %squeeze3A_424 = vector.extract %slice3A_423[0] : f32 from vector<1xf32>
          %mul3A_425 = vector.broadcast %squeeze3A_424 : f32 to vector<16xf32>
          %mul3A_426 = arith.mulf %get3A_422, %mul3A_425 : vector<16xf32>
          %add3A_427 = arith.constant 6 : i32
          %add3A_428 = arith.addi %mul3A_317, %add3A_427 : i32
          %swap3A_429 = arith.index_cast %add3A_428 : i32 to index
          %swap3A_430 = arith.constant 0 : index
          %swap3A_431 = tpu.vector_load %arg17[%swap3A_429, %swap3A_430] {strides = array<i32>} : memref<1024x16xf32, #tpu.memory_space<vmem>>, vector<1x16xf32>,
          %swap3A_432 = vector.shape_cast %swap3A_431 : vector<1x16xf32> to vector<16xf32>
          %swap3A_433 = vector.shape_cast %mul3A_426 : vector<16xf32> to vector<1x16xf32>
          tpu.vector_store %arg17[%swap3A_429, %swap3A_430], %swap3A_433 {strides = array<i32>} : memref<1024x16xf32, #tpu.memory_space<vmem>>, vector<1x16xf32>,
          %add3A_434 = arith.constant 7 : i32
          %add3A_435 = arith.addi %mul3A_317, %add3A_434 : i32
          %get3A_436 = arith.index_cast %add3A_435 : i32 to index
          %get3A_437 = arith.constant 0 : index
          %get3A_438 = tpu.vector_load %arg17[%get3A_436, %get3A_437] {strides = array<i32>} : memref<1024x16xf32, #tpu.memory_space<vmem>>, vector<1x16xf32>,
          %get3A_439 = vector.shape_cast %get3A_438 : vector<1x16xf32> to vector<16xf32>
          %slice3A_440 = vector.extract_strided_slice %get3A_315 {offsets = [7], sizes = [1], strides = [1]} : vector<16xf32> to vector<1xf32>
          %squeeze3A_441 = vector.extract %slice3A_440[0] : f32 from vector<1xf32>
          %mul3A_442 = vector.broadcast %squeeze3A_441 : f32 to vector<16xf32>
          %mul3A_443 = arith.mulf %get3A_439, %mul3A_442 : vector<16xf32>
          %add3A_444 = arith.constant 7 : i32
          %add3A_445 = arith.addi %mul3A_317, %add3A_444 : i32
          %swap3A_446 = arith.index_cast %add3A_445 : i32 to index
          %swap3A_447 = arith.constant 0 : index
          %swap3A_448 = tpu.vector_load %arg17[%swap3A_446, %swap3A_447] {strides = array<i32>} : memref<1024x16xf32, #tpu.memory_space<vmem>>, vector<1x16xf32>,
          %swap3A_449 = vector.shape_cast %swap3A_448 : vector<1x16xf32> to vector<16xf32>
          %swap3A_450 = vector.shape_cast %mul3A_443 : vector<16xf32> to vector<1x16xf32>
          tpu.vector_store %arg17[%swap3A_446, %swap3A_447], %swap3A_450 {strides = array<i32>} : memref<1024x16xf32, #tpu.memory_space<vmem>>, vector<1x16xf32>,
          %add3A_451 = arith.constant 8 : i32
          %add3A_452 = arith.addi %mul3A_317, %add3A_451 : i32
          %get3A_453 = arith.index_cast %add3A_452 : i32 to index
          %get3A_454 = arith.constant 0 : index
          %get3A_455 = tpu.vector_load %arg17[%get3A_453, %get3A_454] {strides = array<i32>} : memref<1024x16xf32, #tpu.memory_space<vmem>>, vector<1x16xf32>,
          %get3A_456 = vector.shape_cast %get3A_455 : vector<1x16xf32> to vector<16xf32>
          %slice3A_457 = vector.extract_strided_slice %get3A_315 {offsets = [8], sizes = [1], strides = [1]} : vector<16xf32> to vector<1xf32>
          %squeeze3A_458 = vector.extract %slice3A_457[0] : f32 from vector<1xf32>
          %mul3A_459 = vector.broadcast %squeeze3A_458 : f32 to vector<16xf32>
          %mul3A_460 = arith.mulf %get3A_456, %mul3A_459 : vector<16xf32>
          %add3A_461 = arith.constant 8 : i32
          %add3A_462 = arith.addi %mul3A_317, %add3A_461 : i32
          %swap3A_463 = arith.index_cast %add3A_462 : i32 to index
          %swap3A_464 = arith.constant 0 : index
          %swap3A_465 = tpu.vector_load %arg17[%swap3A_463, %swap3A_464] {strides = array<i32>} : memref<1024x16xf32, #tpu.memory_space<vmem>>, vector<1x16xf32>,
          %swap3A_466 = vector.shape_cast %swap3A_465 : vector<1x16xf32> to vector<16xf32>
          %swap3A_467 = vector.shape_cast %mul3A_460 : vector<16xf32> to vector<1x16xf32>
          tpu.vector_store %arg17[%swap3A_463, %swap3A_464], %swap3A_467 {strides = array<i32>} : memref<1024x16xf32, #tpu.memory_space<vmem>>, vector<1x16xf32>,
          %add3A_468 = arith.constant 9 : i32
          %add3A_469 = arith.addi %mul3A_317, %add3A_468 : i32
          %get3A_470 = arith.index_cast %add3A_469 : i32 to index
          %get3A_471 = arith.constant 0 : index
          %get3A_472 = tpu.vector_load %arg17[%get3A_470, %get3A_471] {strides = array<i32>} : memref<1024x16xf32, #tpu.memory_space<vmem>>, vector<1x16xf32>,
          %get3A_473 = vector.shape_cast %get3A_472 : vector<1x16xf32> to vector<16xf32>
          %slice3A_474 = vector.extract_strided_slice %get3A_315 {offsets = [9], sizes = [1], strides = [1]} : vector<16xf32> to vector<1xf32>
          %squeeze3A_475 = vector.extract %slice3A_474[0] : f32 from vector<1xf32>
          %mul3A_476 = vector.broadcast %squeeze3A_475 : f32 to vector<16xf32>
          %mul3A_477 = arith.mulf %get3A_473, %mul3A_476 : vector<16xf32>
          %add3A_478 = arith.constant 9 : i32
          %add3A_479 = arith.addi %mul3A_317, %add3A_478 : i32
          %swap3A_480 = arith.index_cast %add3A_479 : i32 to index
          %swap3A_481 = arith.constant 0 : index
          %swap3A_482 = tpu.vector_load %arg17[%swap3A_480, %swap3A_481] {strides = array<i32>} : memref<1024x16xf32, #tpu.memory_space<vmem>>, vector<1x16xf32>,
          %swap3A_483 = vector.shape_cast %swap3A_482 : vector<1x16xf32> to vector<16xf32>
          %swap3A_484 = vector.shape_cast %mul3A_477 : vector<16xf32> to vector<1x16xf32>
          tpu.vector_store %arg17[%swap3A_480, %swap3A_481], %swap3A_484 {strides = array<i32>} : memref<1024x16xf32, #tpu.memory_space<vmem>>, vector<1x16xf32>,
          %add3A_485 = arith.constant 10 : i32
          %add3A_486 = arith.addi %mul3A_317, %add3A_485 : i32
          %get3A_487 = arith.index_cast %add3A_486 : i32 to index
          %get3A_488 = arith.constant 0 : index
          %get3A_489 = tpu.vector_load %arg17[%get3A_487, %get3A_488] {strides = array<i32>} : memref<1024x16xf32, #tpu.memory_space<vmem>>, vector<1x16xf32>,
          %get3A_490 = vector.shape_cast %get3A_489 : vector<1x16xf32> to vector<16xf32>
          %slice3A_491 = vector.extract_strided_slice %get3A_315 {offsets = [10], sizes = [1], strides = [1]} : vector<16xf32> to vector<1xf32>
          %squeeze3A_492 = vector.extract %slice3A_491[0] : f32 from vector<1xf32>
          %mul3A_493 = vector.broadcast %squeeze3A_492 : f32 to vector<16xf32>
          %mul3A_494 = arith.mulf %get3A_490, %mul3A_493 : vector<16xf32>
          %add3A_495 = arith.constant 10 : i32
          %add3A_496 = arith.addi %mul3A_317, %add3A_495 : i32
          %swap3A_497 = arith.index_cast %add3A_496 : i32 to index
          %swap3A_498 = arith.constant 0 : index
          %swap3A_499 = tpu.vector_load %arg17[%swap3A_497, %swap3A_498] {strides = array<i32>} : memref<1024x16xf32, #tpu.memory_space<vmem>>, vector<1x16xf32>,
          %swap3A_500 = vector.shape_cast %swap3A_499 : vector<1x16xf32> to vector<16xf32>
          %swap3A_501 = vector.shape_cast %mul3A_494 : vector<16xf32> to vector<1x16xf32>
          tpu.vector_store %arg17[%swap3A_497, %swap3A_498], %swap3A_501 {strides = array<i32>} : memref<1024x16xf32, #tpu.memory_space<vmem>>, vector<1x16xf32>,
          %add3A_502 = arith.constant 11 : i32
          %add3A_503 = arith.addi %mul3A_317, %add3A_502 : i32
          %get3A_504 = arith.index_cast %add3A_503 : i32 to index
          %get3A_505 = arith.constant 0 : index
          %get3A_506 = tpu.vector_load %arg17[%get3A_504, %get3A_505] {strides = array<i32>} : memref<1024x16xf32, #tpu.memory_space<vmem>>, vector<1x16xf32>,
          %get3A_507 = vector.shape_cast %get3A_506 : vector<1x16xf32> to vector<16xf32>
          %slice3A_508 = vector.extract_strided_slice %get3A_315 {offsets = [11], sizes = [1], strides = [1]} : vector<16xf32> to vector<1xf32>
          %squeeze3A_509 = vector.extract %slice3A_508[0] : f32 from vector<1xf32>
          %mul3A_510 = vector.broadcast %squeeze3A_509 : f32 to vector<16xf32>
          %mul3A_511 = arith.mulf %get3A_507, %mul3A_510 : vector<16xf32>
          %add3A_512 = arith.constant 11 : i32
          %add3A_513 = arith.addi %mul3A_317, %add3A_512 : i32
          %swap3A_514 = arith.index_cast %add3A_513 : i32 to index
          %swap3A_515 = arith.constant 0 : index
          %swap3A_516 = tpu.vector_load %arg17[%swap3A_514, %swap3A_515] {strides = array<i32>} : memref<1024x16xf32, #tpu.memory_space<vmem>>, vector<1x16xf32>,
          %swap3A_517 = vector.shape_cast %swap3A_516 : vector<1x16xf32> to vector<16xf32>
          %swap3A_518 = vector.shape_cast %mul3A_511 : vector<16xf32> to vector<1x16xf32>
          tpu.vector_store %arg17[%swap3A_514, %swap3A_515], %swap3A_518 {strides = array<i32>} : memref<1024x16xf32, #tpu.memory_space<vmem>>, vector<1x16xf32>,
          %add3A_519 = arith.constant 12 : i32
          %add3A_520 = arith.addi %mul3A_317, %add3A_519 : i32
          %get3A_521 = arith.index_cast %add3A_520 : i32 to index
          %get3A_522 = arith.constant 0 : index
          %get3A_523 = tpu.vector_load %arg17[%get3A_521, %get3A_522] {strides = array<i32>} : memref<1024x16xf32, #tpu.memory_space<vmem>>, vector<1x16xf32>,
          %get3A_524 = vector.shape_cast %get3A_523 : vector<1x16xf32> to vector<16xf32>
          %slice3A_525 = vector.extract_strided_slice %get3A_315 {offsets = [12], sizes = [1], strides = [1]} : vector<16xf32> to vector<1xf32>
          %squeeze3A_526 = vector.extract %slice3A_525[0] : f32 from vector<1xf32>
          %mul3A_527 = vector.broadcast %squeeze3A_526 : f32 to vector<16xf32>
          %mul3A_528 = arith.mulf %get3A_524, %mul3A_527 : vector<16xf32>
          %add3A_529 = arith.constant 12 : i32
          %add3A_530 = arith.addi %mul3A_317, %add3A_529 : i32
          %swap3A_531 = arith.index_cast %add3A_530 : i32 to index
          %swap3A_532 = arith.constant 0 : index
          %swap3A_533 = tpu.vector_load %arg17[%swap3A_531, %swap3A_532] {strides = array<i32>} : memref<1024x16xf32, #tpu.memory_space<vmem>>, vector<1x16xf32>,
          %swap3A_534 = vector.shape_cast %swap3A_533 : vector<1x16xf32> to vector<16xf32>
          %swap3A_535 = vector.shape_cast %mul3A_528 : vector<16xf32> to vector<1x16xf32>
          tpu.vector_store %arg17[%swap3A_531, %swap3A_532], %swap3A_535 {strides = array<i32>} : memref<1024x16xf32, #tpu.memory_space<vmem>>, vector<1x16xf32>,
          %add3A_536 = arith.constant 13 : i32
          %add3A_537 = arith.addi %mul3A_317, %add3A_536 : i32
          %get3A_538 = arith.index_cast %add3A_537 : i32 to index
          %get3A_539 = arith.constant 0 : index
          %get3A_540 = tpu.vector_load %arg17[%get3A_538, %get3A_539] {strides = array<i32>} : memref<1024x16xf32, #tpu.memory_space<vmem>>, vector<1x16xf32>,
          %get3A_541 = vector.shape_cast %get3A_540 : vector<1x16xf32> to vector<16xf32>
          %slice3A_542 = vector.extract_strided_slice %get3A_315 {offsets = [13], sizes = [1], strides = [1]} : vector<16xf32> to vector<1xf32>
          %squeeze3A_543 = vector.extract %slice3A_542[0] : f32 from vector<1xf32>
          %mul3A_544 = vector.broadcast %squeeze3A_543 : f32 to vector<16xf32>
          %mul3A_545 = arith.mulf %get3A_541, %mul3A_544 : vector<16xf32>
          %add3A_546 = arith.constant 13 : i32
          %add3A_547 = arith.addi %mul3A_317, %add3A_546 : i32
          %swap3A_548 = arith.index_cast %add3A_547 : i32 to index
          %swap3A_549 = arith.constant 0 : index
          %swap3A_550 = tpu.vector_load %arg17[%swap3A_548, %swap3A_549] {strides = array<i32>} : memref<1024x16xf32, #tpu.memory_space<vmem>>, vector<1x16xf32>,
          %swap3A_551 = vector.shape_cast %swap3A_550 : vector<1x16xf32> to vector<16xf32>
          %swap3A_552 = vector.shape_cast %mul3A_545 : vector<16xf32> to vector<1x16xf32>
          tpu.vector_store %arg17[%swap3A_548, %swap3A_549], %swap3A_552 {strides = array<i32>} : memref<1024x16xf32, #tpu.memory_space<vmem>>, vector<1x16xf32>,
          %add3A_553 = arith.constant 14 : i32
          %add3A_554 = arith.addi %mul3A_317, %add3A_553 : i32
          %get3A_555 = arith.index_cast %add3A_554 : i32 to index
          %get3A_556 = arith.constant 0 : index
          %get3A_557 = tpu.vector_load %arg17[%get3A_555, %get3A_556] {strides = array<i32>} : memref<1024x16xf32, #tpu.memory_space<vmem>>, vector<1x16xf32>,
          %get3A_558 = vector.shape_cast %get3A_557 : vector<1x16xf32> to vector<16xf32>
          %slice3A_559 = vector.extract_strided_slice %get3A_315 {offsets = [14], sizes = [1], strides = [1]} : vector<16xf32> to vector<1xf32>
          %squeeze3A_560 = vector.extract %slice3A_559[0] : f32 from vector<1xf32>
          %mul3A_561 = vector.broadcast %squeeze3A_560 : f32 to vector<16xf32>
          %mul3A_562 = arith.mulf %get3A_558, %mul3A_561 : vector<16xf32>
          %add3A_563 = arith.constant 14 : i32
          %add3A_564 = arith.addi %mul3A_317, %add3A_563 : i32
          %swap3A_565 = arith.index_cast %add3A_564 : i32 to index
          %swap3A_566 = arith.constant 0 : index
          %swap3A_567 = tpu.vector_load %arg17[%swap3A_565, %swap3A_566] {strides = array<i32>} : memref<1024x16xf32, #tpu.memory_space<vmem>>, vector<1x16xf32>,
          %swap3A_568 = vector.shape_cast %swap3A_567 : vector<1x16xf32> to vector<16xf32>
          %swap3A_569 = vector.shape_cast %mul3A_562 : vector<16xf32> to vector<1x16xf32>
          tpu.vector_store %arg17[%swap3A_565, %swap3A_566], %swap3A_569 {strides = array<i32>} : memref<1024x16xf32, #tpu.memory_space<vmem>>, vector<1x16xf32>,
          %add3A_570 = arith.constant 15 : i32
          %add3A_571 = arith.addi %mul3A_317, %add3A_570 : i32
          %get3A_572 = arith.index_cast %add3A_571 : i32 to index
          %get3A_573 = arith.constant 0 : index
          %get3A_574 = tpu.vector_load %arg17[%get3A_572, %get3A_573] {strides = array<i32>} : memref<1024x16xf32, #tpu.memory_space<vmem>>, vector<1x16xf32>,
          %get3A_575 = vector.shape_cast %get3A_574 : vector<1x16xf32> to vector<16xf32>
          %slice3A_576 = vector.extract_strided_slice %get3A_315 {offsets = [15], sizes = [1], strides = [1]} : vector<16xf32> to vector<1xf32>
          %squeeze3A_577 = vector.extract %slice3A_576[0] : f32 from vector<1xf32>
          %mul3A_578 = vector.broadcast %squeeze3A_577 : f32 to vector<16xf32>
          %mul3A_579 = arith.mulf %get3A_575, %mul3A_578 : vector<16xf32>
          %add3A_580 = arith.constant 15 : i32
          %add3A_581 = arith.addi %mul3A_317, %add3A_580 : i32
          %swap3A_582 = arith.index_cast %add3A_581 : i32 to index
          %swap3A_583 = arith.constant 0 : index
          %swap3A_584 = tpu.vector_load %arg17[%swap3A_582, %swap3A_583] {strides = array<i32>} : memref<1024x16xf32, #tpu.memory_space<vmem>>, vector<1x16xf32>,
          %swap3A_585 = vector.shape_cast %swap3A_584 : vector<1x16xf32> to vector<16xf32>
          %swap3A_586 = vector.shape_cast %mul3A_579 : vector<16xf32> to vector<1x16xf32>
          tpu.vector_store %arg17[%swap3A_582, %swap3A_583], %swap3A_586 {strides = array<i32>} : memref<1024x16xf32, #tpu.memory_space<vmem>>, vector<1x16xf32>,
          %scan3A_587 = arith.constant 0 : i32
          scf.yield %scan3A_587 : i32
        }
        %scan3A_204 = arith.constant 64 : i32
        %dma_start3A_205 = arith.constant 0 : i32
        %dma_start3A_206 = arith.constant 0 : i32
        %dma_start3A_207 = tpu.memref_slice %arg20[%dma_start3A_205, %dma_start3A_206] : memref<51200x16xf32, #tpu.memory_space<vmem_shared>> -> memref<51200x16xf32, #tpu.memory_space<vmem_shared>>
        tpu.enqueue_indirect_dma source(%arg17 : memref<1024x16xf32, #tpu.memory_space<vmem>>) target(%dma_start3A_207 : memref<51200x16xf32, #tpu.memory_space<vmem_shared>>) offsets(%arg11 : memref<1024xi32, #tpu.memory_space<vmem>>) semaphore(%arg28 : memref<!tpu.dma_semaphore, #tpu.memory_space<semaphore_mem>>) {add = true}
        %add3A_208 = arith.constant 1 : i32
        %add3A_209 = arith.addi %add3A_158, %add3A_208 : i32
        %dma_wait3A_210 = arith.constant 0 : i32
        %dma_wait3A_211 = arith.constant 0 : i32
        %dma_wait3A_212 = tpu.memref_slice %arg20[%dma_wait3A_210, %dma_wait3A_211] : memref<51200x16xf32, #tpu.memory_space<vmem_shared>> -> memref<51200x16xf32, #tpu.memory_space<vmem_shared>>
        tpu.wait_indirect_dma semaphore(%arg28 : memref<!tpu.dma_semaphore, #tpu.memory_space<semaphore_mem>>) src(%arg17 : memref<1024x16xf32, #tpu.memory_space<vmem>>) dst(%dma_wait3A_212 : memref<51200x16xf32, #tpu.memory_space<vmem_shared>>)
        %add3A_213 = arith.constant 2 : i32
        %add3A_214 = arith.addi %add3A_209, %add3A_213 : i32
        %mul3A_215 = arith.constant 1024 : i32
        %mul3A_216 = arith.muli %add3A_214, %mul3A_215 : i32
        %add3A_217 = arith.addi %mul3A_2, %mul3A_216 : i32
        %dma_start3A_218 = tpu.memref_slice %arg2[%add3A_217] : memref<819200xi32, #tpu.memory_space<hbm>> -> memref<1024xi32, #tpu.memory_space<hbm>>
        %dma_start3A_219 = tpu.memref_slice %arg2[%add3A_217] : memref<819200xi32, #tpu.memory_space<hbm>> -> memref<1024xi32, #tpu.memory_space<hbm>>
        tpu.enqueue_dma source(%dma_start3A_219 : memref<1024xi32, #tpu.memory_space<hbm>>) target(%arg8 : memref<1024xi32, #tpu.memory_space<vmem>>) target_semaphore(%arg22 : memref<!tpu.dma_semaphore, #tpu.memory_space<semaphore_mem>>)
        %dma_start3A_220 = tpu.memref_slice %arg3[%add3A_217] : memref<819200xi32, #tpu.memory_space<hbm>> -> memref<1024xi32, #tpu.memory_space<hbm>>
        %dma_start3A_221 = tpu.memref_slice %arg3[%add3A_217] : memref<819200xi32, #tpu.memory_space<hbm>> -> memref<1024xi32, #tpu.memory_space<hbm>>
        tpu.enqueue_dma source(%dma_start3A_221 : memref<1024xi32, #tpu.memory_space<hbm>>) target(%arg11 : memref<1024xi32, #tpu.memory_space<vmem>>) target_semaphore(%arg22 : memref<!tpu.dma_semaphore, #tpu.memory_space<semaphore_mem>>)
        %dma_start3A_222 = tpu.memref_slice %arg4[%add3A_217] : memref<819200xf32, #tpu.memory_space<hbm>> -> memref<1024xf32, #tpu.memory_space<hbm>>
        %dma_start3A_223 = tpu.memref_slice %arg4[%add3A_217] : memref<819200xf32, #tpu.memory_space<hbm>> -> memref<1024xf32, #tpu.memory_space<hbm>>
        tpu.enqueue_dma source(%dma_start3A_223 : memref<1024xf32, #tpu.memory_space<hbm>>) target(%arg14 : memref<1024xf32, #tpu.memory_space<vmem>>) target_semaphore(%arg22 : memref<!tpu.dma_semaphore, #tpu.memory_space<semaphore_mem>>)
        %dma_wait3A_224 = arith.constant 0 : i32
        %dma_wait3A_225 = arith.constant 0 : i32
        %dma_wait3A_226 = tpu.memref_slice %arg5[%dma_wait3A_224, %dma_wait3A_225] : memref<204800x16xf32, #tpu.memory_space<hbm>> -> memref<204800x16xf32, #tpu.memory_space<hbm>>
        tpu.wait_indirect_dma semaphore(%arg26 : memref<!tpu.dma_semaphore, #tpu.memory_space<semaphore_mem>>) src(%dma_wait3A_226 : memref<204800x16xf32, #tpu.memory_space<hbm>>) dst(%arg18 : memref<1024x16xf32, #tpu.memory_space<vmem>>)
        %dma_wait3A_227 = arith.constant 0 : i32
        %dma_wait3A_228 = tpu.memref_slice %arg2[%dma_wait3A_227] : memref<819200xi32, #tpu.memory_space<hbm>> -> memref<1024xi32, #tpu.memory_space<hbm>>
        %dma_wait3A_229 = arith.constant 0 : i32
        %dma_wait3A_230 = tpu.memref_slice %arg2[%dma_wait3A_229] : memref<819200xi32, #tpu.memory_space<hbm>> -> memref<1024xi32, #tpu.memory_space<hbm>>
        tpu.wait_dma2 semaphore(%arg21 : memref<!tpu.dma_semaphore, #tpu.memory_space<semaphore_mem>>) src(%dma_wait3A_230 : memref<1024xi32, #tpu.memory_space<hbm>>) dst(%arg7 : memref<1024xi32, #tpu.memory_space<vmem>>)
        %dma_wait3A_231 = arith.constant 0 : i32
        %dma_wait3A_232 = tpu.memref_slice %arg3[%dma_wait3A_231] : memref<819200xi32, #tpu.memory_space<hbm>> -> memref<1024xi32, #tpu.memory_space<hbm>>
        %dma_wait3A_233 = arith.constant 0 : i32
        %dma_wait3A_234 = tpu.memref_slice %arg3[%dma_wait3A_233] : memref<819200xi32, #tpu.memory_space<hbm>> -> memref<1024xi32, #tpu.memory_space<hbm>>
        tpu.wait_dma2 semaphore(%arg21 : memref<!tpu.dma_semaphore, #tpu.memory_space<semaphore_mem>>) src(%dma_wait3A_234 : memref<1024xi32, #tpu.memory_space<hbm>>) dst(%arg10 : memref<1024xi32, #tpu.memory_space<vmem>>)
        %dma_wait3A_235 = arith.constant 0 : i32
        %dma_wait3A_236 = tpu.memref_slice %arg4[%dma_wait3A_235] : memref<819200xf32, #tpu.memory_space<hbm>> -> memref<1024xf32, #tpu.memory_space<hbm>>
        %dma_wait3A_237 = arith.constant 0 : i32
        %dma_wait3A_238 = tpu.memref_slice %arg4[%dma_wait3A_237] : memref<819200xf32, #tpu.memory_space<hbm>> -> memref<1024xf32, #tpu.memory_space<hbm>>
        tpu.wait_dma2 semaphore(%arg21 : memref<!tpu.dma_semaphore, #tpu.memory_space<semaphore_mem>>) src(%dma_wait3A_238 : memref<1024xf32, #tpu.memory_space<hbm>>) dst(%arg13 : memref<1024xf32, #tpu.memory_space<vmem>>)
        %scan3A_239 = arith.constant 0 : i32
        %scan3A_240 = arith.constant 0 : i32
        %scan3A_241 = arith.constant 64 : i32
        %scan3A_242 = arith.addi %scan3A_240, %scan3A_241 : i32
        %scan3A_243 = arith.constant 1 : i32
        %scan3A_244 = scf.for %scan3A_311 = %scan3A_240 to %scan3A_242 step %scan3A_243 iter_args(%scan3A_312 = %scan3A_239) -> (i32)  : i32 {
          %mul3A_313 = arith.constant 16 : i32
          %mul3A_314 = arith.muli %scan3A_311, %mul3A_313 : i32
          %get3A = arith.index_cast %mul3A_314 : i32 to index
          %get3A_315 = tpu.vector_load %arg7[%get3A] {strides = array<i32>} : memref<1024xi32, #tpu.memory_space<vmem>>, vector<16xi32>,
          %add3A_316 = vector.broadcast %mul3A_14 : i32 to vector<16xi32>
          %add3A_317 = arith.addi %get3A_315, %add3A_316 : vector<16xi32>
          %swap3A = arith.index_cast %mul3A_314 : i32 to index
          %swap3A_318 = tpu.vector_load %arg7[%swap3A] {strides = array<i32>} : memref<1024xi32, #tpu.memory_space<vmem>>, vector<16xi32>,
          tpu.vector_store %arg7[%swap3A], %add3A_317 {strides = array<i32>} : memref<1024xi32, #tpu.memory_space<vmem>>, vector<16xi32>,
          %scan3A_319 = arith.constant 0 : i32
          scf.yield %scan3A_319 : i32
        }
        %scan3A_245 = arith.constant 64 : i32
        %dma_start3A_246 = arith.constant 0 : i32
        %dma_start3A_247 = arith.constant 0 : i32
        %dma_start3A_248 = tpu.memref_slice %arg5[%dma_start3A_246, %dma_start3A_247] : memref<204800x16xf32, #tpu.memory_space<hbm>> -> memref<204800x16xf32, #tpu.memory_space<hbm>>
        tpu.enqueue_indirect_dma source(%dma_start3A_248 : memref<204800x16xf32, #tpu.memory_space<hbm>>) target(%arg16 : memref<1024x16xf32, #tpu.memory_space<vmem>>) offsets(%arg7 : memref<1024xi32, #tpu.memory_space<vmem>>) semaphore(%arg24 : memref<!tpu.dma_semaphore, #tpu.memory_space<semaphore_mem>>)
        %scan3A_249 = arith.constant 0 : i32
        %scan3A_250 = arith.constant 0 : i32
        %scan3A_251 = arith.constant 64 : i32
        %scan3A_252 = arith.addi %scan3A_250, %scan3A_251 : i32
        %scan3A_253 = arith.constant 1 : i32
        %scan3A_254 = scf.for %scan3A_311 = %scan3A_250 to %scan3A_252 step %scan3A_253 iter_args(%scan3A_312 = %scan3A_249) -> (i32)  : i32 {
          %mul3A_313 = arith.constant 16 : i32
          %mul3A_314 = arith.muli %scan3A_311, %mul3A_313 : i32
          %get3A = arith.index_cast %mul3A_314 : i32 to index
          %get3A_315 = tpu.vector_load %arg15[%get3A] {strides = array<i32>} : memref<1024xf32, #tpu.memory_space<vmem>>, vector<16xf32>,
          %mul3A_316 = arith.constant 16 : i32
          %mul3A_317 = arith.muli %scan3A_311, %mul3A_316 : i32
          %add3A_318 = arith.constant 0 : i32
          %add3A_319 = arith.addi %mul3A_317, %add3A_318 : i32
          %get3A_320 = arith.index_cast %add3A_319 : i32 to index
          %get3A_321 = arith.constant 0 : index
          %get3A_322 = tpu.vector_load %arg18[%get3A_320, %get3A_321] {strides = array<i32>} : memref<1024x16xf32, #tpu.memory_space<vmem>>, vector<1x16xf32>,
          %get3A_323 = vector.shape_cast %get3A_322 : vector<1x16xf32> to vector<16xf32>
          %slice3A = vector.extract_strided_slice %get3A_315 {offsets = [0], sizes = [1], strides = [1]} : vector<16xf32> to vector<1xf32>
          %squeeze3A = vector.extract %slice3A[0] : f32 from vector<1xf32>
          %mul3A_324 = vector.broadcast %squeeze3A : f32 to vector<16xf32>
          %mul3A_325 = arith.mulf %get3A_323, %mul3A_324 : vector<16xf32>
          %add3A_326 = arith.constant 0 : i32
          %add3A_327 = arith.addi %mul3A_317, %add3A_326 : i32
          %swap3A = arith.index_cast %add3A_327 : i32 to index
          %swap3A_328 = arith.constant 0 : index
          %swap3A_329 = tpu.vector_load %arg18[%swap3A, %swap3A_328] {strides = array<i32>} : memref<1024x16xf32, #tpu.memory_space<vmem>>, vector<1x16xf32>,
          %swap3A_330 = vector.shape_cast %swap3A_329 : vector<1x16xf32> to vector<16xf32>
          %swap3A_331 = vector.shape_cast %mul3A_325 : vector<16xf32> to vector<1x16xf32>
          tpu.vector_store %arg18[%swap3A, %swap3A_328], %swap3A_331 {strides = array<i32>} : memref<1024x16xf32, #tpu.memory_space<vmem>>, vector<1x16xf32>,
          %add3A_332 = arith.constant 1 : i32
          %add3A_333 = arith.addi %mul3A_317, %add3A_332 : i32
          %get3A_334 = arith.index_cast %add3A_333 : i32 to index
          %get3A_335 = arith.constant 0 : index
          %get3A_336 = tpu.vector_load %arg18[%get3A_334, %get3A_335] {strides = array<i32>} : memref<1024x16xf32, #tpu.memory_space<vmem>>, vector<1x16xf32>,
          %get3A_337 = vector.shape_cast %get3A_336 : vector<1x16xf32> to vector<16xf32>
          %slice3A_338 = vector.extract_strided_slice %get3A_315 {offsets = [1], sizes = [1], strides = [1]} : vector<16xf32> to vector<1xf32>
          %squeeze3A_339 = vector.extract %slice3A_338[0] : f32 from vector<1xf32>
          %mul3A_340 = vector.broadcast %squeeze3A_339 : f32 to vector<16xf32>
          %mul3A_341 = arith.mulf %get3A_337, %mul3A_340 : vector<16xf32>
          %add3A_342 = arith.constant 1 : i32
          %add3A_343 = arith.addi %mul3A_317, %add3A_342 : i32
          %swap3A_344 = arith.index_cast %add3A_343 : i32 to index
          %swap3A_345 = arith.constant 0 : index
          %swap3A_346 = tpu.vector_load %arg18[%swap3A_344, %swap3A_345] {strides = array<i32>} : memref<1024x16xf32, #tpu.memory_space<vmem>>, vector<1x16xf32>,
          %swap3A_347 = vector.shape_cast %swap3A_346 : vector<1x16xf32> to vector<16xf32>
          %swap3A_348 = vector.shape_cast %mul3A_341 : vector<16xf32> to vector<1x16xf32>
          tpu.vector_store %arg18[%swap3A_344, %swap3A_345], %swap3A_348 {strides = array<i32>} : memref<1024x16xf32, #tpu.memory_space<vmem>>, vector<1x16xf32>,
          %add3A_349 = arith.constant 2 : i32
          %add3A_350 = arith.addi %mul3A_317, %add3A_349 : i32
          %get3A_351 = arith.index_cast %add3A_350 : i32 to index
          %get3A_352 = arith.constant 0 : index
          %get3A_353 = tpu.vector_load %arg18[%get3A_351, %get3A_352] {strides = array<i32>} : memref<1024x16xf32, #tpu.memory_space<vmem>>, vector<1x16xf32>,
          %get3A_354 = vector.shape_cast %get3A_353 : vector<1x16xf32> to vector<16xf32>
          %slice3A_355 = vector.extract_strided_slice %get3A_315 {offsets = [2], sizes = [1], strides = [1]} : vector<16xf32> to vector<1xf32>
          %squeeze3A_356 = vector.extract %slice3A_355[0] : f32 from vector<1xf32>
          %mul3A_357 = vector.broadcast %squeeze3A_356 : f32 to vector<16xf32>
          %mul3A_358 = arith.mulf %get3A_354, %mul3A_357 : vector<16xf32>
          %add3A_359 = arith.constant 2 : i32
          %add3A_360 = arith.addi %mul3A_317, %add3A_359 : i32
          %swap3A_361 = arith.index_cast %add3A_360 : i32 to index
          %swap3A_362 = arith.constant 0 : index
          %swap3A_363 = tpu.vector_load %arg18[%swap3A_361, %swap3A_362] {strides = array<i32>} : memref<1024x16xf32, #tpu.memory_space<vmem>>, vector<1x16xf32>,
          %swap3A_364 = vector.shape_cast %swap3A_363 : vector<1x16xf32> to vector<16xf32>
          %swap3A_365 = vector.shape_cast %mul3A_358 : vector<16xf32> to vector<1x16xf32>
          tpu.vector_store %arg18[%swap3A_361, %swap3A_362], %swap3A_365 {strides = array<i32>} : memref<1024x16xf32, #tpu.memory_space<vmem>>, vector<1x16xf32>,
          %add3A_366 = arith.constant 3 : i32
          %add3A_367 = arith.addi %mul3A_317, %add3A_366 : i32
          %get3A_368 = arith.index_cast %add3A_367 : i32 to index
          %get3A_369 = arith.constant 0 : index
          %get3A_370 = tpu.vector_load %arg18[%get3A_368, %get3A_369] {strides = array<i32>} : memref<1024x16xf32, #tpu.memory_space<vmem>>, vector<1x16xf32>,
          %get3A_371 = vector.shape_cast %get3A_370 : vector<1x16xf32> to vector<16xf32>
          %slice3A_372 = vector.extract_strided_slice %get3A_315 {offsets = [3], sizes = [1], strides = [1]} : vector<16xf32> to vector<1xf32>
          %squeeze3A_373 = vector.extract %slice3A_372[0] : f32 from vector<1xf32>
          %mul3A_374 = vector.broadcast %squeeze3A_373 : f32 to vector<16xf32>
          %mul3A_375 = arith.mulf %get3A_371, %mul3A_374 : vector<16xf32>
          %add3A_376 = arith.constant 3 : i32
          %add3A_377 = arith.addi %mul3A_317, %add3A_376 : i32
          %swap3A_378 = arith.index_cast %add3A_377 : i32 to index
          %swap3A_379 = arith.constant 0 : index
          %swap3A_380 = tpu.vector_load %arg18[%swap3A_378, %swap3A_379] {strides = array<i32>} : memref<1024x16xf32, #tpu.memory_space<vmem>>, vector<1x16xf32>,
          %swap3A_381 = vector.shape_cast %swap3A_380 : vector<1x16xf32> to vector<16xf32>
          %swap3A_382 = vector.shape_cast %mul3A_375 : vector<16xf32> to vector<1x16xf32>
          tpu.vector_store %arg18[%swap3A_378, %swap3A_379], %swap3A_382 {strides = array<i32>} : memref<1024x16xf32, #tpu.memory_space<vmem>>, vector<1x16xf32>,
          %add3A_383 = arith.constant 4 : i32
          %add3A_384 = arith.addi %mul3A_317, %add3A_383 : i32
          %get3A_385 = arith.index_cast %add3A_384 : i32 to index
          %get3A_386 = arith.constant 0 : index
          %get3A_387 = tpu.vector_load %arg18[%get3A_385, %get3A_386] {strides = array<i32>} : memref<1024x16xf32, #tpu.memory_space<vmem>>, vector<1x16xf32>,
          %get3A_388 = vector.shape_cast %get3A_387 : vector<1x16xf32> to vector<16xf32>
          %slice3A_389 = vector.extract_strided_slice %get3A_315 {offsets = [4], sizes = [1], strides = [1]} : vector<16xf32> to vector<1xf32>
          %squeeze3A_390 = vector.extract %slice3A_389[0] : f32 from vector<1xf32>
          %mul3A_391 = vector.broadcast %squeeze3A_390 : f32 to vector<16xf32>
          %mul3A_392 = arith.mulf %get3A_388, %mul3A_391 : vector<16xf32>
          %add3A_393 = arith.constant 4 : i32
          %add3A_394 = arith.addi %mul3A_317, %add3A_393 : i32
          %swap3A_395 = arith.index_cast %add3A_394 : i32 to index
          %swap3A_396 = arith.constant 0 : index
          %swap3A_397 = tpu.vector_load %arg18[%swap3A_395, %swap3A_396] {strides = array<i32>} : memref<1024x16xf32, #tpu.memory_space<vmem>>, vector<1x16xf32>,
          %swap3A_398 = vector.shape_cast %swap3A_397 : vector<1x16xf32> to vector<16xf32>
          %swap3A_399 = vector.shape_cast %mul3A_392 : vector<16xf32> to vector<1x16xf32>
          tpu.vector_store %arg18[%swap3A_395, %swap3A_396], %swap3A_399 {strides = array<i32>} : memref<1024x16xf32, #tpu.memory_space<vmem>>, vector<1x16xf32>,
          %add3A_400 = arith.constant 5 : i32
          %add3A_401 = arith.addi %mul3A_317, %add3A_400 : i32
          %get3A_402 = arith.index_cast %add3A_401 : i32 to index
          %get3A_403 = arith.constant 0 : index
          %get3A_404 = tpu.vector_load %arg18[%get3A_402, %get3A_403] {strides = array<i32>} : memref<1024x16xf32, #tpu.memory_space<vmem>>, vector<1x16xf32>,
          %get3A_405 = vector.shape_cast %get3A_404 : vector<1x16xf32> to vector<16xf32>
          %slice3A_406 = vector.extract_strided_slice %get3A_315 {offsets = [5], sizes = [1], strides = [1]} : vector<16xf32> to vector<1xf32>
          %squeeze3A_407 = vector.extract %slice3A_406[0] : f32 from vector<1xf32>
          %mul3A_408 = vector.broadcast %squeeze3A_407 : f32 to vector<16xf32>
          %mul3A_409 = arith.mulf %get3A_405, %mul3A_408 : vector<16xf32>
          %add3A_410 = arith.constant 5 : i32
          %add3A_411 = arith.addi %mul3A_317, %add3A_410 : i32
          %swap3A_412 = arith.index_cast %add3A_411 : i32 to index
          %swap3A_413 = arith.constant 0 : index
          %swap3A_414 = tpu.vector_load %arg18[%swap3A_412, %swap3A_413] {strides = array<i32>} : memref<1024x16xf32, #tpu.memory_space<vmem>>, vector<1x16xf32>,
          %swap3A_415 = vector.shape_cast %swap3A_414 : vector<1x16xf32> to vector<16xf32>
          %swap3A_416 = vector.shape_cast %mul3A_409 : vector<16xf32> to vector<1x16xf32>
          tpu.vector_store %arg18[%swap3A_412, %swap3A_413], %swap3A_416 {strides = array<i32>} : memref<1024x16xf32, #tpu.memory_space<vmem>>, vector<1x16xf32>,
          %add3A_417 = arith.constant 6 : i32
          %add3A_418 = arith.addi %mul3A_317, %add3A_417 : i32
          %get3A_419 = arith.index_cast %add3A_418 : i32 to index
          %get3A_420 = arith.constant 0 : index
          %get3A_421 = tpu.vector_load %arg18[%get3A_419, %get3A_420] {strides = array<i32>} : memref<1024x16xf32, #tpu.memory_space<vmem>>, vector<1x16xf32>,
          %get3A_422 = vector.shape_cast %get3A_421 : vector<1x16xf32> to vector<16xf32>
          %slice3A_423 = vector.extract_strided_slice %get3A_315 {offsets = [6], sizes = [1], strides = [1]} : vector<16xf32> to vector<1xf32>
          %squeeze3A_424 = vector.extract %slice3A_423[0] : f32 from vector<1xf32>
          %mul3A_425 = vector.broadcast %squeeze3A_424 : f32 to vector<16xf32>
          %mul3A_426 = arith.mulf %get3A_422, %mul3A_425 : vector<16xf32>
          %add3A_427 = arith.constant 6 : i32
          %add3A_428 = arith.addi %mul3A_317, %add3A_427 : i32
          %swap3A_429 = arith.index_cast %add3A_428 : i32 to index
          %swap3A_430 = arith.constant 0 : index
          %swap3A_431 = tpu.vector_load %arg18[%swap3A_429, %swap3A_430] {strides = array<i32>} : memref<1024x16xf32, #tpu.memory_space<vmem>>, vector<1x16xf32>,
          %swap3A_432 = vector.shape_cast %swap3A_431 : vector<1x16xf32> to vector<16xf32>
          %swap3A_433 = vector.shape_cast %mul3A_426 : vector<16xf32> to vector<1x16xf32>
          tpu.vector_store %arg18[%swap3A_429, %swap3A_430], %swap3A_433 {strides = array<i32>} : memref<1024x16xf32, #tpu.memory_space<vmem>>, vector<1x16xf32>,
          %add3A_434 = arith.constant 7 : i32
          %add3A_435 = arith.addi %mul3A_317, %add3A_434 : i32
          %get3A_436 = arith.index_cast %add3A_435 : i32 to index
          %get3A_437 = arith.constant 0 : index
          %get3A_438 = tpu.vector_load %arg18[%get3A_436, %get3A_437] {strides = array<i32>} : memref<1024x16xf32, #tpu.memory_space<vmem>>, vector<1x16xf32>,
          %get3A_439 = vector.shape_cast %get3A_438 : vector<1x16xf32> to vector<16xf32>
          %slice3A_440 = vector.extract_strided_slice %get3A_315 {offsets = [7], sizes = [1], strides = [1]} : vector<16xf32> to vector<1xf32>
          %squeeze3A_441 = vector.extract %slice3A_440[0] : f32 from vector<1xf32>
          %mul3A_442 = vector.broadcast %squeeze3A_441 : f32 to vector<16xf32>
          %mul3A_443 = arith.mulf %get3A_439, %mul3A_442 : vector<16xf32>
          %add3A_444 = arith.constant 7 : i32
          %add3A_445 = arith.addi %mul3A_317, %add3A_444 : i32
          %swap3A_446 = arith.index_cast %add3A_445 : i32 to index
          %swap3A_447 = arith.constant 0 : index
          %swap3A_448 = tpu.vector_load %arg18[%swap3A_446, %swap3A_447] {strides = array<i32>} : memref<1024x16xf32, #tpu.memory_space<vmem>>, vector<1x16xf32>,
          %swap3A_449 = vector.shape_cast %swap3A_448 : vector<1x16xf32> to vector<16xf32>
          %swap3A_450 = vector.shape_cast %mul3A_443 : vector<16xf32> to vector<1x16xf32>
          tpu.vector_store %arg18[%swap3A_446, %swap3A_447], %swap3A_450 {strides = array<i32>} : memref<1024x16xf32, #tpu.memory_space<vmem>>, vector<1x16xf32>,
          %add3A_451 = arith.constant 8 : i32
          %add3A_452 = arith.addi %mul3A_317, %add3A_451 : i32
          %get3A_453 = arith.index_cast %add3A_452 : i32 to index
          %get3A_454 = arith.constant 0 : index
          %get3A_455 = tpu.vector_load %arg18[%get3A_453, %get3A_454] {strides = array<i32>} : memref<1024x16xf32, #tpu.memory_space<vmem>>, vector<1x16xf32>,
          %get3A_456 = vector.shape_cast %get3A_455 : vector<1x16xf32> to vector<16xf32>
          %slice3A_457 = vector.extract_strided_slice %get3A_315 {offsets = [8], sizes = [1], strides = [1]} : vector<16xf32> to vector<1xf32>
          %squeeze3A_458 = vector.extract %slice3A_457[0] : f32 from vector<1xf32>
          %mul3A_459 = vector.broadcast %squeeze3A_458 : f32 to vector<16xf32>
          %mul3A_460 = arith.mulf %get3A_456, %mul3A_459 : vector<16xf32>
          %add3A_461 = arith.constant 8 : i32
          %add3A_462 = arith.addi %mul3A_317, %add3A_461 : i32
          %swap3A_463 = arith.index_cast %add3A_462 : i32 to index
          %swap3A_464 = arith.constant 0 : index
          %swap3A_465 = tpu.vector_load %arg18[%swap3A_463, %swap3A_464] {strides = array<i32>} : memref<1024x16xf32, #tpu.memory_space<vmem>>, vector<1x16xf32>,
          %swap3A_466 = vector.shape_cast %swap3A_465 : vector<1x16xf32> to vector<16xf32>
          %swap3A_467 = vector.shape_cast %mul3A_460 : vector<16xf32> to vector<1x16xf32>
          tpu.vector_store %arg18[%swap3A_463, %swap3A_464], %swap3A_467 {strides = array<i32>} : memref<1024x16xf32, #tpu.memory_space<vmem>>, vector<1x16xf32>,
          %add3A_468 = arith.constant 9 : i32
          %add3A_469 = arith.addi %mul3A_317, %add3A_468 : i32
          %get3A_470 = arith.index_cast %add3A_469 : i32 to index
          %get3A_471 = arith.constant 0 : index
          %get3A_472 = tpu.vector_load %arg18[%get3A_470, %get3A_471] {strides = array<i32>} : memref<1024x16xf32, #tpu.memory_space<vmem>>, vector<1x16xf32>,
          %get3A_473 = vector.shape_cast %get3A_472 : vector<1x16xf32> to vector<16xf32>
          %slice3A_474 = vector.extract_strided_slice %get3A_315 {offsets = [9], sizes = [1], strides = [1]} : vector<16xf32> to vector<1xf32>
          %squeeze3A_475 = vector.extract %slice3A_474[0] : f32 from vector<1xf32>
          %mul3A_476 = vector.broadcast %squeeze3A_475 : f32 to vector<16xf32>
          %mul3A_477 = arith.mulf %get3A_473, %mul3A_476 : vector<16xf32>
          %add3A_478 = arith.constant 9 : i32
          %add3A_479 = arith.addi %mul3A_317, %add3A_478 : i32
          %swap3A_480 = arith.index_cast %add3A_479 : i32 to index
          %swap3A_481 = arith.constant 0 : index
          %swap3A_482 = tpu.vector_load %arg18[%swap3A_480, %swap3A_481] {strides = array<i32>} : memref<1024x16xf32, #tpu.memory_space<vmem>>, vector<1x16xf32>,
          %swap3A_483 = vector.shape_cast %swap3A_482 : vector<1x16xf32> to vector<16xf32>
          %swap3A_484 = vector.shape_cast %mul3A_477 : vector<16xf32> to vector<1x16xf32>
          tpu.vector_store %arg18[%swap3A_480, %swap3A_481], %swap3A_484 {strides = array<i32>} : memref<1024x16xf32, #tpu.memory_space<vmem>>, vector<1x16xf32>,
          %add3A_485 = arith.constant 10 : i32
          %add3A_486 = arith.addi %mul3A_317, %add3A_485 : i32
          %get3A_487 = arith.index_cast %add3A_486 : i32 to index
          %get3A_488 = arith.constant 0 : index
          %get3A_489 = tpu.vector_load %arg18[%get3A_487, %get3A_488] {strides = array<i32>} : memref<1024x16xf32, #tpu.memory_space<vmem>>, vector<1x16xf32>,
          %get3A_490 = vector.shape_cast %get3A_489 : vector<1x16xf32> to vector<16xf32>
          %slice3A_491 = vector.extract_strided_slice %get3A_315 {offsets = [10], sizes = [1], strides = [1]} : vector<16xf32> to vector<1xf32>
          %squeeze3A_492 = vector.extract %slice3A_491[0] : f32 from vector<1xf32>
          %mul3A_493 = vector.broadcast %squeeze3A_492 : f32 to vector<16xf32>
          %mul3A_494 = arith.mulf %get3A_490, %mul3A_493 : vector<16xf32>
          %add3A_495 = arith.constant 10 : i32
          %add3A_496 = arith.addi %mul3A_317, %add3A_495 : i32
          %swap3A_497 = arith.index_cast %add3A_496 : i32 to index
          %swap3A_498 = arith.constant 0 : index
          %swap3A_499 = tpu.vector_load %arg18[%swap3A_497, %swap3A_498] {strides = array<i32>} : memref<1024x16xf32, #tpu.memory_space<vmem>>, vector<1x16xf32>,
          %swap3A_500 = vector.shape_cast %swap3A_499 : vector<1x16xf32> to vector<16xf32>
          %swap3A_501 = vector.shape_cast %mul3A_494 : vector<16xf32> to vector<1x16xf32>
          tpu.vector_store %arg18[%swap3A_497, %swap3A_498], %swap3A_501 {strides = array<i32>} : memref<1024x16xf32, #tpu.memory_space<vmem>>, vector<1x16xf32>,
          %add3A_502 = arith.constant 11 : i32
          %add3A_503 = arith.addi %mul3A_317, %add3A_502 : i32
          %get3A_504 = arith.index_cast %add3A_503 : i32 to index
          %get3A_505 = arith.constant 0 : index
          %get3A_506 = tpu.vector_load %arg18[%get3A_504, %get3A_505] {strides = array<i32>} : memref<1024x16xf32, #tpu.memory_space<vmem>>, vector<1x16xf32>,
          %get3A_507 = vector.shape_cast %get3A_506 : vector<1x16xf32> to vector<16xf32>
          %slice3A_508 = vector.extract_strided_slice %get3A_315 {offsets = [11], sizes = [1], strides = [1]} : vector<16xf32> to vector<1xf32>
          %squeeze3A_509 = vector.extract %slice3A_508[0] : f32 from vector<1xf32>
          %mul3A_510 = vector.broadcast %squeeze3A_509 : f32 to vector<16xf32>
          %mul3A_511 = arith.mulf %get3A_507, %mul3A_510 : vector<16xf32>
          %add3A_512 = arith.constant 11 : i32
          %add3A_513 = arith.addi %mul3A_317, %add3A_512 : i32
          %swap3A_514 = arith.index_cast %add3A_513 : i32 to index
          %swap3A_515 = arith.constant 0 : index
          %swap3A_516 = tpu.vector_load %arg18[%swap3A_514, %swap3A_515] {strides = array<i32>} : memref<1024x16xf32, #tpu.memory_space<vmem>>, vector<1x16xf32>,
          %swap3A_517 = vector.shape_cast %swap3A_516 : vector<1x16xf32> to vector<16xf32>
          %swap3A_518 = vector.shape_cast %mul3A_511 : vector<16xf32> to vector<1x16xf32>
          tpu.vector_store %arg18[%swap3A_514, %swap3A_515], %swap3A_518 {strides = array<i32>} : memref<1024x16xf32, #tpu.memory_space<vmem>>, vector<1x16xf32>,
          %add3A_519 = arith.constant 12 : i32
          %add3A_520 = arith.addi %mul3A_317, %add3A_519 : i32
          %get3A_521 = arith.index_cast %add3A_520 : i32 to index
          %get3A_522 = arith.constant 0 : index
          %get3A_523 = tpu.vector_load %arg18[%get3A_521, %get3A_522] {strides = array<i32>} : memref<1024x16xf32, #tpu.memory_space<vmem>>, vector<1x16xf32>,
          %get3A_524 = vector.shape_cast %get3A_523 : vector<1x16xf32> to vector<16xf32>
          %slice3A_525 = vector.extract_strided_slice %get3A_315 {offsets = [12], sizes = [1], strides = [1]} : vector<16xf32> to vector<1xf32>
          %squeeze3A_526 = vector.extract %slice3A_525[0] : f32 from vector<1xf32>
          %mul3A_527 = vector.broadcast %squeeze3A_526 : f32 to vector<16xf32>
          %mul3A_528 = arith.mulf %get3A_524, %mul3A_527 : vector<16xf32>
          %add3A_529 = arith.constant 12 : i32
          %add3A_530 = arith.addi %mul3A_317, %add3A_529 : i32
          %swap3A_531 = arith.index_cast %add3A_530 : i32 to index
          %swap3A_532 = arith.constant 0 : index
          %swap3A_533 = tpu.vector_load %arg18[%swap3A_531, %swap3A_532] {strides = array<i32>} : memref<1024x16xf32, #tpu.memory_space<vmem>>, vector<1x16xf32>,
          %swap3A_534 = vector.shape_cast %swap3A_533 : vector<1x16xf32> to vector<16xf32>
          %swap3A_535 = vector.shape_cast %mul3A_528 : vector<16xf32> to vector<1x16xf32>
          tpu.vector_store %arg18[%swap3A_531, %swap3A_532], %swap3A_535 {strides = array<i32>} : memref<1024x16xf32, #tpu.memory_space<vmem>>, vector<1x16xf32>,
          %add3A_536 = arith.constant 13 : i32
          %add3A_537 = arith.addi %mul3A_317, %add3A_536 : i32
          %get3A_538 = arith.index_cast %add3A_537 : i32 to index
          %get3A_539 = arith.constant 0 : index
          %get3A_540 = tpu.vector_load %arg18[%get3A_538, %get3A_539] {strides = array<i32>} : memref<1024x16xf32, #tpu.memory_space<vmem>>, vector<1x16xf32>,
          %get3A_541 = vector.shape_cast %get3A_540 : vector<1x16xf32> to vector<16xf32>
          %slice3A_542 = vector.extract_strided_slice %get3A_315 {offsets = [13], sizes = [1], strides = [1]} : vector<16xf32> to vector<1xf32>
          %squeeze3A_543 = vector.extract %slice3A_542[0] : f32 from vector<1xf32>
          %mul3A_544 = vector.broadcast %squeeze3A_543 : f32 to vector<16xf32>
          %mul3A_545 = arith.mulf %get3A_541, %mul3A_544 : vector<16xf32>
          %add3A_546 = arith.constant 13 : i32
          %add3A_547 = arith.addi %mul3A_317, %add3A_546 : i32
          %swap3A_548 = arith.index_cast %add3A_547 : i32 to index
          %swap3A_549 = arith.constant 0 : index
          %swap3A_550 = tpu.vector_load %arg18[%swap3A_548, %swap3A_549] {strides = array<i32>} : memref<1024x16xf32, #tpu.memory_space<vmem>>, vector<1x16xf32>,
          %swap3A_551 = vector.shape_cast %swap3A_550 : vector<1x16xf32> to vector<16xf32>
          %swap3A_552 = vector.shape_cast %mul3A_545 : vector<16xf32> to vector<1x16xf32>
          tpu.vector_store %arg18[%swap3A_548, %swap3A_549], %swap3A_552 {strides = array<i32>} : memref<1024x16xf32, #tpu.memory_space<vmem>>, vector<1x16xf32>,
          %add3A_553 = arith.constant 14 : i32
          %add3A_554 = arith.addi %mul3A_317, %add3A_553 : i32
          %get3A_555 = arith.index_cast %add3A_554 : i32 to index
          %get3A_556 = arith.constant 0 : index
          %get3A_557 = tpu.vector_load %arg18[%get3A_555, %get3A_556] {strides = array<i32>} : memref<1024x16xf32, #tpu.memory_space<vmem>>, vector<1x16xf32>,
          %get3A_558 = vector.shape_cast %get3A_557 : vector<1x16xf32> to vector<16xf32>
          %slice3A_559 = vector.extract_strided_slice %get3A_315 {offsets = [14], sizes = [1], strides = [1]} : vector<16xf32> to vector<1xf32>
          %squeeze3A_560 = vector.extract %slice3A_559[0] : f32 from vector<1xf32>
          %mul3A_561 = vector.broadcast %squeeze3A_560 : f32 to vector<16xf32>
          %mul3A_562 = arith.mulf %get3A_558, %mul3A_561 : vector<16xf32>
          %add3A_563 = arith.constant 14 : i32
          %add3A_564 = arith.addi %mul3A_317, %add3A_563 : i32
          %swap3A_565 = arith.index_cast %add3A_564 : i32 to index
          %swap3A_566 = arith.constant 0 : index
          %swap3A_567 = tpu.vector_load %arg18[%swap3A_565, %swap3A_566] {strides = array<i32>} : memref<1024x16xf32, #tpu.memory_space<vmem>>, vector<1x16xf32>,
          %swap3A_568 = vector.shape_cast %swap3A_567 : vector<1x16xf32> to vector<16xf32>
          %swap3A_569 = vector.shape_cast %mul3A_562 : vector<16xf32> to vector<1x16xf32>
          tpu.vector_store %arg18[%swap3A_565, %swap3A_566], %swap3A_569 {strides = array<i32>} : memref<1024x16xf32, #tpu.memory_space<vmem>>, vector<1x16xf32>,
          %add3A_570 = arith.constant 15 : i32
          %add3A_571 = arith.addi %mul3A_317, %add3A_570 : i32
          %get3A_572 = arith.index_cast %add3A_571 : i32 to index
          %get3A_573 = arith.constant 0 : index
          %get3A_574 = tpu.vector_load %arg18[%get3A_572, %get3A_573] {strides = array<i32>} : memref<1024x16xf32, #tpu.memory_space<vmem>>, vector<1x16xf32>,
          %get3A_575 = vector.shape_cast %get3A_574 : vector<1x16xf32> to vector<16xf32>
          %slice3A_576 = vector.extract_strided_slice %get3A_315 {offsets = [15], sizes = [1], strides = [1]} : vector<16xf32> to vector<1xf32>
          %squeeze3A_577 = vector.extract %slice3A_576[0] : f32 from vector<1xf32>
          %mul3A_578 = vector.broadcast %squeeze3A_577 : f32 to vector<16xf32>
          %mul3A_579 = arith.mulf %get3A_575, %mul3A_578 : vector<16xf32>
          %add3A_580 = arith.constant 15 : i32
          %add3A_581 = arith.addi %mul3A_317, %add3A_580 : i32
          %swap3A_582 = arith.index_cast %add3A_581 : i32 to index
          %swap3A_583 = arith.constant 0 : index
          %swap3A_584 = tpu.vector_load %arg18[%swap3A_582, %swap3A_583] {strides = array<i32>} : memref<1024x16xf32, #tpu.memory_space<vmem>>, vector<1x16xf32>,
          %swap3A_585 = vector.shape_cast %swap3A_584 : vector<1x16xf32> to vector<16xf32>
          %swap3A_586 = vector.shape_cast %mul3A_579 : vector<16xf32> to vector<1x16xf32>
          tpu.vector_store %arg18[%swap3A_582, %swap3A_583], %swap3A_586 {strides = array<i32>} : memref<1024x16xf32, #tpu.memory_space<vmem>>, vector<1x16xf32>,
          %scan3A_587 = arith.constant 0 : i32
          scf.yield %scan3A_587 : i32
        }
        %scan3A_255 = arith.constant 64 : i32
        %dma_start3A_256 = arith.constant 0 : i32
        %dma_start3A_257 = arith.constant 0 : i32
        %dma_start3A_258 = tpu.memref_slice %arg20[%dma_start3A_256, %dma_start3A_257] : memref<51200x16xf32, #tpu.memory_space<vmem_shared>> -> memref<51200x16xf32, #tpu.memory_space<vmem_shared>>
        tpu.enqueue_indirect_dma source(%arg18 : memref<1024x16xf32, #tpu.memory_space<vmem>>) target(%dma_start3A_258 : memref<51200x16xf32, #tpu.memory_space<vmem_shared>>) offsets(%arg12 : memref<1024xi32, #tpu.memory_space<vmem>>) semaphore(%arg29 : memref<!tpu.dma_semaphore, #tpu.memory_space<semaphore_mem>>) {add = true}
        %add3A_259 = arith.constant 2 : i32
        %add3A_260 = arith.addi %add3A_158, %add3A_259 : i32
        %dma_wait3A_261 = arith.constant 0 : i32
        %dma_wait3A_262 = arith.constant 0 : i32
        %dma_wait3A_263 = tpu.memref_slice %arg20[%dma_wait3A_261, %dma_wait3A_262] : memref<51200x16xf32, #tpu.memory_space<vmem_shared>> -> memref<51200x16xf32, #tpu.memory_space<vmem_shared>>
        tpu.wait_indirect_dma semaphore(%arg29 : memref<!tpu.dma_semaphore, #tpu.memory_space<semaphore_mem>>) src(%arg18 : memref<1024x16xf32, #tpu.memory_space<vmem>>) dst(%dma_wait3A_263 : memref<51200x16xf32, #tpu.memory_space<vmem_shared>>)
        %add3A_264 = arith.constant 2 : i32
        %add3A_265 = arith.addi %add3A_260, %add3A_264 : i32
        %mul3A_266 = arith.constant 1024 : i32
        %mul3A_267 = arith.muli %add3A_265, %mul3A_266 : i32
        %add3A_268 = arith.addi %mul3A_2, %mul3A_267 : i32
        %dma_start3A_269 = tpu.memref_slice %arg2[%add3A_268] : memref<819200xi32, #tpu.memory_space<hbm>> -> memref<1024xi32, #tpu.memory_space<hbm>>
        %dma_start3A_270 = tpu.memref_slice %arg2[%add3A_268] : memref<819200xi32, #tpu.memory_space<hbm>> -> memref<1024xi32, #tpu.memory_space<hbm>>
        tpu.enqueue_dma source(%dma_start3A_270 : memref<1024xi32, #tpu.memory_space<hbm>>) target(%arg9 : memref<1024xi32, #tpu.memory_space<vmem>>) target_semaphore(%arg23 : memref<!tpu.dma_semaphore, #tpu.memory_space<semaphore_mem>>)
        %dma_start3A_271 = tpu.memref_slice %arg3[%add3A_268] : memref<819200xi32, #tpu.memory_space<hbm>> -> memref<1024xi32, #tpu.memory_space<hbm>>
        %dma_start3A_272 = tpu.memref_slice %arg3[%add3A_268] : memref<819200xi32, #tpu.memory_space<hbm>> -> memref<1024xi32, #tpu.memory_space<hbm>>
        tpu.enqueue_dma source(%dma_start3A_272 : memref<1024xi32, #tpu.memory_space<hbm>>) target(%arg12 : memref<1024xi32, #tpu.memory_space<vmem>>) target_semaphore(%arg23 : memref<!tpu.dma_semaphore, #tpu.memory_space<semaphore_mem>>)
        %dma_start3A_273 = tpu.memref_slice %arg4[%add3A_268] : memref<819200xf32, #tpu.memory_space<hbm>> -> memref<1024xf32, #tpu.memory_space<hbm>>
        %dma_start3A_274 = tpu.memref_slice %arg4[%add3A_268] : memref<819200xf32, #tpu.memory_space<hbm>> -> memref<1024xf32, #tpu.memory_space<hbm>>
        tpu.enqueue_dma source(%dma_start3A_274 : memref<1024xf32, #tpu.memory_space<hbm>>) target(%arg15 : memref<1024xf32, #tpu.memory_space<vmem>>) target_semaphore(%arg23 : memref<!tpu.dma_semaphore, #tpu.memory_space<semaphore_mem>>)
        %dma_wait3A_275 = arith.constant 0 : i32
        %dma_wait3A_276 = arith.constant 0 : i32
        %dma_wait3A_277 = tpu.memref_slice %arg5[%dma_wait3A_275, %dma_wait3A_276] : memref<204800x16xf32, #tpu.memory_space<hbm>> -> memref<204800x16xf32, #tpu.memory_space<hbm>>
        tpu.wait_indirect_dma semaphore(%arg24 : memref<!tpu.dma_semaphore, #tpu.memory_space<semaphore_mem>>) src(%dma_wait3A_277 : memref<204800x16xf32, #tpu.memory_space<hbm>>) dst(%arg16 : memref<1024x16xf32, #tpu.memory_space<vmem>>)
        %dma_wait3A_278 = arith.constant 0 : i32
        %dma_wait3A_279 = tpu.memref_slice %arg2[%dma_wait3A_278] : memref<819200xi32, #tpu.memory_space<hbm>> -> memref<1024xi32, #tpu.memory_space<hbm>>
        %dma_wait3A_280 = arith.constant 0 : i32
        %dma_wait3A_281 = tpu.memref_slice %arg2[%dma_wait3A_280] : memref<819200xi32, #tpu.memory_space<hbm>> -> memref<1024xi32, #tpu.memory_space<hbm>>
        tpu.wait_dma2 semaphore(%arg22 : memref<!tpu.dma_semaphore, #tpu.memory_space<semaphore_mem>>) src(%dma_wait3A_281 : memref<1024xi32, #tpu.memory_space<hbm>>) dst(%arg8 : memref<1024xi32, #tpu.memory_space<vmem>>)
        %dma_wait3A_282 = arith.constant 0 : i32
        %dma_wait3A_283 = tpu.memref_slice %arg3[%dma_wait3A_282] : memref<819200xi32, #tpu.memory_space<hbm>> -> memref<1024xi32, #tpu.memory_space<hbm>>
        %dma_wait3A_284 = arith.constant 0 : i32
        %dma_wait3A_285 = tpu.memref_slice %arg3[%dma_wait3A_284] : memref<819200xi32, #tpu.memory_space<hbm>> -> memref<1024xi32, #tpu.memory_space<hbm>>
        tpu.wait_dma2 semaphore(%arg22 : memref<!tpu.dma_semaphore, #tpu.memory_space<semaphore_mem>>) src(%dma_wait3A_285 : memref<1024xi32, #tpu.memory_space<hbm>>) dst(%arg11 : memref<1024xi32, #tpu.memory_space<vmem>>)
        %dma_wait3A_286 = arith.constant 0 : i32
        %dma_wait3A_287 = tpu.memref_slice %arg4[%dma_wait3A_286] : memref<819200xf32, #tpu.memory_space<hbm>> -> memref<1024xf32, #tpu.memory_space<hbm>>
        %dma_wait3A_288 = arith.constant 0 : i32
        %dma_wait3A_289 = tpu.memref_slice %arg4[%dma_wait3A_288] : memref<819200xf32, #tpu.memory_space<hbm>> -> memref<1024xf32, #tpu.memory_space<hbm>>
        tpu.wait_dma2 semaphore(%arg22 : memref<!tpu.dma_semaphore, #tpu.memory_space<semaphore_mem>>) src(%dma_wait3A_289 : memref<1024xf32, #tpu.memory_space<hbm>>) dst(%arg14 : memref<1024xf32, #tpu.memory_space<vmem>>)
        %scan3A_290 = arith.constant 0 : i32
        %scan3A_291 = arith.constant 0 : i32
        %scan3A_292 = arith.constant 64 : i32
        %scan3A_293 = arith.addi %scan3A_291, %scan3A_292 : i32
        %scan3A_294 = arith.constant 1 : i32
        %scan3A_295 = scf.for %scan3A_311 = %scan3A_291 to %scan3A_293 step %scan3A_294 iter_args(%scan3A_312 = %scan3A_290) -> (i32)  : i32 {
          %mul3A_313 = arith.constant 16 : i32
          %mul3A_314 = arith.muli %scan3A_311, %mul3A_313 : i32
          %get3A = arith.index_cast %mul3A_314 : i32 to index
          %get3A_315 = tpu.vector_load %arg8[%get3A] {strides = array<i32>} : memref<1024xi32, #tpu.memory_space<vmem>>, vector<16xi32>,
          %add3A_316 = vector.broadcast %mul3A_14 : i32 to vector<16xi32>
          %add3A_317 = arith.addi %get3A_315, %add3A_316 : vector<16xi32>
          %swap3A = arith.index_cast %mul3A_314 : i32 to index
          %swap3A_318 = tpu.vector_load %arg8[%swap3A] {strides = array<i32>} : memref<1024xi32, #tpu.memory_space<vmem>>, vector<16xi32>,
          tpu.vector_store %arg8[%swap3A], %add3A_317 {strides = array<i32>} : memref<1024xi32, #tpu.memory_space<vmem>>, vector<16xi32>,
          %scan3A_319 = arith.constant 0 : i32
          scf.yield %scan3A_319 : i32
        }
        %scan3A_296 = arith.constant 64 : i32
        %dma_start3A_297 = arith.constant 0 : i32
        %dma_start3A_298 = arith.constant 0 : i32
        %dma_start3A_299 = tpu.memref_slice %arg5[%dma_start3A_297, %dma_start3A_298] : memref<204800x16xf32, #tpu.memory_space<hbm>> -> memref<204800x16xf32, #tpu.memory_space<hbm>>
        tpu.enqueue_indirect_dma source(%dma_start3A_299 : memref<204800x16xf32, #tpu.memory_space<hbm>>) target(%arg17 : memref<1024x16xf32, #tpu.memory_space<vmem>>) offsets(%arg8 : memref<1024xi32, #tpu.memory_space<vmem>>) semaphore(%arg25 : memref<!tpu.dma_semaphore, #tpu.memory_space<semaphore_mem>>)
        %scan3A_300 = arith.constant 0 : i32
        %scan3A_301 = arith.constant 0 : i32
        %scan3A_302 = arith.constant 64 : i32
        %scan3A_303 = arith.addi %scan3A_301, %scan3A_302 : i32
        %scan3A_304 = arith.constant 1 : i32
        %scan3A_305 = scf.for %scan3A_311 = %scan3A_301 to %scan3A_303 step %scan3A_304 iter_args(%scan3A_312 = %scan3A_300) -> (i32)  : i32 {
          %mul3A_313 = arith.constant 16 : i32
          %mul3A_314 = arith.muli %scan3A_311, %mul3A_313 : i32
          %get3A = arith.index_cast %mul3A_314 : i32 to index
          %get3A_315 = tpu.vector_load %arg13[%get3A] {strides = array<i32>} : memref<1024xf32, #tpu.memory_space<vmem>>, vector<16xf32>,
          %mul3A_316 = arith.constant 16 : i32
          %mul3A_317 = arith.muli %scan3A_311, %mul3A_316 : i32
          %add3A_318 = arith.constant 0 : i32
          %add3A_319 = arith.addi %mul3A_317, %add3A_318 : i32
          %get3A_320 = arith.index_cast %add3A_319 : i32 to index
          %get3A_321 = arith.constant 0 : index
          %get3A_322 = tpu.vector_load %arg16[%get3A_320, %get3A_321] {strides = array<i32>} : memref<1024x16xf32, #tpu.memory_space<vmem>>, vector<1x16xf32>,
          %get3A_323 = vector.shape_cast %get3A_322 : vector<1x16xf32> to vector<16xf32>
          %slice3A = vector.extract_strided_slice %get3A_315 {offsets = [0], sizes = [1], strides = [1]} : vector<16xf32> to vector<1xf32>
          %squeeze3A = vector.extract %slice3A[0] : f32 from vector<1xf32>
          %mul3A_324 = vector.broadcast %squeeze3A : f32 to vector<16xf32>
          %mul3A_325 = arith.mulf %get3A_323, %mul3A_324 : vector<16xf32>
          %add3A_326 = arith.constant 0 : i32
          %add3A_327 = arith.addi %mul3A_317, %add3A_326 : i32
          %swap3A = arith.index_cast %add3A_327 : i32 to index
          %swap3A_328 = arith.constant 0 : index
          %swap3A_329 = tpu.vector_load %arg16[%swap3A, %swap3A_328] {strides = array<i32>} : memref<1024x16xf32, #tpu.memory_space<vmem>>, vector<1x16xf32>,
          %swap3A_330 = vector.shape_cast %swap3A_329 : vector<1x16xf32> to vector<16xf32>
          %swap3A_331 = vector.shape_cast %mul3A_325 : vector<16xf32> to vector<1x16xf32>
          tpu.vector_store %arg16[%swap3A, %swap3A_328], %swap3A_331 {strides = array<i32>} : memref<1024x16xf32, #tpu.memory_space<vmem>>, vector<1x16xf32>,
          %add3A_332 = arith.constant 1 : i32
          %add3A_333 = arith.addi %mul3A_317, %add3A_332 : i32
          %get3A_334 = arith.index_cast %add3A_333 : i32 to index
          %get3A_335 = arith.constant 0 : index
          %get3A_336 = tpu.vector_load %arg16[%get3A_334, %get3A_335] {strides = array<i32>} : memref<1024x16xf32, #tpu.memory_space<vmem>>, vector<1x16xf32>,
          %get3A_337 = vector.shape_cast %get3A_336 : vector<1x16xf32> to vector<16xf32>
          %slice3A_338 = vector.extract_strided_slice %get3A_315 {offsets = [1], sizes = [1], strides = [1]} : vector<16xf32> to vector<1xf32>
          %squeeze3A_339 = vector.extract %slice3A_338[0] : f32 from vector<1xf32>
          %mul3A_340 = vector.broadcast %squeeze3A_339 : f32 to vector<16xf32>
          %mul3A_341 = arith.mulf %get3A_337, %mul3A_340 : vector<16xf32>
          %add3A_342 = arith.constant 1 : i32
          %add3A_343 = arith.addi %mul3A_317, %add3A_342 : i32
          %swap3A_344 = arith.index_cast %add3A_343 : i32 to index
          %swap3A_345 = arith.constant 0 : index
          %swap3A_346 = tpu.vector_load %arg16[%swap3A_344, %swap3A_345] {strides = array<i32>} : memref<1024x16xf32, #tpu.memory_space<vmem>>, vector<1x16xf32>,
          %swap3A_347 = vector.shape_cast %swap3A_346 : vector<1x16xf32> to vector<16xf32>
          %swap3A_348 = vector.shape_cast %mul3A_341 : vector<16xf32> to vector<1x16xf32>
          tpu.vector_store %arg16[%swap3A_344, %swap3A_345], %swap3A_348 {strides = array<i32>} : memref<1024x16xf32, #tpu.memory_space<vmem>>, vector<1x16xf32>,
          %add3A_349 = arith.constant 2 : i32
          %add3A_350 = arith.addi %mul3A_317, %add3A_349 : i32
          %get3A_351 = arith.index_cast %add3A_350 : i32 to index
          %get3A_352 = arith.constant 0 : index
          %get3A_353 = tpu.vector_load %arg16[%get3A_351, %get3A_352] {strides = array<i32>} : memref<1024x16xf32, #tpu.memory_space<vmem>>, vector<1x16xf32>,
          %get3A_354 = vector.shape_cast %get3A_353 : vector<1x16xf32> to vector<16xf32>
          %slice3A_355 = vector.extract_strided_slice %get3A_315 {offsets = [2], sizes = [1], strides = [1]} : vector<16xf32> to vector<1xf32>
          %squeeze3A_356 = vector.extract %slice3A_355[0] : f32 from vector<1xf32>
          %mul3A_357 = vector.broadcast %squeeze3A_356 : f32 to vector<16xf32>
          %mul3A_358 = arith.mulf %get3A_354, %mul3A_357 : vector<16xf32>
          %add3A_359 = arith.constant 2 : i32
          %add3A_360 = arith.addi %mul3A_317, %add3A_359 : i32
          %swap3A_361 = arith.index_cast %add3A_360 : i32 to index
          %swap3A_362 = arith.constant 0 : index
          %swap3A_363 = tpu.vector_load %arg16[%swap3A_361, %swap3A_362] {strides = array<i32>} : memref<1024x16xf32, #tpu.memory_space<vmem>>, vector<1x16xf32>,
          %swap3A_364 = vector.shape_cast %swap3A_363 : vector<1x16xf32> to vector<16xf32>
          %swap3A_365 = vector.shape_cast %mul3A_358 : vector<16xf32> to vector<1x16xf32>
          tpu.vector_store %arg16[%swap3A_361, %swap3A_362], %swap3A_365 {strides = array<i32>} : memref<1024x16xf32, #tpu.memory_space<vmem>>, vector<1x16xf32>,
          %add3A_366 = arith.constant 3 : i32
          %add3A_367 = arith.addi %mul3A_317, %add3A_366 : i32
          %get3A_368 = arith.index_cast %add3A_367 : i32 to index
          %get3A_369 = arith.constant 0 : index
          %get3A_370 = tpu.vector_load %arg16[%get3A_368, %get3A_369] {strides = array<i32>} : memref<1024x16xf32, #tpu.memory_space<vmem>>, vector<1x16xf32>,
          %get3A_371 = vector.shape_cast %get3A_370 : vector<1x16xf32> to vector<16xf32>
          %slice3A_372 = vector.extract_strided_slice %get3A_315 {offsets = [3], sizes = [1], strides = [1]} : vector<16xf32> to vector<1xf32>
          %squeeze3A_373 = vector.extract %slice3A_372[0] : f32 from vector<1xf32>
          %mul3A_374 = vector.broadcast %squeeze3A_373 : f32 to vector<16xf32>
          %mul3A_375 = arith.mulf %get3A_371, %mul3A_374 : vector<16xf32>
          %add3A_376 = arith.constant 3 : i32
          %add3A_377 = arith.addi %mul3A_317, %add3A_376 : i32
          %swap3A_378 = arith.index_cast %add3A_377 : i32 to index
          %swap3A_379 = arith.constant 0 : index
          %swap3A_380 = tpu.vector_load %arg16[%swap3A_378, %swap3A_379] {strides = array<i32>} : memref<1024x16xf32, #tpu.memory_space<vmem>>, vector<1x16xf32>,
          %swap3A_381 = vector.shape_cast %swap3A_380 : vector<1x16xf32> to vector<16xf32>
          %swap3A_382 = vector.shape_cast %mul3A_375 : vector<16xf32> to vector<1x16xf32>
          tpu.vector_store %arg16[%swap3A_378, %swap3A_379], %swap3A_382 {strides = array<i32>} : memref<1024x16xf32, #tpu.memory_space<vmem>>, vector<1x16xf32>,
          %add3A_383 = arith.constant 4 : i32
          %add3A_384 = arith.addi %mul3A_317, %add3A_383 : i32
          %get3A_385 = arith.index_cast %add3A_384 : i32 to index
          %get3A_386 = arith.constant 0 : index
          %get3A_387 = tpu.vector_load %arg16[%get3A_385, %get3A_386] {strides = array<i32>} : memref<1024x16xf32, #tpu.memory_space<vmem>>, vector<1x16xf32>,
          %get3A_388 = vector.shape_cast %get3A_387 : vector<1x16xf32> to vector<16xf32>
          %slice3A_389 = vector.extract_strided_slice %get3A_315 {offsets = [4], sizes = [1], strides = [1]} : vector<16xf32> to vector<1xf32>
          %squeeze3A_390 = vector.extract %slice3A_389[0] : f32 from vector<1xf32>
          %mul3A_391 = vector.broadcast %squeeze3A_390 : f32 to vector<16xf32>
          %mul3A_392 = arith.mulf %get3A_388, %mul3A_391 : vector<16xf32>
          %add3A_393 = arith.constant 4 : i32
          %add3A_394 = arith.addi %mul3A_317, %add3A_393 : i32
          %swap3A_395 = arith.index_cast %add3A_394 : i32 to index
          %swap3A_396 = arith.constant 0 : index
          %swap3A_397 = tpu.vector_load %arg16[%swap3A_395, %swap3A_396] {strides = array<i32>} : memref<1024x16xf32, #tpu.memory_space<vmem>>, vector<1x16xf32>,
          %swap3A_398 = vector.shape_cast %swap3A_397 : vector<1x16xf32> to vector<16xf32>
          %swap3A_399 = vector.shape_cast %mul3A_392 : vector<16xf32> to vector<1x16xf32>
          tpu.vector_store %arg16[%swap3A_395, %swap3A_396], %swap3A_399 {strides = array<i32>} : memref<1024x16xf32, #tpu.memory_space<vmem>>, vector<1x16xf32>,
          %add3A_400 = arith.constant 5 : i32
          %add3A_401 = arith.addi %mul3A_317, %add3A_400 : i32
          %get3A_402 = arith.index_cast %add3A_401 : i32 to index
          %get3A_403 = arith.constant 0 : index
          %get3A_404 = tpu.vector_load %arg16[%get3A_402, %get3A_403] {strides = array<i32>} : memref<1024x16xf32, #tpu.memory_space<vmem>>, vector<1x16xf32>,
          %get3A_405 = vector.shape_cast %get3A_404 : vector<1x16xf32> to vector<16xf32>
          %slice3A_406 = vector.extract_strided_slice %get3A_315 {offsets = [5], sizes = [1], strides = [1]} : vector<16xf32> to vector<1xf32>
          %squeeze3A_407 = vector.extract %slice3A_406[0] : f32 from vector<1xf32>
          %mul3A_408 = vector.broadcast %squeeze3A_407 : f32 to vector<16xf32>
          %mul3A_409 = arith.mulf %get3A_405, %mul3A_408 : vector<16xf32>
          %add3A_410 = arith.constant 5 : i32
          %add3A_411 = arith.addi %mul3A_317, %add3A_410 : i32
          %swap3A_412 = arith.index_cast %add3A_411 : i32 to index
          %swap3A_413 = arith.constant 0 : index
          %swap3A_414 = tpu.vector_load %arg16[%swap3A_412, %swap3A_413] {strides = array<i32>} : memref<1024x16xf32, #tpu.memory_space<vmem>>, vector<1x16xf32>,
          %swap3A_415 = vector.shape_cast %swap3A_414 : vector<1x16xf32> to vector<16xf32>
          %swap3A_416 = vector.shape_cast %mul3A_409 : vector<16xf32> to vector<1x16xf32>
          tpu.vector_store %arg16[%swap3A_412, %swap3A_413], %swap3A_416 {strides = array<i32>} : memref<1024x16xf32, #tpu.memory_space<vmem>>, vector<1x16xf32>,
          %add3A_417 = arith.constant 6 : i32
          %add3A_418 = arith.addi %mul3A_317, %add3A_417 : i32
          %get3A_419 = arith.index_cast %add3A_418 : i32 to index
          %get3A_420 = arith.constant 0 : index
          %get3A_421 = tpu.vector_load %arg16[%get3A_419, %get3A_420] {strides = array<i32>} : memref<1024x16xf32, #tpu.memory_space<vmem>>, vector<1x16xf32>,
          %get3A_422 = vector.shape_cast %get3A_421 : vector<1x16xf32> to vector<16xf32>
          %slice3A_423 = vector.extract_strided_slice %get3A_315 {offsets = [6], sizes = [1], strides = [1]} : vector<16xf32> to vector<1xf32>
          %squeeze3A_424 = vector.extract %slice3A_423[0] : f32 from vector<1xf32>
          %mul3A_425 = vector.broadcast %squeeze3A_424 : f32 to vector<16xf32>
          %mul3A_426 = arith.mulf %get3A_422, %mul3A_425 : vector<16xf32>
          %add3A_427 = arith.constant 6 : i32
          %add3A_428 = arith.addi %mul3A_317, %add3A_427 : i32
          %swap3A_429 = arith.index_cast %add3A_428 : i32 to index
          %swap3A_430 = arith.constant 0 : index
          %swap3A_431 = tpu.vector_load %arg16[%swap3A_429, %swap3A_430] {strides = array<i32>} : memref<1024x16xf32, #tpu.memory_space<vmem>>, vector<1x16xf32>,
          %swap3A_432 = vector.shape_cast %swap3A_431 : vector<1x16xf32> to vector<16xf32>
          %swap3A_433 = vector.shape_cast %mul3A_426 : vector<16xf32> to vector<1x16xf32>
          tpu.vector_store %arg16[%swap3A_429, %swap3A_430], %swap3A_433 {strides = array<i32>} : memref<1024x16xf32, #tpu.memory_space<vmem>>, vector<1x16xf32>,
          %add3A_434 = arith.constant 7 : i32
          %add3A_435 = arith.addi %mul3A_317, %add3A_434 : i32
          %get3A_436 = arith.index_cast %add3A_435 : i32 to index
          %get3A_437 = arith.constant 0 : index
          %get3A_438 = tpu.vector_load %arg16[%get3A_436, %get3A_437] {strides = array<i32>} : memref<1024x16xf32, #tpu.memory_space<vmem>>, vector<1x16xf32>,
          %get3A_439 = vector.shape_cast %get3A_438 : vector<1x16xf32> to vector<16xf32>
          %slice3A_440 = vector.extract_strided_slice %get3A_315 {offsets = [7], sizes = [1], strides = [1]} : vector<16xf32> to vector<1xf32>
          %squeeze3A_441 = vector.extract %slice3A_440[0] : f32 from vector<1xf32>
          %mul3A_442 = vector.broadcast %squeeze3A_441 : f32 to vector<16xf32>
          %mul3A_443 = arith.mulf %get3A_439, %mul3A_442 : vector<16xf32>
          %add3A_444 = arith.constant 7 : i32
          %add3A_445 = arith.addi %mul3A_317, %add3A_444 : i32
          %swap3A_446 = arith.index_cast %add3A_445 : i32 to index
          %swap3A_447 = arith.constant 0 : index
          %swap3A_448 = tpu.vector_load %arg16[%swap3A_446, %swap3A_447] {strides = array<i32>} : memref<1024x16xf32, #tpu.memory_space<vmem>>, vector<1x16xf32>,
          %swap3A_449 = vector.shape_cast %swap3A_448 : vector<1x16xf32> to vector<16xf32>
          %swap3A_450 = vector.shape_cast %mul3A_443 : vector<16xf32> to vector<1x16xf32>
          tpu.vector_store %arg16[%swap3A_446, %swap3A_447], %swap3A_450 {strides = array<i32>} : memref<1024x16xf32, #tpu.memory_space<vmem>>, vector<1x16xf32>,
          %add3A_451 = arith.constant 8 : i32
          %add3A_452 = arith.addi %mul3A_317, %add3A_451 : i32
          %get3A_453 = arith.index_cast %add3A_452 : i32 to index
          %get3A_454 = arith.constant 0 : index
          %get3A_455 = tpu.vector_load %arg16[%get3A_453, %get3A_454] {strides = array<i32>} : memref<1024x16xf32, #tpu.memory_space<vmem>>, vector<1x16xf32>,
          %get3A_456 = vector.shape_cast %get3A_455 : vector<1x16xf32> to vector<16xf32>
          %slice3A_457 = vector.extract_strided_slice %get3A_315 {offsets = [8], sizes = [1], strides = [1]} : vector<16xf32> to vector<1xf32>
          %squeeze3A_458 = vector.extract %slice3A_457[0] : f32 from vector<1xf32>
          %mul3A_459 = vector.broadcast %squeeze3A_458 : f32 to vector<16xf32>
          %mul3A_460 = arith.mulf %get3A_456, %mul3A_459 : vector<16xf32>
          %add3A_461 = arith.constant 8 : i32
          %add3A_462 = arith.addi %mul3A_317, %add3A_461 : i32
          %swap3A_463 = arith.index_cast %add3A_462 : i32 to index
          %swap3A_464 = arith.constant 0 : index
          %swap3A_465 = tpu.vector_load %arg16[%swap3A_463, %swap3A_464] {strides = array<i32>} : memref<1024x16xf32, #tpu.memory_space<vmem>>, vector<1x16xf32>,
          %swap3A_466 = vector.shape_cast %swap3A_465 : vector<1x16xf32> to vector<16xf32>
          %swap3A_467 = vector.shape_cast %mul3A_460 : vector<16xf32> to vector<1x16xf32>
          tpu.vector_store %arg16[%swap3A_463, %swap3A_464], %swap3A_467 {strides = array<i32>} : memref<1024x16xf32, #tpu.memory_space<vmem>>, vector<1x16xf32>,
          %add3A_468 = arith.constant 9 : i32
          %add3A_469 = arith.addi %mul3A_317, %add3A_468 : i32
          %get3A_470 = arith.index_cast %add3A_469 : i32 to index
          %get3A_471 = arith.constant 0 : index
          %get3A_472 = tpu.vector_load %arg16[%get3A_470, %get3A_471] {strides = array<i32>} : memref<1024x16xf32, #tpu.memory_space<vmem>>, vector<1x16xf32>,
          %get3A_473 = vector.shape_cast %get3A_472 : vector<1x16xf32> to vector<16xf32>
          %slice3A_474 = vector.extract_strided_slice %get3A_315 {offsets = [9], sizes = [1], strides = [1]} : vector<16xf32> to vector<1xf32>
          %squeeze3A_475 = vector.extract %slice3A_474[0] : f32 from vector<1xf32>
          %mul3A_476 = vector.broadcast %squeeze3A_475 : f32 to vector<16xf32>
          %mul3A_477 = arith.mulf %get3A_473, %mul3A_476 : vector<16xf32>
          %add3A_478 = arith.constant 9 : i32
          %add3A_479 = arith.addi %mul3A_317, %add3A_478 : i32
          %swap3A_480 = arith.index_cast %add3A_479 : i32 to index
          %swap3A_481 = arith.constant 0 : index
          %swap3A_482 = tpu.vector_load %arg16[%swap3A_480, %swap3A_481] {strides = array<i32>} : memref<1024x16xf32, #tpu.memory_space<vmem>>, vector<1x16xf32>,
          %swap3A_483 = vector.shape_cast %swap3A_482 : vector<1x16xf32> to vector<16xf32>
          %swap3A_484 = vector.shape_cast %mul3A_477 : vector<16xf32> to vector<1x16xf32>
          tpu.vector_store %arg16[%swap3A_480, %swap3A_481], %swap3A_484 {strides = array<i32>} : memref<1024x16xf32, #tpu.memory_space<vmem>>, vector<1x16xf32>,
          %add3A_485 = arith.constant 10 : i32
          %add3A_486 = arith.addi %mul3A_317, %add3A_485 : i32
          %get3A_487 = arith.index_cast %add3A_486 : i32 to index
          %get3A_488 = arith.constant 0 : index
          %get3A_489 = tpu.vector_load %arg16[%get3A_487, %get3A_488] {strides = array<i32>} : memref<1024x16xf32, #tpu.memory_space<vmem>>, vector<1x16xf32>,
          %get3A_490 = vector.shape_cast %get3A_489 : vector<1x16xf32> to vector<16xf32>
          %slice3A_491 = vector.extract_strided_slice %get3A_315 {offsets = [10], sizes = [1], strides = [1]} : vector<16xf32> to vector<1xf32>
          %squeeze3A_492 = vector.extract %slice3A_491[0] : f32 from vector<1xf32>
          %mul3A_493 = vector.broadcast %squeeze3A_492 : f32 to vector<16xf32>
          %mul3A_494 = arith.mulf %get3A_490, %mul3A_493 : vector<16xf32>
          %add3A_495 = arith.constant 10 : i32
          %add3A_496 = arith.addi %mul3A_317, %add3A_495 : i32
          %swap3A_497 = arith.index_cast %add3A_496 : i32 to index
          %swap3A_498 = arith.constant 0 : index
          %swap3A_499 = tpu.vector_load %arg16[%swap3A_497, %swap3A_498] {strides = array<i32>} : memref<1024x16xf32, #tpu.memory_space<vmem>>, vector<1x16xf32>,
          %swap3A_500 = vector.shape_cast %swap3A_499 : vector<1x16xf32> to vector<16xf32>
          %swap3A_501 = vector.shape_cast %mul3A_494 : vector<16xf32> to vector<1x16xf32>
          tpu.vector_store %arg16[%swap3A_497, %swap3A_498], %swap3A_501 {strides = array<i32>} : memref<1024x16xf32, #tpu.memory_space<vmem>>, vector<1x16xf32>,
          %add3A_502 = arith.constant 11 : i32
          %add3A_503 = arith.addi %mul3A_317, %add3A_502 : i32
          %get3A_504 = arith.index_cast %add3A_503 : i32 to index
          %get3A_505 = arith.constant 0 : index
          %get3A_506 = tpu.vector_load %arg16[%get3A_504, %get3A_505] {strides = array<i32>} : memref<1024x16xf32, #tpu.memory_space<vmem>>, vector<1x16xf32>,
          %get3A_507 = vector.shape_cast %get3A_506 : vector<1x16xf32> to vector<16xf32>
          %slice3A_508 = vector.extract_strided_slice %get3A_315 {offsets = [11], sizes = [1], strides = [1]} : vector<16xf32> to vector<1xf32>
          %squeeze3A_509 = vector.extract %slice3A_508[0] : f32 from vector<1xf32>
          %mul3A_510 = vector.broadcast %squeeze3A_509 : f32 to vector<16xf32>
          %mul3A_511 = arith.mulf %get3A_507, %mul3A_510 : vector<16xf32>
          %add3A_512 = arith.constant 11 : i32
          %add3A_513 = arith.addi %mul3A_317, %add3A_512 : i32
          %swap3A_514 = arith.index_cast %add3A_513 : i32 to index
          %swap3A_515 = arith.constant 0 : index
          %swap3A_516 = tpu.vector_load %arg16[%swap3A_514, %swap3A_515] {strides = array<i32>} : memref<1024x16xf32, #tpu.memory_space<vmem>>, vector<1x16xf32>,
          %swap3A_517 = vector.shape_cast %swap3A_516 : vector<1x16xf32> to vector<16xf32>
          %swap3A_518 = vector.shape_cast %mul3A_511 : vector<16xf32> to vector<1x16xf32>
          tpu.vector_store %arg16[%swap3A_514, %swap3A_515], %swap3A_518 {strides = array<i32>} : memref<1024x16xf32, #tpu.memory_space<vmem>>, vector<1x16xf32>,
          %add3A_519 = arith.constant 12 : i32
          %add3A_520 = arith.addi %mul3A_317, %add3A_519 : i32
          %get3A_521 = arith.index_cast %add3A_520 : i32 to index
          %get3A_522 = arith.constant 0 : index
          %get3A_523 = tpu.vector_load %arg16[%get3A_521, %get3A_522] {strides = array<i32>} : memref<1024x16xf32, #tpu.memory_space<vmem>>, vector<1x16xf32>,
          %get3A_524 = vector.shape_cast %get3A_523 : vector<1x16xf32> to vector<16xf32>
          %slice3A_525 = vector.extract_strided_slice %get3A_315 {offsets = [12], sizes = [1], strides = [1]} : vector<16xf32> to vector<1xf32>
          %squeeze3A_526 = vector.extract %slice3A_525[0] : f32 from vector<1xf32>
          %mul3A_527 = vector.broadcast %squeeze3A_526 : f32 to vector<16xf32>
          %mul3A_528 = arith.mulf %get3A_524, %mul3A_527 : vector<16xf32>
          %add3A_529 = arith.constant 12 : i32
          %add3A_530 = arith.addi %mul3A_317, %add3A_529 : i32
          %swap3A_531 = arith.index_cast %add3A_530 : i32 to index
          %swap3A_532 = arith.constant 0 : index
          %swap3A_533 = tpu.vector_load %arg16[%swap3A_531, %swap3A_532] {strides = array<i32>} : memref<1024x16xf32, #tpu.memory_space<vmem>>, vector<1x16xf32>,
          %swap3A_534 = vector.shape_cast %swap3A_533 : vector<1x16xf32> to vector<16xf32>
          %swap3A_535 = vector.shape_cast %mul3A_528 : vector<16xf32> to vector<1x16xf32>
          tpu.vector_store %arg16[%swap3A_531, %swap3A_532], %swap3A_535 {strides = array<i32>} : memref<1024x16xf32, #tpu.memory_space<vmem>>, vector<1x16xf32>,
          %add3A_536 = arith.constant 13 : i32
          %add3A_537 = arith.addi %mul3A_317, %add3A_536 : i32
          %get3A_538 = arith.index_cast %add3A_537 : i32 to index
          %get3A_539 = arith.constant 0 : index
          %get3A_540 = tpu.vector_load %arg16[%get3A_538, %get3A_539] {strides = array<i32>} : memref<1024x16xf32, #tpu.memory_space<vmem>>, vector<1x16xf32>,
          %get3A_541 = vector.shape_cast %get3A_540 : vector<1x16xf32> to vector<16xf32>
          %slice3A_542 = vector.extract_strided_slice %get3A_315 {offsets = [13], sizes = [1], strides = [1]} : vector<16xf32> to vector<1xf32>
          %squeeze3A_543 = vector.extract %slice3A_542[0] : f32 from vector<1xf32>
          %mul3A_544 = vector.broadcast %squeeze3A_543 : f32 to vector<16xf32>
          %mul3A_545 = arith.mulf %get3A_541, %mul3A_544 : vector<16xf32>
          %add3A_546 = arith.constant 13 : i32
          %add3A_547 = arith.addi %mul3A_317, %add3A_546 : i32
          %swap3A_548 = arith.index_cast %add3A_547 : i32 to index
          %swap3A_549 = arith.constant 0 : index
          %swap3A_550 = tpu.vector_load %arg16[%swap3A_548, %swap3A_549] {strides = array<i32>} : memref<1024x16xf32, #tpu.memory_space<vmem>>, vector<1x16xf32>,
          %swap3A_551 = vector.shape_cast %swap3A_550 : vector<1x16xf32> to vector<16xf32>
          %swap3A_552 = vector.shape_cast %mul3A_545 : vector<16xf32> to vector<1x16xf32>
          tpu.vector_store %arg16[%swap3A_548, %swap3A_549], %swap3A_552 {strides = array<i32>} : memref<1024x16xf32, #tpu.memory_space<vmem>>, vector<1x16xf32>,
          %add3A_553 = arith.constant 14 : i32
          %add3A_554 = arith.addi %mul3A_317, %add3A_553 : i32
          %get3A_555 = arith.index_cast %add3A_554 : i32 to index
          %get3A_556 = arith.constant 0 : index
          %get3A_557 = tpu.vector_load %arg16[%get3A_555, %get3A_556] {strides = array<i32>} : memref<1024x16xf32, #tpu.memory_space<vmem>>, vector<1x16xf32>,
          %get3A_558 = vector.shape_cast %get3A_557 : vector<1x16xf32> to vector<16xf32>
          %slice3A_559 = vector.extract_strided_slice %get3A_315 {offsets = [14], sizes = [1], strides = [1]} : vector<16xf32> to vector<1xf32>
          %squeeze3A_560 = vector.extract %slice3A_559[0] : f32 from vector<1xf32>
          %mul3A_561 = vector.broadcast %squeeze3A_560 : f32 to vector<16xf32>
          %mul3A_562 = arith.mulf %get3A_558, %mul3A_561 : vector<16xf32>
          %add3A_563 = arith.constant 14 : i32
          %add3A_564 = arith.addi %mul3A_317, %add3A_563 : i32
          %swap3A_565 = arith.index_cast %add3A_564 : i32 to index
          %swap3A_566 = arith.constant 0 : index
          %swap3A_567 = tpu.vector_load %arg16[%swap3A_565, %swap3A_566] {strides = array<i32>} : memref<1024x16xf32, #tpu.memory_space<vmem>>, vector<1x16xf32>,
          %swap3A_568 = vector.shape_cast %swap3A_567 : vector<1x16xf32> to vector<16xf32>
          %swap3A_569 = vector.shape_cast %mul3A_562 : vector<16xf32> to vector<1x16xf32>
          tpu.vector_store %arg16[%swap3A_565, %swap3A_566], %swap3A_569 {strides = array<i32>} : memref<1024x16xf32, #tpu.memory_space<vmem>>, vector<1x16xf32>,
          %add3A_570 = arith.constant 15 : i32
          %add3A_571 = arith.addi %mul3A_317, %add3A_570 : i32
          %get3A_572 = arith.index_cast %add3A_571 : i32 to index
          %get3A_573 = arith.constant 0 : index
          %get3A_574 = tpu.vector_load %arg16[%get3A_572, %get3A_573] {strides = array<i32>} : memref<1024x16xf32, #tpu.memory_space<vmem>>, vector<1x16xf32>,
          %get3A_575 = vector.shape_cast %get3A_574 : vector<1x16xf32> to vector<16xf32>
          %slice3A_576 = vector.extract_strided_slice %get3A_315 {offsets = [15], sizes = [1], strides = [1]} : vector<16xf32> to vector<1xf32>
          %squeeze3A_577 = vector.extract %slice3A_576[0] : f32 from vector<1xf32>
          %mul3A_578 = vector.broadcast %squeeze3A_577 : f32 to vector<16xf32>
          %mul3A_579 = arith.mulf %get3A_575, %mul3A_578 : vector<16xf32>
          %add3A_580 = arith.constant 15 : i32
          %add3A_581 = arith.addi %mul3A_317, %add3A_580 : i32
          %swap3A_582 = arith.index_cast %add3A_581 : i32 to index
          %swap3A_583 = arith.constant 0 : index
          %swap3A_584 = tpu.vector_load %arg16[%swap3A_582, %swap3A_583] {strides = array<i32>} : memref<1024x16xf32, #tpu.memory_space<vmem>>, vector<1x16xf32>,
          %swap3A_585 = vector.shape_cast %swap3A_584 : vector<1x16xf32> to vector<16xf32>
          %swap3A_586 = vector.shape_cast %mul3A_579 : vector<16xf32> to vector<1x16xf32>
          tpu.vector_store %arg16[%swap3A_582, %swap3A_583], %swap3A_586 {strides = array<i32>} : memref<1024x16xf32, #tpu.memory_space<vmem>>, vector<1x16xf32>,
          %scan3A_587 = arith.constant 0 : i32
          scf.yield %scan3A_587 : i32
        }
        %scan3A_306 = arith.constant 64 : i32
        %dma_start3A_307 = arith.constant 0 : i32
        %dma_start3A_308 = arith.constant 0 : i32
        %dma_start3A_309 = tpu.memref_slice %arg20[%dma_start3A_307, %dma_start3A_308] : memref<51200x16xf32, #tpu.memory_space<vmem_shared>> -> memref<51200x16xf32, #tpu.memory_space<vmem_shared>>
        tpu.enqueue_indirect_dma source(%arg16 : memref<1024x16xf32, #tpu.memory_space<vmem>>) target(%dma_start3A_309 : memref<51200x16xf32, #tpu.memory_space<vmem_shared>>) offsets(%arg10 : memref<1024xi32, #tpu.memory_space<vmem>>) semaphore(%arg27 : memref<!tpu.dma_semaphore, #tpu.memory_space<semaphore_mem>>) {add = true}
        %scan3A_310 = arith.constant 0 : i32
        scf.yield %scan3A_310 : i32
      }
      %scan3A_115 = arith.constant 16 : i32
      %dma_wait3A_116 = arith.constant 0 : i32
      %dma_wait3A_117 = arith.constant 0 : i32
      %dma_wait3A_118 = tpu.memref_slice %arg20[%dma_wait3A_116, %dma_wait3A_117] : memref<51200x16xf32, #tpu.memory_space<vmem_shared>> -> memref<51200x16xf32, #tpu.memory_space<vmem_shared>>
      tpu.wait_indirect_dma semaphore(%arg27 : memref<!tpu.dma_semaphore, #tpu.memory_space<semaphore_mem>>) src(%arg16 : memref<1024x16xf32, #tpu.memory_space<vmem>>) dst(%dma_wait3A_118 : memref<51200x16xf32, #tpu.memory_space<vmem_shared>>)
      %dma_wait3A_119 = arith.constant 0 : i32
      %dma_wait3A_120 = arith.constant 0 : i32
      %dma_wait3A_121 = tpu.memref_slice %arg5[%dma_wait3A_119, %dma_wait3A_120] : memref<204800x16xf32, #tpu.memory_space<hbm>> -> memref<204800x16xf32, #tpu.memory_space<hbm>>
      tpu.wait_indirect_dma semaphore(%arg25 : memref<!tpu.dma_semaphore, #tpu.memory_space<semaphore_mem>>) src(%dma_wait3A_121 : memref<204800x16xf32, #tpu.memory_space<hbm>>) dst(%arg17 : memref<1024x16xf32, #tpu.memory_space<vmem>>)
      %scan3A_122 = arith.constant 0 : i32
      %scan3A_123 = arith.constant 0 : i32
      %scan3A_124 = arith.constant 64 : i32
      %scan3A_125 = arith.addi %scan3A_123, %scan3A_124 : i32
      %scan3A_126 = arith.constant 1 : i32
      %scan3A_127 = scf.for %scan3A_153 = %scan3A_123 to %scan3A_125 step %scan3A_126 iter_args(%scan3A_154 = %scan3A_122) -> (i32)  : i32 {
        %mul3A_155 = arith.constant 16 : i32
        %mul3A_156 = arith.muli %scan3A_153, %mul3A_155 : i32
        %get3A = arith.index_cast %mul3A_156 : i32 to index
        %get3A_157 = tpu.vector_load %arg14[%get3A] {strides = array<i32>} : memref<1024xf32, #tpu.memory_space<vmem>>, vector<16xf32>,
        %mul3A_158 = arith.constant 16 : i32
        %mul3A_159 = arith.muli %scan3A_153, %mul3A_158 : i32
        %add3A_160 = arith.constant 0 : i32
        %add3A_161 = arith.addi %mul3A_159, %add3A_160 : i32
        %get3A_162 = arith.index_cast %add3A_161 : i32 to index
        %get3A_163 = arith.constant 0 : index
        %get3A_164 = tpu.vector_load %arg17[%get3A_162, %get3A_163] {strides = array<i32>} : memref<1024x16xf32, #tpu.memory_space<vmem>>, vector<1x16xf32>,
        %get3A_165 = vector.shape_cast %get3A_164 : vector<1x16xf32> to vector<16xf32>
        %slice3A = vector.extract_strided_slice %get3A_157 {offsets = [0], sizes = [1], strides = [1]} : vector<16xf32> to vector<1xf32>
        %squeeze3A = vector.extract %slice3A[0] : f32 from vector<1xf32>
        %mul3A_166 = vector.broadcast %squeeze3A : f32 to vector<16xf32>
        %mul3A_167 = arith.mulf %get3A_165, %mul3A_166 : vector<16xf32>
        %add3A_168 = arith.constant 0 : i32
        %add3A_169 = arith.addi %mul3A_159, %add3A_168 : i32
        %swap3A = arith.index_cast %add3A_169 : i32 to index
        %swap3A_170 = arith.constant 0 : index
        %swap3A_171 = tpu.vector_load %arg17[%swap3A, %swap3A_170] {strides = array<i32>} : memref<1024x16xf32, #tpu.memory_space<vmem>>, vector<1x16xf32>,
        %swap3A_172 = vector.shape_cast %swap3A_171 : vector<1x16xf32> to vector<16xf32>
        %swap3A_173 = vector.shape_cast %mul3A_167 : vector<16xf32> to vector<1x16xf32>
        tpu.vector_store %arg17[%swap3A, %swap3A_170], %swap3A_173 {strides = array<i32>} : memref<1024x16xf32, #tpu.memory_space<vmem>>, vector<1x16xf32>,
        %add3A_174 = arith.constant 1 : i32
        %add3A_175 = arith.addi %mul3A_159, %add3A_174 : i32
        %get3A_176 = arith.index_cast %add3A_175 : i32 to index
        %get3A_177 = arith.constant 0 : index
        %get3A_178 = tpu.vector_load %arg17[%get3A_176, %get3A_177] {strides = array<i32>} : memref<1024x16xf32, #tpu.memory_space<vmem>>, vector<1x16xf32>,
        %get3A_179 = vector.shape_cast %get3A_178 : vector<1x16xf32> to vector<16xf32>
        %slice3A_180 = vector.extract_strided_slice %get3A_157 {offsets = [1], sizes = [1], strides = [1]} : vector<16xf32> to vector<1xf32>
        %squeeze3A_181 = vector.extract %slice3A_180[0] : f32 from vector<1xf32>
        %mul3A_182 = vector.broadcast %squeeze3A_181 : f32 to vector<16xf32>
        %mul3A_183 = arith.mulf %get3A_179, %mul3A_182 : vector<16xf32>
        %add3A_184 = arith.constant 1 : i32
        %add3A_185 = arith.addi %mul3A_159, %add3A_184 : i32
        %swap3A_186 = arith.index_cast %add3A_185 : i32 to index
        %swap3A_187 = arith.constant 0 : index
        %swap3A_188 = tpu.vector_load %arg17[%swap3A_186, %swap3A_187] {strides = array<i32>} : memref<1024x16xf32, #tpu.memory_space<vmem>>, vector<1x16xf32>,
        %swap3A_189 = vector.shape_cast %swap3A_188 : vector<1x16xf32> to vector<16xf32>
        %swap3A_190 = vector.shape_cast %mul3A_183 : vector<16xf32> to vector<1x16xf32>
        tpu.vector_store %arg17[%swap3A_186, %swap3A_187], %swap3A_190 {strides = array<i32>} : memref<1024x16xf32, #tpu.memory_space<vmem>>, vector<1x16xf32>,
        %add3A_191 = arith.constant 2 : i32
        %add3A_192 = arith.addi %mul3A_159, %add3A_191 : i32
        %get3A_193 = arith.index_cast %add3A_192 : i32 to index
        %get3A_194 = arith.constant 0 : index
        %get3A_195 = tpu.vector_load %arg17[%get3A_193, %get3A_194] {strides = array<i32>} : memref<1024x16xf32, #tpu.memory_space<vmem>>, vector<1x16xf32>,
        %get3A_196 = vector.shape_cast %get3A_195 : vector<1x16xf32> to vector<16xf32>
        %slice3A_197 = vector.extract_strided_slice %get3A_157 {offsets = [2], sizes = [1], strides = [1]} : vector<16xf32> to vector<1xf32>
        %squeeze3A_198 = vector.extract %slice3A_197[0] : f32 from vector<1xf32>
        %mul3A_199 = vector.broadcast %squeeze3A_198 : f32 to vector<16xf32>
        %mul3A_200 = arith.mulf %get3A_196, %mul3A_199 : vector<16xf32>
        %add3A_201 = arith.constant 2 : i32
        %add3A_202 = arith.addi %mul3A_159, %add3A_201 : i32
        %swap3A_203 = arith.index_cast %add3A_202 : i32 to index
        %swap3A_204 = arith.constant 0 : index
        %swap3A_205 = tpu.vector_load %arg17[%swap3A_203, %swap3A_204] {strides = array<i32>} : memref<1024x16xf32, #tpu.memory_space<vmem>>, vector<1x16xf32>,
        %swap3A_206 = vector.shape_cast %swap3A_205 : vector<1x16xf32> to vector<16xf32>
        %swap3A_207 = vector.shape_cast %mul3A_200 : vector<16xf32> to vector<1x16xf32>
        tpu.vector_store %arg17[%swap3A_203, %swap3A_204], %swap3A_207 {strides = array<i32>} : memref<1024x16xf32, #tpu.memory_space<vmem>>, vector<1x16xf32>,
        %add3A_208 = arith.constant 3 : i32
        %add3A_209 = arith.addi %mul3A_159, %add3A_208 : i32
        %get3A_210 = arith.index_cast %add3A_209 : i32 to index
        %get3A_211 = arith.constant 0 : index
        %get3A_212 = tpu.vector_load %arg17[%get3A_210, %get3A_211] {strides = array<i32>} : memref<1024x16xf32, #tpu.memory_space<vmem>>, vector<1x16xf32>,
        %get3A_213 = vector.shape_cast %get3A_212 : vector<1x16xf32> to vector<16xf32>
        %slice3A_214 = vector.extract_strided_slice %get3A_157 {offsets = [3], sizes = [1], strides = [1]} : vector<16xf32> to vector<1xf32>
        %squeeze3A_215 = vector.extract %slice3A_214[0] : f32 from vector<1xf32>
        %mul3A_216 = vector.broadcast %squeeze3A_215 : f32 to vector<16xf32>
        %mul3A_217 = arith.mulf %get3A_213, %mul3A_216 : vector<16xf32>
        %add3A_218 = arith.constant 3 : i32
        %add3A_219 = arith.addi %mul3A_159, %add3A_218 : i32
        %swap3A_220 = arith.index_cast %add3A_219 : i32 to index
        %swap3A_221 = arith.constant 0 : index
        %swap3A_222 = tpu.vector_load %arg17[%swap3A_220, %swap3A_221] {strides = array<i32>} : memref<1024x16xf32, #tpu.memory_space<vmem>>, vector<1x16xf32>,
        %swap3A_223 = vector.shape_cast %swap3A_222 : vector<1x16xf32> to vector<16xf32>
        %swap3A_224 = vector.shape_cast %mul3A_217 : vector<16xf32> to vector<1x16xf32>
        tpu.vector_store %arg17[%swap3A_220, %swap3A_221], %swap3A_224 {strides = array<i32>} : memref<1024x16xf32, #tpu.memory_space<vmem>>, vector<1x16xf32>,
        %add3A_225 = arith.constant 4 : i32
        %add3A_226 = arith.addi %mul3A_159, %add3A_225 : i32
        %get3A_227 = arith.index_cast %add3A_226 : i32 to index
        %get3A_228 = arith.constant 0 : index
        %get3A_229 = tpu.vector_load %arg17[%get3A_227, %get3A_228] {strides = array<i32>} : memref<1024x16xf32, #tpu.memory_space<vmem>>, vector<1x16xf32>,
        %get3A_230 = vector.shape_cast %get3A_229 : vector<1x16xf32> to vector<16xf32>
        %slice3A_231 = vector.extract_strided_slice %get3A_157 {offsets = [4], sizes = [1], strides = [1]} : vector<16xf32> to vector<1xf32>
        %squeeze3A_232 = vector.extract %slice3A_231[0] : f32 from vector<1xf32>
        %mul3A_233 = vector.broadcast %squeeze3A_232 : f32 to vector<16xf32>
        %mul3A_234 = arith.mulf %get3A_230, %mul3A_233 : vector<16xf32>
        %add3A_235 = arith.constant 4 : i32
        %add3A_236 = arith.addi %mul3A_159, %add3A_235 : i32
        %swap3A_237 = arith.index_cast %add3A_236 : i32 to index
        %swap3A_238 = arith.constant 0 : index
        %swap3A_239 = tpu.vector_load %arg17[%swap3A_237, %swap3A_238] {strides = array<i32>} : memref<1024x16xf32, #tpu.memory_space<vmem>>, vector<1x16xf32>,
        %swap3A_240 = vector.shape_cast %swap3A_239 : vector<1x16xf32> to vector<16xf32>
        %swap3A_241 = vector.shape_cast %mul3A_234 : vector<16xf32> to vector<1x16xf32>
        tpu.vector_store %arg17[%swap3A_237, %swap3A_238], %swap3A_241 {strides = array<i32>} : memref<1024x16xf32, #tpu.memory_space<vmem>>, vector<1x16xf32>,
        %add3A_242 = arith.constant 5 : i32
        %add3A_243 = arith.addi %mul3A_159, %add3A_242 : i32
        %get3A_244 = arith.index_cast %add3A_243 : i32 to index
        %get3A_245 = arith.constant 0 : index
        %get3A_246 = tpu.vector_load %arg17[%get3A_244, %get3A_245] {strides = array<i32>} : memref<1024x16xf32, #tpu.memory_space<vmem>>, vector<1x16xf32>,
        %get3A_247 = vector.shape_cast %get3A_246 : vector<1x16xf32> to vector<16xf32>
        %slice3A_248 = vector.extract_strided_slice %get3A_157 {offsets = [5], sizes = [1], strides = [1]} : vector<16xf32> to vector<1xf32>
        %squeeze3A_249 = vector.extract %slice3A_248[0] : f32 from vector<1xf32>
        %mul3A_250 = vector.broadcast %squeeze3A_249 : f32 to vector<16xf32>
        %mul3A_251 = arith.mulf %get3A_247, %mul3A_250 : vector<16xf32>
        %add3A_252 = arith.constant 5 : i32
        %add3A_253 = arith.addi %mul3A_159, %add3A_252 : i32
        %swap3A_254 = arith.index_cast %add3A_253 : i32 to index
        %swap3A_255 = arith.constant 0 : index
        %swap3A_256 = tpu.vector_load %arg17[%swap3A_254, %swap3A_255] {strides = array<i32>} : memref<1024x16xf32, #tpu.memory_space<vmem>>, vector<1x16xf32>,
        %swap3A_257 = vector.shape_cast %swap3A_256 : vector<1x16xf32> to vector<16xf32>
        %swap3A_258 = vector.shape_cast %mul3A_251 : vector<16xf32> to vector<1x16xf32>
        tpu.vector_store %arg17[%swap3A_254, %swap3A_255], %swap3A_258 {strides = array<i32>} : memref<1024x16xf32, #tpu.memory_space<vmem>>, vector<1x16xf32>,
        %add3A_259 = arith.constant 6 : i32
        %add3A_260 = arith.addi %mul3A_159, %add3A_259 : i32
        %get3A_261 = arith.index_cast %add3A_260 : i32 to index
        %get3A_262 = arith.constant 0 : index
        %get3A_263 = tpu.vector_load %arg17[%get3A_261, %get3A_262] {strides = array<i32>} : memref<1024x16xf32, #tpu.memory_space<vmem>>, vector<1x16xf32>,
        %get3A_264 = vector.shape_cast %get3A_263 : vector<1x16xf32> to vector<16xf32>
        %slice3A_265 = vector.extract_strided_slice %get3A_157 {offsets = [6], sizes = [1], strides = [1]} : vector<16xf32> to vector<1xf32>
        %squeeze3A_266 = vector.extract %slice3A_265[0] : f32 from vector<1xf32>
        %mul3A_267 = vector.broadcast %squeeze3A_266 : f32 to vector<16xf32>
        %mul3A_268 = arith.mulf %get3A_264, %mul3A_267 : vector<16xf32>
        %add3A_269 = arith.constant 6 : i32
        %add3A_270 = arith.addi %mul3A_159, %add3A_269 : i32
        %swap3A_271 = arith.index_cast %add3A_270 : i32 to index
        %swap3A_272 = arith.constant 0 : index
        %swap3A_273 = tpu.vector_load %arg17[%swap3A_271, %swap3A_272] {strides = array<i32>} : memref<1024x16xf32, #tpu.memory_space<vmem>>, vector<1x16xf32>,
        %swap3A_274 = vector.shape_cast %swap3A_273 : vector<1x16xf32> to vector<16xf32>
        %swap3A_275 = vector.shape_cast %mul3A_268 : vector<16xf32> to vector<1x16xf32>
        tpu.vector_store %arg17[%swap3A_271, %swap3A_272], %swap3A_275 {strides = array<i32>} : memref<1024x16xf32, #tpu.memory_space<vmem>>, vector<1x16xf32>,
        %add3A_276 = arith.constant 7 : i32
        %add3A_277 = arith.addi %mul3A_159, %add3A_276 : i32
        %get3A_278 = arith.index_cast %add3A_277 : i32 to index
        %get3A_279 = arith.constant 0 : index
        %get3A_280 = tpu.vector_load %arg17[%get3A_278, %get3A_279] {strides = array<i32>} : memref<1024x16xf32, #tpu.memory_space<vmem>>, vector<1x16xf32>,
        %get3A_281 = vector.shape_cast %get3A_280 : vector<1x16xf32> to vector<16xf32>
        %slice3A_282 = vector.extract_strided_slice %get3A_157 {offsets = [7], sizes = [1], strides = [1]} : vector<16xf32> to vector<1xf32>
        %squeeze3A_283 = vector.extract %slice3A_282[0] : f32 from vector<1xf32>
        %mul3A_284 = vector.broadcast %squeeze3A_283 : f32 to vector<16xf32>
        %mul3A_285 = arith.mulf %get3A_281, %mul3A_284 : vector<16xf32>
        %add3A_286 = arith.constant 7 : i32
        %add3A_287 = arith.addi %mul3A_159, %add3A_286 : i32
        %swap3A_288 = arith.index_cast %add3A_287 : i32 to index
        %swap3A_289 = arith.constant 0 : index
        %swap3A_290 = tpu.vector_load %arg17[%swap3A_288, %swap3A_289] {strides = array<i32>} : memref<1024x16xf32, #tpu.memory_space<vmem>>, vector<1x16xf32>,
        %swap3A_291 = vector.shape_cast %swap3A_290 : vector<1x16xf32> to vector<16xf32>
        %swap3A_292 = vector.shape_cast %mul3A_285 : vector<16xf32> to vector<1x16xf32>
        tpu.vector_store %arg17[%swap3A_288, %swap3A_289], %swap3A_292 {strides = array<i32>} : memref<1024x16xf32, #tpu.memory_space<vmem>>, vector<1x16xf32>,
        %add3A_293 = arith.constant 8 : i32
        %add3A_294 = arith.addi %mul3A_159, %add3A_293 : i32
        %get3A_295 = arith.index_cast %add3A_294 : i32 to index
        %get3A_296 = arith.constant 0 : index
        %get3A_297 = tpu.vector_load %arg17[%get3A_295, %get3A_296] {strides = array<i32>} : memref<1024x16xf32, #tpu.memory_space<vmem>>, vector<1x16xf32>,
        %get3A_298 = vector.shape_cast %get3A_297 : vector<1x16xf32> to vector<16xf32>
        %slice3A_299 = vector.extract_strided_slice %get3A_157 {offsets = [8], sizes = [1], strides = [1]} : vector<16xf32> to vector<1xf32>
        %squeeze3A_300 = vector.extract %slice3A_299[0] : f32 from vector<1xf32>
        %mul3A_301 = vector.broadcast %squeeze3A_300 : f32 to vector<16xf32>
        %mul3A_302 = arith.mulf %get3A_298, %mul3A_301 : vector<16xf32>
        %add3A_303 = arith.constant 8 : i32
        %add3A_304 = arith.addi %mul3A_159, %add3A_303 : i32
        %swap3A_305 = arith.index_cast %add3A_304 : i32 to index
        %swap3A_306 = arith.constant 0 : index
        %swap3A_307 = tpu.vector_load %arg17[%swap3A_305, %swap3A_306] {strides = array<i32>} : memref<1024x16xf32, #tpu.memory_space<vmem>>, vector<1x16xf32>,
        %swap3A_308 = vector.shape_cast %swap3A_307 : vector<1x16xf32> to vector<16xf32>
        %swap3A_309 = vector.shape_cast %mul3A_302 : vector<16xf32> to vector<1x16xf32>
        tpu.vector_store %arg17[%swap3A_305, %swap3A_306], %swap3A_309 {strides = array<i32>} : memref<1024x16xf32, #tpu.memory_space<vmem>>, vector<1x16xf32>,
        %add3A_310 = arith.constant 9 : i32
        %add3A_311 = arith.addi %mul3A_159, %add3A_310 : i32
        %get3A_312 = arith.index_cast %add3A_311 : i32 to index
        %get3A_313 = arith.constant 0 : index
        %get3A_314 = tpu.vector_load %arg17[%get3A_312, %get3A_313] {strides = array<i32>} : memref<1024x16xf32, #tpu.memory_space<vmem>>, vector<1x16xf32>,
        %get3A_315 = vector.shape_cast %get3A_314 : vector<1x16xf32> to vector<16xf32>
        %slice3A_316 = vector.extract_strided_slice %get3A_157 {offsets = [9], sizes = [1], strides = [1]} : vector<16xf32> to vector<1xf32>
        %squeeze3A_317 = vector.extract %slice3A_316[0] : f32 from vector<1xf32>
        %mul3A_318 = vector.broadcast %squeeze3A_317 : f32 to vector<16xf32>
        %mul3A_319 = arith.mulf %get3A_315, %mul3A_318 : vector<16xf32>
        %add3A_320 = arith.constant 9 : i32
        %add3A_321 = arith.addi %mul3A_159, %add3A_320 : i32
        %swap3A_322 = arith.index_cast %add3A_321 : i32 to index
        %swap3A_323 = arith.constant 0 : index
        %swap3A_324 = tpu.vector_load %arg17[%swap3A_322, %swap3A_323] {strides = array<i32>} : memref<1024x16xf32, #tpu.memory_space<vmem>>, vector<1x16xf32>,
        %swap3A_325 = vector.shape_cast %swap3A_324 : vector<1x16xf32> to vector<16xf32>
        %swap3A_326 = vector.shape_cast %mul3A_319 : vector<16xf32> to vector<1x16xf32>
        tpu.vector_store %arg17[%swap3A_322, %swap3A_323], %swap3A_326 {strides = array<i32>} : memref<1024x16xf32, #tpu.memory_space<vmem>>, vector<1x16xf32>,
        %add3A_327 = arith.constant 10 : i32
        %add3A_328 = arith.addi %mul3A_159, %add3A_327 : i32
        %get3A_329 = arith.index_cast %add3A_328 : i32 to index
        %get3A_330 = arith.constant 0 : index
        %get3A_331 = tpu.vector_load %arg17[%get3A_329, %get3A_330] {strides = array<i32>} : memref<1024x16xf32, #tpu.memory_space<vmem>>, vector<1x16xf32>,
        %get3A_332 = vector.shape_cast %get3A_331 : vector<1x16xf32> to vector<16xf32>
        %slice3A_333 = vector.extract_strided_slice %get3A_157 {offsets = [10], sizes = [1], strides = [1]} : vector<16xf32> to vector<1xf32>
        %squeeze3A_334 = vector.extract %slice3A_333[0] : f32 from vector<1xf32>
        %mul3A_335 = vector.broadcast %squeeze3A_334 : f32 to vector<16xf32>
        %mul3A_336 = arith.mulf %get3A_332, %mul3A_335 : vector<16xf32>
        %add3A_337 = arith.constant 10 : i32
        %add3A_338 = arith.addi %mul3A_159, %add3A_337 : i32
        %swap3A_339 = arith.index_cast %add3A_338 : i32 to index
        %swap3A_340 = arith.constant 0 : index
        %swap3A_341 = tpu.vector_load %arg17[%swap3A_339, %swap3A_340] {strides = array<i32>} : memref<1024x16xf32, #tpu.memory_space<vmem>>, vector<1x16xf32>,
        %swap3A_342 = vector.shape_cast %swap3A_341 : vector<1x16xf32> to vector<16xf32>
        %swap3A_343 = vector.shape_cast %mul3A_336 : vector<16xf32> to vector<1x16xf32>
        tpu.vector_store %arg17[%swap3A_339, %swap3A_340], %swap3A_343 {strides = array<i32>} : memref<1024x16xf32, #tpu.memory_space<vmem>>, vector<1x16xf32>,
        %add3A_344 = arith.constant 11 : i32
        %add3A_345 = arith.addi %mul3A_159, %add3A_344 : i32
        %get3A_346 = arith.index_cast %add3A_345 : i32 to index
        %get3A_347 = arith.constant 0 : index
        %get3A_348 = tpu.vector_load %arg17[%get3A_346, %get3A_347] {strides = array<i32>} : memref<1024x16xf32, #tpu.memory_space<vmem>>, vector<1x16xf32>,
        %get3A_349 = vector.shape_cast %get3A_348 : vector<1x16xf32> to vector<16xf32>
        %slice3A_350 = vector.extract_strided_slice %get3A_157 {offsets = [11], sizes = [1], strides = [1]} : vector<16xf32> to vector<1xf32>
        %squeeze3A_351 = vector.extract %slice3A_350[0] : f32 from vector<1xf32>
        %mul3A_352 = vector.broadcast %squeeze3A_351 : f32 to vector<16xf32>
        %mul3A_353 = arith.mulf %get3A_349, %mul3A_352 : vector<16xf32>
        %add3A_354 = arith.constant 11 : i32
        %add3A_355 = arith.addi %mul3A_159, %add3A_354 : i32
        %swap3A_356 = arith.index_cast %add3A_355 : i32 to index
        %swap3A_357 = arith.constant 0 : index
        %swap3A_358 = tpu.vector_load %arg17[%swap3A_356, %swap3A_357] {strides = array<i32>} : memref<1024x16xf32, #tpu.memory_space<vmem>>, vector<1x16xf32>,
        %swap3A_359 = vector.shape_cast %swap3A_358 : vector<1x16xf32> to vector<16xf32>
        %swap3A_360 = vector.shape_cast %mul3A_353 : vector<16xf32> to vector<1x16xf32>
        tpu.vector_store %arg17[%swap3A_356, %swap3A_357], %swap3A_360 {strides = array<i32>} : memref<1024x16xf32, #tpu.memory_space<vmem>>, vector<1x16xf32>,
        %add3A_361 = arith.constant 12 : i32
        %add3A_362 = arith.addi %mul3A_159, %add3A_361 : i32
        %get3A_363 = arith.index_cast %add3A_362 : i32 to index
        %get3A_364 = arith.constant 0 : index
        %get3A_365 = tpu.vector_load %arg17[%get3A_363, %get3A_364] {strides = array<i32>} : memref<1024x16xf32, #tpu.memory_space<vmem>>, vector<1x16xf32>,
        %get3A_366 = vector.shape_cast %get3A_365 : vector<1x16xf32> to vector<16xf32>
        %slice3A_367 = vector.extract_strided_slice %get3A_157 {offsets = [12], sizes = [1], strides = [1]} : vector<16xf32> to vector<1xf32>
        %squeeze3A_368 = vector.extract %slice3A_367[0] : f32 from vector<1xf32>
        %mul3A_369 = vector.broadcast %squeeze3A_368 : f32 to vector<16xf32>
        %mul3A_370 = arith.mulf %get3A_366, %mul3A_369 : vector<16xf32>
        %add3A_371 = arith.constant 12 : i32
        %add3A_372 = arith.addi %mul3A_159, %add3A_371 : i32
        %swap3A_373 = arith.index_cast %add3A_372 : i32 to index
        %swap3A_374 = arith.constant 0 : index
        %swap3A_375 = tpu.vector_load %arg17[%swap3A_373, %swap3A_374] {strides = array<i32>} : memref<1024x16xf32, #tpu.memory_space<vmem>>, vector<1x16xf32>,
        %swap3A_376 = vector.shape_cast %swap3A_375 : vector<1x16xf32> to vector<16xf32>
        %swap3A_377 = vector.shape_cast %mul3A_370 : vector<16xf32> to vector<1x16xf32>
        tpu.vector_store %arg17[%swap3A_373, %swap3A_374], %swap3A_377 {strides = array<i32>} : memref<1024x16xf32, #tpu.memory_space<vmem>>, vector<1x16xf32>,
        %add3A_378 = arith.constant 13 : i32
        %add3A_379 = arith.addi %mul3A_159, %add3A_378 : i32
        %get3A_380 = arith.index_cast %add3A_379 : i32 to index
        %get3A_381 = arith.constant 0 : index
        %get3A_382 = tpu.vector_load %arg17[%get3A_380, %get3A_381] {strides = array<i32>} : memref<1024x16xf32, #tpu.memory_space<vmem>>, vector<1x16xf32>,
        %get3A_383 = vector.shape_cast %get3A_382 : vector<1x16xf32> to vector<16xf32>
        %slice3A_384 = vector.extract_strided_slice %get3A_157 {offsets = [13], sizes = [1], strides = [1]} : vector<16xf32> to vector<1xf32>
        %squeeze3A_385 = vector.extract %slice3A_384[0] : f32 from vector<1xf32>
        %mul3A_386 = vector.broadcast %squeeze3A_385 : f32 to vector<16xf32>
        %mul3A_387 = arith.mulf %get3A_383, %mul3A_386 : vector<16xf32>
        %add3A_388 = arith.constant 13 : i32
        %add3A_389 = arith.addi %mul3A_159, %add3A_388 : i32
        %swap3A_390 = arith.index_cast %add3A_389 : i32 to index
        %swap3A_391 = arith.constant 0 : index
        %swap3A_392 = tpu.vector_load %arg17[%swap3A_390, %swap3A_391] {strides = array<i32>} : memref<1024x16xf32, #tpu.memory_space<vmem>>, vector<1x16xf32>,
        %swap3A_393 = vector.shape_cast %swap3A_392 : vector<1x16xf32> to vector<16xf32>
        %swap3A_394 = vector.shape_cast %mul3A_387 : vector<16xf32> to vector<1x16xf32>
        tpu.vector_store %arg17[%swap3A_390, %swap3A_391], %swap3A_394 {strides = array<i32>} : memref<1024x16xf32, #tpu.memory_space<vmem>>, vector<1x16xf32>,
        %add3A_395 = arith.constant 14 : i32
        %add3A_396 = arith.addi %mul3A_159, %add3A_395 : i32
        %get3A_397 = arith.index_cast %add3A_396 : i32 to index
        %get3A_398 = arith.constant 0 : index
        %get3A_399 = tpu.vector_load %arg17[%get3A_397, %get3A_398] {strides = array<i32>} : memref<1024x16xf32, #tpu.memory_space<vmem>>, vector<1x16xf32>,
        %get3A_400 = vector.shape_cast %get3A_399 : vector<1x16xf32> to vector<16xf32>
        %slice3A_401 = vector.extract_strided_slice %get3A_157 {offsets = [14], sizes = [1], strides = [1]} : vector<16xf32> to vector<1xf32>
        %squeeze3A_402 = vector.extract %slice3A_401[0] : f32 from vector<1xf32>
        %mul3A_403 = vector.broadcast %squeeze3A_402 : f32 to vector<16xf32>
        %mul3A_404 = arith.mulf %get3A_400, %mul3A_403 : vector<16xf32>
        %add3A_405 = arith.constant 14 : i32
        %add3A_406 = arith.addi %mul3A_159, %add3A_405 : i32
        %swap3A_407 = arith.index_cast %add3A_406 : i32 to index
        %swap3A_408 = arith.constant 0 : index
        %swap3A_409 = tpu.vector_load %arg17[%swap3A_407, %swap3A_408] {strides = array<i32>} : memref<1024x16xf32, #tpu.memory_space<vmem>>, vector<1x16xf32>,
        %swap3A_410 = vector.shape_cast %swap3A_409 : vector<1x16xf32> to vector<16xf32>
        %swap3A_411 = vector.shape_cast %mul3A_404 : vector<16xf32> to vector<1x16xf32>
        tpu.vector_store %arg17[%swap3A_407, %swap3A_408], %swap3A_411 {strides = array<i32>} : memref<1024x16xf32, #tpu.memory_space<vmem>>, vector<1x16xf32>,
        %add3A_412 = arith.constant 15 : i32
        %add3A_413 = arith.addi %mul3A_159, %add3A_412 : i32
        %get3A_414 = arith.index_cast %add3A_413 : i32 to index
        %get3A_415 = arith.constant 0 : index
        %get3A_416 = tpu.vector_load %arg17[%get3A_414, %get3A_415] {strides = array<i32>} : memref<1024x16xf32, #tpu.memory_space<vmem>>, vector<1x16xf32>,
        %get3A_417 = vector.shape_cast %get3A_416 : vector<1x16xf32> to vector<16xf32>
        %slice3A_418 = vector.extract_strided_slice %get3A_157 {offsets = [15], sizes = [1], strides = [1]} : vector<16xf32> to vector<1xf32>
        %squeeze3A_419 = vector.extract %slice3A_418[0] : f32 from vector<1xf32>
        %mul3A_420 = vector.broadcast %squeeze3A_419 : f32 to vector<16xf32>
        %mul3A_421 = arith.mulf %get3A_417, %mul3A_420 : vector<16xf32>
        %add3A_422 = arith.constant 15 : i32
        %add3A_423 = arith.addi %mul3A_159, %add3A_422 : i32
        %swap3A_424 = arith.index_cast %add3A_423 : i32 to index
        %swap3A_425 = arith.constant 0 : index
        %swap3A_426 = tpu.vector_load %arg17[%swap3A_424, %swap3A_425] {strides = array<i32>} : memref<1024x16xf32, #tpu.memory_space<vmem>>, vector<1x16xf32>,
        %swap3A_427 = vector.shape_cast %swap3A_426 : vector<1x16xf32> to vector<16xf32>
        %swap3A_428 = vector.shape_cast %mul3A_421 : vector<16xf32> to vector<1x16xf32>
        tpu.vector_store %arg17[%swap3A_424, %swap3A_425], %swap3A_428 {strides = array<i32>} : memref<1024x16xf32, #tpu.memory_space<vmem>>, vector<1x16xf32>,
        %scan3A_429 = arith.constant 0 : i32
        scf.yield %scan3A_429 : i32
      }
      %scan3A_128 = arith.constant 64 : i32
      %dma_start3A_129 = arith.constant 0 : i32
      %dma_start3A_130 = arith.constant 0 : i32
      %dma_start3A_131 = tpu.memref_slice %arg20[%dma_start3A_129, %dma_start3A_130] : memref<51200x16xf32, #tpu.memory_space<vmem_shared>> -> memref<51200x16xf32, #tpu.memory_space<vmem_shared>>
      tpu.enqueue_indirect_dma source(%arg17 : memref<1024x16xf32, #tpu.memory_space<vmem>>) target(%dma_start3A_131 : memref<51200x16xf32, #tpu.memory_space<vmem_shared>>) offsets(%arg11 : memref<1024xi32, #tpu.memory_space<vmem>>) semaphore(%arg28 : memref<!tpu.dma_semaphore, #tpu.memory_space<semaphore_mem>>) {add = true}
      %dma_wait3A_132 = arith.constant 0 : i32
      %dma_wait3A_133 = arith.constant 0 : i32
      %dma_wait3A_134 = tpu.memref_slice %arg20[%dma_wait3A_132, %dma_wait3A_133] : memref<51200x16xf32, #tpu.memory_space<vmem_shared>> -> memref<51200x16xf32, #tpu.memory_space<vmem_shared>>
      tpu.wait_indirect_dma semaphore(%arg28 : memref<!tpu.dma_semaphore, #tpu.memory_space<semaphore_mem>>) src(%arg17 : memref<1024x16xf32, #tpu.memory_space<vmem>>) dst(%dma_wait3A_134 : memref<51200x16xf32, #tpu.memory_space<vmem_shared>>)
      %barrier3A_135 = arith.constant 0 : index
      tpu.barrier barrier_id(%barrier3A_135)
      %add3A_136 = arith.constant 0 : i32
      %add3A_137 = arith.addi %multiple_of3A, %add3A_136 : i32
      "tpu.region"() ({
        %run_scoped3A = tpu.sem_alloc : memref<!tpu.dma_semaphore, #tpu.memory_space<semaphore_mem>>
        %dma_start3A_153 = arith.constant 0 : i32
        %dma_start3A_154 = tpu.memref_slice %arg20[%add3A_137, %dma_start3A_153] : memref<51200x16xf32, #tpu.memory_space<vmem_shared>> -> memref<1024x16xf32, #tpu.memory_space<vmem_shared>>
        %dma_start3A_155 = arith.constant 0 : i32
        %dma_start3A_156 = tpu.memref_slice %arg20[%add3A_137, %dma_start3A_155] : memref<51200x16xf32, #tpu.memory_space<vmem_shared>> -> memref<1024x16xf32, #tpu.memory_space<vmem_shared>>
        tpu.enqueue_dma source(%dma_start3A_156 : memref<1024x16xf32, #tpu.memory_space<vmem_shared>>) target(%arg19 : memref<1024x16xf32, #tpu.memory_space<vmem>>) target_semaphore(%run_scoped3A : memref<!tpu.dma_semaphore, #tpu.memory_space<semaphore_mem>>)
        %dma_wait3A_157 = arith.constant 0 : i32
        %dma_wait3A_158 = tpu.memref_slice %arg20[%add3A_137, %dma_wait3A_157] : memref<51200x16xf32, #tpu.memory_space<vmem_shared>> -> memref<1024x16xf32, #tpu.memory_space<vmem_shared>>
        %dma_wait3A_159 = arith.constant 0 : i32
        %dma_wait3A_160 = tpu.memref_slice %arg20[%add3A_137, %dma_wait3A_159] : memref<51200x16xf32, #tpu.memory_space<vmem_shared>> -> memref<1024x16xf32, #tpu.memory_space<vmem_shared>>
        tpu.wait_dma2 semaphore(%run_scoped3A : memref<!tpu.dma_semaphore, #tpu.memory_space<semaphore_mem>>) src(%dma_wait3A_160 : memref<1024x16xf32, #tpu.memory_space<vmem_shared>>) dst(%arg19 : memref<1024x16xf32, #tpu.memory_space<vmem>>)
        tpu.yield
      }) : () -> ()
      %add3A_138 = arith.constant 0 : i32
      %add3A_139 = arith.addi %multiple_of3A, %add3A_138 : i32
      "tpu.region"() ({
        %run_scoped3A = tpu.sem_alloc : memref<!tpu.dma_semaphore, #tpu.memory_space<semaphore_mem>>
        %dma_start3A_153 = arith.constant 0 : i32
        %dma_start3A_154 = tpu.memref_slice %arg6[%add3A, %add3A_139, %dma_start3A_153] : memref<4x51200x16xf32, #tpu.memory_space<hbm>> -> memref<1x1024x16xf32, #tpu.memory_space<hbm>>
        %dma_start3A_155 = tpu.memref_squeeze %dma_start3A_154 : memref<1x1024x16xf32, #tpu.memory_space<hbm>> -> memref<1024x16xf32, #tpu.memory_space<hbm>>
        %dma_start3A_156 = arith.constant 0 : i32
        %dma_start3A_157 = tpu.memref_slice %arg6[%add3A, %add3A_139, %dma_start3A_156] : memref<4x51200x16xf32, #tpu.memory_space<hbm>> -> memref<1x1024x16xf32, #tpu.memory_space<hbm>>
        %dma_start3A_158 = tpu.memref_squeeze %dma_start3A_157 : memref<1x1024x16xf32, #tpu.memory_space<hbm>> -> memref<1024x16xf32, #tpu.memory_space<hbm>>
        tpu.enqueue_dma source(%arg19 : memref<1024x16xf32, #tpu.memory_space<vmem>>) target(%dma_start3A_158 : memref<1024x16xf32, #tpu.memory_space<hbm>>) target_semaphore(%run_scoped3A : memref<!tpu.dma_semaphore, #tpu.memory_space<semaphore_mem>>)
        %dma_wait3A_159 = arith.constant 0 : i32
        %dma_wait3A_160 = tpu.memref_slice %arg6[%add3A, %add3A_139, %dma_wait3A_159] : memref<4x51200x16xf32, #tpu.memory_space<hbm>> -> memref<1x1024x16xf32, #tpu.memory_space<hbm>>
        %dma_wait3A_161 = tpu.memref_squeeze %dma_wait3A_160 : memref<1x1024x16xf32, #tpu.memory_space<hbm>> -> memref<1024x16xf32, #tpu.memory_space<hbm>>
        %dma_wait3A_162 = arith.constant 0 : i32
        %dma_wait3A_163 = tpu.memref_slice %arg6[%add3A, %add3A_139, %dma_wait3A_162] : memref<4x51200x16xf32, #tpu.memory_space<hbm>> -> memref<1x1024x16xf32, #tpu.memory_space<hbm>>
        %dma_wait3A_164 = tpu.memref_squeeze %dma_wait3A_163 : memref<1x1024x16xf32, #tpu.memory_space<hbm>> -> memref<1024x16xf32, #tpu.memory_space<hbm>>
        tpu.wait_dma2 semaphore(%run_scoped3A : memref<!tpu.dma_semaphore, #tpu.memory_space<semaphore_mem>>) src(%arg19 : memref<1024x16xf32, #tpu.memory_space<vmem>>) dst(%dma_wait3A_164 : memref<1024x16xf32, #tpu.memory_space<hbm>>)
        tpu.yield
      }) : () -> ()
      %add3A_140 = arith.constant 1024 : i32
      %add3A_141 = arith.addi %multiple_of3A, %add3A_140 : i32
      "tpu.region"() ({
        %run_scoped3A = tpu.sem_alloc : memref<!tpu.dma_semaphore, #tpu.memory_space<semaphore_mem>>
        %dma_start3A_153 = arith.constant 0 : i32
        %dma_start3A_154 = tpu.memref_slice %arg20[%add3A_141, %dma_start3A_153] : memref<51200x16xf32, #tpu.memory_space<vmem_shared>> -> memref<1024x16xf32, #tpu.memory_space<vmem_shared>>
        %dma_start3A_155 = arith.constant 0 : i32
        %dma_start3A_156 = tpu.memref_slice %arg20[%add3A_141, %dma_start3A_155] : memref<51200x16xf32, #tpu.memory_space<vmem_shared>> -> memref<1024x16xf32, #tpu.memory_space<vmem_shared>>
        tpu.enqueue_dma source(%dma_start3A_156 : memref<1024x16xf32, #tpu.memory_space<vmem_shared>>) target(%arg19 : memref<1024x16xf32, #tpu.memory_space<vmem>>) target_semaphore(%run_scoped3A : memref<!tpu.dma_semaphore, #tpu.memory_space<semaphore_mem>>)
        %dma_wait3A_157 = arith.constant 0 : i32
        %dma_wait3A_158 = tpu.memref_slice %arg20[%add3A_141, %dma_wait3A_157] : memref<51200x16xf32, #tpu.memory_space<vmem_shared>> -> memref<1024x16xf32, #tpu.memory_space<vmem_shared>>
        %dma_wait3A_159 = arith.constant 0 : i32
        %dma_wait3A_160 = tpu.memref_slice %arg20[%add3A_141, %dma_wait3A_159] : memref<51200x16xf32, #tpu.memory_space<vmem_shared>> -> memref<1024x16xf32, #tpu.memory_space<vmem_shared>>
        tpu.wait_dma2 semaphore(%run_scoped3A : memref<!tpu.dma_semaphore, #tpu.memory_space<semaphore_mem>>) src(%dma_wait3A_160 : memref<1024x16xf32, #tpu.memory_space<vmem_shared>>) dst(%arg19 : memref<1024x16xf32, #tpu.memory_space<vmem>>)
        tpu.yield
      }) : () -> ()
      %add3A_142 = arith.constant 1024 : i32
      %add3A_143 = arith.addi %multiple_of3A, %add3A_142 : i32
      "tpu.region"() ({
        %run_scoped3A = tpu.sem_alloc : memref<!tpu.dma_semaphore, #tpu.memory_space<semaphore_mem>>
        %dma_start3A_153 = arith.constant 0 : i32
        %dma_start3A_154 = tpu.memref_slice %arg6[%add3A, %add3A_143, %dma_start3A_153] : memref<4x51200x16xf32, #tpu.memory_space<hbm>> -> memref<1x1024x16xf32, #tpu.memory_space<hbm>>
        %dma_start3A_155 = tpu.memref_squeeze %dma_start3A_154 : memref<1x1024x16xf32, #tpu.memory_space<hbm>> -> memref<1024x16xf32, #tpu.memory_space<hbm>>
        %dma_start3A_156 = arith.constant 0 : i32
        %dma_start3A_157 = tpu.memref_slice %arg6[%add3A, %add3A_143, %dma_start3A_156] : memref<4x51200x16xf32, #tpu.memory_space<hbm>> -> memref<1x1024x16xf32, #tpu.memory_space<hbm>>
        %dma_start3A_158 = tpu.memref_squeeze %dma_start3A_157 : memref<1x1024x16xf32, #tpu.memory_space<hbm>> -> memref<1024x16xf32, #tpu.memory_space<hbm>>
        tpu.enqueue_dma source(%arg19 : memref<1024x16xf32, #tpu.memory_space<vmem>>) target(%dma_start3A_158 : memref<1024x16xf32, #tpu.memory_space<hbm>>) target_semaphore(%run_scoped3A : memref<!tpu.dma_semaphore, #tpu.memory_space<semaphore_mem>>)
        %dma_wait3A_159 = arith.constant 0 : i32
        %dma_wait3A_160 = tpu.memref_slice %arg6[%add3A, %add3A_143, %dma_wait3A_159] : memref<4x51200x16xf32, #tpu.memory_space<hbm>> -> memref<1x1024x16xf32, #tpu.memory_space<hbm>>
        %dma_wait3A_161 = tpu.memref_squeeze %dma_wait3A_160 : memref<1x1024x16xf32, #tpu.memory_space<hbm>> -> memref<1024x16xf32, #tpu.memory_space<hbm>>
        %dma_wait3A_162 = arith.constant 0 : i32
        %dma_wait3A_163 = tpu.memref_slice %arg6[%add3A, %add3A_143, %dma_wait3A_162] : memref<4x51200x16xf32, #tpu.memory_space<hbm>> -> memref<1x1024x16xf32, #tpu.memory_space<hbm>>
        %dma_wait3A_164 = tpu.memref_squeeze %dma_wait3A_163 : memref<1x1024x16xf32, #tpu.memory_space<hbm>> -> memref<1024x16xf32, #tpu.memory_space<hbm>>
        tpu.wait_dma2 semaphore(%run_scoped3A : memref<!tpu.dma_semaphore, #tpu.memory_space<semaphore_mem>>) src(%arg19 : memref<1024x16xf32, #tpu.memory_space<vmem>>) dst(%dma_wait3A_164 : memref<1024x16xf32, #tpu.memory_space<hbm>>)
        tpu.yield
      }) : () -> ()
      %add3A_144 = arith.constant 2048 : i32
      %add3A_145 = arith.addi %multiple_of3A, %add3A_144 : i32
      "tpu.region"() ({
        %run_scoped3A = tpu.sem_alloc : memref<!tpu.dma_semaphore, #tpu.memory_space<semaphore_mem>>
        %dma_start3A_153 = arith.constant 0 : i32
        %dma_start3A_154 = tpu.memref_slice %arg20[%add3A_145, %dma_start3A_153] : memref<51200x16xf32, #tpu.memory_space<vmem_shared>> -> memref<1024x16xf32, #tpu.memory_space<vmem_shared>>
        %dma_start3A_155 = arith.constant 0 : i32
        %dma_start3A_156 = tpu.memref_slice %arg20[%add3A_145, %dma_start3A_155] : memref<51200x16xf32, #tpu.memory_space<vmem_shared>> -> memref<1024x16xf32, #tpu.memory_space<vmem_shared>>
        tpu.enqueue_dma source(%dma_start3A_156 : memref<1024x16xf32, #tpu.memory_space<vmem_shared>>) target(%arg19 : memref<1024x16xf32, #tpu.memory_space<vmem>>) target_semaphore(%run_scoped3A : memref<!tpu.dma_semaphore, #tpu.memory_space<semaphore_mem>>)
        %dma_wait3A_157 = arith.constant 0 : i32
        %dma_wait3A_158 = tpu.memref_slice %arg20[%add3A_145, %dma_wait3A_157] : memref<51200x16xf32, #tpu.memory_space<vmem_shared>> -> memref<1024x16xf32, #tpu.memory_space<vmem_shared>>
        %dma_wait3A_159 = arith.constant 0 : i32
        %dma_wait3A_160 = tpu.memref_slice %arg20[%add3A_145, %dma_wait3A_159] : memref<51200x16xf32, #tpu.memory_space<vmem_shared>> -> memref<1024x16xf32, #tpu.memory_space<vmem_shared>>
        tpu.wait_dma2 semaphore(%run_scoped3A : memref<!tpu.dma_semaphore, #tpu.memory_space<semaphore_mem>>) src(%dma_wait3A_160 : memref<1024x16xf32, #tpu.memory_space<vmem_shared>>) dst(%arg19 : memref<1024x16xf32, #tpu.memory_space<vmem>>)
        tpu.yield
      }) : () -> ()
      %add3A_146 = arith.constant 2048 : i32
      %add3A_147 = arith.addi %multiple_of3A, %add3A_146 : i32
      "tpu.region"() ({
        %run_scoped3A = tpu.sem_alloc : memref<!tpu.dma_semaphore, #tpu.memory_space<semaphore_mem>>
        %dma_start3A_153 = arith.constant 0 : i32
        %dma_start3A_154 = tpu.memref_slice %arg6[%add3A, %add3A_147, %dma_start3A_153] : memref<4x51200x16xf32, #tpu.memory_space<hbm>> -> memref<1x1024x16xf32, #tpu.memory_space<hbm>>
        %dma_start3A_155 = tpu.memref_squeeze %dma_start3A_154 : memref<1x1024x16xf32, #tpu.memory_space<hbm>> -> memref<1024x16xf32, #tpu.memory_space<hbm>>
        %dma_start3A_156 = arith.constant 0 : i32
        %dma_start3A_157 = tpu.memref_slice %arg6[%add3A, %add3A_147, %dma_start3A_156] : memref<4x51200x16xf32, #tpu.memory_space<hbm>> -> memref<1x1024x16xf32, #tpu.memory_space<hbm>>
        %dma_start3A_158 = tpu.memref_squeeze %dma_start3A_157 : memref<1x1024x16xf32, #tpu.memory_space<hbm>> -> memref<1024x16xf32, #tpu.memory_space<hbm>>
        tpu.enqueue_dma source(%arg19 : memref<1024x16xf32, #tpu.memory_space<vmem>>) target(%dma_start3A_158 : memref<1024x16xf32, #tpu.memory_space<hbm>>) target_semaphore(%run_scoped3A : memref<!tpu.dma_semaphore, #tpu.memory_space<semaphore_mem>>)
        %dma_wait3A_159 = arith.constant 0 : i32
        %dma_wait3A_160 = tpu.memref_slice %arg6[%add3A, %add3A_147, %dma_wait3A_159] : memref<4x51200x16xf32, #tpu.memory_space<hbm>> -> memref<1x1024x16xf32, #tpu.memory_space<hbm>>
        %dma_wait3A_161 = tpu.memref_squeeze %dma_wait3A_160 : memref<1x1024x16xf32, #tpu.memory_space<hbm>> -> memref<1024x16xf32, #tpu.memory_space<hbm>>
        %dma_wait3A_162 = arith.constant 0 : i32
        %dma_wait3A_163 = tpu.memref_slice %arg6[%add3A, %add3A_147, %dma_wait3A_162] : memref<4x51200x16xf32, #tpu.memory_space<hbm>> -> memref<1x1024x16xf32, #tpu.memory_space<hbm>>
        %dma_wait3A_164 = tpu.memref_squeeze %dma_wait3A_163 : memref<1x1024x16xf32, #tpu.memory_space<hbm>> -> memref<1024x16xf32, #tpu.memory_space<hbm>>
        tpu.wait_dma2 semaphore(%run_scoped3A : memref<!tpu.dma_semaphore, #tpu.memory_space<semaphore_mem>>) src(%arg19 : memref<1024x16xf32, #tpu.memory_space<vmem>>) dst(%dma_wait3A_164 : memref<1024x16xf32, #tpu.memory_space<hbm>>)
        tpu.yield
      }) : () -> ()
      %add3A_148 = arith.constant 3072 : i32
      %add3A_149 = arith.addi %multiple_of3A, %add3A_148 : i32
      "tpu.region"() ({
        %run_scoped3A = tpu.sem_alloc : memref<!tpu.dma_semaphore, #tpu.memory_space<semaphore_mem>>
        %dma_start3A_153 = arith.constant 0 : i32
        %dma_start3A_154 = arith.constant 0 : i32
        %dma_start3A_155 = tpu.memref_slice %arg19[%dma_start3A_153, %dma_start3A_154] : memref<1024x16xf32, #tpu.memory_space<vmem>> -> memref<128x16xf32, #tpu.memory_space<vmem>>
        %dma_start3A_156 = arith.constant 0 : i32
        %dma_start3A_157 = tpu.memref_slice %arg20[%add3A_149, %dma_start3A_156] : memref<51200x16xf32, #tpu.memory_space<vmem_shared>> -> memref<128x16xf32, #tpu.memory_space<vmem_shared>>
        %dma_start3A_158 = arith.constant 0 : i32
        %dma_start3A_159 = arith.constant 0 : i32
        %dma_start3A_160 = tpu.memref_slice %arg19[%dma_start3A_158, %dma_start3A_159] : memref<1024x16xf32, #tpu.memory_space<vmem>> -> memref<128x16xf32, #tpu.memory_space<vmem>>
        %dma_start3A_161 = arith.constant 0 : i32
        %dma_start3A_162 = tpu.memref_slice %arg20[%add3A_149, %dma_start3A_161] : memref<51200x16xf32, #tpu.memory_space<vmem_shared>> -> memref<128x16xf32, #tpu.memory_space<vmem_shared>>
        tpu.enqueue_dma source(%dma_start3A_162 : memref<128x16xf32, #tpu.memory_space<vmem_shared>>) target(%dma_start3A_160 : memref<128x16xf32, #tpu.memory_space<vmem>>) target_semaphore(%run_scoped3A : memref<!tpu.dma_semaphore, #tpu.memory_space<semaphore_mem>>)
        %dma_wait3A_163 = arith.constant 0 : i32
        %dma_wait3A_164 = arith.constant 0 : i32
        %dma_wait3A_165 = tpu.memref_slice %arg19[%dma_wait3A_163, %dma_wait3A_164] : memref<1024x16xf32, #tpu.memory_space<vmem>> -> memref<128x16xf32, #tpu.memory_space<vmem>>
        %dma_wait3A_166 = arith.constant 0 : i32
        %dma_wait3A_167 = tpu.memref_slice %arg20[%add3A_149, %dma_wait3A_166] : memref<51200x16xf32, #tpu.memory_space<vmem_shared>> -> memref<128x16xf32, #tpu.memory_space<vmem_shared>>
        %dma_wait3A_168 = arith.constant 0 : i32
        %dma_wait3A_169 = arith.constant 0 : i32
        %dma_wait3A_170 = tpu.memref_slice %arg19[%dma_wait3A_168, %dma_wait3A_169] : memref<1024x16xf32, #tpu.memory_space<vmem>> -> memref<128x16xf32, #tpu.memory_space<vmem>>
        %dma_wait3A_171 = arith.constant 0 : i32
        %dma_wait3A_172 = tpu.memref_slice %arg20[%add3A_149, %dma_wait3A_171] : memref<51200x16xf32, #tpu.memory_space<vmem_shared>> -> memref<128x16xf32, #tpu.memory_space<vmem_shared>>
        tpu.wait_dma2 semaphore(%run_scoped3A : memref<!tpu.dma_semaphore, #tpu.memory_space<semaphore_mem>>) src(%dma_wait3A_172 : memref<128x16xf32, #tpu.memory_space<vmem_shared>>) dst(%dma_wait3A_170 : memref<128x16xf32, #tpu.memory_space<vmem>>)
        tpu.yield
      }) : () -> ()
      %add3A_150 = arith.constant 3072 : i32
      %add3A_151 = arith.addi %multiple_of3A, %add3A_150 : i32
      "tpu.region"() ({
        %run_scoped3A = tpu.sem_alloc : memref<!tpu.dma_semaphore, #tpu.memory_space<semaphore_mem>>
        %dma_start3A_153 = arith.constant 0 : i32
        %dma_start3A_154 = arith.constant 0 : i32
        %dma_start3A_155 = tpu.memref_slice %arg19[%dma_start3A_153, %dma_start3A_154] : memref<1024x16xf32, #tpu.memory_space<vmem>> -> memref<128x16xf32, #tpu.memory_space<vmem>>
        %dma_start3A_156 = arith.constant 0 : i32
        %dma_start3A_157 = tpu.memref_slice %arg6[%add3A, %add3A_151, %dma_start3A_156] : memref<4x51200x16xf32, #tpu.memory_space<hbm>> -> memref<1x128x16xf32, #tpu.memory_space<hbm>>
        %dma_start3A_158 = tpu.memref_squeeze %dma_start3A_157 : memref<1x128x16xf32, #tpu.memory_space<hbm>> -> memref<128x16xf32, #tpu.memory_space<hbm>>
        %dma_start3A_159 = arith.constant 0 : i32
        %dma_start3A_160 = tpu.memref_slice %arg6[%add3A, %add3A_151, %dma_start3A_159] : memref<4x51200x16xf32, #tpu.memory_space<hbm>> -> memref<1x128x16xf32, #tpu.memory_space<hbm>>
        %dma_start3A_161 = tpu.memref_squeeze %dma_start3A_160 : memref<1x128x16xf32, #tpu.memory_space<hbm>> -> memref<128x16xf32, #tpu.memory_space<hbm>>
        %dma_start3A_162 = arith.constant 0 : i32
        %dma_start3A_163 = arith.constant 0 : i32
        %dma_start3A_164 = tpu.memref_slice %arg19[%dma_start3A_162, %dma_start3A_163] : memref<1024x16xf32, #tpu.memory_space<vmem>> -> memref<128x16xf32, #tpu.memory_space<vmem>>
        tpu.enqueue_dma source(%dma_start3A_164 : memref<128x16xf32, #tpu.memory_space<vmem>>) target(%dma_start3A_161 : memref<128x16xf32, #tpu.memory_space<hbm>>) target_semaphore(%run_scoped3A : memref<!tpu.dma_semaphore, #tpu.memory_space<semaphore_mem>>)
        %dma_wait3A_165 = arith.constant 0 : i32
        %dma_wait3A_166 = arith.constant 0 : i32
        %dma_wait3A_167 = tpu.memref_slice %arg19[%dma_wait3A_165, %dma_wait3A_166] : memref<1024x16xf32, #tpu.memory_space<vmem>> -> memref<128x16xf32, #tpu.memory_space<vmem>>
        %dma_wait3A_168 = arith.constant 0 : i32
        %dma_wait3A_169 = tpu.memref_slice %arg6[%add3A, %add3A_151, %dma_wait3A_168] : memref<4x51200x16xf32, #tpu.memory_space<hbm>> -> memref<1x128x16xf32, #tpu.memory_space<hbm>>
        %dma_wait3A_170 = tpu.memref_squeeze %dma_wait3A_169 : memref<1x128x16xf32, #tpu.memory_space<hbm>> -> memref<128x16xf32, #tpu.memory_space<hbm>>
        %dma_wait3A_171 = arith.constant 0 : i32
        %dma_wait3A_172 = tpu.memref_slice %arg6[%add3A, %add3A_151, %dma_wait3A_171] : memref<4x51200x16xf32, #tpu.memory_space<hbm>> -> memref<1x128x16xf32, #tpu.memory_space<hbm>>
        %dma_wait3A_173 = tpu.memref_squeeze %dma_wait3A_172 : memref<1x128x16xf32, #tpu.memory_space<hbm>> -> memref<128x16xf32, #tpu.memory_space<hbm>>
        %dma_wait3A_174 = arith.constant 0 : i32
        %dma_wait3A_175 = arith.constant 0 : i32
        %dma_wait3A_176 = tpu.memref_slice %arg19[%dma_wait3A_174, %dma_wait3A_175] : memref<1024x16xf32, #tpu.memory_space<vmem>> -> memref<128x16xf32, #tpu.memory_space<vmem>>
        tpu.wait_dma2 semaphore(%run_scoped3A : memref<!tpu.dma_semaphore, #tpu.memory_space<semaphore_mem>>) src(%dma_wait3A_176 : memref<128x16xf32, #tpu.memory_space<vmem>>) dst(%dma_wait3A_173 : memref<128x16xf32, #tpu.memory_space<hbm>>)
        tpu.yield
      }) : () -> ()
      %scan3A_152 = arith.constant 0 : i32
      scf.yield %scan3A_152 : i32
    }
    %scan3A_8 = arith.constant 2 : i32
    return
  }
}

module attributes {stable_mosaic.version = 14 : i64} {
  func.func @_k1_body(%arg0: i32, %arg1: memref<2000x518xf32, #tpu.memory_space<vmem>>, %arg2: memref<518x114xf32, #tpu.memory_space<vmem>>, %arg3: memref<114x83xf32, #tpu.memory_space<vmem>>, %arg4: memref<83x64xf32, #tpu.memory_space<vmem>>, %arg5: memref<1x2xf32, #tpu.memory_space<vmem>>, %arg6: memref<4x2000x16xf32, #tpu.memory_space<vmem>>) attributes {dimension_semantics = [#tpu.dimension_semantics<arbitrary>], iteration_bounds = array<i64: 25>, scalar_prefetch = 0 : i64, scratch_operands = 0 : i64, tpu.core_type = #tpu.core_type<tc>, window_params = [{transform_indices = @transform_0, window_bounds = array<i64: 2000, 518>}, {pipeline_mode = #tpu.pipeline_mode<synchronous>, transform_indices = @transform_1, window_bounds = array<i64: 518, 114>}, {pipeline_mode = #tpu.pipeline_mode<synchronous>, transform_indices = @transform_2, window_bounds = array<i64: 114, 83>}, {pipeline_mode = #tpu.pipeline_mode<synchronous>, transform_indices = @transform_3, window_bounds = array<i64: 83, 64>}, {pipeline_mode = #tpu.pipeline_mode<synchronous>, transform_indices = @transform_4, window_bounds = array<i64: 1, 2>}, {transform_indices = @transform_5, window_bounds = array<i64: 4, 2000, 16>}]} {
    %get3A = arith.constant 0 : index
    %get3A_0 = arith.constant 0 : index
    %get3A_1 = vector.load %arg1[%get3A, %get3A_0] : memref<2000x518xf32, #tpu.memory_space<vmem>>, vector<2000x518xf32>
    %get3A_2 = arith.constant 0 : index
    %get3A_3 = arith.constant 0 : index
    %get3A_4 = vector.load %arg2[%get3A_2, %get3A_3] : memref<518x114xf32, #tpu.memory_space<vmem>>, vector<518x114xf32>
    %dot_general3A = arith.constant dense<0.000000e+00> : vector<2000x114xf32>
    %dot_general3A_5 = tpu.matmul %get3A_1, %get3A_4, %dot_general3A {dimension_numbers = #tpu.dot_dimension_numbers<[1], [0], [0], [1], [0, 0, 1, 1], [], []>, transpose_lhs_hint = false} : vector<2000x518xf32>, vector<518x114xf32>, vector<2000x114xf32> -> vector<2000x114xf32>
    %get3A_6 = arith.constant 0 : index
    %get3A_7 = arith.constant 0 : index
    %get3A_8 = vector.load %arg5[%get3A_6, %get3A_7] : memref<1x2xf32, #tpu.memory_space<vmem>>, vector<1x1xf32>
    %get3A_9 = vector.extract %get3A_8[0, 0] : f32 from vector<1x1xf32>
    %add3A = vector.broadcast %get3A_9 : f32 to vector<2000x114xf32>
    %add3A_10 = arith.addf %dot_general3A_5, %add3A : vector<2000x114xf32>
    %max3A = arith.constant 0.000000e+00 : f32
    %max3A_11 = vector.broadcast %max3A : f32 to vector<2000x114xf32>
    %max3A_12 = arith.maximumf %add3A_10, %max3A_11 : vector<2000x114xf32>
    %get3A_13 = arith.constant 0 : index
    %get3A_14 = arith.constant 0 : index
    %get3A_15 = vector.load %arg3[%get3A_13, %get3A_14] : memref<114x83xf32, #tpu.memory_space<vmem>>, vector<114x83xf32>
    %dot_general3A_16 = arith.constant dense<0.000000e+00> : vector<2000x83xf32>
    %dot_general3A_17 = tpu.matmul %max3A_12, %get3A_15, %dot_general3A_16 {dimension_numbers = #tpu.dot_dimension_numbers<[1], [0], [0], [1], [0, 0, 1, 1], [], []>, transpose_lhs_hint = false} : vector<2000x114xf32>, vector<114x83xf32>, vector<2000x83xf32> -> vector<2000x83xf32>
    %get3A_18 = arith.constant 0 : index
    %get3A_19 = arith.constant 1 : index
    %get3A_20 = vector.load %arg5[%get3A_18, %get3A_19] : memref<1x2xf32, #tpu.memory_space<vmem>>, vector<1x1xf32>
    %get3A_21 = vector.extract %get3A_20[0, 0] : f32 from vector<1x1xf32>
    %add3A_22 = vector.broadcast %get3A_21 : f32 to vector<2000x83xf32>
    %add3A_23 = arith.addf %dot_general3A_17, %add3A_22 : vector<2000x83xf32>
    %max3A_24 = arith.constant 0.000000e+00 : f32
    %max3A_25 = vector.broadcast %max3A_24 : f32 to vector<2000x83xf32>
    %max3A_26 = arith.maximumf %add3A_23, %max3A_25 : vector<2000x83xf32>
    %get3A_27 = arith.constant 0 : index
    %get3A_28 = arith.constant 0 : index
    %get3A_29 = vector.load %arg4[%get3A_27, %get3A_28] : memref<83x64xf32, #tpu.memory_space<vmem>>, vector<83x64xf32>
    %dot_general3A_30 = arith.constant dense<0.000000e+00> : vector<2000x64xf32>
    %dot_general3A_31 = tpu.matmul %max3A_26, %get3A_29, %dot_general3A_30 {dimension_numbers = #tpu.dot_dimension_numbers<[1], [0], [0], [1], [0, 0, 1, 1], [], []>, transpose_lhs_hint = false} : vector<2000x83xf32>, vector<83x64xf32>, vector<2000x64xf32> -> vector<2000x64xf32>
    %slice3A = vector.extract_strided_slice %dot_general3A_31 {offsets = [0, 0], sizes = [2000, 16], strides = [1, 1]} : vector<2000x64xf32> to vector<2000x16xf32>
    %slice3A_32 = vector.extract_strided_slice %dot_general3A_31 {offsets = [0, 16], sizes = [2000, 16], strides = [1, 1]} : vector<2000x64xf32> to vector<2000x16xf32>
    %slice3A_33 = vector.extract_strided_slice %dot_general3A_31 {offsets = [0, 32], sizes = [2000, 16], strides = [1, 1]} : vector<2000x64xf32> to vector<2000x16xf32>
    %slice3A_34 = vector.extract_strided_slice %dot_general3A_31 {offsets = [0, 48], sizes = [2000, 16], strides = [1, 1]} : vector<2000x64xf32> to vector<2000x16xf32>
    %stack3A = vector.shape_cast %slice3A : vector<2000x16xf32> to vector<1x2000x16xf32>
    %stack3A_35 = vector.shape_cast %slice3A_32 : vector<2000x16xf32> to vector<1x2000x16xf32>
    %stack3A_36 = vector.shape_cast %slice3A_33 : vector<2000x16xf32> to vector<1x2000x16xf32>
    %stack3A_37 = vector.shape_cast %slice3A_34 : vector<2000x16xf32> to vector<1x2000x16xf32>
    %stack3A_38 = tpu.concatenate %stack3A, %stack3A_35, %stack3A_36, %stack3A_37 in 0 : vector<1x2000x16xf32>, vector<1x2000x16xf32>, vector<1x2000x16xf32>, vector<1x2000x16xf32> -> vector<4x2000x16xf32>
    %swap3A = arith.constant 0 : index
    %swap3A_39 = arith.constant 0 : index
    %swap3A_40 = arith.constant 0 : index
    %swap3A_41 = vector.load %arg6[%swap3A, %swap3A_39, %swap3A_40] : memref<4x2000x16xf32, #tpu.memory_space<vmem>>, vector<4x2000x16xf32>
    tpu.vector_store %arg6[%swap3A, %swap3A_39, %swap3A_40], %stack3A_38 {strides = array<i32>} : memref<4x2000x16xf32, #tpu.memory_space<vmem>>, vector<4x2000x16xf32>,
    return
  }
  func.func @transform_0(%arg0: i32) -> (i32, i32) {
    %c0_i32 = arith.constant 0 : i32
    %c0_i32_0 = arith.constant 0 : i32
    return %arg0, %c0_i32 : i32, i32
  }
  func.func @transform_1(%arg0: i32) -> (i32, i32) {
    %c0_i32 = arith.constant 0 : i32
    %c0_i32_0 = arith.constant 0 : i32
    %c0_i32_1 = arith.constant 0 : i32
    return %c0_i32, %c0_i32_0 : i32, i32
  }
  func.func @transform_2(%arg0: i32) -> (i32, i32) {
    %c0_i32 = arith.constant 0 : i32
    %c0_i32_0 = arith.constant 0 : i32
    %c0_i32_1 = arith.constant 0 : i32
    return %c0_i32, %c0_i32_0 : i32, i32
  }
  func.func @transform_3(%arg0: i32) -> (i32, i32) {
    %c0_i32 = arith.constant 0 : i32
    %c0_i32_0 = arith.constant 0 : i32
    %c0_i32_1 = arith.constant 0 : i32
    return %c0_i32, %c0_i32_0 : i32, i32
  }
  func.func @transform_4(%arg0: i32) -> (i32, i32) {
    %c0_i32 = arith.constant 0 : i32
    %c0_i32_0 = arith.constant 0 : i32
    %c0_i32_1 = arith.constant 0 : i32
    return %c0_i32, %c0_i32_0 : i32, i32
  }
  func.func @transform_5(%arg0: i32) -> (i32, i32, i32) {
    %c0_i32 = arith.constant 0 : i32
    %c0_i32_0 = arith.constant 0 : i32
    %c0_i32_1 = arith.constant 0 : i32
    return %c0_i32, %arg0, %c0_i32_0 : i32, i32, i32
  }
}

module attributes {stable_mosaic.version = 14 : i64} {
  func.func @_k5_body(%arg0: i32, %arg1: memref<4x2048x16xf32, #tpu.memory_space<vmem>>, %arg2: memref<4x2048x16xf32, #tpu.memory_space<vmem>>, %arg3: memref<2048xf32, #tpu.memory_space<vmem>>, %arg4: memref<2x2048xf32, #tpu.memory_space<vmem>>, %arg5: memref<1x64xf32, #tpu.memory_space<vmem>>, %arg6: memref<64x64xf32, #tpu.memory_space<vmem>>, %arg7: memref<1x64xf32, #tpu.memory_space<vmem>>, %arg8: memref<1x64xf32, #tpu.memory_space<vmem>>, %arg9: memref<1x64xf32, #tpu.memory_space<vmem>>) attributes {dimension_semantics = [#tpu.dimension_semantics<arbitrary>], iteration_bounds = array<i64: 25>, scalar_prefetch = 0 : i64, scratch_operands = 1 : i64, tpu.core_type = #tpu.core_type<tc>, window_params = [{transform_indices = @transform_0, window_bounds = array<i64: 4, 2048, 16>}, {transform_indices = @transform_1, window_bounds = array<i64: 4, 2048, 16>}, {transform_indices = @transform_2, window_bounds = array<i64: 2048>}, {transform_indices = @transform_3, window_bounds = array<i64: 2, 2048>}, {pipeline_mode = #tpu.pipeline_mode<synchronous>, transform_indices = @transform_4, window_bounds = array<i64: 1, 64>}, {pipeline_mode = #tpu.pipeline_mode<synchronous>, transform_indices = @transform_5, window_bounds = array<i64: 64, 64>}, {pipeline_mode = #tpu.pipeline_mode<synchronous>, transform_indices = @transform_6, window_bounds = array<i64: 1, 64>}, {pipeline_mode = #tpu.pipeline_mode<synchronous>, transform_indices = @transform_7, window_bounds = array<i64: 1, 64>}]} {
    %get3A = arith.constant 0 : index
    %get3A_0 = vector.load %arg3[%get3A] : memref<2048xf32, #tpu.memory_space<vmem>>, vector<2048xf32>
    %mul3A = arith.mulf %get3A_0, %get3A_0 : vector<2048xf32>
    %get3A_1 = arith.constant 0 : index
    %get3A_2 = arith.constant 0 : index
    %get3A_3 = vector.load %arg4[%get3A_1, %get3A_2] : memref<2x2048xf32, #tpu.memory_space<vmem>>, vector<1x2048xf32>
    %get3A_4 = vector.shape_cast %get3A_3 : vector<1x2048xf32> to vector<2048xf32>
    %get3A_5 = arith.constant 1 : index
    %get3A_6 = arith.constant 0 : index
    %get3A_7 = vector.load %arg4[%get3A_5, %get3A_6] : memref<2x2048xf32, #tpu.memory_space<vmem>>, vector<1x2048xf32>
    %get3A_8 = vector.shape_cast %get3A_7 : vector<1x2048xf32> to vector<2048xf32>
    %add3A = arith.addf %get3A_4, %get3A_8 : vector<2048xf32>
    %add3A_9 = arith.addf %add3A, %mul3A : vector<2048xf32>
    %get3A_10 = arith.constant 0 : index
    %get3A_11 = arith.constant 0 : index
    %get3A_12 = vector.load %arg5[%get3A_10, %get3A_11] : memref<1x64xf32, #tpu.memory_space<vmem>>, vector<1x64xf32>
    %get3A_13 = arith.constant 0 : index
    %get3A_14 = arith.constant 0 : index
    %get3A_15 = arith.constant 0 : index
    %get3A_16 = vector.load %arg1[%get3A_13, %get3A_14, %get3A_15] : memref<4x2048x16xf32, #tpu.memory_space<vmem>>, vector<4x2048x16xf32>
    %iota3A = tpu.iota {dimensions = array<i32: 0>} : vector<2048x1xi32>
    %mul3A_17 = arith.constant 2048 : i32
    %mul3A_18 = arith.muli %arg0, %mul3A_17 : i32
    %add3A_19 = vector.broadcast %mul3A_18 : i32 to vector<2048x1xi32>
    %add3A_20 = arith.addi %iota3A, %add3A_19 : vector<2048x1xi32>
    %lt3A = arith.constant 50000 : i32
    %lt3A_21 = vector.broadcast %lt3A : i32 to vector<2048x1xi32>
    %lt3A_22 = arith.cmpi slt, %add3A_20, %lt3A_21 : vector<2048x1xi32>
    %get3A_23 = arith.constant 0 : index
    %get3A_24 = arith.constant 0 : index
    %get3A_25 = arith.constant 0 : index
    %get3A_26 = vector.load %arg2[%get3A_23, %get3A_24, %get3A_25] : memref<4x2048x16xf32, #tpu.memory_space<vmem>>, vector<4x2048x16xf32>
    %slice3A = vector.extract_strided_slice %get3A_26 {offsets = [0, 0, 0], sizes = [1, 2048, 16], strides = [1, 1, 1]} : vector<4x2048x16xf32> to vector<1x2048x16xf32>
    %squeeze3A = vector.shape_cast %slice3A : vector<1x2048x16xf32> to vector<2048x16xf32>
    %slice3A_27 = vector.extract_strided_slice %get3A_26 {offsets = [1, 0, 0], sizes = [1, 2048, 16], strides = [1, 1, 1]} : vector<4x2048x16xf32> to vector<1x2048x16xf32>
    %squeeze3A_28 = vector.shape_cast %slice3A_27 : vector<1x2048x16xf32> to vector<2048x16xf32>
    %slice3A_29 = vector.extract_strided_slice %get3A_26 {offsets = [2, 0, 0], sizes = [1, 2048, 16], strides = [1, 1, 1]} : vector<4x2048x16xf32> to vector<1x2048x16xf32>
    %squeeze3A_30 = vector.shape_cast %slice3A_29 : vector<1x2048x16xf32> to vector<2048x16xf32>
    %slice3A_31 = vector.extract_strided_slice %get3A_26 {offsets = [3, 0, 0], sizes = [1, 2048, 16], strides = [1, 1, 1]} : vector<4x2048x16xf32> to vector<1x2048x16xf32>
    %squeeze3A_32 = vector.shape_cast %slice3A_31 : vector<1x2048x16xf32> to vector<2048x16xf32>
    %slice3A_33 = vector.extract_strided_slice %get3A_16 {offsets = [0, 0, 0], sizes = [1, 2048, 16], strides = [1, 1, 1]} : vector<4x2048x16xf32> to vector<1x2048x16xf32>
    %squeeze3A_34 = vector.shape_cast %slice3A_33 : vector<1x2048x16xf32> to vector<2048x16xf32>
    %broadcast_in_dim3A = vector.shape_cast %mul3A : vector<2048xf32> to vector<2048x1xf32>
    %mul3A_35 = vector.broadcast %broadcast_in_dim3A : vector<2048x1xf32> to vector<2048x16xf32>
    %mul3A_36 = arith.mulf %squeeze3A, %mul3A_35 : vector<2048x16xf32>
    %add3A_37 = arith.addf %squeeze3A_34, %mul3A_36 : vector<2048x16xf32>
    %slice3A_38 = vector.extract_strided_slice %get3A_12 {offsets = [0, 0], sizes = [1, 16], strides = [1, 1]} : vector<1x64xf32> to vector<1x16xf32>
    %squeeze3A_39 = vector.shape_cast %slice3A_38 : vector<1x16xf32> to vector<16xf32>
    %broadcast_in_dim3A_40 = vector.shape_cast %squeeze3A_39 : vector<16xf32> to vector<1x16xf32>
    %add3A_41 = vector.broadcast %broadcast_in_dim3A_40 : vector<1x16xf32> to vector<2048x16xf32>
    %add3A_42 = arith.addf %add3A_37, %add3A_41 : vector<2048x16xf32>
    %max3A = arith.constant 0.000000e+00 : f32
    %max3A_43 = vector.broadcast %max3A : f32 to vector<2048x16xf32>
    %max3A_44 = arith.maximumf %add3A_42, %max3A_43 : vector<2048x16xf32>
    %jit3A = arith.constant 0.000000e+00 : f32
    %broadcast_in_dim3A_45 = vector.shape_cast %lt3A_22 : vector<2048x1xi1> to vector<2048x1xi1>
    %broadcast_in_dim3A_46 = vector.broadcast %broadcast_in_dim3A_45 : vector<2048x1xi1> to vector<2048x16xi1>
    %broadcast_in_dim3A_47 = vector.broadcast %jit3A : f32 to vector<2048x16xf32>
    %select_n3A = arith.select %broadcast_in_dim3A_46, %max3A_44, %broadcast_in_dim3A_47 : vector<2048x16xi1>, vector<2048x16xf32>
    %broadcast_in_dim3A_48 = vector.shape_cast %add3A_9 : vector<2048xf32> to vector<1x2048xf32>
    %dot_general3A = arith.constant dense<0.000000e+00> : vector<1x16xf32>
    %dot_general3A_49 = tpu.matmul %broadcast_in_dim3A_48, %select_n3A, %dot_general3A {dimension_numbers = #tpu.dot_dimension_numbers<[1], [0], [0], [1], [0, 0, 1, 1], [], []>, transpose_lhs_hint = false} : vector<1x2048xf32>, vector<2048x16xf32>, vector<1x16xf32> -> vector<1x16xf32>
    %slice3A_50 = vector.extract_strided_slice %get3A_16 {offsets = [1, 0, 0], sizes = [1, 2048, 16], strides = [1, 1, 1]} : vector<4x2048x16xf32> to vector<1x2048x16xf32>
    %squeeze3A_51 = vector.shape_cast %slice3A_50 : vector<1x2048x16xf32> to vector<2048x16xf32>
    %broadcast_in_dim3A_52 = vector.shape_cast %mul3A : vector<2048xf32> to vector<2048x1xf32>
    %mul3A_53 = vector.broadcast %broadcast_in_dim3A_52 : vector<2048x1xf32> to vector<2048x16xf32>
    %mul3A_54 = arith.mulf %squeeze3A_28, %mul3A_53 : vector<2048x16xf32>
    %add3A_55 = arith.addf %squeeze3A_51, %mul3A_54 : vector<2048x16xf32>
    %slice3A_56 = vector.extract_strided_slice %get3A_12 {offsets = [0, 16], sizes = [1, 16], strides = [1, 1]} : vector<1x64xf32> to vector<1x16xf32>
    %squeeze3A_57 = vector.shape_cast %slice3A_56 : vector<1x16xf32> to vector<16xf32>
    %broadcast_in_dim3A_58 = vector.shape_cast %squeeze3A_57 : vector<16xf32> to vector<1x16xf32>
    %add3A_59 = vector.broadcast %broadcast_in_dim3A_58 : vector<1x16xf32> to vector<2048x16xf32>
    %add3A_60 = arith.addf %add3A_55, %add3A_59 : vector<2048x16xf32>
    %max3A_61 = arith.constant 0.000000e+00 : f32
    %max3A_62 = vector.broadcast %max3A_61 : f32 to vector<2048x16xf32>
    %max3A_63 = arith.maximumf %add3A_60, %max3A_62 : vector<2048x16xf32>
    %jit3A_64 = arith.constant 0.000000e+00 : f32
    %broadcast_in_dim3A_65 = vector.shape_cast %lt3A_22 : vector<2048x1xi1> to vector<2048x1xi1>
    %broadcast_in_dim3A_66 = vector.broadcast %broadcast_in_dim3A_65 : vector<2048x1xi1> to vector<2048x16xi1>
    %broadcast_in_dim3A_67 = vector.broadcast %jit3A_64 : f32 to vector<2048x16xf32>
    %select_n3A_68 = arith.select %broadcast_in_dim3A_66, %max3A_63, %broadcast_in_dim3A_67 : vector<2048x16xi1>, vector<2048x16xf32>
    %broadcast_in_dim3A_69 = vector.shape_cast %add3A_9 : vector<2048xf32> to vector<1x2048xf32>
    %dot_general3A_70 = arith.constant dense<0.000000e+00> : vector<1x16xf32>
    %dot_general3A_71 = tpu.matmul %broadcast_in_dim3A_69, %select_n3A_68, %dot_general3A_70 {dimension_numbers = #tpu.dot_dimension_numbers<[1], [0], [0], [1], [0, 0, 1, 1], [], []>, transpose_lhs_hint = false} : vector<1x2048xf32>, vector<2048x16xf32>, vector<1x16xf32> -> vector<1x16xf32>
    %slice3A_72 = vector.extract_strided_slice %get3A_16 {offsets = [2, 0, 0], sizes = [1, 2048, 16], strides = [1, 1, 1]} : vector<4x2048x16xf32> to vector<1x2048x16xf32>
    %squeeze3A_73 = vector.shape_cast %slice3A_72 : vector<1x2048x16xf32> to vector<2048x16xf32>
    %broadcast_in_dim3A_74 = vector.shape_cast %mul3A : vector<2048xf32> to vector<2048x1xf32>
    %mul3A_75 = vector.broadcast %broadcast_in_dim3A_74 : vector<2048x1xf32> to vector<2048x16xf32>
    %mul3A_76 = arith.mulf %squeeze3A_30, %mul3A_75 : vector<2048x16xf32>
    %add3A_77 = arith.addf %squeeze3A_73, %mul3A_76 : vector<2048x16xf32>
    %slice3A_78 = vector.extract_strided_slice %get3A_12 {offsets = [0, 32], sizes = [1, 16], strides = [1, 1]} : vector<1x64xf32> to vector<1x16xf32>
    %squeeze3A_79 = vector.shape_cast %slice3A_78 : vector<1x16xf32> to vector<16xf32>
    %broadcast_in_dim3A_80 = vector.shape_cast %squeeze3A_79 : vector<16xf32> to vector<1x16xf32>
    %add3A_81 = vector.broadcast %broadcast_in_dim3A_80 : vector<1x16xf32> to vector<2048x16xf32>
    %add3A_82 = arith.addf %add3A_77, %add3A_81 : vector<2048x16xf32>
    %max3A_83 = arith.constant 0.000000e+00 : f32
    %max3A_84 = vector.broadcast %max3A_83 : f32 to vector<2048x16xf32>
    %max3A_85 = arith.maximumf %add3A_82, %max3A_84 : vector<2048x16xf32>
    %jit3A_86 = arith.constant 0.000000e+00 : f32
    %broadcast_in_dim3A_87 = vector.shape_cast %lt3A_22 : vector<2048x1xi1> to vector<2048x1xi1>
    %broadcast_in_dim3A_88 = vector.broadcast %broadcast_in_dim3A_87 : vector<2048x1xi1> to vector<2048x16xi1>
    %broadcast_in_dim3A_89 = vector.broadcast %jit3A_86 : f32 to vector<2048x16xf32>
    %select_n3A_90 = arith.select %broadcast_in_dim3A_88, %max3A_85, %broadcast_in_dim3A_89 : vector<2048x16xi1>, vector<2048x16xf32>
    %broadcast_in_dim3A_91 = vector.shape_cast %add3A_9 : vector<2048xf32> to vector<1x2048xf32>
    %dot_general3A_92 = arith.constant dense<0.000000e+00> : vector<1x16xf32>
    %dot_general3A_93 = tpu.matmul %broadcast_in_dim3A_91, %select_n3A_90, %dot_general3A_92 {dimension_numbers = #tpu.dot_dimension_numbers<[1], [0], [0], [1], [0, 0, 1, 1], [], []>, transpose_lhs_hint = false} : vector<1x2048xf32>, vector<2048x16xf32>, vector<1x16xf32> -> vector<1x16xf32>
    %slice3A_94 = vector.extract_strided_slice %get3A_16 {offsets = [3, 0, 0], sizes = [1, 2048, 16], strides = [1, 1, 1]} : vector<4x2048x16xf32> to vector<1x2048x16xf32>
    %squeeze3A_95 = vector.shape_cast %slice3A_94 : vector<1x2048x16xf32> to vector<2048x16xf32>
    %broadcast_in_dim3A_96 = vector.shape_cast %mul3A : vector<2048xf32> to vector<2048x1xf32>
    %mul3A_97 = vector.broadcast %broadcast_in_dim3A_96 : vector<2048x1xf32> to vector<2048x16xf32>
    %mul3A_98 = arith.mulf %squeeze3A_32, %mul3A_97 : vector<2048x16xf32>
    %add3A_99 = arith.addf %squeeze3A_95, %mul3A_98 : vector<2048x16xf32>
    %slice3A_100 = vector.extract_strided_slice %get3A_12 {offsets = [0, 48], sizes = [1, 16], strides = [1, 1]} : vector<1x64xf32> to vector<1x16xf32>
    %squeeze3A_101 = vector.shape_cast %slice3A_100 : vector<1x16xf32> to vector<16xf32>
    %broadcast_in_dim3A_102 = vector.shape_cast %squeeze3A_101 : vector<16xf32> to vector<1x16xf32>
    %add3A_103 = vector.broadcast %broadcast_in_dim3A_102 : vector<1x16xf32> to vector<2048x16xf32>
    %add3A_104 = arith.addf %add3A_99, %add3A_103 : vector<2048x16xf32>
    %max3A_105 = arith.constant 0.000000e+00 : f32
    %max3A_106 = vector.broadcast %max3A_105 : f32 to vector<2048x16xf32>
    %max3A_107 = arith.maximumf %add3A_104, %max3A_106 : vector<2048x16xf32>
    %jit3A_108 = arith.constant 0.000000e+00 : f32
    %broadcast_in_dim3A_109 = vector.shape_cast %lt3A_22 : vector<2048x1xi1> to vector<2048x1xi1>
    %broadcast_in_dim3A_110 = vector.broadcast %broadcast_in_dim3A_109 : vector<2048x1xi1> to vector<2048x16xi1>
    %broadcast_in_dim3A_111 = vector.broadcast %jit3A_108 : f32 to vector<2048x16xf32>
    %select_n3A_112 = arith.select %broadcast_in_dim3A_110, %max3A_107, %broadcast_in_dim3A_111 : vector<2048x16xi1>, vector<2048x16xf32>
    %broadcast_in_dim3A_113 = vector.shape_cast %add3A_9 : vector<2048xf32> to vector<1x2048xf32>
    %dot_general3A_114 = arith.constant dense<0.000000e+00> : vector<1x16xf32>
    %dot_general3A_115 = tpu.matmul %broadcast_in_dim3A_113, %select_n3A_112, %dot_general3A_114 {dimension_numbers = #tpu.dot_dimension_numbers<[1], [0], [0], [1], [0, 0, 1, 1], [], []>, transpose_lhs_hint = false} : vector<1x2048xf32>, vector<2048x16xf32>, vector<1x16xf32> -> vector<1x16xf32>
    %concatenate3A = tpu.concatenate %dot_general3A_49, %dot_general3A_71, %dot_general3A_93, %dot_general3A_115 in 1 : vector<1x16xf32>, vector<1x16xf32>, vector<1x16xf32>, vector<1x16xf32> -> vector<1x64xf32>
    %eq3A = arith.constant 0 : i32
    %eq3A_116 = arith.cmpi eq, %arg0, %eq3A : i32
    %convert_element_type3A = arith.extui %eq3A_116 : i1 to i32
    %cond3A = arith.constant 0 : i32
    %cond3A_117 = arith.cmpi ne, %convert_element_type3A, %cond3A : i32
    scf.if %cond3A_117 {
      %broadcast_in_dim3A_129 = arith.constant 0.000000e+00 : f32
      %broadcast_in_dim3A_130 = vector.broadcast %broadcast_in_dim3A_129 : f32 to vector<1x64xf32>
      %swap3A_131 = arith.constant 0 : index
      %swap3A_132 = arith.constant 0 : index
      %swap3A_133 = vector.load %arg9[%swap3A_131, %swap3A_132] : memref<1x64xf32, #tpu.memory_space<vmem>>, vector<1x64xf32>
      tpu.vector_store %arg9[%swap3A_131, %swap3A_132], %broadcast_in_dim3A_130 {strides = array<i32>} : memref<1x64xf32, #tpu.memory_space<vmem>>, vector<1x64xf32>,
    } else {
    }
    %get3A_118 = arith.constant 0 : index
    %get3A_119 = arith.constant 0 : index
    %get3A_120 = vector.load %arg9[%get3A_118, %get3A_119] : memref<1x64xf32, #tpu.memory_space<vmem>>, vector<1x64xf32>
    %add3A_121 = arith.addf %get3A_120, %concatenate3A : vector<1x64xf32>
    %swap3A = arith.constant 0 : index
    %swap3A_122 = arith.constant 0 : index
    %swap3A_123 = vector.load %arg9[%swap3A, %swap3A_122] : memref<1x64xf32, #tpu.memory_space<vmem>>, vector<1x64xf32>
    tpu.vector_store %arg9[%swap3A, %swap3A_122], %add3A_121 {strides = array<i32>} : memref<1x64xf32, #tpu.memory_space<vmem>>, vector<1x64xf32>,
    %eq3A_124 = arith.constant 24 : i32
    %eq3A_125 = arith.cmpi eq, %arg0, %eq3A_124 : i32
    %convert_element_type3A_126 = arith.extui %eq3A_125 : i1 to i32
    %cond3A_127 = arith.constant 0 : i32
    %cond3A_128 = arith.cmpi ne, %convert_element_type3A_126, %cond3A_127 : i32
    scf.if %cond3A_128 {
      %get3A_129 = arith.constant 0 : index
      %get3A_130 = arith.constant 0 : index
      %get3A_131 = vector.load %arg9[%get3A_129, %get3A_130] : memref<1x64xf32, #tpu.memory_space<vmem>>, vector<1x64xf32>
      %mul3A_132 = arith.constant 2.000000e-05 : f32
      %mul3A_133 = vector.broadcast %mul3A_132 : f32 to vector<1x64xf32>
      %mul3A_134 = arith.mulf %get3A_131, %mul3A_133 : vector<1x64xf32>
      %get3A_135 = arith.constant 0 : index
      %get3A_136 = arith.constant 0 : index
      %get3A_137 = vector.load %arg6[%get3A_135, %get3A_136] : memref<64x64xf32, #tpu.memory_space<vmem>>, vector<64x64xf32>
      %dot_general3A_138 = arith.constant dense<0.000000e+00> : vector<1x64xf32>
      %dot_general3A_139 = tpu.matmul %mul3A_134, %get3A_137, %dot_general3A_138 {dimension_numbers = #tpu.dot_dimension_numbers<[1], [0], [0], [1], [0, 0, 1, 1], [], []>, transpose_lhs_hint = false} : vector<1x64xf32>, vector<64x64xf32>, vector<1x64xf32> -> vector<1x64xf32>
      %get3A_140 = arith.constant 0 : index
      %get3A_141 = arith.constant 0 : index
      %get3A_142 = vector.load %arg7[%get3A_140, %get3A_141] : memref<1x64xf32, #tpu.memory_space<vmem>>, vector<1x64xf32>
      %add3A_143 = arith.addf %dot_general3A_139, %get3A_142 : vector<1x64xf32>
      %swap3A_144 = arith.constant 0 : index
      %swap3A_145 = arith.constant 0 : index
      %swap3A_146 = vector.load %arg8[%swap3A_144, %swap3A_145] : memref<1x64xf32, #tpu.memory_space<vmem>>, vector<1x64xf32>
      tpu.vector_store %arg8[%swap3A_144, %swap3A_145], %add3A_143 {strides = array<i32>} : memref<1x64xf32, #tpu.memory_space<vmem>>, vector<1x64xf32>,
    } else {
    }
    return
  }
  func.func @transform_0(%arg0: i32) -> (i32, i32, i32) {
    %c0_i32 = arith.constant 0 : i32
    %c0_i32_0 = arith.constant 0 : i32
    %c0_i32_1 = arith.constant 0 : i32
    return %c0_i32, %arg0, %c0_i32_0 : i32, i32, i32
  }
  func.func @transform_1(%arg0: i32) -> (i32, i32, i32) {
    %c0_i32 = arith.constant 0 : i32
    %c0_i32_0 = arith.constant 0 : i32
    %c0_i32_1 = arith.constant 0 : i32
    return %c0_i32, %arg0, %c0_i32_0 : i32, i32, i32
  }
  func.func @transform_2(%arg0: i32) -> i32 {
    %c0_i32 = arith.constant 0 : i32
    return %arg0 : i32
  }
  func.func @transform_3(%arg0: i32) -> (i32, i32) {
    %c0_i32 = arith.constant 0 : i32
    %c0_i32_0 = arith.constant 0 : i32
    return %c0_i32, %arg0 : i32, i32
  }
  func.func @transform_4(%arg0: i32) -> (i32, i32) {
    %c0_i32 = arith.constant 0 : i32
    %c0_i32_0 = arith.constant 0 : i32
    %c0_i32_1 = arith.constant 0 : i32
    return %c0_i32, %c0_i32_0 : i32, i32
  }
  func.func @transform_5(%arg0: i32) -> (i32, i32) {
    %c0_i32 = arith.constant 0 : i32
    %c0_i32_0 = arith.constant 0 : i32
    %c0_i32_1 = arith.constant 0 : i32
    return %c0_i32, %c0_i32_0 : i32, i32
  }
  func.func @transform_6(%arg0: i32) -> (i32, i32) {
    %c0_i32 = arith.constant 0 : i32
    %c0_i32_0 = arith.constant 0 : i32
    %c0_i32_1 = arith.constant 0 : i32
    return %c0_i32, %c0_i32_0 : i32, i32
  }
  func.func @transform_7(%arg0: i32) -> (i32, i32) {
    %c0_i32 = arith.constant 0 : i32
    %c0_i32_0 = arith.constant 0 : i32
    %c0_i32_1 = arith.constant 0 : i32
    return %c0_i32, %c0_i32_0 : i32, i32
  }
}

</mosaic_0001>

<sc_bundles>
// kernel: kernel.10.cloned.1.call-start
scs
__scs_entry_jumppad:
0x0: {  	(pc) =	sbr.rel $0x88, $3  }
0x1: {  	(tag) =	ssettag $0x0;
	lr =	simm.s32 $0x1  }
0x2: {  	[smem:$0x3F96] =	sst lr;
	_ =	strace $0xD0000000  }
0x3: {  	_ = 	snop  }
0x4: {  	_ = 	snop  }
0x5: {  	_ = 	snop  }
0x6: {  	_ = 	snop  }
0x7: {  	_ = 	snop  }
__scs_overlays_trampoline_lowered:
0x8: {  	[smem:$0x3FA5] =	sst s0  }
0x9: {  	[smem:$0x3FA6] =	sst s1  }
0xa: {  	[smem:$0x3FA7] =	sst s2  }
0xb: {  	[smem:$0x3FA8] =	sst s3  }
0xc: {  	[smem:$0x3FA9] =	sst s4  }
0xd: {  	[smem:$0x3FAA] =	sst s5  }
0xe: {  	[smem:$0x3FAB] =	sst s6  }
0xf: {  	[smem:$0x3FAC] =	sst s7  }
0x10: {  	[smem:$0x3FAD] =	sst s8  }
0x11: {  	[smem:$0x3FAE] =	sst s9;
	s0 =	simm.s32 @!p0 $0x0  }
0x12: {  	s1 =	sld [smem:$0x3F94];
	s0 =	simm.s32 @p0 $0x1  }
0x13: {  	[smem:$0x3FAF] =	sst s0;
	s0 =	simm.s32 @!p1 $0x0  }
0x14: {  	s2 =	sld [smem:$0x3F93];
	s0 =	simm.s32 @p1 $0x1  }
0x15: {  	[smem:$0x3FB0] =	sst s0;
	s0 =	simm.s32 @!p2 $0x0  }
0x16: {  	s3 =	sld [smem:$0x3FDB];
	s0 =	simm.s32 @p2 $0x1  }
0x17: {  	s4 =	simm.s32 $0x1BF5;
	[smem:$0x3FB2] =	sst s0  }
0x18: {  	s0 =	sld [smem:$0x3F95];
	_ =	swait.ge [sflag:s4], $0x0  }
0x19: {  	s7 =	sld [smem:$0x3F96]  }
0x1a: {  	s8 =	sadd.s32 $0xFFFFE003, lr  }
0x1b: {  	s9 =	sadd.s32 $0xFFFFFEF7, lr;
	s5 =	simm.s32 $0xFFFFFFFF;
	p2 =	slt.u32 s8, $0xFFFFF086  }
0x1c: {  	p1 =	slt.u32 s9, $0xF7A;
	s5 =	simm.s32 @!p2 $0x0  }
0x1d: {  	s5 =	simm.s32 @p1 $0x1;
	p0 =	seq.s32 s7, s2  }
0x1e: {  	s7 =	smul.u32 @!p0 $0xF7A, s2;
	p2 =	seq.s32 @!p0 s5, $0x0  }
0x1f: {  	s9 =	smul.u32 $0xF7A, s1;
	s8 =	simm.s32 @!p0 $0x1BF5;
	p2 =	por !p2, p0  }
0x20: {  	[sflag:s8] =	ssyncset.s32 @!p0 $0xFFFFF086;
	s6 =	sadd.s32 @!p0 s3, s7;
	s7 =	simm.s32 @!p0 $0x108  }
0x21: {  	s3 =	sadd.s32 s3, s9;
	s6 =	sadd.s32 @!p0 $0x88, s6;
	s7 =	simm.s32 @p2 $0x1082  }
0x22: {  	[simem:s7], [sflag:s8] =	dma.local @!p0 [hbm:s6], $0xF7A  }
0x23: {  	s9 =	sor.u32 $0xD0000000, s2;
	s6 =	simm.s32 $0x108;
	_ =	swait.ge @!p0 [sflag:s8], $0x0  }
0x24: {  	s3 =	sadd.s32 $0x88, s3;
	s6 =	simm.s32 @!p1 $0x1082;
	[sflag:s4] =	ssyncset.s32 $0xFFFFF086  }
0x25: {  	[simem:s6], [sflag:s4] =	dma.local [hbm:s3], $0xF7A  }
0x26: {  	[smem:$0x3F96] =	sst s1;
	(tag) =	ssettag s2;
	_ =	strace s9  }
0x27: {  	s1 =	sld [smem:$0x3FA6]  }
0x28: {  	s2 =	sld [smem:$0x3FA7]  }
0x29: {  	s4 =	sld [smem:$0x3FA9]  }
0x2a: {  	p0 =	seq.s32 s5, $0x0;
	s5 =	sld [smem:$0x3FAA]  }
0x2b: {  	s6 =	sld [smem:$0x3FAB]  }
0x2c: {  	s7 =	sld [smem:$0x3FAC]  }
0x2d: {  	s3 =	simm.s32 $0x108;
	s8 =	sld [smem:$0x3FAD]  }
0x2e: {  	s3 =	simm.s32 @!p0 $0x1082;
	s9 =	sld [smem:$0x3FAE]  }
0x2f: {  	lr =	sadd.s32 s0, s3;
	s0 =	sld [smem:$0x3FA5]  }
0x30: {  	s3 =	sld [smem:$0x3FA8]  }
0x31: {  	[smem:$0x3FB1] =	sst s10  }
0x32: {  	s10 =	sld [smem:$0x3FAF];
	_ =	sdelay $0x3  }
0x33: {  	p0 =	seq.s32 s10, $0x1;
	s10 =	sld [smem:$0x3FB1];
	_ =	sdelay $0x3  }
0x34: {  	[smem:$0x3FB1] =	sst s10  }
0x35: {  	s10 =	sld [smem:$0x3FB0];
	_ =	sdelay $0x3  }
0x36: {  	p1 =	seq.s32 s10, $0x1;
	s10 =	sld [smem:$0x3FB1];
	_ =	sdelay $0x3  }
0x37: {  	[smem:$0x3FB1] =	sst s10  }
0x38: {  	s10 =	sld [smem:$0x3FB2]  }
0x39: {  	_ = 	snop;
	(pc) =	sbr.ind lr, $3  }
0x3a: {  	_ = 	snop  }
0x3b: {  	_ = 	snop  }
0x3c: {  	p2 =	seq.s32 s10, $0x1;
	s10 =	sld [smem:$0x3FB1]  }
0x3d: {  	_ =	shalt  }
0x3e: {  	_ =	shalt  }
0x3f: {  	_ =	shalt  }
0x40: {  	_ =	shalt  }
0x41: {  	_ =	shalt  }
0x42: {  	_ =	shalt  }
0x43: {  	_ =	shalt  }
0x44: {  	_ =	shalt  }
0x45: {  	_ =	shalt  }
0x46: {  	_ =	shalt  }
0x47: {  	_ =	shalt  }
0x48: {  	_ =	shalt  }
0x49: {  	_ =	shalt  }
0x4a: {  	_ =	shalt  }
0x4b: {  	_ =	shalt  }
0x4c: {  	_ =	shalt  }
0x4d: {  	_ =	shalt  }
0x4e: {  	_ =	shalt  }
0x4f: {  	_ =	shalt  }
0x50: {  	_ =	shalt  }
0x51: {  	_ =	shalt  }
0x52: {  	_ =	shalt  }
0x53: {  	_ =	shalt  }
0x54: {  	_ =	shalt  }
0x55: {  	_ =	shalt  }
0x56: {  	_ =	shalt  }
0x57: {  	_ =	shalt  }
0x58: {  	_ =	shalt  }
0x59: {  	_ =	shalt  }
0x5a: {  	_ =	shalt  }
0x5b: {  	_ =	shalt  }
0x5c: {  	_ =	shalt  }
0x5d: {  	_ =	shalt  }
0x5e: {  	_ =	shalt  }
0x5f: {  	_ =	shalt  }
0x60: {  	_ =	shalt  }
0x61: {  	_ =	shalt  }
0x62: {  	_ =	shalt  }
0x63: {  	_ =	shalt  }
0x64: {  	_ =	shalt  }
0x65: {  	_ =	shalt  }
0x66: {  	_ =	shalt  }
0x67: {  	_ =	shalt  }
0x68: {  	_ =	shalt  }
0x69: {  	_ =	shalt  }
0x6a: {  	_ =	shalt  }
0x6b: {  	_ =	shalt  }
0x6c: {  	_ =	shalt  }
0x6d: {  	_ =	shalt  }
0x6e: {  	_ =	shalt  }
0x6f: {  	_ =	shalt  }
0x70: {  	_ =	shalt  }
0x71: {  	_ =	shalt  }
0x72: {  	_ =	shalt  }
0x73: {  	_ =	shalt  }
0x74: {  	_ =	shalt  }
0x75: {  	_ =	shalt  }
0x76: {  	_ =	shalt  }
0x77: {  	_ =	shalt  }
0x78: {  	_ =	shalt  }
0x79: {  	_ =	shalt  }
0x7a: {  	_ =	shalt  }
0x7b: {  	_ =	shalt  }
0x7c: {  	_ =	shalt  }
0x7d: {  	_ =	shalt  }
0x7e: {  	_ =	shalt  }
0x7f: {  	_ =	shalt  }
0x80: {  	_ =	shalt  }
0x81: {  	_ =	shalt  }
0x82: {  	_ =	shalt  }
0x83: {  	_ =	shalt  }
0x84: {  	_ =	shalt  }
0x85: {  	_ =	shalt  }
0x86: {  	_ =	shalt  }
0x87: {  	_ =	shalt  }
.Lfunc_end0:
.L_simem_size_0:
called_computation.1_lowered:
.L_overlay_start_0:
0x88: {  	s2 =	sld [smem:$0x3FD9]  }
0x89: {  	s3 =	sld [smem:$0x3FFE];
	_ =	sdelay $0x1  }
0x8a: {  	s1 =	srdreg.scid  }
0x8b: {  	s0 =	sand.u32 $0x1, s1  }
0x8c: {  	s16 =	sshll.u32 s0, $0xA;
	s2 =	sadd.s32 s3, s2  }
0x8d: {  	s2 =	sadd.s32 s2, s16  }
0x8e: {  	[smem:$0x3FBD] =	sst s2  }
0x8f: {  	_ = 	snop  }
0x90: {  	(tm) =	ssettm $0x1  }
0x91: {  	s17 =	sld [smem:$0x3FFB];
	_ =	sdelay $0x3  }
0x92: {  	_ =	strace s17  }
0x93: {  	s2 =	sld [smem:$0x3FFC];
	_ =	sdelay $0x3  }
0x94: {  	_ =	strace s2  }
0x95: {  	s2 =	sld [smem:$0x3FFD];
	_ =	sdelay $0x3  }
0x96: {  	_ =	strace s2  }
0x97: {  	_ =	strace $0x8FFFFFFF  }
0x98: {  	s18 =	sld [smem:$0x3FDB];
	_ =	sdelay $0x1  }
0x99: {  	s19 =	simm.s32 $_scs_section_size  }
0x9a: {  	s4 =	simm.s32 $_size__tile_overlayer_lowered;
	s5 =	simm.s32 $_tile_overlayer_lowered  }
0x9b: {  	s22 =	simm.s32 $0x1BFF;
	s21 =	sshll.u32 s5, $0x1;
	s2 =	sadd.s32 s19, s18  }
0x9c: {  	s6 =	simm.s32 $0x0;
	s20 =	sshll.u32 s4, $0x1;
	s4 =	sadd.s32 s21, s2  }
0x9d: {  	[timem:s6], [sflag:s22] =	dma.local [hbm:s4], s20  }
0x9e: {  	_ =	swait.ge [sflag:s22], s20  }
0x9f: {  	s3 =	ssub.s32 $0x0, s20;
	[sflag:s22] =	ssyncset.done $0x0  }
0xa0: {  	[sflag:s22] =	ssyncadd.s32 s3;
	_ =	sdelay $0x1  }
0xa1: {  	s23 =	simm.s32 $0x1B8B  }
0xa2: {  	_ =	swait.ge [sflag:s23], $0x1  }
0xa3: {  	[sflag:s23] =	ssyncset.done $0x0  }
0xa4: {  	s25 =	simm.s32 $0x1B8E;
	s24 =	sld [smem:$0x3FFE];
	[sflag:s23] =	ssyncadd.s32 $0xFFFFFFFF  }
0xa5: {  	s26 =	simm.s32 $execute0_lowered;
	[smem:$0x3FD2] =	sst s25  }
0xa6: {  	s4 =	sshll.u32 s26, $0x1;
	_ =	strace $0x80000049;
	[dreg:$0x1] =	wrdreg $0xFFFFFFFF  }
0xa7: {  	s28 =	simm.s32 $_size_execute0_lowered;
	s2 =	sadd.s32 s2, s4;
	[dreg:$0x0] =	wrdreg $0x0  }
0xa8: {  	s4 =	sshll.u32 s28, $0x1;
	[dreg:$0x2] =	wrdreg s2  }
0xa9: {  	[dreg:$0x3] =	wrdreg s4  }
0xaa: {  	[dreg:$0x4] =	wrdreg $0xC0  }
0xab: {  	_ =	task [dreg:s6], $0x5FFFF  }
0xac: {  	[dreg:$0x1] =	wrdreg $0xFFFFFFFF  }
0xad: {  	[dreg:$0x0] =	wrdreg $0x60  }
0xae: {  	[dreg:$0x2] =	wrdreg s24  }
0xaf: {  	[dreg:$0x3] =	wrdreg $0x6D000  }
0xb0: {  	[dreg:$0x4] =	wrdreg $0x9  }
0xb1: {  	_ =	task.clear_ibuf [dreg:s6], $0x5FFFF;
	_ =	strace $0x90000049  }
0xb2: {  	s29 =	simm.s32 $0x9;
	_ =	strace $0x8000004B  }
0xb3: {  	_ =	swait.ge [sflag:s29], $0x1  }
0xb4: {  	[sflag:s29] =	ssyncadd.s32 $0xFFFFFFFF  }
0xb5: {  	_ =	strace $0x9000004B  }
0xb6: {  	_ =	sfence  }
0xb7: {  	s30 =	sld [smem:$0x0];
	_ =	sdelay $0x2  }
0xb8: {  	s31 =	sshll.u32 s1, $0xD;
	s1 =	sshrl.u32 s1, $0x2  }
0xb9: {  	s3 =	sand.u32 $0x4000, s31;
	s1 =	sadd.s32 s1, s30  }
0xba: {  	s0 =	sor.u32 s3, s0;
	s1 =	sshll.u32 s1, $0x11  }
0xbb: {  	s0 =	sor.u32 s1, s0  }
0xbc: {  	s0 =	sadd.s32 $0x8F2B, s0  }
0xbd: {  	[sflag:s0] =	ssyncadd.remote.s32 $0x1  }
0xbe: {  	_ =	sfence.sel $0xFFFF  }
0xbf: {  	[dreg:$0x0] =	wrdreg $0xFFFFFFFF;
	(pc) =	sbr.abs _section_cstart, $3  }
0xc0: {  	[dreg:$0x1] =	wrdreg $0xFFFFFFFF  }
0xc1: {  	_ =	task.clear_ibuf [dreg:s6], $0x2FFFF;
	_ =	strace $0x9FFFFFFF  }
0xc2: {  	(tm) =	ssettm $0x7FFFFFFF  }
0xc3: {  	_ =	shalt  }
tec
execute0_lowered:
.L_overlay_start_1:
0x0: {  	(tag) =	ssettag $0x1  }
0x1: {  	s0 =	rddreg [dreg:$0x0]  }
0x2: {  	s2 =	rddreg [dreg:$0x1];
	s26 =	simm.s32 $0x0;
	s10 =	stileid.u32  }
0x3: {  	s3 =	srdreg.scid;
	[smem:$0x7FF] =	sst s26  }
0x4: {  	s1 =	smul.u32 $0xC80, s10;
	s3 =	sand.u32 $0x1, s3;
	s4 =	sadd.s32 $0x37400, s0  }
0x5: {  	s5 =	sadd.s32 $0x2200, s0;
	s6 =	sadd.s32 $0x1B200, s0;
	s10 =	sshll.u32 s10, $0x1  }
0x6: {  	_ =	strace $0x8000004A;
	s12 =	smul.u32 $0xC800, s3;
	s13 =	ssub.s32 $0x2, s3  }
0x7: {  	s3 =	sor.u32 s3, s10;
	s7 =	sshrl.u32 s1, $0x3;
	s14 =	sshrl.u32 s13, $0x1  }
0x8: {  	s3 =	smul.u32 $0x6400, s3;
	s20 =	sadd.s32 s1, s2;
	s9 =	sadd.s32 s7, s0  }
0x9: {  	s7 =	sadd.s32 $0x53600, s0;
	s8 =	sadd.s32 s1, s12;
	[dreg:$0x7] =	wrdreg s20  }
0xa: {  	s11 =	sshrl.u32 s8, $0x3;
	s8 =	sadd.s32 $0x6C600, s0;
	s16 =	sadd.s32 $0x400, s3  }
0xb: {  	s18 =	sadd.s32 $0x800, s3;
	s10 =	sadd.s32 s11, s0;
	[dreg:$0x6] =	wrdreg s16  }
0xc: {  	s0 =	ssub.s32 s13, s14;
	s14 =	sadd.s32 $0x34200, s9;
	[dreg:$0x8] =	wrdreg s18  }
0xd: {  	s9 =	sadd.s32 $0x35B00, s9;
	[dreg:$0x3] =	wrdreg s14  }
0xe: {  	s19 =	sshrl.u32 s3, $0x3;
	s15 =	sadd.s32 s8, s11;
	[dreg:$0x4] =	wrdreg s9  }
0xf: {  	s17 =	sshrl.u32 s16, $0x3;
	s13 =	sadd.s32 s5, s19;
	[dreg:$0x5] =	wrdreg s15  }
0x10: {  	s11 =	sshrl.u32 s18, $0x3;
	s18 =	sadd.s32 $0x1000, s3;
	[dreg:$0x10] =	wrdreg s13  }
0x11: {  	s21 =	sadd.s32 s4, s17;
	[dreg:$0x14] =	wrdreg s18  }
0x12: {  	s22 =	sadd.s32 s5, s17;
	[dreg:$0x9] =	wrdreg s21  }
0x13: {  	s1 =	sadd.s32 s6, s17;
	[dreg:$0xa] =	wrdreg s22  }
0x14: {  	s23 =	sadd.s32 s4, s11;
	[dreg:$0xb] =	wrdreg s1  }
0x15: {  	s24 =	sadd.s32 s5, s11;
	[dreg:$0xc] =	wrdreg s23  }
0x16: {  	s28 =	simm.s32 $0x5400;
	s25 =	sadd.s32 s6, s11;
	[dreg:$0xd] =	wrdreg s24  }
0x17: {  	s31 =	simm.s32 $0x800;
	s11 =	sadd.s32 s4, s19;
	[dreg:$0xe] =	wrdreg s25  }
0x18: {  	s29 =	simm.s32 $0x5000;
	s14 =	sadd.s32 s6, s19;
	[dreg:$0xf] =	wrdreg s11  }
0x19: {  	s30 =	simm.s32 $0xC;
	s17 =	sadd.s32 $0xC00, s3;
	[dreg:$0x11] =	wrdreg s14  }
0x1a: {  	s16 =	sadd.s32 $0xC00, s19;
	s3 =	sadd.s32 $0x1400, s3;
	[dreg:$0x13] =	wrdreg s17  }
0x1b: {  	s15 =	sadd.s32 s7, s19;
	s19 =	sadd.s32 s4, s16;
	[dreg:$0x15] =	wrdreg s3  }
0x1c: {  	v0 =	vmov s12;
	s12 =	simm.s32 $0x9;
	s0 =	smax.u32 s0, $0x1;
	[dreg:$0x16] =	wrdreg s19  }
0x1d: {  	s9 =	simm.s32 $0x4;
	s13 =	simm.s32 $0x4C00;
	[dreg:$0x1b] =	wrdreg s0  }
0x1e: {  	s18 =	simm.s32 $0x8;
	s21 =	sadd.s32 s5, s16;
	[dreg:$0x12] =	wrdreg s15  }
0x1f: {  	s22 =	sadd.s32 s6, s16;
	s1 =	sadd.s32 s7, s16;
	[dreg:$0x17] =	wrdreg s21  }
0x20: {  	s23 =	sadd.s32 $0x50400, s10;
	s24 =	sadd.s32 $0xB00, s15;
	[dreg:$0x18] =	wrdreg s22  }
0x21: {  	s25 =	sadd.s32 $0xB80, s15;
	s17 =	simm.s32 $0x1800;
	[dreg:$0x19] =	wrdreg s1  }
0x22: {  	s19 =	simm.s32 $0x400;
	s10 =	simm.s32 $0x2;
	[dreg:$0x1a] =	wrdreg s23  }
0x23: {  	s15 =	simm.s32 $0x4800;
	s16 =	simm.s32 $0xA;
	[dreg:$0x1c] =	wrdreg s24  }
0x24: {  	s11 =	simm.s32 $0x3;
	s0 =	simm.s32 $0x0;
	[dreg:$0x1d] =	wrdreg s25  }
0x25: {  	s25 =	simm.s32 $0xD;
	s22 =	simm.s32 $0x1;
	s21 =	simm.s32 $0x7  }
0x26: {  	v1 =	vimm.f32 $0.0e+00;
	s1 =	simm.s32 $0x5;
	s24 =	simm.s32 $0xB;
	s23 =	simm.s32 $0x6  }
.LBB2_1:
0x27: {  	s3 =	rddreg [dreg:$0x3]  }
0x28: {  	[tilespmem:s28], [sflag:$0xD] =	stream.linear.gather [hbm4b:s3+s26], $0xC80, $0x38;
	[tilespmem:$0x7980] =	vst v63  }
0x29: {  	_ =	swait.ge [sflag:s25], $0xC80  }
0x2a: {  	[sflag:s25] =	ssyncset.done $0x0  }
0x2b: {  	s14 =	simm.s32 $0x6080;
	s3 =	rddreg [dreg:$0x4];
	[sflag:s25] =	ssyncadd.s32 $0xFFFFF380  }
0x2c: {  	[tilespmem:s14], [sflag:$0xD] =	stream.linear.gather [hbm4b:s3+s26], $0xC80, $0x38;
	[tilespmem:$0x7980] =	vst v63  }
0x2d: {  	_ =	swait.ge [sflag:s25], $0xC80  }
0x2e: {  	[sflag:s25] =	ssyncset.done $0x0  }
0x2f: {  	s14 =	simm.s32 $0x0;
	[sflag:s25] =	ssyncadd.s32 $0xFFFFF380;
	s25 =	simm.s32 $0x40  }
.LBB2_2:
0x30: {  	p0 =	sne.s32 s25, $0x31C0;
	v2 =	vld [tilespmem:s14+$0x5400];
	_ =	sdelay $0x1  }
0x31: {  	v3 =	vld [tilespmem:s14+$0x6080];
	_ =	sdelay $0x2  }
0x32: {  	v2 =	vadd.f32 $1.000000000e+00, v2;
	_ =	sdelay $0x1  }
0x33: {  	v2 =	vadd.f32 v3, v2;
	_ =	sdelay $0x1  }
0x34: {  	v3 =	vshrl.u32 v2, $0x1;
	v2 =	vmul.f32 $5.000000000e-01, v2  }
0x35: {  	v3 =	vsub.s32 $0x5F3759DF, v3  }
0x36: {  	v4 =	vmul.f32 v3, v2;
	_ =	sdelay $0x1  }
0x37: {  	v4 =	vmul.f32 v3, v4;
	_ =	sdelay $0x1  }
0x38: {  	v4 =	vsub.f32 $1.500000000e+00, v4;
	_ =	sdelay $0x1  }
0x39: {  	v3 =	vmul.f32 v3, v4;
	_ =	sdelay $0x1  }
0x3a: {  	v4 =	vmul.f32 v3, v2;
	_ =	sdelay $0x1  }
0x3b: {  	v4 =	vmul.f32 v4, v3;
	_ =	sdelay $0x1  }
0x3c: {  	v4 =	vsub.f32 $1.500000000e+00, v4;
	_ =	sdelay $0x1  }
0x3d: {  	v3 =	vmul.f32 v4, v3;
	_ =	sdelay $0x1  }
0x3e: {  	v2 =	vmul.f32 v3, v2;
	_ =	sdelay $0x1  }
0x3f: {  	v2 =	vmul.f32 v2, v3;
	_ =	sdelay $0x1  }
.Ltmp0:
0x40: {  	v2 =	vsub.f32 $1.500000000e+00, v2;
	(pc) =	sbr.rel @p0 .LBB2_2-.Ltmp0, $3  }
0x41: {  	_ = 	snop  }
0x42: {  	v2 =	vmul.f32 v2, v3;
	_ =	sdelay $0x1  }
0x43: {  	[tilespmem:s14+$0x5400] =	vst v2;
	s14 =	sshra.s32 s25, $0x2;
	s25 =	sadd.s32 $0x40, s25  }
0x44: {  	v2 =	vld [tilespmem:s14+$0x5400];
	_ =	sdelay $0x1  }
0x45: {  	v3 =	vld [tilespmem:s14+$0x6080];
	_ =	sdelay $0x2  }
0x46: {  	v2 =	vadd.f32 $1.000000000e+00, v2;
	_ =	sdelay $0x1  }
0x47: {  	v2 =	vadd.f32 v3, v2;
	_ =	sdelay $0x1  }
0x48: {  	v3 =	vshrl.u32 v2, $0x1;
	v2 =	vmul.f32 $5.000000000e-01, v2  }
0x49: {  	v3 =	vsub.s32 $0x5F3759DF, v3  }
0x4a: {  	v4 =	vmul.f32 v3, v2;
	_ =	sdelay $0x1  }
0x4b: {  	v4 =	vmul.f32 v3, v4;
	_ =	sdelay $0x1  }
0x4c: {  	v4 =	vsub.f32 $1.500000000e+00, v4;
	_ =	sdelay $0x1  }
0x4d: {  	v3 =	vmul.f32 v3, v4;
	_ =	sdelay $0x1  }
0x4e: {  	v4 =	vmul.f32 v3, v2;
	_ =	sdelay $0x1  }
0x4f: {  	v4 =	vmul.f32 v4, v3;
	_ =	sdelay $0x1  }
0x50: {  	v4 =	vsub.f32 $1.500000000e+00, v4;
	_ =	sdelay $0x1  }
0x51: {  	v3 =	vmul.f32 v4, v3;
	_ =	sdelay $0x1  }
0x52: {  	v2 =	vmul.f32 v3, v2;
	_ =	sdelay $0x1  }
0x53: {  	v2 =	vmul.f32 v2, v3;
	_ =	sdelay $0x1  }
0x54: {  	v2 =	vsub.f32 $1.500000000e+00, v2;
	_ =	sdelay $0x1  }
0x55: {  	v2 =	vmul.f32 v2, v3  }
0x56: {  	[dreg:$0x1e] =	wrdreg s0  }
0x57: {  	s3 =	simm.s32 $0x0;
	s26 =	rddreg [dreg:$0x5];
	s25 =	simm.s32 $0xD;
	[tilespmem:s14+$0x5400] =	vst v2  }
0x58: {  	[hbm4b:s26+s3] =	stream.linear.scatter [tilespmem:s28], [sflag:$0xD], $0xC80, $0x38;
	[tilespmem:$0x7980] =	vst v63  }
0x59: {  	_ =	swait.ge [sflag:s25], $0xC80  }
0x5a: {  	[sflag:s25] =	ssyncset.done $0x0  }
0x5b: {  	s14 =	simm.s32 $0x0;
	s3 =	simm.s32 $0x40;
	[sflag:s25] =	ssyncadd.s32 $0xFFFFF380  }
.LBB2_4:
0x5c: {  	p0 =	sne.s32 s3, $0x31C0;
	[tilespmem:s14+$0x5400] =	vst v1;
	s14 =	smov.u32 s3;
	s3 =	sadd.s32 $0x40, s3  }
.Ltmp1:
0x5d: {  	(pc) =	sbr.rel @p0 .LBB2_4-.Ltmp1, $2  }
0x5e: {  	_ =	sdelay $0x2  }
0x5f: {  	s14 =	sshra.s32 s14, $0x2  }
0x60: {  	[tilespmem:s14+$0x5400] =	vst v1  }
0x61: {  	[spmem:s20] =	stream.linear.scatter [tilespmem:s28], [sflag:$0xD], $0xC80, $0x38;
	[tilespmem:$0x7980] =	vst v63  }
0x62: {  	_ =	swait.ge [sflag:s25], $0xC80  }
0x63: {  	[sflag:s25] =	ssyncset.done $0x0  }
0x64: {  	[sflag:s25] =	ssyncadd.s32 $0xFFFFF380  }
0x65: {  	[bflag:$0x0] =	sbarrier.arrive $0xFFFF  }
0x66: {  	s3 =	simm.s32 $0x0;
	s25 =	rddreg [dreg:$0xf]  }
0x67: {  	[tilespmem:s3], [sflag:$0x1] =	stream.linear.gather [hbm4b:s25+s3], $0x400, $0x38;
	[tilespmem:$0x7980] =	vst v63  }
0x68: {  	s26 =	rddreg [dreg:$0x10]  }
0x69: {  	[tilespmem:s17], [sflag:$0x1] =	stream.linear.gather [hbm4b:s26+s3], $0x400, $0x38;
	[tilespmem:$0x7980] =	vst v63  }
0x6a: {  	s0 =	simm.s32 $0x2400;
	s28 =	rddreg [dreg:$0x11]  }
0x6b: {  	[tilespmem:s0], [sflag:$0x1] =	stream.linear.gather [hbm4b:s28+s3], $0x400, $0x38;
	[tilespmem:$0x7980] =	vst v63  }
0x6c: {  	s20 =	rddreg [dreg:$0x9]  }
0x6d: {  	[tilespmem:s19], [sflag:$0x2] =	stream.linear.gather [hbm4b:s20+s3], $0x400, $0x38;
	[tilespmem:$0x7980] =	vst v63  }
0x6e: {  	s25 =	rddreg [dreg:$0xa];
	s0 =	simm.s32 $0x1C00  }
0x6f: {  	[tilespmem:s0], [sflag:$0x2] =	stream.linear.gather [hbm4b:s25+s3], $0x400, $0x38;
	[tilespmem:$0x7980] =	vst v63  }
0x70: {  	s26 =	rddreg [dreg:$0xb];
	s28 =	simm.s32 $0x2800  }
0x71: {  	[tilespmem:s28], [sflag:$0x2] =	stream.linear.gather [hbm4b:s26+s3], $0x400, $0x38;
	[tilespmem:$0x7980] =	vst v63  }
0x72: {  	_ =	swait.ge [sflag:s22], $0x400  }
0x73: {  	[sflag:s22] =	ssyncset.done $0x0  }
0x74: {  	[sflag:s22] =	ssyncadd.s32 $0xFFFFFC00  }
0x75: {  	_ =	swait.ge [sflag:s22], $0x400  }
0x76: {  	[sflag:s22] =	ssyncset.done $0x0  }
0x77: {  	[sflag:s22] =	ssyncadd.s32 $0xFFFFFC00  }
0x78: {  	_ =	swait.ge [sflag:s22], $0x400  }
0x79: {  	[sflag:s22] =	ssyncset.done $0x0  }
0x7a: {  	s14 =	simm.s32 $0x0;
	[sflag:s22] =	ssyncadd.s32 $0xFFFFFC00  }
0x7b: {  	v2 =	vld [tilespmem:s14+$0x1800]  }
0x7c: {  	v3 =	vld [tilespmem:s14+$0x0];
	_ =	sdelay $0x3  }
0x7d: {  	v4 =	vadd.s32 v0, v2  }
0x7e: {  	s20 =	simm.s32 $0x10;
	s3 =	simm.s32 $0x80;
	v2 =	vadd.s32 v0, v3;
	[tilespmem:s14+$0x1800] =	vst v4  }
.LBB2_6:
0x7f: {  	p0 =	sne.s32 s3, $0xFC0;
	v3 =	vld [tilespmem:s20+$0x1800];
	[tilespmem:s14+$0xC00] =	vst v2;
	s14 =	smov.u32 s20  }
0x80: {  	v2 =	vld [tilespmem:s14+$0x0]  }
.Ltmp2:
0x81: {  	(pc) =	sbr.rel @p0 .LBB2_6-.Ltmp2, $3  }
0x82: {  	_ =	sdelay $0x1  }
0x83: {  	v3 =	vadd.s32 v0, v3  }
0x84: {  	s20 =	sshra.s32 s3, $0x2;
	s3 =	sadd.s32 $0x40, s3;
	v2 =	vadd.s32 v0, v2;
	[tilespmem:s14+$0x1800] =	vst v3  }
0x85: {  	v3 =	vld [tilespmem:s20+$0x1800];
	[tilespmem:s14+$0xC00] =	vst v2  }
0x86: {  	v2 =	vld [tilespmem:s20+$0x0];
	_ =	sdelay $0x3  }
0x87: {  	v3 =	vadd.s32 v0, v3  }
0x88: {  	v2 =	vadd.s32 v0, v2;
	[tilespmem:s20+$0x1800] =	vst v3  }
0x89: {  	s0 =	simm.s32 $0xC00;
	s3 =	simm.s32 $0x3000;
	[tilespmem:s20+$0xC00] =	vst v2  }
0x8a: {  	[tilespmem:s3], [sflag:$0x4] =	stream.indirect.gather [hbm4b:s8+s19], $0x1, s0, s19, $0xb8;
	[tilespmem:$0x7980] =	vst v63  }
0x8b: {  	s14 =	simm.s32 $0x3C00  }
0x8c: {  	[tilespmem:s14], [sflag:$0x4] =	stream.indirect.gather [hbm4b:s8+s19], $0x1, s17, s19, $0xb8;
	[tilespmem:$0x7980] =	vst v63  }
0x8d: {  	s20 =	rddreg [dreg:$0xc];
	s3 =	simm.s32 $0x0  }
0x8e: {  	[tilespmem:s31], [sflag:$0x3] =	stream.linear.gather [hbm4b:s20+s3], $0x400, $0x38;
	[tilespmem:$0x7980] =	vst v63  }
0x8f: {  	s25 =	rddreg [dreg:$0xd];
	s26 =	simm.s32 $0x2000  }
0x90: {  	[tilespmem:s26], [sflag:$0x3] =	stream.linear.gather [hbm4b:s25+s3], $0x400, $0x38;
	[tilespmem:$0x7980] =	vst v63  }
0x91: {  	s28 =	rddreg [dreg:$0xe];
	s31 =	simm.s32 $0x2C00  }
0x92: {  	[tilespmem:s31], [sflag:$0x3] =	stream.linear.gather [hbm4b:s28+s3], $0x400, $0x38;
	[tilespmem:$0x7980] =	vst v63  }
0x93: {  	_ =	swait.ge [sflag:s9], $0x400  }
0x94: {  	[sflag:s9] =	ssyncset.done $0x0  }
0x95: {  	[sflag:s9] =	ssyncadd.s32 $0xFFFFFC00  }
0x96: {  	_ =	swait.ge [sflag:s9], $0x400  }
0x97: {  	[sflag:s9] =	ssyncset.done $0x0  }
0x98: {  	[sflag:s9] =	ssyncadd.s32 $0xFFFFFC00  }
0x99: {  	_ =	swait.ge [sflag:s10], $0x400  }
0x9a: {  	[sflag:s10] =	ssyncset.done $0x0  }
0x9b: {  	[sflag:s10] =	ssyncadd.s32 $0xFFFFFC00  }
0x9c: {  	_ =	swait.ge [sflag:s10], $0x400  }
0x9d: {  	[sflag:s10] =	ssyncset.done $0x0  }
0x9e: {  	[sflag:s10] =	ssyncadd.s32 $0xFFFFFC00  }
0x9f: {  	_ =	swait.ge [sflag:s10], $0x400  }
0xa0: {  	[sflag:s10] =	ssyncset.done $0x0  }
0xa1: {  	s14 =	simm.s32 $0x0;
	[sflag:s10] =	ssyncadd.s32 $0xFFFFFC00  }
0xa2: {  	v2 =	vld [tilespmem:s14+$0x1C00]  }
0xa3: {  	v3 =	vld [tilespmem:s14+$0x400];
	_ =	sdelay $0x3  }
0xa4: {  	v4 =	vadd.s32 v0, v2  }
0xa5: {  	s20 =	simm.s32 $0x10;
	s3 =	simm.s32 $0x80;
	v2 =	vadd.s32 v0, v3;
	[tilespmem:s14+$0x1C00] =	vst v4  }
.LBB2_8:
0xa6: {  	p0 =	sne.s32 s3, $0xFC0;
	v3 =	vld [tilespmem:s20+$0x1C00];
	[tilespmem:s14+$0x1000] =	vst v2;
	s14 =	smov.u32 s20  }
0xa7: {  	v2 =	vld [tilespmem:s14+$0x400]  }
.Ltmp3:
0xa8: {  	(pc) =	sbr.rel @p0 .LBB2_8-.Ltmp3, $3  }
0xa9: {  	_ =	sdelay $0x1  }
0xaa: {  	v3 =	vadd.s32 v0, v3  }
0xab: {  	s20 =	sshra.s32 s3, $0x2;
	s3 =	sadd.s32 $0x40, s3;
	v2 =	vadd.s32 v0, v2;
	[tilespmem:s14+$0x1C00] =	vst v3  }
0xac: {  	v3 =	vld [tilespmem:s20+$0x1C00];
	[tilespmem:s14+$0x1000] =	vst v2  }
0xad: {  	v2 =	vld [tilespmem:s20+$0x400];
	_ =	sdelay $0x3  }
0xae: {  	v3 =	vadd.s32 v0, v3  }
0xaf: {  	v2 =	vadd.s32 v0, v2;
	[tilespmem:s20+$0x1C00] =	vst v3  }
0xb0: {  	s0 =	simm.s32 $0x1000;
	s3 =	simm.s32 $0x3400;
	[tilespmem:s20+$0x1000] =	vst v2  }
0xb1: {  	[tilespmem:s3], [sflag:$0x5] =	stream.indirect.gather [hbm4b:s8+s19], $0x1, s0, s19, $0xb8;
	[tilespmem:$0x7980] =	vst v63  }
0xb2: {  	s28 =	simm.s32 $0x1C00;
	s31 =	simm.s32 $0x4000;
	s3 =	simm.s32 $0x0  }
0xb3: {  	[tilespmem:s31], [sflag:$0x5] =	stream.indirect.gather [hbm4b:s8+s19], $0x1, s28, s19, $0xb8;
	[tilespmem:$0x7980] =	vst v63  }
0xb4: {  	v2 =	vld [tilespmem:s3+$0x3000]  }
0xb5: {  	v3 =	vld [tilespmem:s3+$0x2400];
	_ =	sdelay $0x1  }
0xb6: {  	v4 =	vld [tilespmem:s3+$0x3C00]  }
0xb7: {  	s14 =	simm.s32 $0x40  }
.LBB2_10:
0xb8: {  	s20 =	sshra.s32 s14, $0x2;
	p0 =	sne.s32 s14, $0xFC0  }
.Ltmp4:
0xb9: {  	s14 =	sadd.s32 $0x40, s14;
	v5 =	vmul.f32 v3, v2;
	v2 =	vld [tilespmem:s20+$0x3000];
	(pc) =	sbr.rel @p0 .LBB2_10-.Ltmp4, $4  }
0xba: {  	v3 =	vld [tilespmem:s20+$0x2400]  }
0xbb: {  	v5 =	vmul.f32 v4, v5  }
0xbc: {  	v4 =	vld [tilespmem:s20+$0x3C00]  }
0xbd: {  	[tilespmem:s3+$0x4800] =	vst v5;
	s3 =	smov.u32 s20  }
0xbe: {  	_ = 	snop  }
0xbf: {  	v2 =	vmul.f32 v3, v2;
	_ =	sdelay $0x1  }
0xc0: {  	v2 =	vmul.f32 v4, v2;
	_ =	sdelay $0x1  }
0xc1: {  	s14 =	simm.s32 $0x0;
	s31 =	rddreg [dreg:$0x12];
	[tilespmem:s3+$0x4800] =	vst v2  }
0xc2: {  	[hbm4b:s31+s14] =	stream.linear.scatter [tilespmem:s15], [sflag:$0xA], $0x400, $0x38;
	[tilespmem:$0x7980] =	vst v63  }
0xc3: {  	s25 =	simm.s32 $0x0  }
0xc4: {  	[spmem:s2] =	stream.indirect.scatter.add.f32 [tilespmem:s15], [sflag:$0x7], $0x1, s14, s19, $0xb8;
	[tilespmem:$0x7980] =	vst v63  }
.LBB2_12:
0xc5: {  	_ =	swait.ge [sflag:s16], $0x400  }
0xc6: {  	[sflag:s16] =	ssyncset.done $0x0  }
0xc7: {  	[sflag:s16] =	ssyncadd.s32 $0xFFFFFC00  }
0xc8: {  	s28 =	smul.u32 $0xC00, s25;
	_ =	swait.ge [sflag:s21], $0x400  }
0xc9: {  	s3 =	rddreg [dreg:$0x13]  }
0xca: {  	s3 =	sadd.s32 s28, s3  }
0xcb: {  	[sflag:s21] =	ssyncset.done $0x0;
	s26 =	sshrl.u32 s3, $0x3  }
0xcc: {  	[sflag:s21] =	ssyncadd.s32 $0xFFFFFC00;
	s3 =	sadd.s32 s4, s26  }
0xcd: {  	[tilespmem:s14], [sflag:$0x1] =	stream.linear.gather [hbm4b:s3+s14], $0x400, $0x38;
	[tilespmem:$0x7980] =	vst v63  }
0xce: {  	s20 =	sadd.s32 s5, s26  }
0xcf: {  	[tilespmem:s17], [sflag:$0x1] =	stream.linear.gather [hbm4b:s20+s14], $0x400, $0x38;
	[tilespmem:$0x7980] =	vst v63  }
0xd0: {  	s0 =	sadd.s32 s6, s26;
	s20 =	simm.s32 $0x2400  }
0xd1: {  	[tilespmem:s20], [sflag:$0x1] =	stream.linear.gather [hbm4b:s0+s14], $0x400, $0x38;
	[tilespmem:$0x7980] =	vst v63  }
0xd2: {  	_ =	swait.ge [sflag:s1], $0x400  }
0xd3: {  	[sflag:s1] =	ssyncset.done $0x0  }
0xd4: {  	[sflag:s1] =	ssyncadd.s32 $0xFFFFFC00  }
0xd5: {  	_ =	swait.ge [sflag:s1], $0x400  }
0xd6: {  	[sflag:s1] =	ssyncset.done $0x0  }
0xd7: {  	[sflag:s1] =	ssyncadd.s32 $0xFFFFFC00  }
0xd8: {  	_ =	swait.ge [sflag:s11], $0x400  }
0xd9: {  	[sflag:s11] =	ssyncset.done $0x0  }
0xda: {  	[sflag:s11] =	ssyncadd.s32 $0xFFFFFC00  }
0xdb: {  	_ =	swait.ge [sflag:s11], $0x400  }
0xdc: {  	[sflag:s11] =	ssyncset.done $0x0  }
0xdd: {  	[sflag:s11] =	ssyncadd.s32 $0xFFFFFC00  }
0xde: {  	_ =	swait.ge [sflag:s11], $0x400  }
0xdf: {  	[sflag:s11] =	ssyncset.done $0x0  }
0xe0: {  	s3 =	simm.s32 $0x0;
	[sflag:s11] =	ssyncadd.s32 $0xFFFFFC00  }
0xe1: {  	v2 =	vld [tilespmem:s3+$0x2000]  }
0xe2: {  	v3 =	vld [tilespmem:s3+$0x800];
	_ =	sdelay $0x3  }
0xe3: {  	v4 =	vadd.s32 v0, v2  }
0xe4: {  	s31 =	simm.s32 $0x10;
	s20 =	simm.s32 $0x80;
	v2 =	vadd.s32 v0, v3;
	[tilespmem:s3+$0x2000] =	vst v4  }
.LBB2_13:
0xe5: {  	p0 =	sne.s32 s20, $0xFC0;
	v3 =	vld [tilespmem:s31+$0x2000];
	[tilespmem:s3+$0x1400] =	vst v2;
	s3 =	smov.u32 s31  }
0xe6: {  	v2 =	vld [tilespmem:s3+$0x800]  }
.Ltmp5:
0xe7: {  	(pc) =	sbr.rel @p0 .LBB2_13-.Ltmp5, $3  }
0xe8: {  	_ =	sdelay $0x1  }
0xe9: {  	v3 =	vadd.s32 v0, v3  }
0xea: {  	s31 =	sshra.s32 s20, $0x2;
	s20 =	sadd.s32 $0x40, s20;
	v2 =	vadd.s32 v0, v2;
	[tilespmem:s3+$0x2000] =	vst v3  }
0xeb: {  	v3 =	vld [tilespmem:s31+$0x2000];
	[tilespmem:s3+$0x1400] =	vst v2  }
0xec: {  	v2 =	vld [tilespmem:s31+$0x800];
	_ =	sdelay $0x3  }
0xed: {  	v3 =	vadd.s32 v0, v3  }
0xee: {  	v2 =	vadd.s32 v0, v2;
	[tilespmem:s31+$0x2000] =	vst v3  }
0xef: {  	s0 =	simm.s32 $0x1400;
	[tilespmem:s31+$0x1400] =	vst v2;
	s31 =	simm.s32 $0x3800  }
0xf0: {  	[tilespmem:s31], [sflag:$0x6] =	stream.indirect.gather [hbm4b:s8+s19], $0x1, s0, s19, $0xb8;
	[tilespmem:$0x7980] =	vst v63  }
0xf1: {  	s20 =	simm.s32 $0x2000;
	s3 =	simm.s32 $0x0;
	s31 =	simm.s32 $0x4400  }
0xf2: {  	[tilespmem:s31], [sflag:$0x6] =	stream.indirect.gather [hbm4b:s8+s19], $0x1, s20, s19, $0xb8;
	[tilespmem:$0x7980] =	vst v63  }
0xf3: {  	v2 =	vld [tilespmem:s3+$0x3400]  }
0xf4: {  	v3 =	vld [tilespmem:s3+$0x2800];
	_ =	sdelay $0x1  }
0xf5: {  	v4 =	vld [tilespmem:s3+$0x4000]  }
0xf6: {  	s20 =	simm.s32 $0x40  }
.LBB2_15:
0xf7: {  	s31 =	sshra.s32 s20, $0x2;
	p0 =	sne.s32 s20, $0xFC0  }
.Ltmp6:
0xf8: {  	s20 =	sadd.s32 $0x40, s20;
	v5 =	vmul.f32 v3, v2;
	v2 =	vld [tilespmem:s31+$0x3400];
	(pc) =	sbr.rel @p0 .LBB2_15-.Ltmp6, $4  }
0xf9: {  	v3 =	vld [tilespmem:s31+$0x2800]  }
0xfa: {  	v5 =	vmul.f32 v4, v5  }
0xfb: {  	v4 =	vld [tilespmem:s31+$0x4000]  }
0xfc: {  	[tilespmem:s3+$0x4C00] =	vst v5;
	s3 =	smov.u32 s31  }
0xfd: {  	_ = 	snop  }
0xfe: {  	v2 =	vmul.f32 v3, v2  }
0xff: {  	s20 =	rddreg [dreg:$0x6]  }
0x100: {  	s20 =	sadd.s32 s28, s20;
	v2 =	vmul.f32 v4, v2  }
0x101: {  	s20 =	sshrl.u32 s20, $0x3  }
0x102: {  	s0 =	sadd.s32 s7, s20;
	s20 =	simm.s32 $0x0;
	[tilespmem:s3+$0x4C00] =	vst v2  }
0x103: {  	[hbm4b:s0+s20] =	stream.linear.scatter [tilespmem:s13], [sflag:$0xB], $0x400, $0x38;
	[tilespmem:$0x7980] =	vst v63  }
0x104: {  	_ = 	snop  }
0x105: {  	[spmem:s2] =	stream.indirect.scatter.add.f32 [tilespmem:s13], [sflag:$0x8], $0x1, s19, s19, $0xb8;
	[tilespmem:$0x7980] =	vst v63  }
0x106: {  	_ =	swait.ge [sflag:s24], $0x400  }
0x107: {  	[sflag:s24] =	ssyncset.done $0x0  }
0x108: {  	[sflag:s24] =	ssyncadd.s32 $0xFFFFFC00  }
0x109: {  	_ =	swait.ge [sflag:s18], $0x400  }
0x10a: {  	s0 =	rddreg [dreg:$0x14]  }
0x10b: {  	s3 =	sadd.s32 s28, s0  }
0x10c: {  	[sflag:s18] =	ssyncset.done $0x0;
	s3 =	sshrl.u32 s3, $0x3  }
0x10d: {  	[sflag:s18] =	ssyncadd.s32 $0xFFFFFC00;
	s31 =	sadd.s32 s4, s3  }
0x10e: {  	[tilespmem:s19], [sflag:$0x2] =	stream.linear.gather [hbm4b:s31+s20], $0x400, $0x38;
	[tilespmem:$0x7980] =	vst v63  }
0x10f: {  	s0 =	simm.s32 $0x1C00;
	s31 =	sadd.s32 s5, s3  }
0x110: {  	[tilespmem:s0], [sflag:$0x2] =	stream.linear.gather [hbm4b:s31+s20], $0x400, $0x38;
	[tilespmem:$0x7980] =	vst v63  }
0x111: {  	s3 =	sadd.s32 s6, s3;
	s0 =	simm.s32 $0x2800  }
0x112: {  	[tilespmem:s0], [sflag:$0x2] =	stream.linear.gather [hbm4b:s3+s20], $0x400, $0x38;
	[tilespmem:$0x7980] =	vst v63  }
0x113: {  	_ =	swait.ge [sflag:s23], $0x400  }
0x114: {  	[sflag:s23] =	ssyncset.done $0x0  }
0x115: {  	[sflag:s23] =	ssyncadd.s32 $0xFFFFFC00  }
0x116: {  	_ =	swait.ge [sflag:s23], $0x400  }
0x117: {  	[sflag:s23] =	ssyncset.done $0x0  }
0x118: {  	[sflag:s23] =	ssyncadd.s32 $0xFFFFFC00  }
0x119: {  	_ =	swait.ge [sflag:s22], $0x400  }
0x11a: {  	[sflag:s22] =	ssyncset.done $0x0  }
0x11b: {  	[sflag:s22] =	ssyncadd.s32 $0xFFFFFC00  }
0x11c: {  	_ =	swait.ge [sflag:s22], $0x400  }
0x11d: {  	[sflag:s22] =	ssyncset.done $0x0  }
0x11e: {  	[sflag:s22] =	ssyncadd.s32 $0xFFFFFC00  }
0x11f: {  	_ =	swait.ge [sflag:s22], $0x400  }
0x120: {  	[sflag:s22] =	ssyncset.done $0x0  }
0x121: {  	s3 =	simm.s32 $0x0;
	[sflag:s22] =	ssyncadd.s32 $0xFFFFFC00  }
0x122: {  	v2 =	vld [tilespmem:s3+$0x1800]  }
0x123: {  	v3 =	vld [tilespmem:s3+$0x0];
	_ =	sdelay $0x3  }
0x124: {  	v63 =	vadd.s32 v0, v2  }
0x125: {  	s31 =	simm.s32 $0x10;
	s20 =	simm.s32 $0x80;
	v2 =	vadd.s32 v0, v3;
	[tilespmem:s3+$0x1800] =	vst v63  }
.LBB2_17:
0x126: {  	p0 =	sne.s32 s20, $0xFC0;
	v3 =	vld [tilespmem:s31+$0x1800];
	[tilespmem:s3+$0xC00] =	vst v2;
	s3 =	smov.u32 s31  }
0x127: {  	v2 =	vld [tilespmem:s3+$0x0]  }
.Ltmp7:
0x128: {  	(pc) =	sbr.rel @p0 .LBB2_17-.Ltmp7, $3  }
0x129: {  	_ =	sdelay $0x1  }
0x12a: {  	v3 =	vadd.s32 v0, v3  }
0x12b: {  	s31 =	sshra.s32 s20, $0x2;
	s20 =	sadd.s32 $0x40, s20;
	v2 =	vadd.s32 v0, v2;
	[tilespmem:s3+$0x1800] =	vst v3  }
0x12c: {  	v3 =	vld [tilespmem:s31+$0x1800];
	[tilespmem:s3+$0xC00] =	vst v2  }
0x12d: {  	v2 =	vld [tilespmem:s31+$0x0];
	_ =	sdelay $0x3  }
0x12e: {  	v3 =	vadd.s32 v0, v3  }
0x12f: {  	v2 =	vadd.s32 v0, v2;
	[tilespmem:s31+$0x1800] =	vst v3  }
0x130: {  	s0 =	simm.s32 $0xC00;
	s20 =	simm.s32 $0x3000;
	[tilespmem:s31+$0xC00] =	vst v2  }
0x131: {  	[tilespmem:s20], [sflag:$0x4] =	stream.indirect.gather [hbm4b:s8+s19], $0x1, s0, s19, $0xb8;
	[tilespmem:$0x7980] =	vst v63  }
0x132: {  	s3 =	simm.s32 $0x0;
	s31 =	simm.s32 $0x3C00  }
0x133: {  	[tilespmem:s31], [sflag:$0x4] =	stream.indirect.gather [hbm4b:s8+s19], $0x1, s17, s19, $0xb8;
	[tilespmem:$0x7980] =	vst v63  }
0x134: {  	v2 =	vld [tilespmem:s3+$0x3800]  }
0x135: {  	v3 =	vld [tilespmem:s3+$0x2C00];
	_ =	sdelay $0x1  }
0x136: {  	v4 =	vld [tilespmem:s3+$0x4400]  }
0x137: {  	s20 =	simm.s32 $0x40  }
.LBB2_19:
0x138: {  	s31 =	sshra.s32 s20, $0x2;
	p0 =	sne.s32 s20, $0xFC0  }
.Ltmp8:
0x139: {  	s20 =	sadd.s32 $0x40, s20;
	v5 =	vmul.f32 v3, v2;
	v2 =	vld [tilespmem:s31+$0x3800];
	(pc) =	sbr.rel @p0 .LBB2_19-.Ltmp8, $4  }
0x13a: {  	v3 =	vld [tilespmem:s31+$0x2C00]  }
0x13b: {  	v5 =	vmul.f32 v4, v5  }
0x13c: {  	v4 =	vld [tilespmem:s31+$0x4400]  }
0x13d: {  	[tilespmem:s3+$0x5000] =	vst v5;
	s3 =	smov.u32 s31  }
0x13e: {  	_ = 	snop  }
0x13f: {  	v2 =	vmul.f32 v3, v2  }
0x140: {  	s20 =	rddreg [dreg:$0x8]  }
0x141: {  	s20 =	sadd.s32 s28, s20;
	v2 =	vmul.f32 v4, v2  }
0x142: {  	s20 =	sshrl.u32 s20, $0x3  }
0x143: {  	s0 =	sadd.s32 s7, s20;
	s20 =	simm.s32 $0x0;
	[tilespmem:s3+$0x5000] =	vst v2  }
0x144: {  	[hbm4b:s0+s20] =	stream.linear.scatter [tilespmem:s29], [sflag:$0xC], $0x400, $0x38;
	[tilespmem:$0x7980] =	vst v63  }
0x145: {  	s0 =	simm.s32 $0x800  }
0x146: {  	[spmem:s2] =	stream.indirect.scatter.add.f32 [tilespmem:s29], [sflag:$0x9], $0x1, s0, s19, $0xb8;
	[tilespmem:$0x7980] =	vst v63  }
0x147: {  	_ =	swait.ge [sflag:s30], $0x400  }
0x148: {  	[sflag:s30] =	ssyncset.done $0x0  }
0x149: {  	[sflag:s30] =	ssyncadd.s32 $0xFFFFFC00  }
0x14a: {  	_ =	swait.ge [sflag:s12], $0x400  }
0x14b: {  	s3 =	rddreg [dreg:$0x15]  }
0x14c: {  	s3 =	sadd.s32 s28, s3  }
0x14d: {  	[sflag:s12] =	ssyncset.done $0x0;
	s3 =	sshrl.u32 s3, $0x3  }
0x14e: {  	[sflag:s12] =	ssyncadd.s32 $0xFFFFFC00;
	s28 =	sadd.s32 s4, s3  }
0x14f: {  	[tilespmem:s0], [sflag:$0x3] =	stream.linear.gather [hbm4b:s28+s20], $0x400, $0x38;
	[tilespmem:$0x7980] =	vst v63  }
0x150: {  	s28 =	sadd.s32 s5, s3;
	s0 =	simm.s32 $0x2000  }
0x151: {  	[tilespmem:s0], [sflag:$0x3] =	stream.linear.gather [hbm4b:s28+s20], $0x400, $0x38;
	[tilespmem:$0x7980] =	vst v63  }
0x152: {  	s3 =	sadd.s32 s6, s3;
	s0 =	simm.s32 $0x2C00  }
0x153: {  	[tilespmem:s0], [sflag:$0x3] =	stream.linear.gather [hbm4b:s3+s20], $0x400, $0x38;
	[tilespmem:$0x7980] =	vst v63  }
0x154: {  	_ =	swait.ge [sflag:s9], $0x400  }
0x155: {  	[sflag:s9] =	ssyncset.done $0x0  }
0x156: {  	[sflag:s9] =	ssyncadd.s32 $0xFFFFFC00  }
0x157: {  	_ =	swait.ge [sflag:s9], $0x400  }
0x158: {  	[sflag:s9] =	ssyncset.done $0x0  }
0x159: {  	[sflag:s9] =	ssyncadd.s32 $0xFFFFFC00  }
0x15a: {  	_ =	swait.ge [sflag:s10], $0x400  }
0x15b: {  	[sflag:s10] =	ssyncset.done $0x0  }
0x15c: {  	[sflag:s10] =	ssyncadd.s32 $0xFFFFFC00  }
0x15d: {  	_ =	swait.ge [sflag:s10], $0x400  }
0x15e: {  	[sflag:s10] =	ssyncset.done $0x0  }
0x15f: {  	[sflag:s10] =	ssyncadd.s32 $0xFFFFFC00  }
0x160: {  	_ =	swait.ge [sflag:s10], $0x400  }
0x161: {  	[sflag:s10] =	ssyncset.done $0x0  }
0x162: {  	s3 =	simm.s32 $0x0;
	[sflag:s10] =	ssyncadd.s32 $0xFFFFFC00  }
0x163: {  	v2 =	vld [tilespmem:s3+$0x1C00]  }
0x164: {  	v3 =	vld [tilespmem:s3+$0x400];
	_ =	sdelay $0x3  }
0x165: {  	v63 =	vadd.s32 v0, v2  }
0x166: {  	s31 =	simm.s32 $0x800;
	s28 =	simm.s32 $0x10;
	s20 =	simm.s32 $0x80;
	v2 =	vadd.s32 v0, v3;
	[tilespmem:s3+$0x1C00] =	vst v63  }
.LBB2_21:
0x167: {  	p0 =	sne.s32 s20, $0xFC0;
	v3 =	vld [tilespmem:s28+$0x1C00];
	[tilespmem:s3+$0x1000] =	vst v2;
	s3 =	smov.u32 s28  }
0x168: {  	v2 =	vld [tilespmem:s3+$0x400]  }
.Ltmp9:
0x169: {  	(pc) =	sbr.rel @p0 .LBB2_21-.Ltmp9, $3  }
0x16a: {  	_ =	sdelay $0x1  }
0x16b: {  	v3 =	vadd.s32 v0, v3  }
0x16c: {  	s28 =	sshra.s32 s20, $0x2;
	s20 =	sadd.s32 $0x40, s20;
	v2 =	vadd.s32 v0, v2;
	[tilespmem:s3+$0x1C00] =	vst v3  }
0x16d: {  	v3 =	vld [tilespmem:s28+$0x1C00];
	[tilespmem:s3+$0x1000] =	vst v2  }
0x16e: {  	v2 =	vld [tilespmem:s28+$0x400];
	_ =	sdelay $0x3  }
0x16f: {  	v3 =	vadd.s32 v0, v3  }
0x170: {  	v2 =	vadd.s32 v0, v2;
	[tilespmem:s28+$0x1C00] =	vst v3  }
0x171: {  	s0 =	simm.s32 $0x1000;
	[tilespmem:s28+$0x1000] =	vst v2;
	s28 =	simm.s32 $0x3400  }
0x172: {  	[tilespmem:s28], [sflag:$0x5] =	stream.indirect.gather [hbm4b:s8+s19], $0x1, s0, s19, $0xb8;
	[tilespmem:$0x7980] =	vst v63  }
0x173: {  	s20 =	simm.s32 $0x1C00;
	s3 =	simm.s32 $0x0;
	s28 =	simm.s32 $0x4000  }
0x174: {  	[tilespmem:s28], [sflag:$0x5] =	stream.indirect.gather [hbm4b:s8+s19], $0x1, s20, s19, $0xb8;
	[tilespmem:$0x7980] =	vst v63  }
0x175: {  	v2 =	vld [tilespmem:s3+$0x3000]  }
0x176: {  	v3 =	vld [tilespmem:s3+$0x2400];
	_ =	sdelay $0x1  }
0x177: {  	v4 =	vld [tilespmem:s3+$0x3C00]  }
0x178: {  	s20 =	simm.s32 $0x40  }
.LBB2_23:
0x179: {  	s28 =	sshra.s32 s20, $0x2;
	p0 =	sne.s32 s20, $0xFC0  }
.Ltmp10:
0x17a: {  	s20 =	sadd.s32 $0x40, s20;
	v5 =	vmul.f32 v3, v2;
	v2 =	vld [tilespmem:s28+$0x3000];
	(pc) =	sbr.rel @p0 .LBB2_23-.Ltmp10, $4  }
0x17b: {  	v3 =	vld [tilespmem:s28+$0x2400]  }
0x17c: {  	v5 =	vmul.f32 v4, v5  }
0x17d: {  	v4 =	vld [tilespmem:s28+$0x3C00]  }
0x17e: {  	[tilespmem:s3+$0x4800] =	vst v5;
	s3 =	smov.u32 s28  }
0x17f: {  	_ = 	snop  }
0x180: {  	v2 =	vmul.f32 v3, v2  }
0x181: {  	s25 =	sadd.s32 $0x1, s25  }
0x182: {  	p0 =	sne.s32 s25, $0x7;
	v2 =	vmul.f32 v4, v2  }
.Ltmp11:
0x183: {  	_ = 	snop;
	(pc) =	sbr.rel @p0 .LBB2_12-.Ltmp11, $4  }
0x184: {  	s28 =	sadd.s32 s7, s26;
	s26 =	simm.s32 $0x0;
	[tilespmem:s3+$0x4800] =	vst v2  }
0x185: {  	[hbm4b:s28+s26] =	stream.linear.scatter [tilespmem:s15], [sflag:$0xA], $0x400, $0x38;
	[tilespmem:$0x7980] =	vst v63  }
0x186: {  	_ = 	snop  }
0x187: {  	[spmem:s2] =	stream.indirect.scatter.add.f32 [tilespmem:s15], [sflag:$0x7], $0x1, s26, s19, $0xb8;
	[tilespmem:$0x7980] =	vst v63  }
0x188: {  	_ =	swait.ge [sflag:s16], $0x400  }
0x189: {  	[sflag:s16] =	ssyncset.done $0x0  }
0x18a: {  	[sflag:s16] =	ssyncadd.s32 $0xFFFFFC00  }
0x18b: {  	_ =	swait.ge [sflag:s21], $0x400  }
0x18c: {  	[sflag:s21] =	ssyncset.done $0x0  }
0x18d: {  	s3 =	simm.s32 $0x0;
	s14 =	rddreg [dreg:$0x16];
	[sflag:s21] =	ssyncadd.s32 $0xFFFFFC00  }
0x18e: {  	[tilespmem:s3], [sflag:$0x1] =	stream.linear.gather [hbm4b:s14+s3], $0x400, $0x38;
	[tilespmem:$0x7980] =	vst v63  }
0x18f: {  	s25 =	rddreg [dreg:$0x17]  }
0x190: {  	[tilespmem:s17], [sflag:$0x1] =	stream.linear.gather [hbm4b:s25+s3], $0x400, $0x38;
	[tilespmem:$0x7980] =	vst v63  }
0x191: {  	s20 =	simm.s32 $0x2400;
	s28 =	rddreg [dreg:$0x18]  }
0x192: {  	[tilespmem:s20], [sflag:$0x1] =	stream.linear.gather [hbm4b:s28+s3], $0x400, $0x38;
	[tilespmem:$0x7980] =	vst v63  }
0x193: {  	_ =	swait.ge [sflag:s1], $0x400  }
0x194: {  	[sflag:s1] =	ssyncset.done $0x0  }
0x195: {  	[sflag:s1] =	ssyncadd.s32 $0xFFFFFC00  }
0x196: {  	_ =	swait.ge [sflag:s1], $0x400  }
0x197: {  	[sflag:s1] =	ssyncset.done $0x0  }
0x198: {  	[sflag:s1] =	ssyncadd.s32 $0xFFFFFC00  }
0x199: {  	_ =	swait.ge [sflag:s11], $0x400  }
0x19a: {  	[sflag:s11] =	ssyncset.done $0x0  }
0x19b: {  	[sflag:s11] =	ssyncadd.s32 $0xFFFFFC00  }
0x19c: {  	_ =	swait.ge [sflag:s11], $0x400  }
0x19d: {  	[sflag:s11] =	ssyncset.done $0x0  }
0x19e: {  	[sflag:s11] =	ssyncadd.s32 $0xFFFFFC00  }
0x19f: {  	_ =	swait.ge [sflag:s11], $0x400  }
0x1a0: {  	[sflag:s11] =	ssyncset.done $0x0  }
0x1a1: {  	s3 =	simm.s32 $0x0;
	[sflag:s11] =	ssyncadd.s32 $0xFFFFFC00  }
0x1a2: {  	v2 =	vld [tilespmem:s3+$0x2000]  }
0x1a3: {  	v3 =	vld [tilespmem:s3+$0x800];
	_ =	sdelay $0x3  }
0x1a4: {  	v4 =	vadd.s32 v0, v2  }
0x1a5: {  	s14 =	simm.s32 $0x80;
	s20 =	simm.s32 $0x10;
	v2 =	vadd.s32 v0, v3;
	[tilespmem:s3+$0x2000] =	vst v4  }
.LBB2_26:
0x1a6: {  	p0 =	sne.s32 s14, $0xFC0;
	v3 =	vld [tilespmem:s20+$0x2000];
	[tilespmem:s3+$0x1400] =	vst v2;
	s3 =	smov.u32 s20  }
0x1a7: {  	v2 =	vld [tilespmem:s3+$0x800]  }
.Ltmp12:
0x1a8: {  	(pc) =	sbr.rel @p0 .LBB2_26-.Ltmp12, $3  }
0x1a9: {  	_ =	sdelay $0x1  }
0x1aa: {  	v3 =	vadd.s32 v0, v3  }
0x1ab: {  	s20 =	sshra.s32 s14, $0x2;
	s14 =	sadd.s32 $0x40, s14;
	v2 =	vadd.s32 v0, v2;
	[tilespmem:s3+$0x2000] =	vst v3  }
0x1ac: {  	v3 =	vld [tilespmem:s20+$0x2000];
	[tilespmem:s3+$0x1400] =	vst v2  }
0x1ad: {  	v2 =	vld [tilespmem:s20+$0x800];
	_ =	sdelay $0x3  }
0x1ae: {  	v3 =	vadd.s32 v0, v3  }
0x1af: {  	v2 =	vadd.s32 v0, v2;
	[tilespmem:s20+$0x2000] =	vst v3  }
0x1b0: {  	s0 =	simm.s32 $0x1400;
	s14 =	simm.s32 $0x3800;
	[tilespmem:s20+$0x1400] =	vst v2  }
0x1b1: {  	[tilespmem:s14], [sflag:$0x6] =	stream.indirect.gather [hbm4b:s8+s19], $0x1, s0, s19, $0xb8;
	[tilespmem:$0x7980] =	vst v63  }
0x1b2: {  	s25 =	simm.s32 $0x4400;
	s3 =	simm.s32 $0x0;
	s20 =	simm.s32 $0x2000  }
0x1b3: {  	[tilespmem:s25], [sflag:$0x6] =	stream.indirect.gather [hbm4b:s8+s19], $0x1, s20, s19, $0xb8;
	[tilespmem:$0x7980] =	vst v63  }
0x1b4: {  	v2 =	vld [tilespmem:s3+$0x3400]  }
0x1b5: {  	v3 =	vld [tilespmem:s3+$0x2800];
	_ =	sdelay $0x1  }
0x1b6: {  	v4 =	vld [tilespmem:s3+$0x4000]  }
0x1b7: {  	s28 =	simm.s32 $0x5400;
	s14 =	simm.s32 $0x40;
	s25 =	simm.s32 $0xD  }
.LBB2_28:
0x1b8: {  	s20 =	sshra.s32 s14, $0x2;
	p0 =	sne.s32 s14, $0xFC0  }
.Ltmp13:
0x1b9: {  	s14 =	sadd.s32 $0x40, s14;
	v5 =	vmul.f32 v3, v2;
	v2 =	vld [tilespmem:s20+$0x3400];
	(pc) =	sbr.rel @p0 .LBB2_28-.Ltmp13, $4  }
0x1ba: {  	v3 =	vld [tilespmem:s20+$0x2800]  }
0x1bb: {  	v5 =	vmul.f32 v4, v5  }
0x1bc: {  	v4 =	vld [tilespmem:s20+$0x4000]  }
0x1bd: {  	[tilespmem:s3+$0x4C00] =	vst v5;
	s3 =	smov.u32 s20  }
0x1be: {  	_ = 	snop  }
0x1bf: {  	v2 =	vmul.f32 v3, v2;
	_ =	sdelay $0x1  }
0x1c0: {  	v2 =	vmul.f32 v4, v2;
	_ =	sdelay $0x1  }
0x1c1: {  	s20 =	simm.s32 $0x0;
	s14 =	rddreg [dreg:$0x1c];
	[tilespmem:s3+$0x4C00] =	vst v2  }
0x1c2: {  	[hbm4b:s14+s20] =	stream.linear.scatter [tilespmem:s13], [sflag:$0xB], $0x400, $0x38;
	[tilespmem:$0x7980] =	vst v63  }
0x1c3: {  	_ = 	snop  }
0x1c4: {  	[spmem:s2] =	stream.indirect.scatter.add.f32 [tilespmem:s13], [sflag:$0x8], $0x1, s19, s19, $0xb8;
	[tilespmem:$0x7980] =	vst v63  }
0x1c5: {  	_ =	swait.ge [sflag:s24], $0x400  }
0x1c6: {  	[sflag:s24] =	ssyncset.done $0x0  }
0x1c7: {  	[sflag:s24] =	ssyncadd.s32 $0xFFFFFC00  }
0x1c8: {  	_ =	swait.ge [sflag:s18], $0x400  }
0x1c9: {  	[sflag:s18] =	ssyncset.done $0x0  }
0x1ca: {  	[sflag:s18] =	ssyncadd.s32 $0xFFFFFC00  }
0x1cb: {  	_ =	swait.ge [sflag:s23], $0x400  }
0x1cc: {  	[sflag:s23] =	ssyncset.done $0x0  }
0x1cd: {  	[sflag:s23] =	ssyncadd.s32 $0xFFFFFC00  }
0x1ce: {  	_ =	swait.ge [sflag:s23], $0x400  }
0x1cf: {  	[sflag:s23] =	ssyncset.done $0x0  }
0x1d0: {  	[sflag:s23] =	ssyncadd.s32 $0xFFFFFC00  }
0x1d1: {  	_ =	swait.ge [sflag:s22], $0x400  }
0x1d2: {  	[sflag:s22] =	ssyncset.done $0x0  }
0x1d3: {  	[sflag:s22] =	ssyncadd.s32 $0xFFFFFC00  }
0x1d4: {  	_ =	swait.ge [sflag:s22], $0x400  }
0x1d5: {  	[sflag:s22] =	ssyncset.done $0x0  }
0x1d6: {  	[sflag:s22] =	ssyncadd.s32 $0xFFFFFC00  }
0x1d7: {  	_ =	swait.ge [sflag:s22], $0x400  }
0x1d8: {  	[sflag:s22] =	ssyncset.done $0x0  }
0x1d9: {  	s3 =	simm.s32 $0x0;
	[sflag:s22] =	ssyncadd.s32 $0xFFFFFC00  }
0x1da: {  	v2 =	vld [tilespmem:s3+$0x1800]  }
0x1db: {  	v3 =	vld [tilespmem:s3+$0x0];
	_ =	sdelay $0x3  }
0x1dc: {  	v63 =	vadd.s32 v0, v2  }
0x1dd: {  	s20 =	simm.s32 $0x10;
	s14 =	simm.s32 $0x80;
	v2 =	vadd.s32 v0, v3;
	[tilespmem:s3+$0x1800] =	vst v63  }
.LBB2_30:
0x1de: {  	p0 =	sne.s32 s14, $0xFC0;
	v3 =	vld [tilespmem:s20+$0x1800];
	[tilespmem:s3+$0xC00] =	vst v2;
	s3 =	smov.u32 s20  }
0x1df: {  	v2 =	vld [tilespmem:s3+$0x0]  }
.Ltmp14:
0x1e0: {  	(pc) =	sbr.rel @p0 .LBB2_30-.Ltmp14, $3  }
0x1e1: {  	_ =	sdelay $0x1  }
0x1e2: {  	v3 =	vadd.s32 v0, v3  }
0x1e3: {  	s20 =	sshra.s32 s14, $0x2;
	s14 =	sadd.s32 $0x40, s14;
	v2 =	vadd.s32 v0, v2;
	[tilespmem:s3+$0x1800] =	vst v3  }
0x1e4: {  	v3 =	vld [tilespmem:s20+$0x1800];
	[tilespmem:s3+$0xC00] =	vst v2  }
0x1e5: {  	v2 =	vld [tilespmem:s20+$0x0];
	_ =	sdelay $0x3  }
0x1e6: {  	v3 =	vadd.s32 v0, v3  }
0x1e7: {  	v2 =	vadd.s32 v0, v2;
	[tilespmem:s20+$0x1800] =	vst v3  }
0x1e8: {  	s0 =	simm.s32 $0xC00;
	s14 =	simm.s32 $0x3000;
	[tilespmem:s20+$0xC00] =	vst v2  }
0x1e9: {  	[tilespmem:s14], [sflag:$0x4] =	stream.indirect.gather [hbm4b:s8+s19], $0x1, s0, s19, $0xb8;
	[tilespmem:$0x7980] =	vst v63  }
0x1ea: {  	s3 =	simm.s32 $0x0;
	s20 =	simm.s32 $0x3C00  }
0x1eb: {  	[tilespmem:s20], [sflag:$0x4] =	stream.indirect.gather [hbm4b:s8+s19], $0x1, s17, s19, $0xb8;
	[tilespmem:$0x7980] =	vst v63  }
0x1ec: {  	v2 =	vld [tilespmem:s3+$0x3800]  }
0x1ed: {  	v3 =	vld [tilespmem:s3+$0x2C00];
	_ =	sdelay $0x1  }
0x1ee: {  	v4 =	vld [tilespmem:s3+$0x4400]  }
0x1ef: {  	s14 =	simm.s32 $0x40  }
.LBB2_32:
0x1f0: {  	s20 =	sshra.s32 s14, $0x2;
	p0 =	sne.s32 s14, $0xFC0  }
.Ltmp15:
0x1f1: {  	s14 =	sadd.s32 $0x40, s14;
	v5 =	vmul.f32 v3, v2;
	v2 =	vld [tilespmem:s20+$0x3800];
	(pc) =	sbr.rel @p0 .LBB2_32-.Ltmp15, $4  }
0x1f2: {  	v3 =	vld [tilespmem:s20+$0x2C00]  }
0x1f3: {  	v5 =	vmul.f32 v4, v5  }
0x1f4: {  	v4 =	vld [tilespmem:s20+$0x4400]  }
0x1f5: {  	[tilespmem:s3+$0x5000] =	vst v5;
	s3 =	smov.u32 s20  }
0x1f6: {  	_ = 	snop  }
0x1f7: {  	v2 =	vmul.f32 v3, v2;
	_ =	sdelay $0x1  }
0x1f8: {  	v2 =	vmul.f32 v4, v2;
	_ =	sdelay $0x1  }
0x1f9: {  	s20 =	simm.s32 $0x0;
	s14 =	rddreg [dreg:$0x1d];
	[tilespmem:s3+$0x5000] =	vst v2  }
0x1fa: {  	[hbm4b:s14+s20] =	stream.linear.scatter [tilespmem:s29], [sflag:$0xC], $0x400, $0x38;
	[tilespmem:$0x7980] =	vst v63  }
0x1fb: {  	_ = 	snop  }
0x1fc: {  	[spmem:s2] =	stream.indirect.scatter.add.f32 [tilespmem:s29], [sflag:$0x9], $0x1, s31, s19, $0xb8;
	[tilespmem:$0x7980] =	vst v63  }
0x1fd: {  	_ =	swait.ge [sflag:s30], $0x400  }
0x1fe: {  	[sflag:s30] =	ssyncset.done $0x0  }
0x1ff: {  	[sflag:s30] =	ssyncadd.s32 $0xFFFFFC00  }
0x200: {  	_ =	swait.ge [sflag:s12], $0x400  }
0x201: {  	[sflag:s12] =	ssyncset.done $0x0  }
0x202: {  	[sflag:s12] =	ssyncadd.s32 $0xFFFFFC00  }
0x203: {  	_ =	swait.ge [sflag:s9], $0x400  }
0x204: {  	[sflag:s9] =	ssyncset.done $0x0  }
0x205: {  	[sflag:s9] =	ssyncadd.s32 $0xFFFFFC00  }
0x206: {  	_ =	swait.ge [sflag:s9], $0x400  }
0x207: {  	[sflag:s9] =	ssyncset.done $0x0  }
0x208: {  	s3 =	simm.s32 $0x0;
	[sflag:s9] =	ssyncadd.s32 $0xFFFFFC00  }
0x209: {  	v2 =	vld [tilespmem:s3+$0x3000]  }
0x20a: {  	v3 =	vld [tilespmem:s3+$0x2400];
	_ =	sdelay $0x1  }
0x20b: {  	v4 =	vld [tilespmem:s3+$0x3C00]  }
0x20c: {  	s14 =	simm.s32 $0x40;
	s0 =	rddreg [dreg:$0x1e]  }
.LBB2_34:
0x20d: {  	s20 =	sshra.s32 s14, $0x2;
	p0 =	sne.s32 s14, $0xFC0  }
.Ltmp16:
0x20e: {  	s14 =	sadd.s32 $0x40, s14;
	v5 =	vmul.f32 v3, v2;
	v2 =	vld [tilespmem:s20+$0x3000];
	(pc) =	sbr.rel @p0 .LBB2_34-.Ltmp16, $4  }
0x20f: {  	v3 =	vld [tilespmem:s20+$0x2400]  }
0x210: {  	v5 =	vmul.f32 v4, v5  }
0x211: {  	v4 =	vld [tilespmem:s20+$0x3C00]  }
0x212: {  	[tilespmem:s3+$0x4800] =	vst v5;
	s3 =	smov.u32 s20  }
0x213: {  	_ = 	snop  }
0x214: {  	v2 =	vmul.f32 v3, v2;
	_ =	sdelay $0x1  }
0x215: {  	v2 =	vmul.f32 v4, v2;
	_ =	sdelay $0x1  }
0x216: {  	s20 =	rddreg [dreg:$0x19];
	[tilespmem:s3+$0x4800] =	vst v2  }
0x217: {  	[hbm4b:s20+s26] =	stream.linear.scatter [tilespmem:s15], [sflag:$0xA], $0x400, $0x38;
	[tilespmem:$0x7980] =	vst v63  }
0x218: {  	_ = 	snop  }
0x219: {  	[spmem:s2] =	stream.indirect.scatter.add.f32 [tilespmem:s15], [sflag:$0x7], $0x1, s26, s19, $0xb8;
	[tilespmem:$0x7980] =	vst v63  }
0x21a: {  	_ =	swait.ge [sflag:s16], $0x400  }
0x21b: {  	[sflag:s16] =	ssyncset.done $0x0  }
0x21c: {  	[sflag:s16] =	ssyncadd.s32 $0xFFFFFC00  }
0x21d: {  	_ =	swait.ge [sflag:s21], $0x400  }
0x21e: {  	[sflag:s21] =	ssyncset.done $0x0  }
0x21f: {  	[sflag:s21] =	ssyncadd.s32 $0xFFFFFC00  }
0x220: {  	[bflag:$0x0] =	sbarrier.arrive $0xFFFF  }
0x221: {  	s20 =	rddreg [dreg:$0x7]  }
0x222: {  	[tilespmem:s28], [sflag:$0xD] =	stream.linear.gather [spmem:s20], $0xC80, $0x38;
	[tilespmem:$0x7980] =	vst v63  }
0x223: {  	_ =	swait.ge [sflag:s25], $0xC80  }
0x224: {  	[sflag:s25] =	ssyncset.done $0x0  }
0x225: {  	s14 =	rddreg [dreg:$0x1a];
	[sflag:s25] =	ssyncadd.s32 $0xFFFFF380  }
0x226: {  	[hbm4b:s14+s26] =	stream.linear.scatter [tilespmem:s28], [sflag:$0xD], $0xC80, $0x38;
	[tilespmem:$0x7980] =	vst v63  }
0x227: {  	_ =	swait.ge [sflag:s25], $0xC80  }
0x228: {  	s0 =	sadd.s32 $0x1, s0;
	s14 =	rddreg [dreg:$0x1b]  }
0x229: {  	p0 =	sne.s32 s0, s14  }
.Ltmp17:
0x22a: {  	_ = 	snop;
	(pc) =	sbr.rel @p0 .LBB2_1-.Ltmp17, $3  }
0x22b: {  	_ =	sdelay $0x1  }
0x22c: {  	[sflag:s25] =	ssyncset.done $0x0  }
0x22d: {  	[sflag:s25] =	ssyncadd.s32 $0xFFFFF380  }
0x22e: {  	_ =	sfence.sel $0x180000  }
0x22f: {  	[bflag:$0x0] =	sbarrier.arrive $0xFFFF  }
0x230: {  	_ =	strace $0x9000004A  }
0x231: {  	s0 =	stileid.u32;
	[bflag:$0x2] =	sbarrier.arrive $0xFFFF  }
0x232: {  	p0 =	sne.s32 s0, $0x0;
	s0 =	rddreg [dreg:$0x2]  }
0x233: {  	s0 =	sadd.s32 @!p0 $0x100000, s0  }
0x234: {  	[sflag:s0] =	ssyncadd.tile.s32 @!p0 $0x1;
	_ =	shalt  }
.Lfunc_end2:
_tile_overlayer_lowered:
.L_overlay_start_2:
0x235: {  	(tag) =	ssettag $0x2  }
0x236: {  	s0 =	rddreg [dreg:$0x0];
	s2 =	stileid.u32  }
0x237: {  	s1 =	rddreg [dreg:$0x1];
	p0 =	sne.s32 s2, $0x0  }
0x238: {  	s3 =	rddreg [dreg:$0x2];
	[bflag:$0x3] =	sbarrier.arrive $0xFFFF;
	s2 =	simm.s32 @!p0 $0x1C0D  }
0x239: {  	[timem:s3], [sflag:s2] =	dma.local @!p0 [hbm:s0], s1  }
0x23a: {  	s0 =	simm.s32 @!p0 $0xD  }
0x23b: {  	_ =	swait.ge @!p0 [sflag:s0], s1  }
0x23c: {  	s1 =	ssub.s32 @!p0 $0x0, s1;
	[sflag:s0] =	ssyncset.done @!p0 $0x0  }
0x23d: {  	[sflag:s0] =	ssyncadd.s32 @!p0 s1  }
0x23e: {  	[bflag:$0x3] =	sbarrier.arrive $0xFFFF  }
0x23f: {  	_ =	shalt  }

// kernel: kernel.13.cloned.1.call-start
scs
__scs_entry_jumppad:
0x0: {  	(pc) =	sbr.rel $0x88, $3  }
0x1: {  	(tag) =	ssettag $0x0;
	lr =	simm.s32 $0x1  }
0x2: {  	[smem:$0x3F96] =	sst lr;
	_ =	strace $0xD0000000  }
0x3: {  	_ = 	snop  }
0x4: {  	_ = 	snop  }
0x5: {  	_ = 	snop  }
0x6: {  	_ = 	snop  }
0x7: {  	_ = 	snop  }
__scs_overlays_trampoline_lowered:
0x8: {  	[smem:$0x3FA5] =	sst s0  }
0x9: {  	[smem:$0x3FA6] =	sst s1  }
0xa: {  	[smem:$0x3FA7] =	sst s2  }
0xb: {  	[smem:$0x3FA8] =	sst s3  }
0xc: {  	[smem:$0x3FA9] =	sst s4  }
0xd: {  	[smem:$0x3FAA] =	sst s5  }
0xe: {  	[smem:$0x3FAB] =	sst s6  }
0xf: {  	[smem:$0x3FAC] =	sst s7  }
0x10: {  	[smem:$0x3FAD] =	sst s8  }
0x11: {  	[smem:$0x3FAE] =	sst s9;
	s0 =	simm.s32 @!p0 $0x0  }
0x12: {  	s1 =	sld [smem:$0x3F94];
	s0 =	simm.s32 @p0 $0x1  }
0x13: {  	[smem:$0x3FAF] =	sst s0;
	s0 =	simm.s32 @!p1 $0x0  }
0x14: {  	s2 =	sld [smem:$0x3F93];
	s0 =	simm.s32 @p1 $0x1  }
0x15: {  	[smem:$0x3FB0] =	sst s0;
	s0 =	simm.s32 @!p2 $0x0  }
0x16: {  	s3 =	sld [smem:$0x3FDB];
	s0 =	simm.s32 @p2 $0x1  }
0x17: {  	s4 =	simm.s32 $0x1BF5;
	[smem:$0x3FB2] =	sst s0  }
0x18: {  	s0 =	sld [smem:$0x3F95];
	_ =	swait.ge [sflag:s4], $0x0  }
0x19: {  	s7 =	sld [smem:$0x3F96]  }
0x1a: {  	s8 =	sadd.s32 $0xFFFFE003, lr  }
0x1b: {  	s9 =	sadd.s32 $0xFFFFFEF7, lr;
	s5 =	simm.s32 $0xFFFFFFFF;
	p2 =	slt.u32 s8, $0xFFFFF086  }
0x1c: {  	p1 =	slt.u32 s9, $0xF7A;
	s5 =	simm.s32 @!p2 $0x0  }
0x1d: {  	s5 =	simm.s32 @p1 $0x1;
	p0 =	seq.s32 s7, s2  }
0x1e: {  	s7 =	smul.u32 @!p0 $0xF7A, s2;
	p2 =	seq.s32 @!p0 s5, $0x0  }
0x1f: {  	s9 =	smul.u32 $0xF7A, s1;
	s8 =	simm.s32 @!p0 $0x1BF5;
	p2 =	por !p2, p0  }
0x20: {  	[sflag:s8] =	ssyncset.s32 @!p0 $0xFFFFF086;
	s6 =	sadd.s32 @!p0 s3, s7;
	s7 =	simm.s32 @!p0 $0x108  }
0x21: {  	s3 =	sadd.s32 s3, s9;
	s6 =	sadd.s32 @!p0 $0x88, s6;
	s7 =	simm.s32 @p2 $0x1082  }
0x22: {  	[simem:s7], [sflag:s8] =	dma.local @!p0 [hbm:s6], $0xF7A  }
0x23: {  	s9 =	sor.u32 $0xD0000000, s2;
	s6 =	simm.s32 $0x108;
	_ =	swait.ge @!p0 [sflag:s8], $0x0  }
0x24: {  	s3 =	sadd.s32 $0x88, s3;
	s6 =	simm.s32 @!p1 $0x1082;
	[sflag:s4] =	ssyncset.s32 $0xFFFFF086  }
0x25: {  	[simem:s6], [sflag:s4] =	dma.local [hbm:s3], $0xF7A  }
0x26: {  	[smem:$0x3F96] =	sst s1;
	(tag) =	ssettag s2;
	_ =	strace s9  }
0x27: {  	s1 =	sld [smem:$0x3FA6]  }
0x28: {  	s2 =	sld [smem:$0x3FA7]  }
0x29: {  	s4 =	sld [smem:$0x3FA9]  }
0x2a: {  	p0 =	seq.s32 s5, $0x0;
	s5 =	sld [smem:$0x3FAA]  }
0x2b: {  	s6 =	sld [smem:$0x3FAB]  }
0x2c: {  	s7 =	sld [smem:$0x3FAC]  }
0x2d: {  	s3 =	simm.s32 $0x108;
	s8 =	sld [smem:$0x3FAD]  }
0x2e: {  	s3 =	simm.s32 @!p0 $0x1082;
	s9 =	sld [smem:$0x3FAE]  }
0x2f: {  	lr =	sadd.s32 s0, s3;
	s0 =	sld [smem:$0x3FA5]  }
0x30: {  	s3 =	sld [smem:$0x3FA8]  }
0x31: {  	[smem:$0x3FB1] =	sst s10  }
0x32: {  	s10 =	sld [smem:$0x3FAF];
	_ =	sdelay $0x3  }
0x33: {  	p0 =	seq.s32 s10, $0x1;
	s10 =	sld [smem:$0x3FB1];
	_ =	sdelay $0x3  }
0x34: {  	[smem:$0x3FB1] =	sst s10  }
0x35: {  	s10 =	sld [smem:$0x3FB0];
	_ =	sdelay $0x3  }
0x36: {  	p1 =	seq.s32 s10, $0x1;
	s10 =	sld [smem:$0x3FB1];
	_ =	sdelay $0x3  }
0x37: {  	[smem:$0x3FB1] =	sst s10  }
0x38: {  	s10 =	sld [smem:$0x3FB2]  }
0x39: {  	_ = 	snop;
	(pc) =	sbr.ind lr, $3  }
0x3a: {  	_ = 	snop  }
0x3b: {  	_ = 	snop  }
0x3c: {  	p2 =	seq.s32 s10, $0x1;
	s10 =	sld [smem:$0x3FB1]  }
0x3d: {  	_ =	shalt  }
0x3e: {  	_ =	shalt  }
0x3f: {  	_ =	shalt  }
0x40: {  	_ =	shalt  }
0x41: {  	_ =	shalt  }
0x42: {  	_ =	shalt  }
0x43: {  	_ =	shalt  }
0x44: {  	_ =	shalt  }
0x45: {  	_ =	shalt  }
0x46: {  	_ =	shalt  }
0x47: {  	_ =	shalt  }
0x48: {  	_ =	shalt  }
0x49: {  	_ =	shalt  }
0x4a: {  	_ =	shalt  }
0x4b: {  	_ =	shalt  }
0x4c: {  	_ =	shalt  }
0x4d: {  	_ =	shalt  }
0x4e: {  	_ =	shalt  }
0x4f: {  	_ =	shalt  }
0x50: {  	_ =	shalt  }
0x51: {  	_ =	shalt  }
0x52: {  	_ =	shalt  }
0x53: {  	_ =	shalt  }
0x54: {  	_ =	shalt  }
0x55: {  	_ =	shalt  }
0x56: {  	_ =	shalt  }
0x57: {  	_ =	shalt  }
0x58: {  	_ =	shalt  }
0x59: {  	_ =	shalt  }
0x5a: {  	_ =	shalt  }
0x5b: {  	_ =	shalt  }
0x5c: {  	_ =	shalt  }
0x5d: {  	_ =	shalt  }
0x5e: {  	_ =	shalt  }
0x5f: {  	_ =	shalt  }
0x60: {  	_ =	shalt  }
0x61: {  	_ =	shalt  }
0x62: {  	_ =	shalt  }
0x63: {  	_ =	shalt  }
0x64: {  	_ =	shalt  }
0x65: {  	_ =	shalt  }
0x66: {  	_ =	shalt  }
0x67: {  	_ =	shalt  }
0x68: {  	_ =	shalt  }
0x69: {  	_ =	shalt  }
0x6a: {  	_ =	shalt  }
0x6b: {  	_ =	shalt  }
0x6c: {  	_ =	shalt  }
0x6d: {  	_ =	shalt  }
0x6e: {  	_ =	shalt  }
0x6f: {  	_ =	shalt  }
0x70: {  	_ =	shalt  }
0x71: {  	_ =	shalt  }
0x72: {  	_ =	shalt  }
0x73: {  	_ =	shalt  }
0x74: {  	_ =	shalt  }
0x75: {  	_ =	shalt  }
0x76: {  	_ =	shalt  }
0x77: {  	_ =	shalt  }
0x78: {  	_ =	shalt  }
0x79: {  	_ =	shalt  }
0x7a: {  	_ =	shalt  }
0x7b: {  	_ =	shalt  }
0x7c: {  	_ =	shalt  }
0x7d: {  	_ =	shalt  }
0x7e: {  	_ =	shalt  }
0x7f: {  	_ =	shalt  }
0x80: {  	_ =	shalt  }
0x81: {  	_ =	shalt  }
0x82: {  	_ =	shalt  }
0x83: {  	_ =	shalt  }
0x84: {  	_ =	shalt  }
0x85: {  	_ =	shalt  }
0x86: {  	_ =	shalt  }
0x87: {  	_ =	shalt  }
.Lfunc_end0:
.L_simem_size_0:
called_computation.2_lowered:
.L_overlay_start_0:
0x88: {  	s2 =	sld [smem:$0x3FD9]  }
0x89: {  	s3 =	sld [smem:$0x3FFE];
	_ =	sdelay $0x1  }
0x8a: {  	s1 =	srdreg.scid  }
0x8b: {  	s0 =	sand.u32 $0x1, s1  }
0x8c: {  	s16 =	sshll.u32 s0, $0xA;
	s2 =	sadd.s32 s3, s2  }
0x8d: {  	s2 =	sadd.s32 s2, s16  }
0x8e: {  	[smem:$0x3FBD] =	sst s2  }
0x8f: {  	_ = 	snop  }
0x90: {  	(tm) =	ssettm $0x1  }
0x91: {  	s17 =	sld [smem:$0x3FFB];
	_ =	sdelay $0x3  }
0x92: {  	_ =	strace s17  }
0x93: {  	s2 =	sld [smem:$0x3FFC];
	_ =	sdelay $0x3  }
0x94: {  	_ =	strace s2  }
0x95: {  	s2 =	sld [smem:$0x3FFD];
	_ =	sdelay $0x3  }
0x96: {  	_ =	strace s2  }
0x97: {  	_ =	strace $0x8FFFFFFF  }
0x98: {  	s18 =	sld [smem:$0x3FDB];
	_ =	sdelay $0x1  }
0x99: {  	s19 =	simm.s32 $_scs_section_size  }
0x9a: {  	s4 =	simm.s32 $_size__tile_overlayer_lowered;
	s5 =	simm.s32 $_tile_overlayer_lowered  }
0x9b: {  	s22 =	simm.s32 $0x1BFF;
	s21 =	sshll.u32 s5, $0x1;
	s2 =	sadd.s32 s19, s18  }
0x9c: {  	s6 =	simm.s32 $0x0;
	s20 =	sshll.u32 s4, $0x1;
	s4 =	sadd.s32 s21, s2  }
0x9d: {  	[timem:s6], [sflag:s22] =	dma.local [hbm:s4], s20  }
0x9e: {  	_ =	swait.ge [sflag:s22], s20  }
0x9f: {  	s3 =	ssub.s32 $0x0, s20;
	[sflag:s22] =	ssyncset.done $0x0  }
0xa0: {  	[sflag:s22] =	ssyncadd.s32 s3;
	_ =	sdelay $0x1  }
0xa1: {  	s23 =	simm.s32 $0x1B8B  }
0xa2: {  	_ =	swait.ge [sflag:s23], $0x1  }
0xa3: {  	[sflag:s23] =	ssyncset.done $0x0  }
0xa4: {  	s25 =	simm.s32 $0x1B8E;
	s24 =	sld [smem:$0x3FFE];
	[sflag:s23] =	ssyncadd.s32 $0xFFFFFFFF  }
0xa5: {  	s26 =	simm.s32 $execute0_lowered;
	[smem:$0x3FD2] =	sst s25  }
0xa6: {  	s4 =	sshll.u32 s26, $0x1;
	_ =	strace $0x8000004C;
	[dreg:$0x1] =	wrdreg $0xFFFFFFFF  }
0xa7: {  	s28 =	simm.s32 $_size_execute0_lowered;
	s2 =	sadd.s32 s2, s4;
	[dreg:$0x0] =	wrdreg $0x0  }
0xa8: {  	s4 =	sshll.u32 s28, $0x1;
	[dreg:$0x2] =	wrdreg s2  }
0xa9: {  	[dreg:$0x3] =	wrdreg s4  }
0xaa: {  	[dreg:$0x4] =	wrdreg $0xC0  }
0xab: {  	_ =	task [dreg:s6], $0x5FFFF  }
0xac: {  	[dreg:$0x1] =	wrdreg $0xFFFFFFFF  }
0xad: {  	[dreg:$0x0] =	wrdreg $0x60  }
0xae: {  	[dreg:$0x2] =	wrdreg s24  }
0xaf: {  	[dreg:$0x3] =	wrdreg $0x124000  }
0xb0: {  	[dreg:$0x4] =	wrdreg $0x9  }
0xb1: {  	_ =	task.clear_ibuf [dreg:s6], $0x5FFFF;
	_ =	strace $0x9000004C  }
0xb2: {  	s29 =	simm.s32 $0x9;
	_ =	strace $0x8000004E  }
0xb3: {  	_ =	swait.ge [sflag:s29], $0x1  }
0xb4: {  	[sflag:s29] =	ssyncadd.s32 $0xFFFFFFFF  }
0xb5: {  	_ =	strace $0x9000004E  }
0xb6: {  	_ =	sfence  }
0xb7: {  	s30 =	sld [smem:$0x0];
	_ =	sdelay $0x2  }
0xb8: {  	s31 =	sshll.u32 s1, $0xD;
	s1 =	sshrl.u32 s1, $0x2  }
0xb9: {  	s3 =	sand.u32 $0x4000, s31;
	s1 =	sadd.s32 s1, s30  }
0xba: {  	s0 =	sor.u32 s3, s0;
	s1 =	sshll.u32 s1, $0x11  }
0xbb: {  	s0 =	sor.u32 s1, s0  }
0xbc: {  	s0 =	sadd.s32 $0x8F2B, s0  }
0xbd: {  	[sflag:s0] =	ssyncadd.remote.s32 $0x1  }
0xbe: {  	_ =	sfence.sel $0xFFFF  }
0xbf: {  	[dreg:$0x0] =	wrdreg $0xFFFFFFFF;
	(pc) =	sbr.abs _section_cstart, $3  }
0xc0: {  	[dreg:$0x1] =	wrdreg $0xFFFFFFFF  }
0xc1: {  	_ =	task.clear_ibuf [dreg:s6], $0x2FFFF;
	_ =	strace $0x9FFFFFFF  }
0xc2: {  	(tm) =	ssettm $0x7FFFFFFF  }
0xc3: {  	_ =	shalt  }
tec
execute0_lowered:
.L_overlay_start_1:
0x0: {  	(tag) =	ssettag $0x1  }
0x1: {  	s0 =	rddreg [dreg:$0x0]  }
0x2: {  	s1 =	rddreg [dreg:$0x1]  }
0x3: {  	s2 =	simm.s32 $0x0;
	s12 =	srdreg.scid;
	s7 =	stileid.u32  }
0x4: {  	[smem:$0x7FF] =	sst s2;
	s4 =	sadd.s32 $0x37400, s0;
	s5 =	sadd.s32 $0x2200, s0  }
0x5: {  	s2 =	sand.u32 $0x1, s12;
	s6 =	sadd.s32 $0x53600, s0;
	s7 =	smul.u32 $0xC800, s7  }
0x6: {  	s8 =	sadd.s32 $0x6F800, s0;
	s0 =	sadd.s32 $0xD3800, s0;
	_ =	strace $0x8000004D  }
0x7: {  	s3 =	ssub.s32 $0x2, s2;
	[dreg:$0x4] =	wrdreg s0;
	s2 =	sshll.u32 s2, $0x1  }
0x8: {  	[dreg:$0x5] =	wrdreg s2  }
0x9: {  	s14 =	sadd.s32 $0x4000, s7;
	[dreg:$0x3] =	wrdreg s7  }
0xa: {  	s9 =	sadd.s32 $0x8000, s7;
	[dreg:$0x7] =	wrdreg s14  }
0xb: {  	s26 =	sadd.s32 $0xC000, s7;
	[dreg:$0x8] =	wrdreg s9  }
0xc: {  	s11 =	simm.s32 $0xA400;
	s29 =	sadd.s32 $0xC00, s7;
	[dreg:$0x15] =	wrdreg s26  }
0xd: {  	s28 =	simm.s32 $0x9;
	s10 =	sadd.s32 s7, s1;
	[dreg:$0x17] =	wrdreg s29  }
0xe: {  	s12 =	simm.s32 $0x400;
	s30 =	sadd.s32 $0x1000, s7;
	[dreg:$0x6] =	wrdreg s10  }
0xf: {  	s15 =	sshrl.u32 s7, $0x3;
	s16 =	sadd.s32 s9, s1;
	[dreg:$0x1a] =	wrdreg s30  }
0x10: {  	s13 =	sshrl.u32 s3, $0x1;
	s17 =	sadd.s32 s4, s15;
	[dreg:$0xa] =	wrdreg s16  }
0x11: {  	s31 =	sadd.s32 $0x1400, s7;
	s18 =	sadd.s32 s5, s15;
	[dreg:$0xb] =	wrdreg s17  }
0x12: {  	s0 =	ssub.s32 s3, s13;
	s19 =	sadd.s32 s6, s15;
	[dreg:$0xc] =	wrdreg s18  }
0x13: {  	s20 =	sadd.s32 s14, s1;
	s21 =	sor.u32 $0x80, s15;
	[dreg:$0xd] =	wrdreg s19  }
0x14: {  	s2 =	sadd.s32 $0x100, s15;
	s22 =	sadd.s32 s4, s21;
	[dreg:$0x9] =	wrdreg s20  }
0x15: {  	s13 =	simm.s32 $0x1000;
	s23 =	sadd.s32 s5, s21;
	[dreg:$0xe] =	wrdreg s22  }
0x16: {  	s14 =	simm.s32 $0x8;
	s3 =	sadd.s32 s6, s21;
	[dreg:$0xf] =	wrdreg s23  }
0x17: {  	s15 =	simm.s32 $0x6;
	s24 =	sadd.s32 s4, s2;
	[dreg:$0x10] =	wrdreg s3  }
0x18: {  	s25 =	sadd.s32 s5, s2;
	s2 =	sadd.s32 s6, s2;
	[dreg:$0x11] =	wrdreg s24  }
0x19: {  	s0 =	smax.u32 s0, $0x1;
	s16 =	simm.s32 $0x1;
	[dreg:$0x12] =	wrdreg s25  }
0x1a: {  	s17 =	simm.s32 $0x2400;
	s18 =	simm.s32 $0x800;
	[dreg:$0x13] =	wrdreg s2  }
0x1b: {  	s19 =	simm.s32 $0x1400;
	s21 =	simm.s32 $0x4;
	[dreg:$0x14] =	wrdreg s0  }
0x1c: {  	s0 =	sadd.s32 s26, s1;
	s25 =	simm.s32 $0xC00;
	s22 =	simm.s32 $0x2  }
0x1d: {  	s23 =	simm.s32 $0x6400;
	s24 =	simm.s32 $0x7;
	s26 =	simm.s32 $0x5  }
0x1e: {  	v0 =	vimm.f32 $0.0e+00;
	s2 =	simm.s32 $0x3;
	s3 =	simm.s32 $0x0;
	[dreg:$0x16] =	wrdreg s0  }
.LBB2_1:
0x1f: {  	[dreg:$0x18] =	wrdreg s3;
	p1 =	por $0x1, $0x1;
	s0 =	simm.s32 $0x0  }
.LBB2_2:
0x20: {  	p0 =	por p1, p1;
	s3 =	simm.s32 $0x40;
	s7 =	simm.s32 $0x0  }
.LBB2_3:
0x21: {  	p1 =	sne.s32 s3, $0xFFC0;
	[tilespmem:s7+$0xE400] =	vst v0;
	s7 =	smov.u32 s3;
	s3 =	sadd.s32 $0x40, s3  }
.Ltmp0:
0x22: {  	(pc) =	sbr.rel @p1 .LBB2_3-.Ltmp0, $2  }
0x23: {  	_ =	sdelay $0x2  }
0x24: {  	s7 =	sshra.s32 s7, $0x2  }
0x25: {  	[tilespmem:s7+$0xE400] =	vst v0;
	s29 =	simm.s32 $0xE400;
	s9 =	simm.s32 $0xA  }
0x26: {  	[spmem:s10] =	stream.linear.scatter [tilespmem:s29], [sflag:$0xA], $0x4000, $0x38;
	[tilespmem:$0x1EC00] =	vst v63  }
0x27: {  	_ =	swait.ge [sflag:s9], $0x4000  }
0x28: {  	[sflag:s9] =	ssyncset.done $0x0  }
0x29: {  	[sflag:s9] =	ssyncadd.s32 $0xFFFFC000  }
0x2a: {  	[spmem:s20] =	stream.linear.scatter [tilespmem:s29], [sflag:$0xA], $0x4000, $0x38;
	[tilespmem:$0x1EC00] =	vst v63  }
0x2b: {  	_ =	swait.ge [sflag:s9], $0x4000  }
0x2c: {  	[sflag:s9] =	ssyncset.done $0x0  }
0x2d: {  	s3 =	rddreg [dreg:$0xa];
	[sflag:s9] =	ssyncadd.s32 $0xFFFFC000  }
0x2e: {  	[spmem:s3] =	stream.linear.scatter [tilespmem:s29], [sflag:$0xA], $0x4000, $0x38;
	[tilespmem:$0x1EC00] =	vst v63  }
0x2f: {  	_ =	swait.ge [sflag:s9], $0x4000  }
0x30: {  	[sflag:s9] =	ssyncset.done $0x0  }
0x31: {  	s20 =	rddreg [dreg:$0x16];
	[sflag:s9] =	ssyncadd.s32 $0xFFFFC000  }
0x32: {  	[spmem:s20] =	stream.linear.scatter [tilespmem:s29], [sflag:$0xA], $0x800, $0x38;
	[tilespmem:$0x1EC00] =	vst v63  }
0x33: {  	_ =	swait.ge [sflag:s9], $0x800  }
0x34: {  	[sflag:s9] =	ssyncset.done $0x0  }
0x35: {  	[sflag:s9] =	ssyncadd.s32 $0xFFFFF800  }
0x36: {  	[bflag:$0x0] =	sbarrier.arrive $0xFFFF  }
0x37: {  	s3 =	simm.s32 $0x0;
	s29 =	rddreg [dreg:$0xb]  }
0x38: {  	[tilespmem:s3], [sflag:$0x1] =	stream.linear.gather [hbm4b:s29+s3], $0x400, $0x38;
	[tilespmem:$0x1EC00] =	vst v63  }
0x39: {  	s9 =	rddreg [dreg:$0xc]  }
0x3a: {  	[tilespmem:s25], [sflag:$0x1] =	stream.linear.gather [hbm4b:s9+s3], $0x400, $0x38;
	[tilespmem:$0x1EC00] =	vst v63  }
0x3b: {  	s20 =	simm.s32 $0x1800;
	s10 =	rddreg [dreg:$0xd]  }
0x3c: {  	[tilespmem:s20], [sflag:$0x1] =	stream.linear.gather [hbm4b:s10+s3], $0x400, $0x38;
	[tilespmem:$0x1EC00] =	vst v63  }
0x3d: {  	s29 =	rddreg [dreg:$0xe]  }
0x3e: {  	[tilespmem:s12], [sflag:$0x2] =	stream.linear.gather [hbm4b:s29+s3], $0x400, $0x38;
	[tilespmem:$0x1EC00] =	vst v63  }
0x3f: {  	s9 =	rddreg [dreg:$0xf]  }
0x40: {  	[tilespmem:s13], [sflag:$0x2] =	stream.linear.gather [hbm4b:s9+s3], $0x400, $0x38;
	[tilespmem:$0x1EC00] =	vst v63  }
0x41: {  	s10 =	rddreg [dreg:$0x10];
	s20 =	simm.s32 $0x1C00  }
0x42: {  	[tilespmem:s20], [sflag:$0x2] =	stream.linear.gather [hbm4b:s10+s3], $0x400, $0x38;
	[tilespmem:$0x1EC00] =	vst v63  }
0x43: {  	_ =	swait.ge [sflag:s16], $0x400  }
0x44: {  	[sflag:s16] =	ssyncset.done $0x0  }
0x45: {  	[sflag:s16] =	ssyncadd.s32 $0xFFFFFC00  }
0x46: {  	_ =	swait.ge [sflag:s16], $0x400  }
0x47: {  	s29 =	rddreg [dreg:$0x5]  }
0x48: {  	[sflag:s16] =	ssyncset.done $0x0;
	s0 =	sor.u32 s29, s0  }
0x49: {  	[sflag:s16] =	ssyncadd.s32 $0xFFFFFC00;
	[dreg:$0x19] =	wrdreg s0  }
0x4a: {  	s0 =	smul.u32 $0xC800, s0;
	_ =	swait.ge [sflag:s16], $0x400  }
0x4b: {  	[sflag:s16] =	ssyncset.done $0x0  }
0x4c: {  	s3 =	simm.s32 $0x40;
	v1 =	vmov s0;
	s0 =	simm.s32 $0x0;
	[sflag:s16] =	ssyncadd.s32 $0xFFFFFC00  }
.LBB2_5:
0x4d: {  	p1 =	sne.s32 s3, $0xFC0;
	v2 =	vld [tilespmem:s0+$0x0];
	_ =	sdelay $0x1  }
.Ltmp1:
0x4e: {  	(pc) =	sbr.rel @p1 .LBB2_5-.Ltmp1, $3  }
0x4f: {  	_ =	sdelay $0x1  }
0x50: {  	v2 =	vadd.s32 v1, v2  }
0x51: {  	[tilespmem:s0+$0x0] =	vst v2;
	s0 =	sshra.s32 s3, $0x2;
	s3 =	sadd.s32 $0x40, s3  }
0x52: {  	v2 =	vld [tilespmem:s0+$0x0];
	_ =	sdelay $0x4  }
0x53: {  	v2 =	vadd.s32 v1, v2  }
0x54: {  	s10 =	simm.s32 $0x0;
	[tilespmem:s0+$0x0] =	vst v2  }
0x55: {  	[tilespmem:s17], [sflag:$0x4] =	stream.indirect.gather [hbm4b:s8+s12], $0x10, s10, s12, $0xb8;
	[tilespmem:$0x1EC00] =	vst v63  }
0x56: {  	s3 =	rddreg [dreg:$0x11]  }
0x57: {  	[tilespmem:s18], [sflag:$0x3] =	stream.linear.gather [hbm4b:s3+s10], $0x400, $0x38;
	[tilespmem:$0x1EC00] =	vst v63  }
0x58: {  	s20 =	rddreg [dreg:$0x12]  }
0x59: {  	[tilespmem:s19], [sflag:$0x3] =	stream.linear.gather [hbm4b:s20+s10], $0x400, $0x38;
	[tilespmem:$0x1EC00] =	vst v63  }
0x5a: {  	s29 =	rddreg [dreg:$0x13];
	s7 =	simm.s32 $0x2000  }
0x5b: {  	[tilespmem:s7], [sflag:$0x3] =	stream.linear.gather [hbm4b:s29+s10], $0x400, $0x38;
	[tilespmem:$0x1EC00] =	vst v63  }
0x5c: {  	_ =	swait.ge [sflag:s21], $0x4000  }
0x5d: {  	[sflag:s21] =	ssyncset.done $0x0  }
0x5e: {  	[sflag:s21] =	ssyncadd.s32 $0xFFFFC000  }
0x5f: {  	_ =	swait.ge [sflag:s22], $0x400  }
0x60: {  	[sflag:s22] =	ssyncset.done $0x0  }
0x61: {  	[sflag:s22] =	ssyncadd.s32 $0xFFFFFC00  }
0x62: {  	_ =	swait.ge [sflag:s22], $0x400  }
0x63: {  	[sflag:s22] =	ssyncset.done $0x0  }
0x64: {  	[sflag:s22] =	ssyncadd.s32 $0xFFFFFC00  }
0x65: {  	_ =	swait.ge [sflag:s22], $0x400  }
0x66: {  	[sflag:s22] =	ssyncset.done $0x0  }
0x67: {  	s0 =	simm.s32 $0x0;
	s3 =	simm.s32 $0x40;
	[sflag:s22] =	ssyncadd.s32 $0xFFFFFC00  }
.LBB2_7:
0x68: {  	p1 =	sne.s32 s3, $0xFC0;
	v2 =	vld [tilespmem:s0+$0x400];
	_ =	sdelay $0x1  }
.Ltmp2:
0x69: {  	(pc) =	sbr.rel @p1 .LBB2_7-.Ltmp2, $3  }
0x6a: {  	_ =	sdelay $0x1  }
0x6b: {  	v2 =	vadd.s32 v1, v2  }
0x6c: {  	[tilespmem:s0+$0x400] =	vst v2;
	s0 =	sshra.s32 s3, $0x2;
	s3 =	sadd.s32 $0x40, s3  }
0x6d: {  	v2 =	vld [tilespmem:s0+$0x400];
	_ =	sdelay $0x4  }
0x6e: {  	v2 =	vadd.s32 v1, v2  }
0x6f: {  	[tilespmem:s0+$0x400] =	vst v2;
	s0 =	simm.s32 $0x2480  }
0x70: {  	[tilespmem:s23], [sflag:$0x5] =	stream.indirect.gather [hbm4b:s8+s12], $0x10, s12, s12, $0xb8;
	[tilespmem:$0x1EC00] =	vst v63  }
0x71: {  	s3 =	simm.s32 $0x0;
	s9 =	simm.s32 $0x40;
	s7 =	simm.s32 $0x2480;
	v2 =	vld [tilespmem:s0+$0xFFFFFFB0]  }
.LBB2_9:
0x72: {  	p1 =	sne.s32 s9, $0xFC0;
	v3 =	vld [tilespmem:s3+$0x1800]  }
0x73: {  	v4 =	vld [tilespmem:s0+$0xFFFFFF90]  }
0x74: {  	v5 =	vld [tilespmem:s0+$0xFFFFFF80]  }
0x75: {  	v6 =	vld [tilespmem:s0+$0xFFFFFFA0]  }
0x76: {  	v7 =	vld [tilespmem:s0+$0xFFFFFFF0]  }
0x77: {  	v8 =	vbroadcast v3, $0x0;
	v9 =	vbroadcast v3, $0x1;
	v10 =	vld [tilespmem:s0+$0xFFFFFFD0]  }
0x78: {  	v11 =	vbroadcast v3, $0x2;
	v12 =	vbroadcast v3, $0x3;
	v13 =	vld [tilespmem:s0+$0xFFFFFFC0]  }
0x79: {  	v5 =	vmul.f32 v8, v5;
	v4 =	vmul.f32 v4, v9;
	v8 =	vld [tilespmem:s0+$0xFFFFFFE0]  }
0x7a: {  	v2 =	vmul.f32 v2, v12;
	v6 =	vmul.f32 v6, v11;
	v9 =	vld [tilespmem:s0+$0x30]  }
0x7b: {  	v11 =	vbroadcast v3, $0x5;
	[tilespmem:s0+$0xFFFFFF80] =	vst v5;
	v5 =	vbroadcast v3, $0x4;
	v12 =	vld [tilespmem:s0+$0x10]  }
0x7c: {  	v14 =	vbroadcast v3, $0x7;
	[tilespmem:s0+$0xFFFFFF90] =	vst v4;
	v4 =	vbroadcast v3, $0x6;
	v15 =	vld [tilespmem:s0+$0x0]  }
0x7d: {  	[tilespmem:s0+$0xFFFFFFA0] =	vst v6;
	v5 =	vmul.f32 v13, v5;
	v6 =	vmul.f32 v10, v11;
	v10 =	vld [tilespmem:s0+$0x20]  }
0x7e: {  	[tilespmem:s0+$0xFFFFFFB0] =	vst v2;
	v2 =	vmul.f32 v8, v4;
	v4 =	vmul.f32 v7, v14;
	v7 =	vld [tilespmem:s0+$0x70]  }
0x7f: {  	v8 =	vbroadcast v3, $0x9;
	[tilespmem:s0+$0xFFFFFFC0] =	vst v5;
	v5 =	vbroadcast v3, $0x8;
	v11 =	vld [tilespmem:s0+$0x50]  }
0x80: {  	v13 =	vbroadcast v3, $0xB;
	[tilespmem:s0+$0xFFFFFFD0] =	vst v6;
	v6 =	vbroadcast v3, $0xA;
	v14 =	vld [tilespmem:s0+$0x40]  }
0x81: {  	[tilespmem:s0+$0xFFFFFFE0] =	vst v2;
	v2 =	vmul.f32 v15, v5;
	v5 =	vmul.f32 v12, v8;
	v8 =	vld [tilespmem:s0+$0x60]  }
0x82: {  	[tilespmem:s0+$0xFFFFFFF0] =	vst v4;
	v4 =	vmul.f32 v10, v6;
	v6 =	vmul.f32 v9, v13  }
0x83: {  	v9 =	vbroadcast v3, $0xD;
	[tilespmem:s0+$0x0] =	vst v2;
	v2 =	vbroadcast v3, $0xC  }
0x84: {  	[tilespmem:s0+$0x10] =	vst v5;
	v5 =	vbroadcast v3, $0xE;
	v3 =	vbroadcast v3, $0xF  }
0x85: {  	[tilespmem:s0+$0x20] =	vst v4;
	v2 =	vmul.f32 v14, v2;
	v4 =	vmul.f32 v11, v9  }
.Ltmp3:
0x86: {  	[tilespmem:s0+$0x30] =	vst v6;
	v5 =	vmul.f32 v8, v5;
	v3 =	vmul.f32 v7, v3;
	(pc) =	sbr.rel @p1 .LBB2_9-.Ltmp3, $4  }
0x87: {  	[tilespmem:s0+$0x40] =	vst v2  }
0x88: {  	[tilespmem:s0+$0x50] =	vst v4  }
0x89: {  	s0 =	sadd.s32 $0x100, s0;
	[tilespmem:s7+$0x60] =	vst v5  }
0x8a: {  	s3 =	sshra.s32 s9, $0x2;
	s9 =	sadd.s32 $0x40, s9;
	v2 =	vld [tilespmem:s0+$0xFFFFFFB0];
	[tilespmem:s7+$0x70] =	vst v3;
	s7 =	smov.u32 s0  }
0x8b: {  	v3 =	vld [tilespmem:s3+$0x1800];
	_ =	sdelay $0x1  }
0x8c: {  	v4 =	vld [tilespmem:s0+$0xFFFFFF80]  }
0x8d: {  	v5 =	vld [tilespmem:s0+$0xFFFFFF90]  }
0x8e: {  	v6 =	vld [tilespmem:s0+$0xFFFFFFA0]  }
0x8f: {  	v7 =	vbroadcast v3, $0x0  }
0x90: {  	v10 =	vld [tilespmem:s0+$0xFFFFFFD0];
	v8 =	vbroadcast v3, $0x1;
	v11 =	vbroadcast v3, $0x2  }
0x91: {  	v45 =	vld [tilespmem:s0+$0xFFFFFFE0];
	v44 =	vbroadcast v3, $0x3;
	v4 =	vmul.f32 v7, v4  }
0x92: {  	v49 =	vld [tilespmem:s0+$0x10];
	v46 =	vbroadcast v3, $0x4;
	v5 =	vmul.f32 v5, v8  }
0x93: {  	v9 =	vld [tilespmem:s0+$0xFFFFFFC0];
	v47 =	vbroadcast v3, $0x5;
	v6 =	vmul.f32 v6, v11;
	[tilespmem:s0+$0xFFFFFF80] =	vst v4  }
0x94: {  	v12 =	vld [tilespmem:s0+$0xFFFFFFF0];
	v13 =	vbroadcast v3, $0x6;
	v2 =	vmul.f32 v2, v44;
	[tilespmem:s0+$0xFFFFFF90] =	vst v5  }
0x95: {  	v51 =	vld [tilespmem:s0+$0x20];
	v53 =	vbroadcast v3, $0x9;
	v7 =	vmul.f32 v10, v47;
	[tilespmem:s0+$0xFFFFFFA0] =	vst v6  }
0x96: {  	v48 =	vld [tilespmem:s0+$0x0];
	v50 =	vbroadcast v3, $0x7;
	v8 =	vmul.f32 v45, v13;
	[tilespmem:s0+$0xFFFFFFB0] =	vst v2  }
0x97: {  	v55 =	vld [tilespmem:s0+$0x50];
	v52 =	vbroadcast v3, $0x8;
	v58 =	vmul.f32 v49, v53;
	[tilespmem:s0+$0xFFFFFFD0] =	vst v7  }
0x98: {  	v54 =	vld [tilespmem:s0+$0x40];
	v56 =	vbroadcast v3, $0xA;
	v4 =	vmul.f32 v9, v46;
	[tilespmem:s0+$0xFFFFFFE0] =	vst v8  }
0x99: {  	v57 =	vbroadcast v3, $0xB;
	v2 =	vld [tilespmem:s0+$0x30];
	v6 =	vmul.f32 v12, v50;
	[tilespmem:s0+$0x10] =	vst v58  }
0x9a: {  	v60 =	vld [tilespmem:s0+$0x70];
	v62 =	vbroadcast v3, $0xD;
	v9 =	vmul.f32 v51, v56;
	[tilespmem:s0+$0xFFFFFFC0] =	vst v4  }
0x9b: {  	v59 =	vld [tilespmem:s0+$0x60];
	v61 =	vbroadcast v3, $0xC;
	v4 =	vmul.f32 v48, v52;
	[tilespmem:s0+$0xFFFFFFF0] =	vst v6  }
0x9c: {  	v63 =	vbroadcast v3, $0xE;
	v5 =	vmul.f32 v55, v62;
	[tilespmem:s0+$0x20] =	vst v9  }
0x9d: {  	v3 =	vbroadcast v3, $0xF;
	[tilespmem:s0+$0x0] =	vst v4;
	v4 =	vmul.f32 v54, v61  }
0x9e: {  	[tilespmem:s0+$0x50] =	vst v5;
	v2 =	vmul.f32 v2, v57  }
0x9f: {  	v3 =	vmul.f32 v60, v3;
	[tilespmem:s0+$0x40] =	vst v4  }
0xa0: {  	[tilespmem:s0+$0x30] =	vst v2;
	v2 =	vmul.f32 v59, v63  }
0xa1: {  	[tilespmem:s7+$0x70] =	vst v3  }
0xa2: {  	s9 =	simm.s32 $0x0;
	s0 =	simm.s32 $0x0;
	[tilespmem:s7+$0x60] =	vst v2  }
0xa3: {  	[spmem:s1] =	stream.indirect.scatter.add.f32 [tilespmem:s17], [sflag:$0x7], $0x10, s25, s12, $0xb8;
	[tilespmem:$0x1EC00] =	vst v63  }
.LBB2_11:
0xa4: {  	s10 =	smul.u32 $0xC00, s0;
	_ =	swait.ge [sflag:s24], $0x4000  }
0xa5: {  	s3 =	rddreg [dreg:$0x17]  }
0xa6: {  	s3 =	sadd.s32 s10, s3  }
0xa7: {  	[sflag:s24] =	ssyncset.done $0x0;
	s3 =	sshrl.u32 s3, $0x3  }
0xa8: {  	[sflag:s24] =	ssyncadd.s32 $0xFFFFC000;
	s7 =	sadd.s32 s4, s3  }
0xa9: {  	[tilespmem:s9], [sflag:$0x1] =	stream.linear.gather [hbm4b:s7+s9], $0x400, $0x38;
	[tilespmem:$0x1EC00] =	vst v63  }
0xaa: {  	s20 =	sadd.s32 s5, s3  }
0xab: {  	[tilespmem:s25], [sflag:$0x1] =	stream.linear.gather [hbm4b:s20+s9], $0x400, $0x38;
	[tilespmem:$0x1EC00] =	vst v63  }
0xac: {  	s29 =	simm.s32 $0x1800;
	s3 =	sadd.s32 s6, s3  }
0xad: {  	[tilespmem:s29], [sflag:$0x1] =	stream.linear.gather [hbm4b:s3+s9], $0x400, $0x38;
	[tilespmem:$0x1EC00] =	vst v63  }
0xae: {  	_ =	swait.ge [sflag:s26], $0x4000  }
0xaf: {  	[sflag:s26] =	ssyncset.done $0x0  }
0xb0: {  	[sflag:s26] =	ssyncadd.s32 $0xFFFFC000  }
0xb1: {  	_ =	swait.ge [sflag:s2], $0x400  }
0xb2: {  	[sflag:s2] =	ssyncset.done $0x0  }
0xb3: {  	[sflag:s2] =	ssyncadd.s32 $0xFFFFFC00  }
0xb4: {  	_ =	swait.ge [sflag:s2], $0x400  }
0xb5: {  	[sflag:s2] =	ssyncset.done $0x0  }
0xb6: {  	[sflag:s2] =	ssyncadd.s32 $0xFFFFFC00  }
0xb7: {  	_ =	swait.ge [sflag:s2], $0x400  }
0xb8: {  	[sflag:s2] =	ssyncset.done $0x0  }
0xb9: {  	s7 =	simm.s32 $0x40;
	s3 =	simm.s32 $0x0;
	[sflag:s2] =	ssyncadd.s32 $0xFFFFFC00  }
.LBB2_12:
0xba: {  	p1 =	sne.s32 s7, $0xFC0;
	v2 =	vld [tilespmem:s3+$0x800];
	_ =	sdelay $0x1  }
.Ltmp4:
0xbb: {  	(pc) =	sbr.rel @p1 .LBB2_12-.Ltmp4, $3  }
0xbc: {  	_ =	sdelay $0x1  }
0xbd: {  	v2 =	vadd.s32 v1, v2  }
0xbe: {  	[tilespmem:s3+$0x800] =	vst v2;
	s3 =	sshra.s32 s7, $0x2;
	s7 =	sadd.s32 $0x40, s7  }
0xbf: {  	v2 =	vld [tilespmem:s3+$0x800];
	_ =	sdelay $0x4  }
0xc0: {  	v2 =	vadd.s32 v1, v2  }
0xc1: {  	s7 =	simm.s32 $0x6480;
	[tilespmem:s3+$0x800] =	vst v2  }
0xc2: {  	[tilespmem:s11], [sflag:$0x6] =	stream.indirect.gather [hbm4b:s8+s12], $0x10, s18, s12, $0xb8;
	[tilespmem:$0x1EC00] =	vst v63  }
0xc3: {  	s29 =	simm.s32 $0x0;
	s20 =	simm.s32 $0x6480;
	s3 =	simm.s32 $0x40;
	v2 =	vld [tilespmem:s7+$0xFFFFFFB0]  }
.LBB2_14:
0xc4: {  	p1 =	sne.s32 s3, $0xFC0;
	v3 =	vld [tilespmem:s29+$0x1C00]  }
0xc5: {  	v4 =	vld [tilespmem:s7+$0xFFFFFF90]  }
0xc6: {  	v5 =	vld [tilespmem:s7+$0xFFFFFF80]  }
0xc7: {  	v6 =	vld [tilespmem:s7+$0xFFFFFFA0]  }
0xc8: {  	v7 =	vld [tilespmem:s7+$0xFFFFFFF0]  }
0xc9: {  	v8 =	vbroadcast v3, $0x0;
	v9 =	vbroadcast v3, $0x1;
	v10 =	vld [tilespmem:s7+$0xFFFFFFD0]  }
0xca: {  	v11 =	vbroadcast v3, $0x2;
	v12 =	vbroadcast v3, $0x3;
	v13 =	vld [tilespmem:s7+$0xFFFFFFC0]  }
0xcb: {  	v5 =	vmul.f32 v8, v5;
	v4 =	vmul.f32 v4, v9;
	v8 =	vld [tilespmem:s7+$0xFFFFFFE0]  }
0xcc: {  	v2 =	vmul.f32 v2, v12;
	v6 =	vmul.f32 v6, v11;
	v9 =	vld [tilespmem:s7+$0x30]  }
0xcd: {  	v11 =	vbroadcast v3, $0x5;
	[tilespmem:s7+$0xFFFFFF80] =	vst v5;
	v5 =	vbroadcast v3, $0x4;
	v12 =	vld [tilespmem:s7+$0x10]  }
0xce: {  	v14 =	vbroadcast v3, $0x7;
	[tilespmem:s7+$0xFFFFFF90] =	vst v4;
	v4 =	vbroadcast v3, $0x6;
	v15 =	vld [tilespmem:s7+$0x0]  }
0xcf: {  	[tilespmem:s7+$0xFFFFFFA0] =	vst v6;
	v5 =	vmul.f32 v13, v5;
	v6 =	vmul.f32 v10, v11;
	v10 =	vld [tilespmem:s7+$0x20]  }
0xd0: {  	[tilespmem:s7+$0xFFFFFFB0] =	vst v2;
	v2 =	vmul.f32 v8, v4;
	v4 =	vmul.f32 v7, v14;
	v7 =	vld [tilespmem:s7+$0x70]  }
0xd1: {  	v8 =	vbroadcast v3, $0x9;
	[tilespmem:s7+$0xFFFFFFC0] =	vst v5;
	v5 =	vbroadcast v3, $0x8;
	v11 =	vld [tilespmem:s7+$0x50]  }
0xd2: {  	v13 =	vbroadcast v3, $0xB;
	[tilespmem:s7+$0xFFFFFFD0] =	vst v6;
	v6 =	vbroadcast v3, $0xA;
	v14 =	vld [tilespmem:s7+$0x40]  }
0xd3: {  	[tilespmem:s7+$0xFFFFFFE0] =	vst v2;
	v2 =	vmul.f32 v15, v5;
	v5 =	vmul.f32 v12, v8;
	v8 =	vld [tilespmem:s7+$0x60]  }
0xd4: {  	[tilespmem:s7+$0xFFFFFFF0] =	vst v4;
	v4 =	vmul.f32 v10, v6;
	v6 =	vmul.f32 v9, v13  }
0xd5: {  	v9 =	vbroadcast v3, $0xD;
	[tilespmem:s7+$0x0] =	vst v2;
	v2 =	vbroadcast v3, $0xC  }
0xd6: {  	[tilespmem:s7+$0x10] =	vst v5;
	v5 =	vbroadcast v3, $0xE;
	v3 =	vbroadcast v3, $0xF  }
0xd7: {  	[tilespmem:s7+$0x20] =	vst v4;
	v2 =	vmul.f32 v14, v2;
	v4 =	vmul.f32 v11, v9  }
.Ltmp5:
0xd8: {  	[tilespmem:s7+$0x30] =	vst v6;
	v5 =	vmul.f32 v8, v5;
	v3 =	vmul.f32 v7, v3;
	(pc) =	sbr.rel @p1 .LBB2_14-.Ltmp5, $4  }
0xd9: {  	[tilespmem:s7+$0x40] =	vst v2  }
0xda: {  	[tilespmem:s7+$0x50] =	vst v4  }
0xdb: {  	s7 =	sadd.s32 $0x100, s7;
	[tilespmem:s20+$0x60] =	vst v5  }
0xdc: {  	s29 =	sshra.s32 s3, $0x2;
	s3 =	sadd.s32 $0x40, s3;
	v2 =	vld [tilespmem:s7+$0xFFFFFFB0];
	[tilespmem:s20+$0x70] =	vst v3;
	s20 =	smov.u32 s7  }
0xdd: {  	v3 =	vld [tilespmem:s29+$0x1C00];
	_ =	sdelay $0x1  }
0xde: {  	v4 =	vld [tilespmem:s7+$0xFFFFFF80]  }
0xdf: {  	v5 =	vld [tilespmem:s7+$0xFFFFFF90]  }
0xe0: {  	v6 =	vld [tilespmem:s7+$0xFFFFFFA0]  }
0xe1: {  	v7 =	vbroadcast v3, $0x0  }
0xe2: {  	v10 =	vld [tilespmem:s7+$0xFFFFFFD0];
	v8 =	vbroadcast v3, $0x1;
	v11 =	vbroadcast v3, $0x2  }
0xe3: {  	v45 =	vld [tilespmem:s7+$0xFFFFFFE0];
	v44 =	vbroadcast v3, $0x3;
	v4 =	vmul.f32 v7, v4  }
0xe4: {  	v49 =	vld [tilespmem:s7+$0x10];
	v46 =	vbroadcast v3, $0x4;
	v5 =	vmul.f32 v5, v8  }
0xe5: {  	v9 =	vld [tilespmem:s7+$0xFFFFFFC0];
	v47 =	vbroadcast v3, $0x5;
	v6 =	vmul.f32 v6, v11;
	[tilespmem:s7+$0xFFFFFF80] =	vst v4  }
0xe6: {  	v12 =	vld [tilespmem:s7+$0xFFFFFFF0];
	v13 =	vbroadcast v3, $0x6;
	v2 =	vmul.f32 v2, v44;
	[tilespmem:s7+$0xFFFFFF90] =	vst v5  }
0xe7: {  	v51 =	vld [tilespmem:s7+$0x20];
	v53 =	vbroadcast v3, $0x9;
	v7 =	vmul.f32 v10, v47;
	[tilespmem:s7+$0xFFFFFFA0] =	vst v6  }
0xe8: {  	v48 =	vld [tilespmem:s7+$0x0];
	v50 =	vbroadcast v3, $0x7;
	v8 =	vmul.f32 v45, v13;
	[tilespmem:s7+$0xFFFFFFB0] =	vst v2  }
0xe9: {  	v55 =	vld [tilespmem:s7+$0x50];
	v52 =	vbroadcast v3, $0x8;
	v58 =	vmul.f32 v49, v53;
	[tilespmem:s7+$0xFFFFFFD0] =	vst v7  }
0xea: {  	v54 =	vld [tilespmem:s7+$0x40];
	v56 =	vbroadcast v3, $0xA;
	v4 =	vmul.f32 v9, v46;
	[tilespmem:s7+$0xFFFFFFE0] =	vst v8  }
0xeb: {  	v57 =	vbroadcast v3, $0xB;
	v2 =	vld [tilespmem:s7+$0x30];
	v6 =	vmul.f32 v12, v50;
	[tilespmem:s7+$0x10] =	vst v58  }
0xec: {  	v60 =	vld [tilespmem:s7+$0x70];
	v62 =	vbroadcast v3, $0xD;
	v9 =	vmul.f32 v51, v56;
	[tilespmem:s7+$0xFFFFFFC0] =	vst v4  }
0xed: {  	v59 =	vld [tilespmem:s7+$0x60];
	v61 =	vbroadcast v3, $0xC;
	v4 =	vmul.f32 v48, v52;
	[tilespmem:s7+$0xFFFFFFF0] =	vst v6  }
0xee: {  	v63 =	vbroadcast v3, $0xE;
	v5 =	vmul.f32 v55, v62;
	[tilespmem:s7+$0x20] =	vst v9  }
0xef: {  	v3 =	vbroadcast v3, $0xF;
	[tilespmem:s7+$0x0] =	vst v4;
	v4 =	vmul.f32 v54, v61  }
0xf0: {  	[tilespmem:s7+$0x50] =	vst v5;
	v2 =	vmul.f32 v2, v57  }
0xf1: {  	v3 =	vmul.f32 v60, v3;
	[tilespmem:s7+$0x40] =	vst v4  }
0xf2: {  	[tilespmem:s7+$0x30] =	vst v2;
	v2 =	vmul.f32 v59, v63  }
0xf3: {  	[tilespmem:s20+$0x70] =	vst v3  }
0xf4: {  	[tilespmem:s20+$0x60] =	vst v2  }
0xf5: {  	[spmem:s1] =	stream.indirect.scatter.add.f32 [tilespmem:s23], [sflag:$0x8], $0x10, s13, s12, $0xb8;
	[tilespmem:$0x1EC00] =	vst v63  }
0xf6: {  	s3 =	sadd.s32 s10, s30;
	_ =	swait.ge [sflag:s14], $0x4000  }
0xf7: {  	s3 =	sshrl.u32 s3, $0x3;
	[sflag:s14] =	ssyncset.done $0x0  }
0xf8: {  	s29 =	sadd.s32 s4, s3;
	s20 =	simm.s32 $0x0;
	[sflag:s14] =	ssyncadd.s32 $0xFFFFC000  }
0xf9: {  	[tilespmem:s12], [sflag:$0x2] =	stream.linear.gather [hbm4b:s29+s20], $0x400, $0x38;
	[tilespmem:$0x1EC00] =	vst v63  }
0xfa: {  	s29 =	sadd.s32 s5, s3  }
0xfb: {  	[tilespmem:s13], [sflag:$0x2] =	stream.linear.gather [hbm4b:s29+s20], $0x400, $0x38;
	[tilespmem:$0x1EC00] =	vst v63  }
0xfc: {  	s3 =	sadd.s32 s6, s3;
	s29 =	simm.s32 $0x1C00  }
0xfd: {  	[tilespmem:s29], [sflag:$0x2] =	stream.linear.gather [hbm4b:s3+s20], $0x400, $0x38;
	[tilespmem:$0x1EC00] =	vst v63  }
0xfe: {  	_ =	swait.ge [sflag:s15], $0x4000  }
0xff: {  	[sflag:s15] =	ssyncset.done $0x0  }
0x100: {  	[sflag:s15] =	ssyncadd.s32 $0xFFFFC000  }
0x101: {  	_ =	swait.ge [sflag:s16], $0x400  }
0x102: {  	[sflag:s16] =	ssyncset.done $0x0  }
0x103: {  	[sflag:s16] =	ssyncadd.s32 $0xFFFFFC00  }
0x104: {  	_ =	swait.ge [sflag:s16], $0x400  }
0x105: {  	[sflag:s16] =	ssyncset.done $0x0  }
0x106: {  	[sflag:s16] =	ssyncadd.s32 $0xFFFFFC00  }
0x107: {  	_ =	swait.ge [sflag:s16], $0x400  }
0x108: {  	[sflag:s16] =	ssyncset.done $0x0  }
0x109: {  	s7 =	simm.s32 $0x40;
	s3 =	simm.s32 $0x0;
	[sflag:s16] =	ssyncadd.s32 $0xFFFFFC00  }
.LBB2_16:
0x10a: {  	p1 =	sne.s32 s7, $0xFC0;
	v2 =	vld [tilespmem:s3+$0x0];
	_ =	sdelay $0x1  }
.Ltmp6:
0x10b: {  	(pc) =	sbr.rel @p1 .LBB2_16-.Ltmp6, $3  }
0x10c: {  	_ =	sdelay $0x1  }
0x10d: {  	v2 =	vadd.s32 v1, v2  }
0x10e: {  	[tilespmem:s3+$0x0] =	vst v2;
	s3 =	sshra.s32 s7, $0x2;
	s7 =	sadd.s32 $0x40, s7  }
0x10f: {  	v2 =	vld [tilespmem:s3+$0x0];
	_ =	sdelay $0x4  }
0x110: {  	v2 =	vadd.s32 v1, v2  }
0x111: {  	s20 =	simm.s32 $0x0;
	s7 =	simm.s32 $0xA480;
	[tilespmem:s3+$0x0] =	vst v2  }
0x112: {  	[tilespmem:s17], [sflag:$0x4] =	stream.indirect.gather [hbm4b:s8+s12], $0x10, s20, s12, $0xb8;
	[tilespmem:$0x1EC00] =	vst v63  }
0x113: {  	s29 =	simm.s32 $0x0;
	s3 =	simm.s32 $0x40;
	s20 =	simm.s32 $0xA480;
	v2 =	vld [tilespmem:s7+$0xFFFFFFB0]  }
.LBB2_18:
0x114: {  	p1 =	sne.s32 s3, $0xFC0;
	v3 =	vld [tilespmem:s29+$0x2000]  }
0x115: {  	v4 =	vld [tilespmem:s7+$0xFFFFFF90]  }
0x116: {  	v5 =	vld [tilespmem:s7+$0xFFFFFF80]  }
0x117: {  	v6 =	vld [tilespmem:s7+$0xFFFFFFA0]  }
0x118: {  	v7 =	vld [tilespmem:s7+$0xFFFFFFF0]  }
0x119: {  	v8 =	vbroadcast v3, $0x0;
	v9 =	vbroadcast v3, $0x1;
	v10 =	vld [tilespmem:s7+$0xFFFFFFD0]  }
0x11a: {  	v11 =	vbroadcast v3, $0x2;
	v12 =	vbroadcast v3, $0x3;
	v13 =	vld [tilespmem:s7+$0xFFFFFFC0]  }
0x11b: {  	v5 =	vmul.f32 v8, v5;
	v4 =	vmul.f32 v4, v9;
	v8 =	vld [tilespmem:s7+$0xFFFFFFE0]  }
0x11c: {  	v2 =	vmul.f32 v2, v12;
	v6 =	vmul.f32 v6, v11;
	v9 =	vld [tilespmem:s7+$0x30]  }
0x11d: {  	v11 =	vbroadcast v3, $0x5;
	[tilespmem:s7+$0xFFFFFF80] =	vst v5;
	v5 =	vbroadcast v3, $0x4;
	v12 =	vld [tilespmem:s7+$0x10]  }
0x11e: {  	v14 =	vbroadcast v3, $0x7;
	[tilespmem:s7+$0xFFFFFF90] =	vst v4;
	v4 =	vbroadcast v3, $0x6;
	v15 =	vld [tilespmem:s7+$0x0]  }
0x11f: {  	[tilespmem:s7+$0xFFFFFFA0] =	vst v6;
	v5 =	vmul.f32 v13, v5;
	v6 =	vmul.f32 v10, v11;
	v10 =	vld [tilespmem:s7+$0x20]  }
0x120: {  	[tilespmem:s7+$0xFFFFFFB0] =	vst v2;
	v2 =	vmul.f32 v8, v4;
	v4 =	vmul.f32 v7, v14;
	v7 =	vld [tilespmem:s7+$0x70]  }
0x121: {  	v8 =	vbroadcast v3, $0x9;
	[tilespmem:s7+$0xFFFFFFC0] =	vst v5;
	v5 =	vbroadcast v3, $0x8;
	v11 =	vld [tilespmem:s7+$0x50]  }
0x122: {  	v13 =	vbroadcast v3, $0xB;
	[tilespmem:s7+$0xFFFFFFD0] =	vst v6;
	v6 =	vbroadcast v3, $0xA;
	v14 =	vld [tilespmem:s7+$0x40]  }
0x123: {  	[tilespmem:s7+$0xFFFFFFE0] =	vst v2;
	v2 =	vmul.f32 v15, v5;
	v5 =	vmul.f32 v12, v8;
	v8 =	vld [tilespmem:s7+$0x60]  }
0x124: {  	[tilespmem:s7+$0xFFFFFFF0] =	vst v4;
	v4 =	vmul.f32 v10, v6;
	v6 =	vmul.f32 v9, v13  }
0x125: {  	v9 =	vbroadcast v3, $0xD;
	[tilespmem:s7+$0x0] =	vst v2;
	v2 =	vbroadcast v3, $0xC  }
0x126: {  	[tilespmem:s7+$0x10] =	vst v5;
	v5 =	vbroadcast v3, $0xE;
	v3 =	vbroadcast v3, $0xF  }
0x127: {  	[tilespmem:s7+$0x20] =	vst v4;
	v2 =	vmul.f32 v14, v2;
	v4 =	vmul.f32 v11, v9  }
.Ltmp7:
0x128: {  	[tilespmem:s7+$0x30] =	vst v6;
	v5 =	vmul.f32 v8, v5;
	v3 =	vmul.f32 v7, v3;
	(pc) =	sbr.rel @p1 .LBB2_18-.Ltmp7, $4  }
0x129: {  	[tilespmem:s7+$0x40] =	vst v2  }
0x12a: {  	[tilespmem:s7+$0x50] =	vst v4  }
0x12b: {  	s7 =	sadd.s32 $0x100, s7;
	[tilespmem:s20+$0x60] =	vst v5  }
0x12c: {  	s29 =	sshra.s32 s3, $0x2;
	s3 =	sadd.s32 $0x40, s3;
	v2 =	vld [tilespmem:s7+$0xFFFFFFB0];
	[tilespmem:s20+$0x70] =	vst v3;
	s20 =	smov.u32 s7  }
0x12d: {  	v3 =	vld [tilespmem:s29+$0x2000];
	_ =	sdelay $0x1  }
0x12e: {  	v4 =	vld [tilespmem:s7+$0xFFFFFF80]  }
0x12f: {  	v5 =	vld [tilespmem:s7+$0xFFFFFF90]  }
0x130: {  	v6 =	vld [tilespmem:s7+$0xFFFFFFA0]  }
0x131: {  	v7 =	vbroadcast v3, $0x0  }
0x132: {  	v10 =	vld [tilespmem:s7+$0xFFFFFFD0];
	v8 =	vbroadcast v3, $0x1;
	v11 =	vbroadcast v3, $0x2  }
0x133: {  	v45 =	vld [tilespmem:s7+$0xFFFFFFE0];
	v44 =	vbroadcast v3, $0x3;
	v4 =	vmul.f32 v7, v4  }
0x134: {  	v49 =	vld [tilespmem:s7+$0x10];
	v46 =	vbroadcast v3, $0x4;
	v5 =	vmul.f32 v5, v8  }
0x135: {  	v9 =	vld [tilespmem:s7+$0xFFFFFFC0];
	v47 =	vbroadcast v3, $0x5;
	v6 =	vmul.f32 v6, v11;
	[tilespmem:s7+$0xFFFFFF80] =	vst v4  }
0x136: {  	v12 =	vld [tilespmem:s7+$0xFFFFFFF0];
	v13 =	vbroadcast v3, $0x6;
	v2 =	vmul.f32 v2, v44;
	[tilespmem:s7+$0xFFFFFF90] =	vst v5  }
0x137: {  	v51 =	vld [tilespmem:s7+$0x20];
	v53 =	vbroadcast v3, $0x9;
	v7 =	vmul.f32 v10, v47;
	[tilespmem:s7+$0xFFFFFFA0] =	vst v6  }
0x138: {  	v48 =	vld [tilespmem:s7+$0x0];
	v50 =	vbroadcast v3, $0x7;
	v8 =	vmul.f32 v45, v13;
	[tilespmem:s7+$0xFFFFFFB0] =	vst v2  }
0x139: {  	v55 =	vld [tilespmem:s7+$0x50];
	v52 =	vbroadcast v3, $0x8;
	v58 =	vmul.f32 v49, v53;
	[tilespmem:s7+$0xFFFFFFD0] =	vst v7  }
0x13a: {  	v54 =	vld [tilespmem:s7+$0x40];
	v56 =	vbroadcast v3, $0xA;
	v4 =	vmul.f32 v9, v46;
	[tilespmem:s7+$0xFFFFFFE0] =	vst v8  }
0x13b: {  	v57 =	vbroadcast v3, $0xB;
	v2 =	vld [tilespmem:s7+$0x30];
	v6 =	vmul.f32 v12, v50;
	[tilespmem:s7+$0x10] =	vst v58  }
0x13c: {  	v60 =	vld [tilespmem:s7+$0x70];
	v62 =	vbroadcast v3, $0xD;
	v9 =	vmul.f32 v51, v56;
	[tilespmem:s7+$0xFFFFFFC0] =	vst v4  }
0x13d: {  	v59 =	vld [tilespmem:s7+$0x60];
	v61 =	vbroadcast v3, $0xC;
	v4 =	vmul.f32 v48, v52;
	[tilespmem:s7+$0xFFFFFFF0] =	vst v6  }
0x13e: {  	v63 =	vbroadcast v3, $0xE;
	v5 =	vmul.f32 v55, v62;
	[tilespmem:s7+$0x20] =	vst v9  }
0x13f: {  	v3 =	vbroadcast v3, $0xF;
	[tilespmem:s7+$0x0] =	vst v4;
	v4 =	vmul.f32 v54, v61  }
0x140: {  	[tilespmem:s7+$0x50] =	vst v5;
	v2 =	vmul.f32 v2, v57  }
0x141: {  	v3 =	vmul.f32 v60, v3;
	[tilespmem:s7+$0x40] =	vst v4  }
0x142: {  	[tilespmem:s7+$0x30] =	vst v2;
	v2 =	vmul.f32 v59, v63  }
0x143: {  	[tilespmem:s20+$0x70] =	vst v3  }
0x144: {  	[tilespmem:s20+$0x60] =	vst v2  }
0x145: {  	[spmem:s1] =	stream.indirect.scatter.add.f32 [tilespmem:s11], [sflag:$0x9], $0x10, s19, s12, $0xb8;
	[tilespmem:$0x1EC00] =	vst v63  }
0x146: {  	s3 =	sadd.s32 s10, s31;
	_ =	swait.ge [sflag:s28], $0x4000  }
0x147: {  	s3 =	sshrl.u32 s3, $0x3;
	[sflag:s28] =	ssyncset.done $0x0  }
0x148: {  	s10 =	simm.s32 $0x0;
	s29 =	sadd.s32 s4, s3;
	[sflag:s28] =	ssyncadd.s32 $0xFFFFC000  }
0x149: {  	[tilespmem:s18], [sflag:$0x3] =	stream.linear.gather [hbm4b:s29+s10], $0x400, $0x38;
	[tilespmem:$0x1EC00] =	vst v63  }
0x14a: {  	s20 =	sadd.s32 s5, s3  }
0x14b: {  	[tilespmem:s19], [sflag:$0x3] =	stream.linear.gather [hbm4b:s20+s10], $0x400, $0x38;
	[tilespmem:$0x1EC00] =	vst v63  }
0x14c: {  	s3 =	sadd.s32 s6, s3;
	s29 =	simm.s32 $0x2000  }
0x14d: {  	[tilespmem:s29], [sflag:$0x3] =	stream.linear.gather [hbm4b:s3+s10], $0x400, $0x38;
	[tilespmem:$0x1EC00] =	vst v63  }
0x14e: {  	_ =	swait.ge [sflag:s21], $0x4000  }
0x14f: {  	[sflag:s21] =	ssyncset.done $0x0  }
0x150: {  	[sflag:s21] =	ssyncadd.s32 $0xFFFFC000  }
0x151: {  	_ =	swait.ge [sflag:s22], $0x400  }
0x152: {  	[sflag:s22] =	ssyncset.done $0x0  }
0x153: {  	[sflag:s22] =	ssyncadd.s32 $0xFFFFFC00  }
0x154: {  	_ =	swait.ge [sflag:s22], $0x400  }
0x155: {  	[sflag:s22] =	ssyncset.done $0x0  }
0x156: {  	[sflag:s22] =	ssyncadd.s32 $0xFFFFFC00  }
0x157: {  	_ =	swait.ge [sflag:s22], $0x400  }
0x158: {  	[sflag:s22] =	ssyncset.done $0x0  }
0x159: {  	s7 =	simm.s32 $0x40;
	s3 =	simm.s32 $0x0;
	[sflag:s22] =	ssyncadd.s32 $0xFFFFFC00  }
.LBB2_20:
0x15a: {  	p1 =	sne.s32 s7, $0xFC0;
	v2 =	vld [tilespmem:s3+$0x400];
	_ =	sdelay $0x1  }
.Ltmp8:
0x15b: {  	(pc) =	sbr.rel @p1 .LBB2_20-.Ltmp8, $3  }
0x15c: {  	_ =	sdelay $0x1  }
0x15d: {  	v2 =	vadd.s32 v1, v2  }
0x15e: {  	[tilespmem:s3+$0x400] =	vst v2;
	s3 =	sshra.s32 s7, $0x2;
	s7 =	sadd.s32 $0x40, s7  }
0x15f: {  	v2 =	vld [tilespmem:s3+$0x400];
	_ =	sdelay $0x4  }
0x160: {  	v2 =	vadd.s32 v1, v2  }
0x161: {  	s7 =	simm.s32 $0x2480;
	[tilespmem:s3+$0x400] =	vst v2  }
0x162: {  	[tilespmem:s23], [sflag:$0x5] =	stream.indirect.gather [hbm4b:s8+s12], $0x10, s12, s12, $0xb8;
	[tilespmem:$0x1EC00] =	vst v63  }
0x163: {  	s20 =	simm.s32 $0x0;
	s10 =	simm.s32 $0x2480;
	s3 =	simm.s32 $0x40;
	v2 =	vld [tilespmem:s7+$0xFFFFFFB0]  }
.LBB2_22:
0x164: {  	p1 =	sne.s32 s3, $0xFC0;
	v3 =	vld [tilespmem:s20+$0x1800]  }
0x165: {  	v4 =	vld [tilespmem:s7+$0xFFFFFF90]  }
0x166: {  	v5 =	vld [tilespmem:s7+$0xFFFFFF80]  }
0x167: {  	v6 =	vld [tilespmem:s7+$0xFFFFFFA0]  }
0x168: {  	v7 =	vld [tilespmem:s7+$0xFFFFFFF0]  }
0x169: {  	v8 =	vbroadcast v3, $0x0;
	v9 =	vbroadcast v3, $0x1;
	v10 =	vld [tilespmem:s7+$0xFFFFFFD0]  }
0x16a: {  	v11 =	vbroadcast v3, $0x2;
	v12 =	vbroadcast v3, $0x3;
	v13 =	vld [tilespmem:s7+$0xFFFFFFC0]  }
0x16b: {  	v5 =	vmul.f32 v8, v5;
	v4 =	vmul.f32 v4, v9;
	v8 =	vld [tilespmem:s7+$0xFFFFFFE0]  }
0x16c: {  	v2 =	vmul.f32 v2, v12;
	v6 =	vmul.f32 v6, v11;
	v9 =	vld [tilespmem:s7+$0x30]  }
0x16d: {  	v11 =	vbroadcast v3, $0x5;
	[tilespmem:s7+$0xFFFFFF80] =	vst v5;
	v5 =	vbroadcast v3, $0x4;
	v12 =	vld [tilespmem:s7+$0x10]  }
0x16e: {  	v14 =	vbroadcast v3, $0x7;
	[tilespmem:s7+$0xFFFFFF90] =	vst v4;
	v4 =	vbroadcast v3, $0x6;
	v15 =	vld [tilespmem:s7+$0x0]  }
0x16f: {  	[tilespmem:s7+$0xFFFFFFA0] =	vst v6;
	v5 =	vmul.f32 v13, v5;
	v6 =	vmul.f32 v10, v11;
	v10 =	vld [tilespmem:s7+$0x20]  }
0x170: {  	[tilespmem:s7+$0xFFFFFFB0] =	vst v2;
	v2 =	vmul.f32 v8, v4;
	v4 =	vmul.f32 v7, v14;
	v7 =	vld [tilespmem:s7+$0x70]  }
0x171: {  	v8 =	vbroadcast v3, $0x9;
	[tilespmem:s7+$0xFFFFFFC0] =	vst v5;
	v5 =	vbroadcast v3, $0x8;
	v11 =	vld [tilespmem:s7+$0x50]  }
0x172: {  	v13 =	vbroadcast v3, $0xB;
	[tilespmem:s7+$0xFFFFFFD0] =	vst v6;
	v6 =	vbroadcast v3, $0xA;
	v14 =	vld [tilespmem:s7+$0x40]  }
0x173: {  	[tilespmem:s7+$0xFFFFFFE0] =	vst v2;
	v2 =	vmul.f32 v15, v5;
	v5 =	vmul.f32 v12, v8;
	v8 =	vld [tilespmem:s7+$0x60]  }
0x174: {  	[tilespmem:s7+$0xFFFFFFF0] =	vst v4;
	v4 =	vmul.f32 v10, v6;
	v6 =	vmul.f32 v9, v13  }
0x175: {  	v9 =	vbroadcast v3, $0xD;
	[tilespmem:s7+$0x0] =	vst v2;
	v2 =	vbroadcast v3, $0xC  }
0x176: {  	[tilespmem:s7+$0x10] =	vst v5;
	v5 =	vbroadcast v3, $0xE;
	v3 =	vbroadcast v3, $0xF  }
0x177: {  	[tilespmem:s7+$0x20] =	vst v4;
	v2 =	vmul.f32 v14, v2;
	v4 =	vmul.f32 v11, v9  }
.Ltmp9:
0x178: {  	[tilespmem:s7+$0x30] =	vst v6;
	v5 =	vmul.f32 v8, v5;
	v3 =	vmul.f32 v7, v3;
	(pc) =	sbr.rel @p1 .LBB2_22-.Ltmp9, $4  }
0x179: {  	[tilespmem:s7+$0x40] =	vst v2  }
0x17a: {  	[tilespmem:s7+$0x50] =	vst v4  }
0x17b: {  	s7 =	sadd.s32 $0x100, s7;
	[tilespmem:s10+$0x60] =	vst v5  }
0x17c: {  	s20 =	sshra.s32 s3, $0x2;
	s3 =	sadd.s32 $0x40, s3;
	v2 =	vld [tilespmem:s7+$0xFFFFFFB0];
	[tilespmem:s10+$0x70] =	vst v3;
	s10 =	smov.u32 s7  }
0x17d: {  	v3 =	vld [tilespmem:s20+$0x1800];
	_ =	sdelay $0x1  }
0x17e: {  	v4 =	vld [tilespmem:s7+$0xFFFFFF80]  }
0x17f: {  	v5 =	vld [tilespmem:s7+$0xFFFFFF90]  }
0x180: {  	v6 =	vld [tilespmem:s7+$0xFFFFFFA0]  }
0x181: {  	v7 =	vbroadcast v3, $0x0  }
0x182: {  	v10 =	vld [tilespmem:s7+$0xFFFFFFD0];
	v8 =	vbroadcast v3, $0x1;
	v11 =	vbroadcast v3, $0x2  }
0x183: {  	v45 =	vld [tilespmem:s7+$0xFFFFFFE0];
	v44 =	vbroadcast v3, $0x3;
	v4 =	vmul.f32 v7, v4  }
0x184: {  	v49 =	vld [tilespmem:s7+$0x10];
	v46 =	vbroadcast v3, $0x4;
	v5 =	vmul.f32 v5, v8  }
0x185: {  	v9 =	vld [tilespmem:s7+$0xFFFFFFC0];
	v47 =	vbroadcast v3, $0x5;
	v6 =	vmul.f32 v6, v11;
	[tilespmem:s7+$0xFFFFFF80] =	vst v4  }
0x186: {  	v12 =	vld [tilespmem:s7+$0xFFFFFFF0];
	v13 =	vbroadcast v3, $0x6;
	v2 =	vmul.f32 v2, v44;
	[tilespmem:s7+$0xFFFFFF90] =	vst v5  }
0x187: {  	v51 =	vld [tilespmem:s7+$0x20];
	v53 =	vbroadcast v3, $0x9;
	v7 =	vmul.f32 v10, v47;
	[tilespmem:s7+$0xFFFFFFA0] =	vst v6  }
0x188: {  	v48 =	vld [tilespmem:s7+$0x0];
	v50 =	vbroadcast v3, $0x7;
	v8 =	vmul.f32 v45, v13;
	[tilespmem:s7+$0xFFFFFFB0] =	vst v2  }
0x189: {  	v55 =	vld [tilespmem:s7+$0x50];
	v52 =	vbroadcast v3, $0x8;
	v58 =	vmul.f32 v49, v53;
	[tilespmem:s7+$0xFFFFFFD0] =	vst v7  }
0x18a: {  	v54 =	vld [tilespmem:s7+$0x40];
	v56 =	vbroadcast v3, $0xA;
	v4 =	vmul.f32 v9, v46;
	[tilespmem:s7+$0xFFFFFFE0] =	vst v8  }
0x18b: {  	v57 =	vbroadcast v3, $0xB;
	v2 =	vld [tilespmem:s7+$0x30];
	v6 =	vmul.f32 v12, v50;
	[tilespmem:s7+$0x10] =	vst v58  }
0x18c: {  	v60 =	vld [tilespmem:s7+$0x70];
	v62 =	vbroadcast v3, $0xD;
	v9 =	vmul.f32 v51, v56;
	[tilespmem:s7+$0xFFFFFFC0] =	vst v4  }
0x18d: {  	v59 =	vld [tilespmem:s7+$0x60];
	v61 =	vbroadcast v3, $0xC;
	v4 =	vmul.f32 v48, v52;
	[tilespmem:s7+$0xFFFFFFF0] =	vst v6  }
0x18e: {  	v63 =	vbroadcast v3, $0xE;
	v5 =	vmul.f32 v55, v62;
	[tilespmem:s7+$0x20] =	vst v9  }
0x18f: {  	s0 =	sadd.s32 $0x1, s0;
	v3 =	vbroadcast v3, $0xF;
	[tilespmem:s7+$0x0] =	vst v4;
	v4 =	vmul.f32 v54, v61  }
0x190: {  	p1 =	sne.s32 s0, $0x10;
	[tilespmem:s7+$0x50] =	vst v5;
	v2 =	vmul.f32 v2, v57  }
.Ltmp10:
0x191: {  	v3 =	vmul.f32 v60, v3;
	[tilespmem:s7+$0x40] =	vst v4;
	(pc) =	sbr.rel @p1 .LBB2_11-.Ltmp10, $4  }
0x192: {  	[tilespmem:s7+$0x30] =	vst v2;
	v2 =	vmul.f32 v59, v63  }
0x193: {  	[tilespmem:s10+$0x70] =	vst v3  }
0x194: {  	[tilespmem:s10+$0x60] =	vst v2  }
0x195: {  	[spmem:s1] =	stream.indirect.scatter.add.f32 [tilespmem:s17], [sflag:$0x7], $0x10, s25, s12, $0xb8;
	[tilespmem:$0x1EC00] =	vst v63  }
0x196: {  	_ =	swait.ge [sflag:s24], $0x4000  }
0x197: {  	[sflag:s24] =	ssyncset.done $0x0  }
0x198: {  	[sflag:s24] =	ssyncadd.s32 $0xFFFFC000  }
0x199: {  	_ =	swait.ge [sflag:s26], $0x4000  }
0x19a: {  	[sflag:s26] =	ssyncset.done $0x0  }
0x19b: {  	s0 =	simm.s32 $0x6480;
	[sflag:s26] =	ssyncadd.s32 $0xFFFFC000  }
0x19c: {  	s9 =	simm.s32 $0x0;
	s3 =	simm.s32 $0x40;
	s7 =	simm.s32 $0x6480;
	v1 =	vld [tilespmem:s0+$0xFFFFFFB0]  }
.LBB2_25:
0x19d: {  	p1 =	sne.s32 s3, $0xFC0;
	v2 =	vld [tilespmem:s9+$0x1C00]  }
0x19e: {  	v3 =	vld [tilespmem:s0+$0xFFFFFF90]  }
0x19f: {  	v4 =	vld [tilespmem:s0+$0xFFFFFF80]  }
0x1a0: {  	v5 =	vld [tilespmem:s0+$0xFFFFFFA0]  }
0x1a1: {  	v6 =	vld [tilespmem:s0+$0xFFFFFFF0]  }
0x1a2: {  	v7 =	vbroadcast v2, $0x0;
	v8 =	vbroadcast v2, $0x1;
	v9 =	vld [tilespmem:s0+$0xFFFFFFD0]  }
0x1a3: {  	v10 =	vbroadcast v2, $0x2;
	v11 =	vbroadcast v2, $0x3;
	v12 =	vld [tilespmem:s0+$0xFFFFFFC0]  }
0x1a4: {  	v4 =	vmul.f32 v7, v4;
	v3 =	vmul.f32 v3, v8;
	v7 =	vld [tilespmem:s0+$0xFFFFFFE0]  }
0x1a5: {  	v1 =	vmul.f32 v1, v11;
	v5 =	vmul.f32 v5, v10;
	v8 =	vld [tilespmem:s0+$0x30]  }
0x1a6: {  	v10 =	vbroadcast v2, $0x5;
	[tilespmem:s0+$0xFFFFFF80] =	vst v4;
	v4 =	vbroadcast v2, $0x4;
	v11 =	vld [tilespmem:s0+$0x10]  }
0x1a7: {  	v13 =	vbroadcast v2, $0x7;
	[tilespmem:s0+$0xFFFFFF90] =	vst v3;
	v3 =	vbroadcast v2, $0x6;
	v14 =	vld [tilespmem:s0+$0x0]  }
0x1a8: {  	[tilespmem:s0+$0xFFFFFFA0] =	vst v5;
	v4 =	vmul.f32 v12, v4;
	v5 =	vmul.f32 v9, v10;
	v9 =	vld [tilespmem:s0+$0x20]  }
0x1a9: {  	[tilespmem:s0+$0xFFFFFFB0] =	vst v1;
	v1 =	vmul.f32 v7, v3;
	v3 =	vmul.f32 v6, v13;
	v6 =	vld [tilespmem:s0+$0x70]  }
0x1aa: {  	v7 =	vbroadcast v2, $0x9;
	[tilespmem:s0+$0xFFFFFFC0] =	vst v4;
	v4 =	vbroadcast v2, $0x8;
	v10 =	vld [tilespmem:s0+$0x50]  }
0x1ab: {  	v12 =	vbroadcast v2, $0xB;
	[tilespmem:s0+$0xFFFFFFD0] =	vst v5;
	v5 =	vbroadcast v2, $0xA;
	v13 =	vld [tilespmem:s0+$0x40]  }
0x1ac: {  	[tilespmem:s0+$0xFFFFFFE0] =	vst v1;
	v1 =	vmul.f32 v14, v4;
	v4 =	vmul.f32 v11, v7;
	v7 =	vld [tilespmem:s0+$0x60]  }
0x1ad: {  	[tilespmem:s0+$0xFFFFFFF0] =	vst v3;
	v3 =	vmul.f32 v9, v5;
	v5 =	vmul.f32 v8, v12  }
0x1ae: {  	v8 =	vbroadcast v2, $0xD;
	[tilespmem:s0+$0x0] =	vst v1;
	v1 =	vbroadcast v2, $0xC  }
0x1af: {  	[tilespmem:s0+$0x10] =	vst v4;
	v4 =	vbroadcast v2, $0xE;
	v2 =	vbroadcast v2, $0xF  }
0x1b0: {  	[tilespmem:s0+$0x20] =	vst v3;
	v1 =	vmul.f32 v13, v1;
	v3 =	vmul.f32 v10, v8  }
.Ltmp11:
0x1b1: {  	[tilespmem:s0+$0x30] =	vst v5;
	v4 =	vmul.f32 v7, v4;
	v2 =	vmul.f32 v6, v2;
	(pc) =	sbr.rel @p1 .LBB2_25-.Ltmp11, $4  }
0x1b2: {  	[tilespmem:s0+$0x40] =	vst v1  }
0x1b3: {  	[tilespmem:s0+$0x50] =	vst v3  }
0x1b4: {  	s0 =	sadd.s32 $0x100, s0;
	[tilespmem:s7+$0x60] =	vst v4  }
0x1b5: {  	s9 =	sshra.s32 s3, $0x2;
	s3 =	sadd.s32 $0x40, s3;
	v1 =	vld [tilespmem:s0+$0xFFFFFFB0];
	[tilespmem:s7+$0x70] =	vst v2;
	s7 =	smov.u32 s0  }
0x1b6: {  	v2 =	vld [tilespmem:s9+$0x1C00];
	_ =	sdelay $0x1  }
0x1b7: {  	v3 =	vld [tilespmem:s0+$0xFFFFFF80]  }
0x1b8: {  	v4 =	vld [tilespmem:s0+$0xFFFFFF90]  }
0x1b9: {  	v5 =	vld [tilespmem:s0+$0xFFFFFFA0]  }
0x1ba: {  	v6 =	vbroadcast v2, $0x0  }
0x1bb: {  	v9 =	vld [tilespmem:s0+$0xFFFFFFD0];
	v7 =	vbroadcast v2, $0x1  }
0x1bc: {  	v8 =	vld [tilespmem:s0+$0xFFFFFFC0];
	v10 =	vbroadcast v2, $0x2;
	v3 =	vmul.f32 v6, v3  }
0x1bd: {  	v48 =	vld [tilespmem:s0+$0xFFFFFFE0];
	v47 =	vbroadcast v2, $0x3;
	v4 =	vmul.f32 v4, v7  }
0x1be: {  	v51 =	vld [tilespmem:s0+$0x10];
	v49 =	vbroadcast v2, $0x5;
	v5 =	vmul.f32 v5, v10;
	[tilespmem:s0+$0xFFFFFF80] =	vst v3  }
0x1bf: {  	v11 =	vld [tilespmem:s0+$0xFFFFFFF0];
	v1 =	vmul.f32 v1, v47;
	v3 =	vbroadcast v2, $0x4;
	[tilespmem:s0+$0xFFFFFF90] =	vst v4  }
0x1c0: {  	v50 =	vld [tilespmem:s0+$0x0];
	v12 =	vbroadcast v2, $0x6;
	v6 =	vmul.f32 v9, v49;
	[tilespmem:s0+$0xFFFFFFA0] =	vst v5  }
0x1c1: {  	v56 =	vld [tilespmem:s0+$0x50];
	v54 =	vbroadcast v2, $0x9;
	[tilespmem:s0+$0xFFFFFFB0] =	vst v1;
	v3 =	vmul.f32 v8, v3  }
0x1c2: {  	v53 =	vld [tilespmem:s0+$0x20];
	v52 =	vbroadcast v2, $0x7;
	v7 =	vmul.f32 v48, v12;
	[tilespmem:s0+$0xFFFFFFD0] =	vst v6  }
0x1c3: {  	v59 =	vmul.f32 v51, v54;
	v1 =	vld [tilespmem:s0+$0x30];
	[tilespmem:s0+$0xFFFFFFC0] =	vst v3;
	v3 =	vbroadcast v2, $0x8  }
0x1c4: {  	v55 =	vld [tilespmem:s0+$0x40];
	v62 =	vbroadcast v2, $0xD;
	v5 =	vmul.f32 v11, v52;
	[tilespmem:s0+$0xFFFFFFE0] =	vst v7  }
0x1c5: {  	v60 =	vld [tilespmem:s0+$0x60];
	v57 =	vbroadcast v2, $0xA;
	[tilespmem:s0+$0x10] =	vst v59;
	v3 =	vmul.f32 v50, v3  }
0x1c6: {  	v61 =	vld [tilespmem:s0+$0x70];
	v58 =	vbroadcast v2, $0xB;
	v4 =	vmul.f32 v56, v62;
	[tilespmem:s0+$0xFFFFFFF0] =	vst v5  }
0x1c7: {  	v8 =	vmul.f32 v53, v57;
	[tilespmem:s0+$0x0] =	vst v3;
	v3 =	vbroadcast v2, $0xC  }
0x1c8: {  	v63 =	vbroadcast v2, $0xE;
	[tilespmem:s0+$0x50] =	vst v4;
	v1 =	vmul.f32 v1, v58  }
0x1c9: {  	[tilespmem:s0+$0x20] =	vst v8;
	v2 =	vbroadcast v2, $0xF;
	v3 =	vmul.f32 v55, v3  }
0x1ca: {  	[tilespmem:s0+$0x30] =	vst v1;
	v1 =	vmul.f32 v60, v63  }
0x1cb: {  	v2 =	vmul.f32 v61, v2;
	[tilespmem:s0+$0x40] =	vst v3  }
0x1cc: {  	[tilespmem:s7+$0x60] =	vst v1  }
0x1cd: {  	[tilespmem:s7+$0x70] =	vst v2  }
0x1ce: {  	[spmem:s1] =	stream.indirect.scatter.add.f32 [tilespmem:s23], [sflag:$0x8], $0x10, s13, s12, $0xb8;
	[tilespmem:$0x1EC00] =	vst v63  }
0x1cf: {  	_ =	swait.ge [sflag:s14], $0x4000  }
0x1d0: {  	[sflag:s14] =	ssyncset.done $0x0  }
0x1d1: {  	[sflag:s14] =	ssyncadd.s32 $0xFFFFC000  }
0x1d2: {  	[bflag:$0x0] =	sbarrier.arrive $0xFFFF  }
0x1d3: {  	s10 =	simm.s32 $0xA;
	s29 =	rddreg [dreg:$0x19]  }
0x1d4: {  	s30 =	rddreg [dreg:$0x6];
	s0 =	smul.u32 $0xC8000, s29;
	s29 =	simm.s32 $0xE400  }
0x1d5: {  	[tilespmem:s29], [sflag:$0xA] =	stream.linear.gather [spmem:s30], $0x4000, $0x38;
	[tilespmem:$0x1EC00] =	vst v63  }
0x1d6: {  	_ =	swait.ge [sflag:s10], $0x4000  }
0x1d7: {  	s3 =	rddreg [dreg:$0x3]  }
0x1d8: {  	s3 =	sadd.s32 s3, s0  }
0x1d9: {  	[sflag:s10] =	ssyncset.done $0x0;
	s9 =	rddreg [dreg:$0x4];
	s3 =	sshrl.u32 s3, $0x3  }
0x1da: {  	s7 =	simm.s32 $0x0;
	[sflag:s10] =	ssyncadd.s32 $0xFFFFC000;
	s3 =	sadd.s32 s9, s3  }
0x1db: {  	[hbm4b:s3+s7] =	stream.linear.scatter [tilespmem:s29], [sflag:$0xA], $0x4000, $0x38;
	[tilespmem:$0x1EC00] =	vst v63  }
0x1dc: {  	_ =	swait.ge [sflag:s10], $0x4000  }
0x1dd: {  	[sflag:s10] =	ssyncset.done $0x0  }
0x1de: {  	s20 =	rddreg [dreg:$0x9];
	[sflag:s10] =	ssyncadd.s32 $0xFFFFC000  }
0x1df: {  	[tilespmem:s29], [sflag:$0xA] =	stream.linear.gather [spmem:s20], $0x4000, $0x38;
	[tilespmem:$0x1EC00] =	vst v63  }
0x1e0: {  	_ =	swait.ge [sflag:s10], $0x4000  }
0x1e1: {  	s3 =	rddreg [dreg:$0x7]  }
0x1e2: {  	s3 =	sadd.s32 s3, s0  }
0x1e3: {  	[sflag:s10] =	ssyncset.done $0x0;
	s3 =	sshrl.u32 s3, $0x3  }
0x1e4: {  	[sflag:s10] =	ssyncadd.s32 $0xFFFFC000;
	s3 =	sadd.s32 s9, s3  }
0x1e5: {  	[hbm4b:s3+s7] =	stream.linear.scatter [tilespmem:s29], [sflag:$0xA], $0x4000, $0x38;
	[tilespmem:$0x1EC00] =	vst v63  }
0x1e6: {  	_ =	swait.ge [sflag:s10], $0x4000  }
0x1e7: {  	[sflag:s10] =	ssyncset.done $0x0  }
0x1e8: {  	s3 =	rddreg [dreg:$0xa];
	[sflag:s10] =	ssyncadd.s32 $0xFFFFC000  }
0x1e9: {  	[tilespmem:s29], [sflag:$0xA] =	stream.linear.gather [spmem:s3], $0x4000, $0x38;
	[tilespmem:$0x1EC00] =	vst v63  }
0x1ea: {  	_ =	swait.ge [sflag:s10], $0x4000  }
0x1eb: {  	s3 =	rddreg [dreg:$0x8]  }
0x1ec: {  	s3 =	sadd.s32 s3, s0  }
0x1ed: {  	[sflag:s10] =	ssyncset.done $0x0;
	s3 =	sshrl.u32 s3, $0x3  }
0x1ee: {  	[sflag:s10] =	ssyncadd.s32 $0xFFFFC000;
	s3 =	sadd.s32 s9, s3  }
0x1ef: {  	[hbm4b:s3+s7] =	stream.linear.scatter [tilespmem:s29], [sflag:$0xA], $0x4000, $0x38;
	[tilespmem:$0x1EC00] =	vst v63  }
0x1f0: {  	_ =	swait.ge [sflag:s10], $0x4000  }
0x1f1: {  	[sflag:s10] =	ssyncset.done $0x0  }
0x1f2: {  	s3 =	rddreg [dreg:$0x16];
	[sflag:s10] =	ssyncadd.s32 $0xFFFFC000  }
0x1f3: {  	[tilespmem:s29], [sflag:$0xA] =	stream.linear.gather [spmem:s3], $0x800, $0x38;
	[tilespmem:$0x1EC00] =	vst v63  }
0x1f4: {  	_ =	swait.ge [sflag:s10], $0x800  }
0x1f5: {  	s3 =	rddreg [dreg:$0x15]  }
0x1f6: {  	s0 =	sadd.s32 s3, s0  }
0x1f7: {  	[sflag:s10] =	ssyncset.done $0x0;
	s0 =	sshrl.u32 s0, $0x3  }
.Ltmp12:
0x1f8: {  	[sflag:s10] =	ssyncadd.s32 $0xFFFFF800;
	s0 =	sadd.s32 s9, s0;
	(pc) =	sbr.rel @p0 .LBB2_2-.Ltmp12, $4  }
0x1f9: {  	[hbm4b:s0+s7] =	stream.linear.scatter [tilespmem:s29], [sflag:$0xA], $0x800, $0x38;
	[tilespmem:$0x1EC00] =	vst v63  }
0x1fa: {  	_ =	swait.ge [sflag:s10], $0x800  }
0x1fb: {  	p1 =	por $0x0, $0x0;
	s0 =	simm.s32 $0x1;
	[sflag:s10] =	ssyncset.done $0x0  }
0x1fc: {  	[sflag:s10] =	ssyncadd.s32 $0xFFFFF800;
	s10 =	smov.u32 s30;
	s30 =	rddreg [dreg:$0x1a]  }
0x1fd: {  	s3 =	rddreg [dreg:$0x18]  }
0x1fe: {  	s0 =	rddreg [dreg:$0x14];
	s3 =	sadd.s32 $0x1, s3  }
0x1ff: {  	p0 =	sne.s32 s3, s0  }
.Ltmp13:
0x200: {  	_ = 	snop;
	(pc) =	sbr.rel @p0 .LBB2_1-.Ltmp13, $1  }
0x201: {  	_ =	sdelay $0x3  }
0x202: {  	_ =	sfence.sel $0x180000  }
0x203: {  	[bflag:$0x0] =	sbarrier.arrive $0xFFFF  }
0x204: {  	_ =	strace $0x9000004D  }
0x205: {  	s0 =	stileid.u32;
	[bflag:$0x2] =	sbarrier.arrive $0xFFFF  }
0x206: {  	p0 =	sne.s32 s0, $0x0;
	s0 =	rddreg [dreg:$0x2]  }
0x207: {  	s0 =	sadd.s32 @!p0 $0x100000, s0  }
0x208: {  	[sflag:s0] =	ssyncadd.tile.s32 @!p0 $0x1;
	_ =	shalt  }
.Lfunc_end2:
_tile_overlayer_lowered:
.L_overlay_start_2:
0x209: {  	(tag) =	ssettag $0x2  }
0x20a: {  	s0 =	rddreg [dreg:$0x0];
	s2 =	stileid.u32  }
0x20b: {  	s1 =	rddreg [dreg:$0x1];
	p0 =	sne.s32 s2, $0x0  }
0x20c: {  	s3 =	rddreg [dreg:$0x2];
	[bflag:$0x3] =	sbarrier.arrive $0xFFFF;
	s2 =	simm.s32 @!p0 $0x1C0A  }
0x20d: {  	[timem:s3], [sflag:s2] =	dma.local @!p0 [hbm:s0], s1  }
0x20e: {  	s0 =	simm.s32 @!p0 $0xA  }
0x20f: {  	_ =	swait.ge @!p0 [sflag:s0], s1  }
0x210: {  	s1 =	ssub.s32 @!p0 $0x0, s1;
	[sflag:s0] =	ssyncset.done @!p0 $0x0  }
0x211: {  	[sflag:s0] =	ssyncadd.s32 @!p0 s1  }
0x212: {  	[bflag:$0x3] =	sbarrier.arrive $0xFFFF  }
0x213: {  	_ =	shalt  }

// kernel: kernel.7.cloned.1.call-start
scs
__scs_entry_jumppad:
0x0: {  	(pc) =	sbr.rel $0x88, $3  }
0x1: {  	(tag) =	ssettag $0x0;
	lr =	simm.s32 $0x1  }
0x2: {  	[smem:$0x3F96] =	sst lr;
	_ =	strace $0xD0000000  }
0x3: {  	_ = 	snop  }
0x4: {  	_ = 	snop  }
0x5: {  	_ = 	snop  }
0x6: {  	_ = 	snop  }
0x7: {  	_ = 	snop  }
__scs_overlays_trampoline_lowered:
0x8: {  	[smem:$0x3FA5] =	sst s0  }
0x9: {  	[smem:$0x3FA6] =	sst s1  }
0xa: {  	[smem:$0x3FA7] =	sst s2  }
0xb: {  	[smem:$0x3FA8] =	sst s3  }
0xc: {  	[smem:$0x3FA9] =	sst s4  }
0xd: {  	[smem:$0x3FAA] =	sst s5  }
0xe: {  	[smem:$0x3FAB] =	sst s6  }
0xf: {  	[smem:$0x3FAC] =	sst s7  }
0x10: {  	[smem:$0x3FAD] =	sst s8  }
0x11: {  	[smem:$0x3FAE] =	sst s9;
	s0 =	simm.s32 @!p0 $0x0  }
0x12: {  	s1 =	sld [smem:$0x3F94];
	s0 =	simm.s32 @p0 $0x1  }
0x13: {  	[smem:$0x3FAF] =	sst s0;
	s0 =	simm.s32 @!p1 $0x0  }
0x14: {  	s2 =	sld [smem:$0x3F93];
	s0 =	simm.s32 @p1 $0x1  }
0x15: {  	[smem:$0x3FB0] =	sst s0;
	s0 =	simm.s32 @!p2 $0x0  }
0x16: {  	s3 =	sld [smem:$0x3FDB];
	s0 =	simm.s32 @p2 $0x1  }
0x17: {  	s4 =	simm.s32 $0x1BF5;
	[smem:$0x3FB2] =	sst s0  }
0x18: {  	s0 =	sld [smem:$0x3F95];
	_ =	swait.ge [sflag:s4], $0x0  }
0x19: {  	s7 =	sld [smem:$0x3F96]  }
0x1a: {  	s8 =	sadd.s32 $0xFFFFE003, lr  }
0x1b: {  	s9 =	sadd.s32 $0xFFFFFEF7, lr;
	s5 =	simm.s32 $0xFFFFFFFF;
	p2 =	slt.u32 s8, $0xFFFFF086  }
0x1c: {  	p1 =	slt.u32 s9, $0xF7A;
	s5 =	simm.s32 @!p2 $0x0  }
0x1d: {  	s5 =	simm.s32 @p1 $0x1;
	p0 =	seq.s32 s7, s2  }
0x1e: {  	s7 =	smul.u32 @!p0 $0xF7A, s2;
	p2 =	seq.s32 @!p0 s5, $0x0  }
0x1f: {  	s9 =	smul.u32 $0xF7A, s1;
	s8 =	simm.s32 @!p0 $0x1BF5;
	p2 =	por !p2, p0  }
0x20: {  	[sflag:s8] =	ssyncset.s32 @!p0 $0xFFFFF086;
	s6 =	sadd.s32 @!p0 s3, s7;
	s7 =	simm.s32 @!p0 $0x108  }
0x21: {  	s3 =	sadd.s32 s3, s9;
	s6 =	sadd.s32 @!p0 $0x88, s6;
	s7 =	simm.s32 @p2 $0x1082  }
0x22: {  	[simem:s7], [sflag:s8] =	dma.local @!p0 [hbm:s6], $0xF7A  }
0x23: {  	s9 =	sor.u32 $0xD0000000, s2;
	s6 =	simm.s32 $0x108;
	_ =	swait.ge @!p0 [sflag:s8], $0x0  }
0x24: {  	s3 =	sadd.s32 $0x88, s3;
	s6 =	simm.s32 @!p1 $0x1082;
	[sflag:s4] =	ssyncset.s32 $0xFFFFF086  }
0x25: {  	[simem:s6], [sflag:s4] =	dma.local [hbm:s3], $0xF7A  }
0x26: {  	[smem:$0x3F96] =	sst s1;
	(tag) =	ssettag s2;
	_ =	strace s9  }
0x27: {  	s1 =	sld [smem:$0x3FA6]  }
0x28: {  	s2 =	sld [smem:$0x3FA7]  }
0x29: {  	s4 =	sld [smem:$0x3FA9]  }
0x2a: {  	p0 =	seq.s32 s5, $0x0;
	s5 =	sld [smem:$0x3FAA]  }
0x2b: {  	s6 =	sld [smem:$0x3FAB]  }
0x2c: {  	s7 =	sld [smem:$0x3FAC]  }
0x2d: {  	s3 =	simm.s32 $0x108;
	s8 =	sld [smem:$0x3FAD]  }
0x2e: {  	s3 =	simm.s32 @!p0 $0x1082;
	s9 =	sld [smem:$0x3FAE]  }
0x2f: {  	lr =	sadd.s32 s0, s3;
	s0 =	sld [smem:$0x3FA5]  }
0x30: {  	s3 =	sld [smem:$0x3FA8]  }
0x31: {  	[smem:$0x3FB1] =	sst s10  }
0x32: {  	s10 =	sld [smem:$0x3FAF];
	_ =	sdelay $0x3  }
0x33: {  	p0 =	seq.s32 s10, $0x1;
	s10 =	sld [smem:$0x3FB1];
	_ =	sdelay $0x3  }
0x34: {  	[smem:$0x3FB1] =	sst s10  }
0x35: {  	s10 =	sld [smem:$0x3FB0];
	_ =	sdelay $0x3  }
0x36: {  	p1 =	seq.s32 s10, $0x1;
	s10 =	sld [smem:$0x3FB1];
	_ =	sdelay $0x3  }
0x37: {  	[smem:$0x3FB1] =	sst s10  }
0x38: {  	s10 =	sld [smem:$0x3FB2]  }
0x39: {  	_ = 	snop;
	(pc) =	sbr.ind lr, $3  }
0x3a: {  	_ = 	snop  }
0x3b: {  	_ = 	snop  }
0x3c: {  	p2 =	seq.s32 s10, $0x1;
	s10 =	sld [smem:$0x3FB1]  }
0x3d: {  	_ =	shalt  }
0x3e: {  	_ =	shalt  }
0x3f: {  	_ =	shalt  }
0x40: {  	_ =	shalt  }
0x41: {  	_ =	shalt  }
0x42: {  	_ =	shalt  }
0x43: {  	_ =	shalt  }
0x44: {  	_ =	shalt  }
0x45: {  	_ =	shalt  }
0x46: {  	_ =	shalt  }
0x47: {  	_ =	shalt  }
0x48: {  	_ =	shalt  }
0x49: {  	_ =	shalt  }
0x4a: {  	_ =	shalt  }
0x4b: {  	_ =	shalt  }
0x4c: {  	_ =	shalt  }
0x4d: {  	_ =	shalt  }
0x4e: {  	_ =	shalt  }
0x4f: {  	_ =	shalt  }
0x50: {  	_ =	shalt  }
0x51: {  	_ =	shalt  }
0x52: {  	_ =	shalt  }
0x53: {  	_ =	shalt  }
0x54: {  	_ =	shalt  }
0x55: {  	_ =	shalt  }
0x56: {  	_ =	shalt  }
0x57: {  	_ =	shalt  }
0x58: {  	_ =	shalt  }
0x59: {  	_ =	shalt  }
0x5a: {  	_ =	shalt  }
0x5b: {  	_ =	shalt  }
0x5c: {  	_ =	shalt  }
0x5d: {  	_ =	shalt  }
0x5e: {  	_ =	shalt  }
0x5f: {  	_ =	shalt  }
0x60: {  	_ =	shalt  }
0x61: {  	_ =	shalt  }
0x62: {  	_ =	shalt  }
0x63: {  	_ =	shalt  }
0x64: {  	_ =	shalt  }
0x65: {  	_ =	shalt  }
0x66: {  	_ =	shalt  }
0x67: {  	_ =	shalt  }
0x68: {  	_ =	shalt  }
0x69: {  	_ =	shalt  }
0x6a: {  	_ =	shalt  }
0x6b: {  	_ =	shalt  }
0x6c: {  	_ =	shalt  }
0x6d: {  	_ =	shalt  }
0x6e: {  	_ =	shalt  }
0x6f: {  	_ =	shalt  }
0x70: {  	_ =	shalt  }
0x71: {  	_ =	shalt  }
0x72: {  	_ =	shalt  }
0x73: {  	_ =	shalt  }
0x74: {  	_ =	shalt  }
0x75: {  	_ =	shalt  }
0x76: {  	_ =	shalt  }
0x77: {  	_ =	shalt  }
0x78: {  	_ =	shalt  }
0x79: {  	_ =	shalt  }
0x7a: {  	_ =	shalt  }
0x7b: {  	_ =	shalt  }
0x7c: {  	_ =	shalt  }
0x7d: {  	_ =	shalt  }
0x7e: {  	_ =	shalt  }
0x7f: {  	_ =	shalt  }
0x80: {  	_ =	shalt  }
0x81: {  	_ =	shalt  }
0x82: {  	_ =	shalt  }
0x83: {  	_ =	shalt  }
0x84: {  	_ =	shalt  }
0x85: {  	_ =	shalt  }
0x86: {  	_ =	shalt  }
0x87: {  	_ =	shalt  }
.Lfunc_end0:
.L_simem_size_0:
called_computation_lowered:
.L_overlay_start_0:
0x88: {  	s2 =	sld [smem:$0x3FD9]  }
0x89: {  	s3 =	sld [smem:$0x3FFE];
	_ =	sdelay $0x1  }
0x8a: {  	s1 =	srdreg.scid  }
0x8b: {  	s0 =	sand.u32 $0x1, s1  }
0x8c: {  	s16 =	sshll.u32 s0, $0xA;
	s2 =	sadd.s32 s3, s2  }
0x8d: {  	s2 =	sadd.s32 s2, s16  }
0x8e: {  	[smem:$0x3FBD] =	sst s2  }
0x8f: {  	_ = 	snop  }
0x90: {  	(tm) =	ssettm $0x1  }
0x91: {  	s17 =	sld [smem:$0x3FFB];
	_ =	sdelay $0x3  }
0x92: {  	_ =	strace s17  }
0x93: {  	s2 =	sld [smem:$0x3FFC];
	_ =	sdelay $0x3  }
0x94: {  	_ =	strace s2  }
0x95: {  	s2 =	sld [smem:$0x3FFD];
	_ =	sdelay $0x3  }
0x96: {  	_ =	strace s2  }
0x97: {  	_ =	strace $0x8FFFFFFF  }
0x98: {  	s18 =	sld [smem:$0x3FDB];
	_ =	sdelay $0x1  }
0x99: {  	s19 =	simm.s32 $_scs_section_size  }
0x9a: {  	s4 =	simm.s32 $_size__tile_overlayer_lowered;
	s5 =	simm.s32 $_tile_overlayer_lowered  }
0x9b: {  	s22 =	simm.s32 $0x1BFF;
	s21 =	sshll.u32 s5, $0x1;
	s2 =	sadd.s32 s19, s18  }
0x9c: {  	s6 =	simm.s32 $0x0;
	s20 =	sshll.u32 s4, $0x1;
	s4 =	sadd.s32 s21, s2  }
0x9d: {  	[timem:s6], [sflag:s22] =	dma.local [hbm:s4], s20  }
0x9e: {  	_ =	swait.ge [sflag:s22], s20  }
0x9f: {  	s3 =	ssub.s32 $0x0, s20;
	[sflag:s22] =	ssyncset.done $0x0  }
0xa0: {  	[sflag:s22] =	ssyncadd.s32 s3;
	_ =	sdelay $0x1  }
0xa1: {  	s23 =	simm.s32 $0x1B8B  }
0xa2: {  	_ =	swait.ge [sflag:s23], $0x1  }
0xa3: {  	[sflag:s23] =	ssyncset.done $0x0  }
0xa4: {  	s25 =	simm.s32 $0x1B8E;
	s24 =	sld [smem:$0x3FFE];
	[sflag:s23] =	ssyncadd.s32 $0xFFFFFFFF  }
0xa5: {  	s26 =	simm.s32 $execute0_lowered;
	[smem:$0x3FD2] =	sst s25  }
0xa6: {  	s4 =	sshll.u32 s26, $0x1;
	_ =	strace $0x80000046;
	[dreg:$0x1] =	wrdreg $0xFFFFFFFF  }
0xa7: {  	s28 =	simm.s32 $_size_execute0_lowered;
	s2 =	sadd.s32 s2, s4;
	[dreg:$0x0] =	wrdreg $0x0  }
0xa8: {  	s4 =	sshll.u32 s28, $0x1;
	[dreg:$0x2] =	wrdreg s2  }
0xa9: {  	[dreg:$0x3] =	wrdreg s4  }
0xaa: {  	[dreg:$0x4] =	wrdreg $0xC0  }
0xab: {  	_ =	task [dreg:s6], $0x5FFFF  }
0xac: {  	[dreg:$0x1] =	wrdreg $0xFFFFFFFF  }
0xad: {  	[dreg:$0x0] =	wrdreg $0x60  }
0xae: {  	[dreg:$0x2] =	wrdreg s24  }
0xaf: {  	[dreg:$0x3] =	wrdreg $0x14800  }
0xb0: {  	[dreg:$0x4] =	wrdreg $0x9  }
0xb1: {  	_ =	task.clear_ibuf [dreg:s6], $0x5FFFF;
	_ =	strace $0x90000046  }
0xb2: {  	s29 =	simm.s32 $0x9;
	_ =	strace $0x80000048  }
0xb3: {  	_ =	swait.ge [sflag:s29], $0x1  }
0xb4: {  	[sflag:s29] =	ssyncadd.s32 $0xFFFFFFFF  }
0xb5: {  	_ =	strace $0x90000048  }
0xb6: {  	_ =	sfence  }
0xb7: {  	s30 =	sld [smem:$0x0];
	_ =	sdelay $0x2  }
0xb8: {  	s31 =	sshll.u32 s1, $0xD;
	s1 =	sshrl.u32 s1, $0x2  }
0xb9: {  	s3 =	sand.u32 $0x4000, s31;
	s1 =	sadd.s32 s1, s30  }
0xba: {  	s0 =	sor.u32 s3, s0;
	s1 =	sshll.u32 s1, $0x11  }
0xbb: {  	s0 =	sor.u32 s1, s0  }
0xbc: {  	s0 =	sadd.s32 $0x8F2B, s0  }
0xbd: {  	[sflag:s0] =	ssyncadd.remote.s32 $0x1  }
0xbe: {  	_ =	sfence.sel $0xFFFF  }
0xbf: {  	[dreg:$0x0] =	wrdreg $0xFFFFFFFF;
	(pc) =	sbr.abs _section_cstart, $3  }
0xc0: {  	[dreg:$0x1] =	wrdreg $0xFFFFFFFF  }
0xc1: {  	_ =	task.clear_ibuf [dreg:s6], $0x2FFFF;
	_ =	strace $0x9FFFFFFF  }
0xc2: {  	(tm) =	ssettm $0x7FFFFFFF  }
0xc3: {  	_ =	shalt  }
tec
execute0_lowered:
.L_overlay_start_1:
0x0: {  	(tag) =	ssettag $0x1  }
0x1: {  	s1 =	srdreg.scid;
	s0 =	stileid.u32  }
0x2: {  	s4 =	rddreg [dreg:$0x0];
	s6 =	smul.u32 $0xC800, s0  }
0x3: {  	s2 =	rddreg [dreg:$0x1];
	s5 =	sand.u32 $0x1, s1;
	s8 =	smul.u32 $0xC80, s0  }
0x4: {  	s3 =	simm.s32 $0x0;
	s11 =	simm.s32 $0x400;
	s7 =	smul.u32 $0x6400, s5  }
0x5: {  	s12 =	simm.s32 $0x0;
	[smem:$0x7FF] =	sst s3;
	s9 =	smul.u32 $0xC800, s5  }
0x6: {  	s1 =	rddreg [dreg:$0x2];
	_ =	strace $0x80000047;
	s5 =	ssub.s32 $0x2, s5  }
0x7: {  	s29 =	sshrl.u32 s5, $0x1;
	s6 =	sadd.s32 s7, s6;
	s28 =	sadd.s32 s8, s9  }
0x8: {  	s31 =	ssub.s32 s5, s29;
	s6 =	sshrl.u32 s6, $0x3;
	s7 =	sshrl.u32 s28, $0x3  }
0x9: {  	s9 =	simm.s32 $0x800;
	s10 =	sadd.s32 s6, s4;
	s30 =	sadd.s32 s7, s4  }
0xa: {  	s4 =	sadd.s32 s8, s2;
	s6 =	smax.u32 s31, $0x1;
	s5 =	sadd.s32 $0x34200, s30  }
0xb: {  	v0 =	vimm.f32 $0.0e+00;
	s7 =	sadd.s32 $0x1B200, s10;
	s8 =	sadd.s32 $0x2200, s10;
	s10 =	simm.s32 $0x1  }
.LBB2_1:
0xc: {  	s13 =	simm.s32 $0x40;
	s14 =	simm.s32 $0x0  }
.LBB2_2:
0xd: {  	p0 =	sne.s32 s13, $0x31C0;
	[tilespmem:s14+$0x800] =	vst v0;
	s14 =	smov.u32 s13;
	s13 =	sadd.s32 $0x40, s13  }
.Ltmp0:
0xe: {  	(pc) =	sbr.rel @p0 .LBB2_2-.Ltmp0, $2  }
0xf: {  	_ =	sdelay $0x2  }
0x10: {  	s14 =	sshra.s32 s14, $0x2  }
0x11: {  	[tilespmem:s14+$0x800] =	vst v0  }
0x12: {  	[spmem:s4] =	stream.linear.scatter [tilespmem:s9], [sflag:$0x1], $0xC80, $0x38;
	[tilespmem:$0x2100] =	vst v63  }
0x13: {  	_ =	swait.ge [sflag:s10], $0xC80  }
0x14: {  	[sflag:s10] =	ssyncset.done $0x0  }
0x15: {  	[sflag:s10] =	ssyncadd.s32 $0xFFFFF380  }
0x16: {  	s13 =	sadd.s32 $0x0, s8;
	[bflag:$0x0] =	sbarrier.arrive $0xFFFF  }
0x17: {  	[tilespmem:s3], [sflag:$0x1] =	stream.linear.gather [hbm4b:s13+s3], $0x400, $0x38;
	[tilespmem:$0x2100] =	vst v63  }
0x18: {  	_ =	swait.ge [sflag:s10], $0x400  }
0x19: {  	[sflag:s10] =	ssyncset.done $0x0  }
0x1a: {  	s31 =	sadd.s32 $0x0, s7;
	[sflag:s10] =	ssyncadd.s32 $0xFFFFFC00  }
0x1b: {  	[tilespmem:s11], [sflag:$0x1] =	stream.linear.gather [hbm4b:s31+s3], $0x400, $0x38;
	[tilespmem:$0x2100] =	vst v63  }
0x1c: {  	_ =	swait.ge [sflag:s10], $0x400  }
0x1d: {  	[sflag:s10] =	ssyncset.done $0x0  }
0x1e: {  	[sflag:s10] =	ssyncadd.s32 $0xFFFFFC00  }
0x1f: {  	[spmem:s2] =	stream.indirect.scatter.add.f32 [tilespmem:s11], [sflag:$0x1], $0x1, s3, s11, $0xb8;
	[tilespmem:$0x2100] =	vst v63  }
0x20: {  	_ =	swait.ge [sflag:s10], $0x400  }
0x21: {  	s14 =	simm.s32 $0x100;
	s13 =	simm.s32 $0x80;
	[sflag:s10] =	ssyncset.done $0x0  }
.LBB2_4:
0x22: {  	s15 =	sadd.s32 s13, s8  }
0x23: {  	[sflag:s10] =	ssyncadd.s32 $0xFFFFFC00;
	s16 =	smov.u32 s14;
	s17 =	sadd.s32 $0x80, s14  }
0x24: {  	[tilespmem:s3], [sflag:$0x1] =	stream.linear.gather [hbm4b:s15+s3], $0x400, $0x38;
	[tilespmem:$0x2100] =	vst v63  }
0x25: {  	p0 =	sne.s32 s14, $0xC00;
	_ =	swait.ge [sflag:s10], $0x400  }
0x26: {  	[sflag:s10] =	ssyncset.done $0x0  }
0x27: {  	s14 =	sadd.s32 s13, s7;
	s13 =	smov.u32 s16;
	[sflag:s10] =	ssyncadd.s32 $0xFFFFFC00  }
0x28: {  	[tilespmem:s11], [sflag:$0x1] =	stream.linear.gather [hbm4b:s14+s3], $0x400, $0x38;
	[tilespmem:$0x2100] =	vst v63  }
0x29: {  	_ =	swait.ge [sflag:s10], $0x400  }
.Ltmp1:
0x2a: {  	[sflag:s10] =	ssyncset.done $0x0;
	(pc) =	sbr.rel @p0 .LBB2_4-.Ltmp1, $4  }
0x2b: {  	[sflag:s10] =	ssyncadd.s32 $0xFFFFFC00  }
0x2c: {  	[spmem:s2] =	stream.indirect.scatter.add.f32 [tilespmem:s11], [sflag:$0x1], $0x1, s3, s11, $0xb8;
	[tilespmem:$0x2100] =	vst v63  }
0x2d: {  	_ =	swait.ge [sflag:s10], $0x400  }
0x2e: {  	s14 =	smov.u32 s17;
	[sflag:s10] =	ssyncset.done $0x0  }
0x2f: {  	s14 =	sadd.s32 s13, s8;
	[sflag:s10] =	ssyncadd.s32 $0xFFFFFC00  }
0x30: {  	[tilespmem:s3], [sflag:$0x1] =	stream.linear.gather [hbm4b:s14+s3], $0x400, $0x38;
	[tilespmem:$0x2100] =	vst v63  }
0x31: {  	_ =	swait.ge [sflag:s10], $0x400  }
0x32: {  	[sflag:s10] =	ssyncset.done $0x0  }
0x33: {  	s31 =	sadd.s32 s13, s7;
	[sflag:s10] =	ssyncadd.s32 $0xFFFFFC00  }
0x34: {  	[tilespmem:s11], [sflag:$0x1] =	stream.linear.gather [hbm4b:s31+s3], $0x400, $0x38;
	[tilespmem:$0x2100] =	vst v63  }
0x35: {  	_ =	swait.ge [sflag:s10], $0x400  }
0x36: {  	[sflag:s10] =	ssyncset.done $0x0  }
0x37: {  	[sflag:s10] =	ssyncadd.s32 $0xFFFFFC00  }
0x38: {  	[spmem:s2] =	stream.indirect.scatter.add.f32 [tilespmem:s11], [sflag:$0x1], $0x1, s3, s11, $0xb8;
	[tilespmem:$0x2100] =	vst v63  }
0x39: {  	_ =	swait.ge [sflag:s10], $0x400  }
0x3a: {  	[sflag:s10] =	ssyncset.done $0x0  }
0x3b: {  	[sflag:s10] =	ssyncadd.s32 $0xFFFFFC00  }
0x3c: {  	[bflag:$0x0] =	sbarrier.arrive $0xFFFF  }
0x3d: {  	[tilespmem:s9], [sflag:$0x1] =	stream.linear.gather [spmem:s4], $0xC80, $0x38;
	[tilespmem:$0x2100] =	vst v63  }
0x3e: {  	s12 =	sadd.s32 $0x1, s12;
	_ =	swait.ge [sflag:s10], $0xC80  }
0x3f: {  	p0 =	sne.s32 s12, s6;
	[sflag:s10] =	ssyncset.done $0x0  }
.Ltmp2:
0x40: {  	[sflag:s10] =	ssyncadd.s32 $0xFFFFF380;
	(pc) =	sbr.rel @p0 .LBB2_1-.Ltmp2, $4  }
0x41: {  	[hbm4b:s5+s3] =	stream.linear.scatter [tilespmem:s9], [sflag:$0x1], $0xC80, $0x38;
	[tilespmem:$0x2100] =	vst v63  }
0x42: {  	_ =	swait.ge [sflag:s10], $0xC80  }
0x43: {  	[sflag:s10] =	ssyncset.done $0x0  }
0x44: {  	[sflag:s10] =	ssyncadd.s32 $0xFFFFF380  }
0x45: {  	_ =	sfence.sel $0x180000  }
0x46: {  	[bflag:$0x0] =	sbarrier.arrive $0xFFFF  }
0x47: {  	p0 =	sne.s32 s0, $0x0;
	_ =	strace $0x90000047  }
0x48: {  	s0 =	sadd.s32 @!p0 $0x100000, s1;
	[bflag:$0x2] =	sbarrier.arrive $0xFFFF  }
0x49: {  	[sflag:s0] =	ssyncadd.tile.s32 @!p0 $0x1;
	_ =	shalt  }
.Lfunc_end2:
_tile_overlayer_lowered:
.L_overlay_start_2:
0x4a: {  	(tag) =	ssettag $0x2  }
0x4b: {  	s0 =	rddreg [dreg:$0x0];
	s2 =	stileid.u32  }
0x4c: {  	s1 =	rddreg [dreg:$0x1];
	p0 =	sne.s32 s2, $0x0  }
0x4d: {  	s3 =	rddreg [dreg:$0x2];
	[bflag:$0x3] =	sbarrier.arrive $0xFFFF;
	s2 =	simm.s32 @!p0 $0x1C01  }
0x4e: {  	[timem:s3], [sflag:s2] =	dma.local @!p0 [hbm:s0], s1  }
0x4f: {  	s0 =	simm.s32 @!p0 $0x1  }
0x50: {  	_ =	swait.ge @!p0 [sflag:s0], s1  }
0x51: {  	s1 =	ssub.s32 @!p0 $0x0, s1;
	[sflag:s0] =	ssyncset.done @!p0 $0x0  }
0x52: {  	[sflag:s0] =	ssyncadd.s32 @!p0 s1  }
0x53: {  	[bflag:$0x3] =	sbarrier.arrive $0xFFFF  }
0x54: {  	_ =	shalt  }

</sc_bundles>
